<compile_context>
chip_gen: v7x
topology: tpu7x:2x2x1
jax: 0.10.2.dev20260603
libtpu: 0.0.44.dev20260713+nightly
codegen_flags: <defaults>
</compile_context>

<pallas_src>
import functools
import jax
import jax.numpy as jnp
from jax import lax
from jax.experimental import pallas as pl
from jax.experimental.pallas import tpu as pltpu
import jax.experimental.pallas.tpu_sc as plsc

N = 10000
E = 160000
NC, NS = 2, 16
HALF = N // NC
HPAD = 5120
ROWS_PER_TILE = HPAD // NS
LSINK = 5056
B = 128
NB = 79
EPAD = NS * NB * B
NPAD = 10240
DROWS = NPAD // NS
DEG_NB = 40
DEG_EPAD_HALF = NS * DEG_NB * B
DSINK = 10016

_mesh = plsc.VectorSubcoreMesh(
    core_axis_name="c", subcore_axis_name="s", num_cores=NC, num_subcores=NS
)


@functools.partial(
    pl.kernel,
    out_type=jax.ShapeDtypeStruct((NC, NPAD), jnp.float32),
    mesh=_mesh,
    scratch_types=[
        pltpu.VMEM((DEG_NB, B), jnp.int32),
        pltpu.VMEM((B,), jnp.float32),
        pltpu.VMEM((DROWS,), jnp.float32),
        pltpu.VMEM_SHARED((NPAD,), jnp.float32),
    ],
)
def _deg_kernel(dstd, out, dv, ones_v, zb, acc):
    c = lax.axis_index("c")
    s = lax.axis_index("s")
    one16 = jnp.ones((16,), jnp.float32)
    zero16 = jnp.zeros((16,), jnp.float32)
    for k in range(B // 16):
        ones_v[pl.ds(k * 16, 16)] = one16
    for k in range(DROWS // 16):
        zb[pl.ds(k * 16, 16)] = zero16
    pltpu.sync_copy(zb, acc.at[pl.ds(s * DROWS, DROWS)])
    pltpu.sync_copy(dstd.at[c, s], dv)
    plsc.subcore_barrier()

    def blk(j, _):
        pltpu.sync_copy(ones_v, acc.at[dv.at[j]], add=True)
        return 0

    lax.fori_loop(0, DEG_NB, blk, 0)
    plsc.subcore_barrier()
    pltpu.sync_copy(
        acc.at[pl.ds(s * DROWS, DROWS)],
        out.at[c, pl.ds(s * DROWS, DROWS)],
    )


def _make_spmm(C):
    @functools.partial(
        pl.kernel,
        out_type=jax.ShapeDtypeStruct((C, NC, HPAD, 128), jnp.float32),
        mesh=_mesh,
        scratch_types=[
            pltpu.VMEM((NB, B), jnp.int32),
            pltpu.VMEM((NB, B), jnp.int32),
            pltpu.VMEM((B, 128), jnp.float32),
            pltpu.VMEM((B, 128), jnp.float32),
            pltpu.VMEM((64, 128), jnp.float32),
            pltpu.VMEM_SHARED((HPAD, 128), jnp.float32),
            pltpu.SemaphoreType.DMA,
            pltpu.SemaphoreType.DMA,
            pltpu.SemaphoreType.DMA,
        ],
    )
    def spmm(htab, srcp, dstp, out, sv, dv, ra, rb, zb, acc, gsem, sa, sb):
        c = lax.axis_index("c")
        s = lax.axis_index("s")
        zero16 = jnp.zeros((16,), jnp.float32)

        def zrow(i, _):
            for k in range(8):
                zb[i, pl.ds(k * 16, 16)] = zero16
            return 0

        lax.fori_loop(0, 64, zrow, 0)

        pltpu.sync_copy(dstp.at[s], dv)
        lo = (c * HALF).astype(jnp.int32)
        sink16 = jnp.full((16,), LSINK, jnp.int32)

        def remap(i, _):
            for k in range(B // 16):
                sl = pl.ds(k * 16, 16)
                d = dv[i, sl]
                dl = d - lo
                ok = (dl >= 0) & (dl < HALF)
                dv[i, sl] = jnp.where(ok, dl, sink16)
            return 0

        lax.fori_loop(0, NB, remap, 0)

        for chunk in range(C):
            pltpu.sync_copy(srcp.at[s], sv)
            off = jnp.int32(chunk * N)

            def shift(i, _):
                for k in range(B // 16):
                    sl = pl.ds(k * 16, 16)
                    sv[i, sl] = sv[i, sl] + off
                return 0

            if chunk:
                lax.fori_loop(0, NB, shift, 0)

            for z in range(ROWS_PER_TILE // 64):
                pltpu.sync_copy(zb, acc.at[pl.ds(s * ROWS_PER_TILE + z * 64, 64)])
            plsc.subcore_barrier()

            pltpu.make_async_copy(htab.at[sv.at[0]], ra, gsem).start()

            def pair(k, _):
                a = 2 * k
                pltpu.make_async_copy(htab.at[sv.at[a]], ra, gsem).wait()
                pltpu.make_async_copy(ra, acc.at[dv.at[a]], sa).start(add=True)
                pl.when(k > 0)(
                    lambda: pltpu.make_async_copy(
                        rb, acc.at[dv.at[a - 1]], sb
                    ).wait()
                )
                pltpu.make_async_copy(htab.at[sv.at[a + 1]], rb, gsem).start()
                pltpu.make_async_copy(htab.at[sv.at[a + 1]], rb, gsem).wait()
                pltpu.make_async_copy(rb, acc.at[dv.at[a + 1]], sb).start(add=True)
                pltpu.make_async_copy(ra, acc.at[dv.at[a]], sa).wait()
                pl.when(a + 2 < NB)(
                    lambda: pltpu.make_async_copy(
                        htab.at[sv.at[a + 2]], ra, gsem
                    ).start()
                )
                return 0

            lax.fori_loop(0, NB // 2, pair, 0)
            pltpu.make_async_copy(htab.at[sv.at[NB - 1]], ra, gsem).wait()
            pltpu.make_async_copy(rb, acc.at[dv.at[NB - 2]], sb).wait()
            pltpu.sync_copy(ra, acc.at[dv.at[NB - 1]], add=True)
            plsc.subcore_barrier()
            for z in range(ROWS_PER_TILE // 64):
                pltpu.sync_copy(
                    acc.at[pl.ds(s * ROWS_PER_TILE + z * 64, 64)],
                    out.at[chunk, c, pl.ds(s * ROWS_PER_TILE + z * 64, 64)],
                )
            plsc.subcore_barrier()

    return spmm


_spmm2 = _make_spmm(2)
_spmm4 = _make_spmm(4)


def _dinv_of(degT_blk):
    dsum = degT_blk[:, 0:1] + degT_blk[:, 1:2] + 1.0
    return lax.rsqrt(dsum)


def _k1_body(x_ref, w_ref, degT_ref, out_ref):
    dinv = _dinv_of(degT_ref[...])
    h = jnp.dot(x_ref[...], w_ref[0], preferred_element_type=jnp.float32)
    out_ref[0] = h * dinv


def _k2_body(msg_ref, hp_ref, degT_ref, b_ref, w_ref, out_ref):
    dinv = _dinv_of(degT_ref[...])
    parts = []
    for j in range(2):
        t = dinv * (msg_ref[j] + hp_ref[j]) + b_ref[j][None, :]
        parts.append(jnp.maximum(t, 0.0))
    o1 = jnp.concatenate(parts, axis=1)
    h = jnp.dot(o1, w_ref[0], preferred_element_type=jnp.float32)
    out_ref[0] = h * dinv


def _k3_body(msg_ref, hp_ref, degT_ref, b_ref, out_ref):
    dinv = _dinv_of(degT_ref[...])
    parts = []
    for j in range(4):
        parts.append(dinv * (msg_ref[j] + hp_ref[j]) + b_ref[j][None, :])
    out_ref[...] = jnp.concatenate(parts, axis=1)


RB = 400


def _assemble(msgp, C):
    return jnp.concatenate([msgp[:, 0, :HALF], msgp[:, 1, :HALF]], axis=1)


def kernel(x, edge_index, W1, b1, W2, b2):
    ei = edge_index.astype(jnp.int32)
    src, dst = ei[0], ei[1]

    pad = EPAD - E
    srcp = jnp.concatenate([src, jnp.zeros((pad,), jnp.int32)]).reshape(NS, NB, B)
    dstp = jnp.concatenate([dst, jnp.full((pad,), DSINK, jnp.int32)]).reshape(NS, NB, B)
    half = E // 2
    hpad = DEG_EPAD_HALF - half
    dstd = jnp.concatenate(
        [
            dst[:half], jnp.full((hpad,), DSINK, jnp.int32),
            dst[half:], jnp.full((hpad,), DSINK, jnp.int32),
        ]
    ).reshape(NC, NS, DEG_NB, B)

    W1r = W1.reshape(512, 2, 128).transpose(1, 0, 2)
    W2r = W2.reshape(256, 4, 128).transpose(1, 0, 2)
    b1r = b1.reshape(2, 128)
    b2r = b2.reshape(4, 128)

    degp = _deg_kernel(dstd)
    degT = degp.T[:N]

    h1p = pl.pallas_call(
        _k1_body,
        grid=(25, 2),
        in_specs=[
            pl.BlockSpec((RB, 512), lambda i, c: (i, 0)),
            pl.BlockSpec((1, 512, 128), lambda i, c: (c, 0, 0)),
            pl.BlockSpec((RB, 2), lambda i, c: (i, 0)),
        ],
        out_specs=pl.BlockSpec((1, RB, 128), lambda i, c: (c, i, 0)),
        out_shape=jax.ShapeDtypeStruct((2, N, 128), jnp.float32),
    )(x, W1r, degT)

    msg1 = _assemble(_spmm2(h1p.reshape(2 * N, 128), srcp, dstp), 2)

    h2p = pl.pallas_call(
        _k2_body,
        grid=(25, 4),
        in_specs=[
            pl.BlockSpec((2, RB, 128), lambda i, c: (0, i, 0)),
            pl.BlockSpec((2, RB, 128), lambda i, c: (0, i, 0)),
            pl.BlockSpec((RB, 2), lambda i, c: (i, 0)),
            pl.BlockSpec((2, 128), lambda i, c: (0, 0)),
            pl.BlockSpec((1, 256, 128), lambda i, c: (c, 0, 0)),
        ],
        out_specs=pl.BlockSpec((1, RB, 128), lambda i, c: (c, i, 0)),
        out_shape=jax.ShapeDtypeStruct((4, N, 128), jnp.float32),
    )(msg1, h1p, degT, b1r, W2r)

    msg2 = _assemble(_spmm4(h2p.reshape(4 * N, 128), srcp, dstp), 4)

    out = pl.pallas_call(
        _k3_body,
        grid=(25,),
        in_specs=[
            pl.BlockSpec((4, RB, 128), lambda i: (0, i, 0)),
            pl.BlockSpec((4, RB, 128), lambda i: (0, i, 0)),
            pl.BlockSpec((RB, 2), lambda i: (i, 0)),
            pl.BlockSpec((4, 128), lambda i: (0, 0)),
        ],
        out_specs=pl.BlockSpec((RB, 512), lambda i: (i, 0)),
        out_shape=jax.ShapeDtypeStruct((N, 512), jnp.float32),
    )(msg2, h2p, degT, b2r)
    return out

# --- scband reference (transcript-rebuilt; emitter-appended) ---
"""Pipeline reference for scband-gcn-30580167147673 (READ-ONLY COPY).

The authoritative reference and input builder live on the scoring server;
editing this copy changes nothing except your own understanding.
"""

import jax, jax.numpy as jnp
import numpy as np

N_NODES = 10000


def gcn_conv(x, edge_index, W, b):
    n = x.shape[0]
    src = edge_index[0]
    dst = edge_index[1]
    loop = jnp.arange(n, dtype=src.dtype)
    src = jnp.concatenate([src, loop])
    dst = jnp.concatenate([dst, loop])
    deg = jnp.zeros((n,), dtype=x.dtype).at[dst].add(1.0)
    dinv = jnp.where(deg > 0, jax.lax.rsqrt(deg), 0.0)
    norm = dinv[src] * dinv[dst]
    h = x @ W
    msg = jnp.take(h, src, axis=0) * norm[:, None]
    out = jnp.zeros((n, W.shape[1]), dtype=x.dtype).at[dst].add(msg)
    return out + b


def setup_inputs(seed: int = 0) -> dict:
    key = jax.random.key(seed)
    k1, k2, k3, k4, k5, k6 = jax.random.split(key, 6)
    x = jax.random.normal(k1, (N_NODES, 512), dtype=jnp.float32)
    edge_index = jax.random.randint(k2, (2, 160000), 0, N_NODES, dtype=jnp.int64)
    W1 = jax.random.normal(k3, (512, 256), dtype=jnp.float32) * 0.05
    b1 = jnp.zeros((256,), dtype=jnp.float32)
    W2 = jax.random.normal(k4, (256, 512), dtype=jnp.float32) * 0.05
    b2 = jnp.zeros((512,), dtype=jnp.float32)
    return {"x": x, "edge_index": edge_index, "W1": W1, "b1": b1, "W2": W2, "b2": b2}


def reference(x, edge_index, W1, b1, W2, b2):
    # conv1: GCNConv(512, 256) with symmetric normalization + self-loops
    h = gcn_conv(x, edge_index, W1, b1)
    h = jax.nn.relu(h)
    # F.dropout with training=self.training: identity in eval mode
    out = gcn_conv(h, edge_index, W2, b2)
    return out

if __name__ == "__main__":
    import jax
    _d = setup_inputs()
    print(jax.jit(kernel)(*tuple(_d.values())))

</pallas_src>

<mosaic_0001>
#map = affine_map<(d0, d1) -> (0, 0)>
#map1 = affine_map<(d0, d1) -> (0, 0, 0)>
#map2 = affine_map<(d0, d1) -> (0, 0, 0, 0)>
module attributes {stable_mosaic.version = 14 : i64} {
  func.func @spmm(%arg0: i32, %arg1: i32, %arg2: memref<40000x128xf32, #tpu.memory_space<hbm>>, %arg3: memref<16x79x128xi32, #tpu.memory_space<hbm>>, %arg4: memref<16x79x128xi32, #tpu.memory_space<hbm>>, %arg5: memref<4x2x5120x128xf32, #tpu.memory_space<hbm>>, %arg6: memref<79x128xi32, #tpu.memory_space<vmem>>, %arg7: memref<79x128xi32, #tpu.memory_space<vmem>>, %arg8: memref<128x128xf32, #tpu.memory_space<vmem>>, %arg9: memref<128x128xf32, #tpu.memory_space<vmem>>, %arg10: memref<64x128xf32, #tpu.memory_space<vmem>>, %arg11: memref<5120x128xf32, #tpu.memory_space<vmem_shared>>, %arg12: memref<!tpu.dma_semaphore, #tpu.memory_space<semaphore_mem>>, %arg13: memref<!tpu.dma_semaphore, #tpu.memory_space<semaphore_mem>>, %arg14: memref<!tpu.dma_semaphore, #tpu.memory_space<semaphore_mem>>) attributes {dimension_semantics = [#tpu.dimension_semantics<core_parallel>, #tpu.dimension_semantics<subcore_parallel>], iteration_bounds = array<i64: 2, 16>, scalar_prefetch = 0 : i64, scratch_operands = 9 : i64, tpu.core_type = #tpu.core_type<sc_vector_subcore>, window_params = [{transform_indices = #map}, {transform_indices = #map1}, {transform_indices = #map1}, {transform_indices = #map2}]} {
    %broadcast_in_dim3A = arith.constant 0.000000e+00 : f32
    %broadcast_in_dim3A_0 = vector.broadcast %broadcast_in_dim3A : f32 to vector<16xf32>
    %scan3A = arith.constant 0 : i32
    %scan3A_1 = arith.constant 0 : i32
    %scan3A_2 = arith.constant 64 : i32
    %scan3A_3 = arith.addi %scan3A_1, %scan3A_2 : i32
    %scan3A_4 = arith.constant 1 : i32
    %scan3A_5 = scf.for %scan3A_424 = %scan3A_1 to %scan3A_3 step %scan3A_4 iter_args(%scan3A_425 = %scan3A) -> (i32)  : i32 {
      %swap3A = arith.index_cast %scan3A_424 : i32 to index
      %swap3A_426 = arith.constant 0 : index
      %swap3A_427 = tpu.vector_load %arg10[%swap3A, %swap3A_426] {strides = array<i32>} : memref<64x128xf32, #tpu.memory_space<vmem>>, vector<1x16xf32>,
      %swap3A_428 = vector.shape_cast %swap3A_427 : vector<1x16xf32> to vector<16xf32>
      %swap3A_429 = vector.shape_cast %broadcast_in_dim3A_0 : vector<16xf32> to vector<1x16xf32>
      tpu.vector_store %arg10[%swap3A, %swap3A_426], %swap3A_429 {strides = array<i32>} : memref<64x128xf32, #tpu.memory_space<vmem>>, vector<1x16xf32>,
      %swap3A_430 = arith.index_cast %scan3A_424 : i32 to index
      %swap3A_431 = arith.constant 16 : index
      %swap3A_432 = tpu.vector_load %arg10[%swap3A_430, %swap3A_431] {strides = array<i32>} : memref<64x128xf32, #tpu.memory_space<vmem>>, vector<1x16xf32>,
      %swap3A_433 = vector.shape_cast %swap3A_432 : vector<1x16xf32> to vector<16xf32>
      %swap3A_434 = vector.shape_cast %broadcast_in_dim3A_0 : vector<16xf32> to vector<1x16xf32>
      tpu.vector_store %arg10[%swap3A_430, %swap3A_431], %swap3A_434 {strides = array<i32>} : memref<64x128xf32, #tpu.memory_space<vmem>>, vector<1x16xf32>,
      %swap3A_435 = arith.index_cast %scan3A_424 : i32 to index
      %swap3A_436 = arith.constant 32 : index
      %swap3A_437 = tpu.vector_load %arg10[%swap3A_435, %swap3A_436] {strides = array<i32>} : memref<64x128xf32, #tpu.memory_space<vmem>>, vector<1x16xf32>,
      %swap3A_438 = vector.shape_cast %swap3A_437 : vector<1x16xf32> to vector<16xf32>
      %swap3A_439 = vector.shape_cast %broadcast_in_dim3A_0 : vector<16xf32> to vector<1x16xf32>
      tpu.vector_store %arg10[%swap3A_435, %swap3A_436], %swap3A_439 {strides = array<i32>} : memref<64x128xf32, #tpu.memory_space<vmem>>, vector<1x16xf32>,
      %swap3A_440 = arith.index_cast %scan3A_424 : i32 to index
      %swap3A_441 = arith.constant 48 : index
      %swap3A_442 = tpu.vector_load %arg10[%swap3A_440, %swap3A_441] {strides = array<i32>} : memref<64x128xf32, #tpu.memory_space<vmem>>, vector<1x16xf32>,
      %swap3A_443 = vector.shape_cast %swap3A_442 : vector<1x16xf32> to vector<16xf32>
      %swap3A_444 = vector.shape_cast %broadcast_in_dim3A_0 : vector<16xf32> to vector<1x16xf32>
      tpu.vector_store %arg10[%swap3A_440, %swap3A_441], %swap3A_444 {strides = array<i32>} : memref<64x128xf32, #tpu.memory_space<vmem>>, vector<1x16xf32>,
      %swap3A_445 = arith.index_cast %scan3A_424 : i32 to index
      %swap3A_446 = arith.constant 64 : index
      %swap3A_447 = tpu.vector_load %arg10[%swap3A_445, %swap3A_446] {strides = array<i32>} : memref<64x128xf32, #tpu.memory_space<vmem>>, vector<1x16xf32>,
      %swap3A_448 = vector.shape_cast %swap3A_447 : vector<1x16xf32> to vector<16xf32>
      %swap3A_449 = vector.shape_cast %broadcast_in_dim3A_0 : vector<16xf32> to vector<1x16xf32>
      tpu.vector_store %arg10[%swap3A_445, %swap3A_446], %swap3A_449 {strides = array<i32>} : memref<64x128xf32, #tpu.memory_space<vmem>>, vector<1x16xf32>,
      %swap3A_450 = arith.index_cast %scan3A_424 : i32 to index
      %swap3A_451 = arith.constant 80 : index
      %swap3A_452 = tpu.vector_load %arg10[%swap3A_450, %swap3A_451] {strides = array<i32>} : memref<64x128xf32, #tpu.memory_space<vmem>>, vector<1x16xf32>,
      %swap3A_453 = vector.shape_cast %swap3A_452 : vector<1x16xf32> to vector<16xf32>
      %swap3A_454 = vector.shape_cast %broadcast_in_dim3A_0 : vector<16xf32> to vector<1x16xf32>
      tpu.vector_store %arg10[%swap3A_450, %swap3A_451], %swap3A_454 {strides = array<i32>} : memref<64x128xf32, #tpu.memory_space<vmem>>, vector<1x16xf32>,
      %swap3A_455 = arith.index_cast %scan3A_424 : i32 to index
      %swap3A_456 = arith.constant 96 : index
      %swap3A_457 = tpu.vector_load %arg10[%swap3A_455, %swap3A_456] {strides = array<i32>} : memref<64x128xf32, #tpu.memory_space<vmem>>, vector<1x16xf32>,
      %swap3A_458 = vector.shape_cast %swap3A_457 : vector<1x16xf32> to vector<16xf32>
      %swap3A_459 = vector.shape_cast %broadcast_in_dim3A_0 : vector<16xf32> to vector<1x16xf32>
      tpu.vector_store %arg10[%swap3A_455, %swap3A_456], %swap3A_459 {strides = array<i32>} : memref<64x128xf32, #tpu.memory_space<vmem>>, vector<1x16xf32>,
      %swap3A_460 = arith.index_cast %scan3A_424 : i32 to index
      %swap3A_461 = arith.constant 112 : index
      %swap3A_462 = tpu.vector_load %arg10[%swap3A_460, %swap3A_461] {strides = array<i32>} : memref<64x128xf32, #tpu.memory_space<vmem>>, vector<1x16xf32>,
      %swap3A_463 = vector.shape_cast %swap3A_462 : vector<1x16xf32> to vector<16xf32>
      %swap3A_464 = vector.shape_cast %broadcast_in_dim3A_0 : vector<16xf32> to vector<1x16xf32>
      tpu.vector_store %arg10[%swap3A_460, %swap3A_461], %swap3A_464 {strides = array<i32>} : memref<64x128xf32, #tpu.memory_space<vmem>>, vector<1x16xf32>,
      %scan3A_465 = arith.constant 0 : i32
      scf.yield %scan3A_465 : i32
    }
    %scan3A_6 = arith.constant 64 : i32
    "tpu.region"() ({
      %run_scoped3A_424 = tpu.sem_alloc : memref<!tpu.dma_semaphore, #tpu.memory_space<semaphore_mem>>
      %dma_start3A_425 = arith.constant 0 : i32
      %dma_start3A_426 = arith.constant 0 : i32
      %dma_start3A_427 = tpu.memref_slice %arg4[%arg1, %dma_start3A_425, %dma_start3A_426] : memref<16x79x128xi32, #tpu.memory_space<hbm>> -> memref<1x79x128xi32, #tpu.memory_space<hbm>>
      %dma_start3A_428 = tpu.memref_squeeze %dma_start3A_427 : memref<1x79x128xi32, #tpu.memory_space<hbm>> -> memref<79x128xi32, #tpu.memory_space<hbm>>
      %dma_start3A_429 = arith.constant 0 : i32
      %dma_start3A_430 = arith.constant 0 : i32
      %dma_start3A_431 = tpu.memref_slice %arg4[%arg1, %dma_start3A_429, %dma_start3A_430] : memref<16x79x128xi32, #tpu.memory_space<hbm>> -> memref<1x79x128xi32, #tpu.memory_space<hbm>>
      %dma_start3A_432 = tpu.memref_squeeze %dma_start3A_431 : memref<1x79x128xi32, #tpu.memory_space<hbm>> -> memref<79x128xi32, #tpu.memory_space<hbm>>
      tpu.enqueue_dma source(%dma_start3A_432 : memref<79x128xi32, #tpu.memory_space<hbm>>) target(%arg7 : memref<79x128xi32, #tpu.memory_space<vmem>>) target_semaphore(%run_scoped3A_424 : memref<!tpu.dma_semaphore, #tpu.memory_space<semaphore_mem>>)
      %dma_wait3A_433 = arith.constant 0 : i32
      %dma_wait3A_434 = arith.constant 0 : i32
      %dma_wait3A_435 = tpu.memref_slice %arg4[%arg1, %dma_wait3A_433, %dma_wait3A_434] : memref<16x79x128xi32, #tpu.memory_space<hbm>> -> memref<1x79x128xi32, #tpu.memory_space<hbm>>
      %dma_wait3A_436 = tpu.memref_squeeze %dma_wait3A_435 : memref<1x79x128xi32, #tpu.memory_space<hbm>> -> memref<79x128xi32, #tpu.memory_space<hbm>>
      %dma_wait3A_437 = arith.constant 0 : i32
      %dma_wait3A_438 = arith.constant 0 : i32
      %dma_wait3A_439 = tpu.memref_slice %arg4[%arg1, %dma_wait3A_437, %dma_wait3A_438] : memref<16x79x128xi32, #tpu.memory_space<hbm>> -> memref<1x79x128xi32, #tpu.memory_space<hbm>>
      %dma_wait3A_440 = tpu.memref_squeeze %dma_wait3A_439 : memref<1x79x128xi32, #tpu.memory_space<hbm>> -> memref<79x128xi32, #tpu.memory_space<hbm>>
      tpu.wait_dma2 semaphore(%run_scoped3A_424 : memref<!tpu.dma_semaphore, #tpu.memory_space<semaphore_mem>>) src(%dma_wait3A_440 : memref<79x128xi32, #tpu.memory_space<hbm>>) dst(%arg7 : memref<79x128xi32, #tpu.memory_space<vmem>>)
      tpu.yield
    }) : () -> ()
    %mul3A = arith.constant 5000 : i32
    %mul3A_7 = arith.muli %arg0, %mul3A : i32
    %broadcast_in_dim3A_8 = arith.constant 5056 : i32
    %broadcast_in_dim3A_9 = vector.broadcast %broadcast_in_dim3A_8 : i32 to vector<16xi32>
    %scan3A_10 = arith.constant 0 : i32
    %scan3A_11 = arith.constant 0 : i32
    %scan3A_12 = arith.constant 79 : i32
    %scan3A_13 = arith.addi %scan3A_11, %scan3A_12 : i32
    %scan3A_14 = arith.constant 1 : i32
    %scan3A_15 = scf.for %scan3A_424 = %scan3A_11 to %scan3A_13 step %scan3A_14 iter_args(%scan3A_425 = %scan3A_10) -> (i32)  : i32 {
      %get3A = arith.index_cast %scan3A_424 : i32 to index
      %get3A_426 = arith.constant 0 : index
      %get3A_427 = tpu.vector_load %arg7[%get3A, %get3A_426] {strides = array<i32>} : memref<79x128xi32, #tpu.memory_space<vmem>>, vector<1x16xi32>,
      %get3A_428 = vector.shape_cast %get3A_427 : vector<1x16xi32> to vector<16xi32>
      %sub3A = vector.broadcast %mul3A_7 : i32 to vector<16xi32>
      %sub3A_429 = arith.subi %get3A_428, %sub3A : vector<16xi32>
      %ge3A = arith.constant 0 : i32
      %ge3A_430 = vector.broadcast %ge3A : i32 to vector<16xi32>
      %ge3A_431 = arith.cmpi sge, %sub3A_429, %ge3A_430 : vector<16xi32>
      %lt3A = arith.constant 5000 : i32
      %lt3A_432 = vector.broadcast %lt3A : i32 to vector<16xi32>
      %lt3A_433 = arith.cmpi slt, %sub3A_429, %lt3A_432 : vector<16xi32>
      %and3A = arith.andi %ge3A_431, %lt3A_433 : vector<16xi1>
      %select_n3A = arith.select %and3A, %sub3A_429, %broadcast_in_dim3A_9 : vector<16xi1>, vector<16xi32>
      %swap3A = arith.index_cast %scan3A_424 : i32 to index
      %swap3A_434 = arith.constant 0 : index
      %swap3A_435 = tpu.vector_load %arg7[%swap3A, %swap3A_434] {strides = array<i32>} : memref<79x128xi32, #tpu.memory_space<vmem>>, vector<1x16xi32>,
      %swap3A_436 = vector.shape_cast %swap3A_435 : vector<1x16xi32> to vector<16xi32>
      %swap3A_437 = vector.shape_cast %select_n3A : vector<16xi32> to vector<1x16xi32>
      tpu.vector_store %arg7[%swap3A, %swap3A_434], %swap3A_437 {strides = array<i32>} : memref<79x128xi32, #tpu.memory_space<vmem>>, vector<1x16xi32>,
      %get3A_438 = arith.index_cast %scan3A_424 : i32 to index
      %get3A_439 = arith.constant 16 : index
      %get3A_440 = tpu.vector_load %arg7[%get3A_438, %get3A_439] {strides = array<i32>} : memref<79x128xi32, #tpu.memory_space<vmem>>, vector<1x16xi32>,
      %get3A_441 = vector.shape_cast %get3A_440 : vector<1x16xi32> to vector<16xi32>
      %sub3A_442 = vector.broadcast %mul3A_7 : i32 to vector<16xi32>
      %sub3A_443 = arith.subi %get3A_441, %sub3A_442 : vector<16xi32>
      %ge3A_444 = arith.constant 0 : i32
      %ge3A_445 = vector.broadcast %ge3A_444 : i32 to vector<16xi32>
      %ge3A_446 = arith.cmpi sge, %sub3A_443, %ge3A_445 : vector<16xi32>
      %lt3A_447 = arith.constant 5000 : i32
      %lt3A_448 = vector.broadcast %lt3A_447 : i32 to vector<16xi32>
      %lt3A_449 = arith.cmpi slt, %sub3A_443, %lt3A_448 : vector<16xi32>
      %and3A_450 = arith.andi %ge3A_446, %lt3A_449 : vector<16xi1>
      %select_n3A_451 = arith.select %and3A_450, %sub3A_443, %broadcast_in_dim3A_9 : vector<16xi1>, vector<16xi32>
      %swap3A_452 = arith.index_cast %scan3A_424 : i32 to index
      %swap3A_453 = arith.constant 16 : index
      %swap3A_454 = tpu.vector_load %arg7[%swap3A_452, %swap3A_453] {strides = array<i32>} : memref<79x128xi32, #tpu.memory_space<vmem>>, vector<1x16xi32>,
      %swap3A_455 = vector.shape_cast %swap3A_454 : vector<1x16xi32> to vector<16xi32>
      %swap3A_456 = vector.shape_cast %select_n3A_451 : vector<16xi32> to vector<1x16xi32>
      tpu.vector_store %arg7[%swap3A_452, %swap3A_453], %swap3A_456 {strides = array<i32>} : memref<79x128xi32, #tpu.memory_space<vmem>>, vector<1x16xi32>,
      %get3A_457 = arith.index_cast %scan3A_424 : i32 to index
      %get3A_458 = arith.constant 32 : index
      %get3A_459 = tpu.vector_load %arg7[%get3A_457, %get3A_458] {strides = array<i32>} : memref<79x128xi32, #tpu.memory_space<vmem>>, vector<1x16xi32>,
      %get3A_460 = vector.shape_cast %get3A_459 : vector<1x16xi32> to vector<16xi32>
      %sub3A_461 = vector.broadcast %mul3A_7 : i32 to vector<16xi32>
      %sub3A_462 = arith.subi %get3A_460, %sub3A_461 : vector<16xi32>
      %ge3A_463 = arith.constant 0 : i32
      %ge3A_464 = vector.broadcast %ge3A_463 : i32 to vector<16xi32>
      %ge3A_465 = arith.cmpi sge, %sub3A_462, %ge3A_464 : vector<16xi32>
      %lt3A_466 = arith.constant 5000 : i32
      %lt3A_467 = vector.broadcast %lt3A_466 : i32 to vector<16xi32>
      %lt3A_468 = arith.cmpi slt, %sub3A_462, %lt3A_467 : vector<16xi32>
      %and3A_469 = arith.andi %ge3A_465, %lt3A_468 : vector<16xi1>
      %select_n3A_470 = arith.select %and3A_469, %sub3A_462, %broadcast_in_dim3A_9 : vector<16xi1>, vector<16xi32>
      %swap3A_471 = arith.index_cast %scan3A_424 : i32 to index
      %swap3A_472 = arith.constant 32 : index
      %swap3A_473 = tpu.vector_load %arg7[%swap3A_471, %swap3A_472] {strides = array<i32>} : memref<79x128xi32, #tpu.memory_space<vmem>>, vector<1x16xi32>,
      %swap3A_474 = vector.shape_cast %swap3A_473 : vector<1x16xi32> to vector<16xi32>
      %swap3A_475 = vector.shape_cast %select_n3A_470 : vector<16xi32> to vector<1x16xi32>
      tpu.vector_store %arg7[%swap3A_471, %swap3A_472], %swap3A_475 {strides = array<i32>} : memref<79x128xi32, #tpu.memory_space<vmem>>, vector<1x16xi32>,
      %get3A_476 = arith.index_cast %scan3A_424 : i32 to index
      %get3A_477 = arith.constant 48 : index
      %get3A_478 = tpu.vector_load %arg7[%get3A_476, %get3A_477] {strides = array<i32>} : memref<79x128xi32, #tpu.memory_space<vmem>>, vector<1x16xi32>,
      %get3A_479 = vector.shape_cast %get3A_478 : vector<1x16xi32> to vector<16xi32>
      %sub3A_480 = vector.broadcast %mul3A_7 : i32 to vector<16xi32>
      %sub3A_481 = arith.subi %get3A_479, %sub3A_480 : vector<16xi32>
      %ge3A_482 = arith.constant 0 : i32
      %ge3A_483 = vector.broadcast %ge3A_482 : i32 to vector<16xi32>
      %ge3A_484 = arith.cmpi sge, %sub3A_481, %ge3A_483 : vector<16xi32>
      %lt3A_485 = arith.constant 5000 : i32
      %lt3A_486 = vector.broadcast %lt3A_485 : i32 to vector<16xi32>
      %lt3A_487 = arith.cmpi slt, %sub3A_481, %lt3A_486 : vector<16xi32>
      %and3A_488 = arith.andi %ge3A_484, %lt3A_487 : vector<16xi1>
      %select_n3A_489 = arith.select %and3A_488, %sub3A_481, %broadcast_in_dim3A_9 : vector<16xi1>, vector<16xi32>
      %swap3A_490 = arith.index_cast %scan3A_424 : i32 to index
      %swap3A_491 = arith.constant 48 : index
      %swap3A_492 = tpu.vector_load %arg7[%swap3A_490, %swap3A_491] {strides = array<i32>} : memref<79x128xi32, #tpu.memory_space<vmem>>, vector<1x16xi32>,
      %swap3A_493 = vector.shape_cast %swap3A_492 : vector<1x16xi32> to vector<16xi32>
      %swap3A_494 = vector.shape_cast %select_n3A_489 : vector<16xi32> to vector<1x16xi32>
      tpu.vector_store %arg7[%swap3A_490, %swap3A_491], %swap3A_494 {strides = array<i32>} : memref<79x128xi32, #tpu.memory_space<vmem>>, vector<1x16xi32>,
      %get3A_495 = arith.index_cast %scan3A_424 : i32 to index
      %get3A_496 = arith.constant 64 : index
      %get3A_497 = tpu.vector_load %arg7[%get3A_495, %get3A_496] {strides = array<i32>} : memref<79x128xi32, #tpu.memory_space<vmem>>, vector<1x16xi32>,
      %get3A_498 = vector.shape_cast %get3A_497 : vector<1x16xi32> to vector<16xi32>
      %sub3A_499 = vector.broadcast %mul3A_7 : i32 to vector<16xi32>
      %sub3A_500 = arith.subi %get3A_498, %sub3A_499 : vector<16xi32>
      %ge3A_501 = arith.constant 0 : i32
      %ge3A_502 = vector.broadcast %ge3A_501 : i32 to vector<16xi32>
      %ge3A_503 = arith.cmpi sge, %sub3A_500, %ge3A_502 : vector<16xi32>
      %lt3A_504 = arith.constant 5000 : i32
      %lt3A_505 = vector.broadcast %lt3A_504 : i32 to vector<16xi32>
      %lt3A_506 = arith.cmpi slt, %sub3A_500, %lt3A_505 : vector<16xi32>
      %and3A_507 = arith.andi %ge3A_503, %lt3A_506 : vector<16xi1>
      %select_n3A_508 = arith.select %and3A_507, %sub3A_500, %broadcast_in_dim3A_9 : vector<16xi1>, vector<16xi32>
      %swap3A_509 = arith.index_cast %scan3A_424 : i32 to index
      %swap3A_510 = arith.constant 64 : index
      %swap3A_511 = tpu.vector_load %arg7[%swap3A_509, %swap3A_510] {strides = array<i32>} : memref<79x128xi32, #tpu.memory_space<vmem>>, vector<1x16xi32>,
      %swap3A_512 = vector.shape_cast %swap3A_511 : vector<1x16xi32> to vector<16xi32>
      %swap3A_513 = vector.shape_cast %select_n3A_508 : vector<16xi32> to vector<1x16xi32>
      tpu.vector_store %arg7[%swap3A_509, %swap3A_510], %swap3A_513 {strides = array<i32>} : memref<79x128xi32, #tpu.memory_space<vmem>>, vector<1x16xi32>,
      %get3A_514 = arith.index_cast %scan3A_424 : i32 to index
      %get3A_515 = arith.constant 80 : index
      %get3A_516 = tpu.vector_load %arg7[%get3A_514, %get3A_515] {strides = array<i32>} : memref<79x128xi32, #tpu.memory_space<vmem>>, vector<1x16xi32>,
      %get3A_517 = vector.shape_cast %get3A_516 : vector<1x16xi32> to vector<16xi32>
      %sub3A_518 = vector.broadcast %mul3A_7 : i32 to vector<16xi32>
      %sub3A_519 = arith.subi %get3A_517, %sub3A_518 : vector<16xi32>
      %ge3A_520 = arith.constant 0 : i32
      %ge3A_521 = vector.broadcast %ge3A_520 : i32 to vector<16xi32>
      %ge3A_522 = arith.cmpi sge, %sub3A_519, %ge3A_521 : vector<16xi32>
      %lt3A_523 = arith.constant 5000 : i32
      %lt3A_524 = vector.broadcast %lt3A_523 : i32 to vector<16xi32>
      %lt3A_525 = arith.cmpi slt, %sub3A_519, %lt3A_524 : vector<16xi32>
      %and3A_526 = arith.andi %ge3A_522, %lt3A_525 : vector<16xi1>
      %select_n3A_527 = arith.select %and3A_526, %sub3A_519, %broadcast_in_dim3A_9 : vector<16xi1>, vector<16xi32>
      %swap3A_528 = arith.index_cast %scan3A_424 : i32 to index
      %swap3A_529 = arith.constant 80 : index
      %swap3A_530 = tpu.vector_load %arg7[%swap3A_528, %swap3A_529] {strides = array<i32>} : memref<79x128xi32, #tpu.memory_space<vmem>>, vector<1x16xi32>,
      %swap3A_531 = vector.shape_cast %swap3A_530 : vector<1x16xi32> to vector<16xi32>
      %swap3A_532 = vector.shape_cast %select_n3A_527 : vector<16xi32> to vector<1x16xi32>
      tpu.vector_store %arg7[%swap3A_528, %swap3A_529], %swap3A_532 {strides = array<i32>} : memref<79x128xi32, #tpu.memory_space<vmem>>, vector<1x16xi32>,
      %get3A_533 = arith.index_cast %scan3A_424 : i32 to index
      %get3A_534 = arith.constant 96 : index
      %get3A_535 = tpu.vector_load %arg7[%get3A_533, %get3A_534] {strides = array<i32>} : memref<79x128xi32, #tpu.memory_space<vmem>>, vector<1x16xi32>,
      %get3A_536 = vector.shape_cast %get3A_535 : vector<1x16xi32> to vector<16xi32>
      %sub3A_537 = vector.broadcast %mul3A_7 : i32 to vector<16xi32>
      %sub3A_538 = arith.subi %get3A_536, %sub3A_537 : vector<16xi32>
      %ge3A_539 = arith.constant 0 : i32
      %ge3A_540 = vector.broadcast %ge3A_539 : i32 to vector<16xi32>
      %ge3A_541 = arith.cmpi sge, %sub3A_538, %ge3A_540 : vector<16xi32>
      %lt3A_542 = arith.constant 5000 : i32
      %lt3A_543 = vector.broadcast %lt3A_542 : i32 to vector<16xi32>
      %lt3A_544 = arith.cmpi slt, %sub3A_538, %lt3A_543 : vector<16xi32>
      %and3A_545 = arith.andi %ge3A_541, %lt3A_544 : vector<16xi1>
      %select_n3A_546 = arith.select %and3A_545, %sub3A_538, %broadcast_in_dim3A_9 : vector<16xi1>, vector<16xi32>
      %swap3A_547 = arith.index_cast %scan3A_424 : i32 to index
      %swap3A_548 = arith.constant 96 : index
      %swap3A_549 = tpu.vector_load %arg7[%swap3A_547, %swap3A_548] {strides = array<i32>} : memref<79x128xi32, #tpu.memory_space<vmem>>, vector<1x16xi32>,
      %swap3A_550 = vector.shape_cast %swap3A_549 : vector<1x16xi32> to vector<16xi32>
      %swap3A_551 = vector.shape_cast %select_n3A_546 : vector<16xi32> to vector<1x16xi32>
      tpu.vector_store %arg7[%swap3A_547, %swap3A_548], %swap3A_551 {strides = array<i32>} : memref<79x128xi32, #tpu.memory_space<vmem>>, vector<1x16xi32>,
      %get3A_552 = arith.index_cast %scan3A_424 : i32 to index
      %get3A_553 = arith.constant 112 : index
      %get3A_554 = tpu.vector_load %arg7[%get3A_552, %get3A_553] {strides = array<i32>} : memref<79x128xi32, #tpu.memory_space<vmem>>, vector<1x16xi32>,
      %get3A_555 = vector.shape_cast %get3A_554 : vector<1x16xi32> to vector<16xi32>
      %sub3A_556 = vector.broadcast %mul3A_7 : i32 to vector<16xi32>
      %sub3A_557 = arith.subi %get3A_555, %sub3A_556 : vector<16xi32>
      %ge3A_558 = arith.constant 0 : i32
      %ge3A_559 = vector.broadcast %ge3A_558 : i32 to vector<16xi32>
      %ge3A_560 = arith.cmpi sge, %sub3A_557, %ge3A_559 : vector<16xi32>
      %lt3A_561 = arith.constant 5000 : i32
      %lt3A_562 = vector.broadcast %lt3A_561 : i32 to vector<16xi32>
      %lt3A_563 = arith.cmpi slt, %sub3A_557, %lt3A_562 : vector<16xi32>
      %and3A_564 = arith.andi %ge3A_560, %lt3A_563 : vector<16xi1>
      %select_n3A_565 = arith.select %and3A_564, %sub3A_557, %broadcast_in_dim3A_9 : vector<16xi1>, vector<16xi32>
      %swap3A_566 = arith.index_cast %scan3A_424 : i32 to index
      %swap3A_567 = arith.constant 112 : index
      %swap3A_568 = tpu.vector_load %arg7[%swap3A_566, %swap3A_567] {strides = array<i32>} : memref<79x128xi32, #tpu.memory_space<vmem>>, vector<1x16xi32>,
      %swap3A_569 = vector.shape_cast %swap3A_568 : vector<1x16xi32> to vector<16xi32>
      %swap3A_570 = vector.shape_cast %select_n3A_565 : vector<16xi32> to vector<1x16xi32>
      tpu.vector_store %arg7[%swap3A_566, %swap3A_567], %swap3A_570 {strides = array<i32>} : memref<79x128xi32, #tpu.memory_space<vmem>>, vector<1x16xi32>,
      %scan3A_571 = arith.constant 0 : i32
      scf.yield %scan3A_571 : i32
    }
    %scan3A_16 = arith.constant 79 : i32
    "tpu.region"() ({
      %run_scoped3A_424 = tpu.sem_alloc : memref<!tpu.dma_semaphore, #tpu.memory_space<semaphore_mem>>
      %dma_start3A_425 = arith.constant 0 : i32
      %dma_start3A_426 = arith.constant 0 : i32
      %dma_start3A_427 = tpu.memref_slice %arg3[%arg1, %dma_start3A_425, %dma_start3A_426] : memref<16x79x128xi32, #tpu.memory_space<hbm>> -> memref<1x79x128xi32, #tpu.memory_space<hbm>>
      %dma_start3A_428 = tpu.memref_squeeze %dma_start3A_427 : memref<1x79x128xi32, #tpu.memory_space<hbm>> -> memref<79x128xi32, #tpu.memory_space<hbm>>
      %dma_start3A_429 = arith.constant 0 : i32
      %dma_start3A_430 = arith.constant 0 : i32
      %dma_start3A_431 = tpu.memref_slice %arg3[%arg1, %dma_start3A_429, %dma_start3A_430] : memref<16x79x128xi32, #tpu.memory_space<hbm>> -> memref<1x79x128xi32, #tpu.memory_space<hbm>>
      %dma_start3A_432 = tpu.memref_squeeze %dma_start3A_431 : memref<1x79x128xi32, #tpu.memory_space<hbm>> -> memref<79x128xi32, #tpu.memory_space<hbm>>
      tpu.enqueue_dma source(%dma_start3A_432 : memref<79x128xi32, #tpu.memory_space<hbm>>) target(%arg6 : memref<79x128xi32, #tpu.memory_space<vmem>>) target_semaphore(%run_scoped3A_424 : memref<!tpu.dma_semaphore, #tpu.memory_space<semaphore_mem>>)
      %dma_wait3A_433 = arith.constant 0 : i32
      %dma_wait3A_434 = arith.constant 0 : i32
      %dma_wait3A_435 = tpu.memref_slice %arg3[%arg1, %dma_wait3A_433, %dma_wait3A_434] : memref<16x79x128xi32, #tpu.memory_space<hbm>> -> memref<1x79x128xi32, #tpu.memory_space<hbm>>
      %dma_wait3A_436 = tpu.memref_squeeze %dma_wait3A_435 : memref<1x79x128xi32, #tpu.memory_space<hbm>> -> memref<79x128xi32, #tpu.memory_space<hbm>>
      %dma_wait3A_437 = arith.constant 0 : i32
      %dma_wait3A_438 = arith.constant 0 : i32
      %dma_wait3A_439 = tpu.memref_slice %arg3[%arg1, %dma_wait3A_437, %dma_wait3A_438] : memref<16x79x128xi32, #tpu.memory_space<hbm>> -> memref<1x79x128xi32, #tpu.memory_space<hbm>>
      %dma_wait3A_440 = tpu.memref_squeeze %dma_wait3A_439 : memref<1x79x128xi32, #tpu.memory_space<hbm>> -> memref<79x128xi32, #tpu.memory_space<hbm>>
      tpu.wait_dma2 semaphore(%run_scoped3A_424 : memref<!tpu.dma_semaphore, #tpu.memory_space<semaphore_mem>>) src(%dma_wait3A_440 : memref<79x128xi32, #tpu.memory_space<hbm>>) dst(%arg6 : memref<79x128xi32, #tpu.memory_space<vmem>>)
      tpu.yield
    }) : () -> ()
    %mul3A_17 = arith.constant 320 : i32
    %mul3A_18 = arith.muli %arg1, %mul3A_17 : i32
    %add3A = arith.constant 0 : i32
    %add3A_19 = arith.addi %mul3A_18, %add3A : i32
    "tpu.region"() ({
      %run_scoped3A_424 = tpu.sem_alloc : memref<!tpu.dma_semaphore, #tpu.memory_space<semaphore_mem>>
      %dma_start3A_425 = arith.constant 0 : i32
      %dma_start3A_426 = tpu.memref_slice %arg11[%add3A_19, %dma_start3A_425] : memref<5120x128xf32, #tpu.memory_space<vmem_shared>> -> memref<64x128xf32, #tpu.memory_space<vmem_shared>>
      %dma_start3A_427 = arith.constant 0 : i32
      %dma_start3A_428 = tpu.memref_slice %arg11[%add3A_19, %dma_start3A_427] : memref<5120x128xf32, #tpu.memory_space<vmem_shared>> -> memref<64x128xf32, #tpu.memory_space<vmem_shared>>
      tpu.enqueue_dma source(%arg10 : memref<64x128xf32, #tpu.memory_space<vmem>>) target(%dma_start3A_428 : memref<64x128xf32, #tpu.memory_space<vmem_shared>>) target_semaphore(%run_scoped3A_424 : memref<!tpu.dma_semaphore, #tpu.memory_space<semaphore_mem>>)
      %dma_wait3A_429 = arith.constant 0 : i32
      %dma_wait3A_430 = tpu.memref_slice %arg11[%add3A_19, %dma_wait3A_429] : memref<5120x128xf32, #tpu.memory_space<vmem_shared>> -> memref<64x128xf32, #tpu.memory_space<vmem_shared>>
      %dma_wait3A_431 = arith.constant 0 : i32
      %dma_wait3A_432 = tpu.memref_slice %arg11[%add3A_19, %dma_wait3A_431] : memref<5120x128xf32, #tpu.memory_space<vmem_shared>> -> memref<64x128xf32, #tpu.memory_space<vmem_shared>>
      tpu.wait_dma2 semaphore(%run_scoped3A_424 : memref<!tpu.dma_semaphore, #tpu.memory_space<semaphore_mem>>) src(%arg10 : memref<64x128xf32, #tpu.memory_space<vmem>>) dst(%dma_wait3A_432 : memref<64x128xf32, #tpu.memory_space<vmem_shared>>)
      tpu.yield
    }) : () -> ()
    %mul3A_20 = arith.constant 320 : i32
    %mul3A_21 = arith.muli %arg1, %mul3A_20 : i32
    %add3A_22 = arith.constant 64 : i32
    %add3A_23 = arith.addi %mul3A_21, %add3A_22 : i32
    "tpu.region"() ({
      %run_scoped3A_424 = tpu.sem_alloc : memref<!tpu.dma_semaphore, #tpu.memory_space<semaphore_mem>>
      %dma_start3A_425 = arith.constant 0 : i32
      %dma_start3A_426 = tpu.memref_slice %arg11[%add3A_23, %dma_start3A_425] : memref<5120x128xf32, #tpu.memory_space<vmem_shared>> -> memref<64x128xf32, #tpu.memory_space<vmem_shared>>
      %dma_start3A_427 = arith.constant 0 : i32
      %dma_start3A_428 = tpu.memref_slice %arg11[%add3A_23, %dma_start3A_427] : memref<5120x128xf32, #tpu.memory_space<vmem_shared>> -> memref<64x128xf32, #tpu.memory_space<vmem_shared>>
      tpu.enqueue_dma source(%arg10 : memref<64x128xf32, #tpu.memory_space<vmem>>) target(%dma_start3A_428 : memref<64x128xf32, #tpu.memory_space<vmem_shared>>) target_semaphore(%run_scoped3A_424 : memref<!tpu.dma_semaphore, #tpu.memory_space<semaphore_mem>>)
      %dma_wait3A_429 = arith.constant 0 : i32
      %dma_wait3A_430 = tpu.memref_slice %arg11[%add3A_23, %dma_wait3A_429] : memref<5120x128xf32, #tpu.memory_space<vmem_shared>> -> memref<64x128xf32, #tpu.memory_space<vmem_shared>>
      %dma_wait3A_431 = arith.constant 0 : i32
      %dma_wait3A_432 = tpu.memref_slice %arg11[%add3A_23, %dma_wait3A_431] : memref<5120x128xf32, #tpu.memory_space<vmem_shared>> -> memref<64x128xf32, #tpu.memory_space<vmem_shared>>
      tpu.wait_dma2 semaphore(%run_scoped3A_424 : memref<!tpu.dma_semaphore, #tpu.memory_space<semaphore_mem>>) src(%arg10 : memref<64x128xf32, #tpu.memory_space<vmem>>) dst(%dma_wait3A_432 : memref<64x128xf32, #tpu.memory_space<vmem_shared>>)
      tpu.yield
    }) : () -> ()
    %mul3A_24 = arith.constant 320 : i32
    %mul3A_25 = arith.muli %arg1, %mul3A_24 : i32
    %add3A_26 = arith.constant 128 : i32
    %add3A_27 = arith.addi %mul3A_25, %add3A_26 : i32
    "tpu.region"() ({
      %run_scoped3A_424 = tpu.sem_alloc : memref<!tpu.dma_semaphore, #tpu.memory_space<semaphore_mem>>
      %dma_start3A_425 = arith.constant 0 : i32
      %dma_start3A_426 = tpu.memref_slice %arg11[%add3A_27, %dma_start3A_425] : memref<5120x128xf32, #tpu.memory_space<vmem_shared>> -> memref<64x128xf32, #tpu.memory_space<vmem_shared>>
      %dma_start3A_427 = arith.constant 0 : i32
      %dma_start3A_428 = tpu.memref_slice %arg11[%add3A_27, %dma_start3A_427] : memref<5120x128xf32, #tpu.memory_space<vmem_shared>> -> memref<64x128xf32, #tpu.memory_space<vmem_shared>>
      tpu.enqueue_dma source(%arg10 : memref<64x128xf32, #tpu.memory_space<vmem>>) target(%dma_start3A_428 : memref<64x128xf32, #tpu.memory_space<vmem_shared>>) target_semaphore(%run_scoped3A_424 : memref<!tpu.dma_semaphore, #tpu.memory_space<semaphore_mem>>)
      %dma_wait3A_429 = arith.constant 0 : i32
      %dma_wait3A_430 = tpu.memref_slice %arg11[%add3A_27, %dma_wait3A_429] : memref<5120x128xf32, #tpu.memory_space<vmem_shared>> -> memref<64x128xf32, #tpu.memory_space<vmem_shared>>
      %dma_wait3A_431 = arith.constant 0 : i32
      %dma_wait3A_432 = tpu.memref_slice %arg11[%add3A_27, %dma_wait3A_431] : memref<5120x128xf32, #tpu.memory_space<vmem_shared>> -> memref<64x128xf32, #tpu.memory_space<vmem_shared>>
      tpu.wait_dma2 semaphore(%run_scoped3A_424 : memref<!tpu.dma_semaphore, #tpu.memory_space<semaphore_mem>>) src(%arg10 : memref<64x128xf32, #tpu.memory_space<vmem>>) dst(%dma_wait3A_432 : memref<64x128xf32, #tpu.memory_space<vmem_shared>>)
      tpu.yield
    }) : () -> ()
    %mul3A_28 = arith.constant 320 : i32
    %mul3A_29 = arith.muli %arg1, %mul3A_28 : i32
    %add3A_30 = arith.constant 192 : i32
    %add3A_31 = arith.addi %mul3A_29, %add3A_30 : i32
    "tpu.region"() ({
      %run_scoped3A_424 = tpu.sem_alloc : memref<!tpu.dma_semaphore, #tpu.memory_space<semaphore_mem>>
      %dma_start3A_425 = arith.constant 0 : i32
      %dma_start3A_426 = tpu.memref_slice %arg11[%add3A_31, %dma_start3A_425] : memref<5120x128xf32, #tpu.memory_space<vmem_shared>> -> memref<64x128xf32, #tpu.memory_space<vmem_shared>>
      %dma_start3A_427 = arith.constant 0 : i32
      %dma_start3A_428 = tpu.memref_slice %arg11[%add3A_31, %dma_start3A_427] : memref<5120x128xf32, #tpu.memory_space<vmem_shared>> -> memref<64x128xf32, #tpu.memory_space<vmem_shared>>
      tpu.enqueue_dma source(%arg10 : memref<64x128xf32, #tpu.memory_space<vmem>>) target(%dma_start3A_428 : memref<64x128xf32, #tpu.memory_space<vmem_shared>>) target_semaphore(%run_scoped3A_424 : memref<!tpu.dma_semaphore, #tpu.memory_space<semaphore_mem>>)
      %dma_wait3A_429 = arith.constant 0 : i32
      %dma_wait3A_430 = tpu.memref_slice %arg11[%add3A_31, %dma_wait3A_429] : memref<5120x128xf32, #tpu.memory_space<vmem_shared>> -> memref<64x128xf32, #tpu.memory_space<vmem_shared>>
      %dma_wait3A_431 = arith.constant 0 : i32
      %dma_wait3A_432 = tpu.memref_slice %arg11[%add3A_31, %dma_wait3A_431] : memref<5120x128xf32, #tpu.memory_space<vmem_shared>> -> memref<64x128xf32, #tpu.memory_space<vmem_shared>>
      tpu.wait_dma2 semaphore(%run_scoped3A_424 : memref<!tpu.dma_semaphore, #tpu.memory_space<semaphore_mem>>) src(%arg10 : memref<64x128xf32, #tpu.memory_space<vmem>>) dst(%dma_wait3A_432 : memref<64x128xf32, #tpu.memory_space<vmem_shared>>)
      tpu.yield
    }) : () -> ()
    %mul3A_32 = arith.constant 320 : i32
    %mul3A_33 = arith.muli %arg1, %mul3A_32 : i32
    %add3A_34 = arith.constant 256 : i32
    %add3A_35 = arith.addi %mul3A_33, %add3A_34 : i32
    "tpu.region"() ({
      %run_scoped3A_424 = tpu.sem_alloc : memref<!tpu.dma_semaphore, #tpu.memory_space<semaphore_mem>>
      %dma_start3A_425 = arith.constant 0 : i32
      %dma_start3A_426 = tpu.memref_slice %arg11[%add3A_35, %dma_start3A_425] : memref<5120x128xf32, #tpu.memory_space<vmem_shared>> -> memref<64x128xf32, #tpu.memory_space<vmem_shared>>
      %dma_start3A_427 = arith.constant 0 : i32
      %dma_start3A_428 = tpu.memref_slice %arg11[%add3A_35, %dma_start3A_427] : memref<5120x128xf32, #tpu.memory_space<vmem_shared>> -> memref<64x128xf32, #tpu.memory_space<vmem_shared>>
      tpu.enqueue_dma source(%arg10 : memref<64x128xf32, #tpu.memory_space<vmem>>) target(%dma_start3A_428 : memref<64x128xf32, #tpu.memory_space<vmem_shared>>) target_semaphore(%run_scoped3A_424 : memref<!tpu.dma_semaphore, #tpu.memory_space<semaphore_mem>>)
      %dma_wait3A_429 = arith.constant 0 : i32
      %dma_wait3A_430 = tpu.memref_slice %arg11[%add3A_35, %dma_wait3A_429] : memref<5120x128xf32, #tpu.memory_space<vmem_shared>> -> memref<64x128xf32, #tpu.memory_space<vmem_shared>>
      %dma_wait3A_431 = arith.constant 0 : i32
      %dma_wait3A_432 = tpu.memref_slice %arg11[%add3A_35, %dma_wait3A_431] : memref<5120x128xf32, #tpu.memory_space<vmem_shared>> -> memref<64x128xf32, #tpu.memory_space<vmem_shared>>
      tpu.wait_dma2 semaphore(%run_scoped3A_424 : memref<!tpu.dma_semaphore, #tpu.memory_space<semaphore_mem>>) src(%arg10 : memref<64x128xf32, #tpu.memory_space<vmem>>) dst(%dma_wait3A_432 : memref<64x128xf32, #tpu.memory_space<vmem_shared>>)
      tpu.yield
    }) : () -> ()
    %barrier3A = arith.constant 0 : index
    tpu.barrier barrier_id(%barrier3A)
    %dma_start3A = arith.constant 0 : i32
    %dma_start3A_36 = arith.constant 0 : i32
    %dma_start3A_37 = tpu.memref_slice %arg6[%dma_start3A, %dma_start3A_36] : memref<79x128xi32, #tpu.memory_space<vmem>> -> memref<1x128xi32, #tpu.memory_space<vmem>>
    %dma_start3A_38 = tpu.memref_squeeze %dma_start3A_37 : memref<1x128xi32, #tpu.memory_space<vmem>> -> memref<128xi32, #tpu.memory_space<vmem>>
    %dma_start3A_39 = arith.constant 0 : i32
    %dma_start3A_40 = arith.constant 0 : i32
    %dma_start3A_41 = tpu.memref_slice %arg2[%dma_start3A_39, %dma_start3A_40] : memref<40000x128xf32, #tpu.memory_space<hbm>> -> memref<40000x128xf32, #tpu.memory_space<hbm>>
    tpu.enqueue_indirect_dma source(%dma_start3A_41 : memref<40000x128xf32, #tpu.memory_space<hbm>>) target(%arg8 : memref<128x128xf32, #tpu.memory_space<vmem>>) offsets(%dma_start3A_38 : memref<128xi32, #tpu.memory_space<vmem>>) semaphore(%arg12 : memref<!tpu.dma_semaphore, #tpu.memory_space<semaphore_mem>>)
    %scan3A_42 = arith.constant 0 : i32
    %scan3A_43 = arith.constant 0 : i32
    %scan3A_44 = arith.constant 39 : i32
    %scan3A_45 = arith.addi %scan3A_43, %scan3A_44 : i32
    %scan3A_46 = arith.constant 1 : i32
    %scan3A_47 = scf.for %scan3A_424 = %scan3A_43 to %scan3A_45 step %scan3A_46 iter_args(%scan3A_425 = %scan3A_42) -> (i32)  : i32 {
      %mul3A_426 = arith.constant 2 : i32
      %mul3A_427 = arith.muli %mul3A_426, %scan3A_424 : i32
      %dma_wait3A_428 = arith.constant 0 : i32
      %dma_wait3A_429 = tpu.memref_slice %arg6[%mul3A_427, %dma_wait3A_428] : memref<79x128xi32, #tpu.memory_space<vmem>> -> memref<1x128xi32, #tpu.memory_space<vmem>>
      %dma_wait3A_430 = tpu.memref_squeeze %dma_wait3A_429 : memref<1x128xi32, #tpu.memory_space<vmem>> -> memref<128xi32, #tpu.memory_space<vmem>>
      %dma_wait3A_431 = arith.constant 0 : i32
      %dma_wait3A_432 = arith.constant 0 : i32
      %dma_wait3A_433 = tpu.memref_slice %arg2[%dma_wait3A_431, %dma_wait3A_432] : memref<40000x128xf32, #tpu.memory_space<hbm>> -> memref<40000x128xf32, #tpu.memory_space<hbm>>
      tpu.wait_indirect_dma semaphore(%arg12 : memref<!tpu.dma_semaphore, #tpu.memory_space<semaphore_mem>>) src(%dma_wait3A_433 : memref<40000x128xf32, #tpu.memory_space<hbm>>) dst(%arg8 : memref<128x128xf32, #tpu.memory_space<vmem>>)
      %dma_start3A_434 = arith.constant 0 : i32
      %dma_start3A_435 = tpu.memref_slice %arg7[%mul3A_427, %dma_start3A_434] : memref<79x128xi32, #tpu.memory_space<vmem>> -> memref<1x128xi32, #tpu.memory_space<vmem>>
      %dma_start3A_436 = tpu.memref_squeeze %dma_start3A_435 : memref<1x128xi32, #tpu.memory_space<vmem>> -> memref<128xi32, #tpu.memory_space<vmem>>
      %dma_start3A_437 = arith.constant 0 : i32
      %dma_start3A_438 = arith.constant 0 : i32
      %dma_start3A_439 = tpu.memref_slice %arg11[%dma_start3A_437, %dma_start3A_438] : memref<5120x128xf32, #tpu.memory_space<vmem_shared>> -> memref<5120x128xf32, #tpu.memory_space<vmem_shared>>
      tpu.enqueue_indirect_dma source(%arg8 : memref<128x128xf32, #tpu.memory_space<vmem>>) target(%dma_start3A_439 : memref<5120x128xf32, #tpu.memory_space<vmem_shared>>) offsets(%dma_start3A_436 : memref<128xi32, #tpu.memory_space<vmem>>) semaphore(%arg13 : memref<!tpu.dma_semaphore, #tpu.memory_space<semaphore_mem>>) {add = true}
      %gt3A = arith.constant 0 : i32
      %gt3A_440 = arith.cmpi sgt, %scan3A_424, %gt3A : i32
      %convert_element_type3A = arith.extui %gt3A_440 : i1 to i32
      %cond3A = arith.constant 0 : i32
      %cond3A_441 = arith.cmpi ne, %convert_element_type3A, %cond3A : i32
      scf.if %cond3A_441 {
        %sub3A = arith.constant 1 : i32
        %sub3A_479 = arith.subi %mul3A_427, %sub3A : i32
        %dma_wait3A_480 = arith.constant 0 : i32
        %dma_wait3A_481 = tpu.memref_slice %arg7[%sub3A_479, %dma_wait3A_480] : memref<79x128xi32, #tpu.memory_space<vmem>> -> memref<1x128xi32, #tpu.memory_space<vmem>>
        %dma_wait3A_482 = tpu.memref_squeeze %dma_wait3A_481 : memref<1x128xi32, #tpu.memory_space<vmem>> -> memref<128xi32, #tpu.memory_space<vmem>>
        %dma_wait3A_483 = arith.constant 0 : i32
        %dma_wait3A_484 = arith.constant 0 : i32
        %dma_wait3A_485 = tpu.memref_slice %arg11[%dma_wait3A_483, %dma_wait3A_484] : memref<5120x128xf32, #tpu.memory_space<vmem_shared>> -> memref<5120x128xf32, #tpu.memory_space<vmem_shared>>
        tpu.wait_indirect_dma semaphore(%arg14 : memref<!tpu.dma_semaphore, #tpu.memory_space<semaphore_mem>>) src(%arg9 : memref<128x128xf32, #tpu.memory_space<vmem>>) dst(%dma_wait3A_485 : memref<5120x128xf32, #tpu.memory_space<vmem_shared>>)
      } else {
      }
      %add3A_442 = arith.constant 1 : i32
      %add3A_443 = arith.addi %mul3A_427, %add3A_442 : i32
      %dma_start3A_444 = arith.constant 0 : i32
      %dma_start3A_445 = tpu.memref_slice %arg6[%add3A_443, %dma_start3A_444] : memref<79x128xi32, #tpu.memory_space<vmem>> -> memref<1x128xi32, #tpu.memory_space<vmem>>
      %dma_start3A_446 = tpu.memref_squeeze %dma_start3A_445 : memref<1x128xi32, #tpu.memory_space<vmem>> -> memref<128xi32, #tpu.memory_space<vmem>>
      %dma_start3A_447 = arith.constant 0 : i32
      %dma_start3A_448 = arith.constant 0 : i32
      %dma_start3A_449 = tpu.memref_slice %arg2[%dma_start3A_447, %dma_start3A_448] : memref<40000x128xf32, #tpu.memory_space<hbm>> -> memref<40000x128xf32, #tpu.memory_space<hbm>>
      tpu.enqueue_indirect_dma source(%dma_start3A_449 : memref<40000x128xf32, #tpu.memory_space<hbm>>) target(%arg9 : memref<128x128xf32, #tpu.memory_space<vmem>>) offsets(%dma_start3A_446 : memref<128xi32, #tpu.memory_space<vmem>>) semaphore(%arg12 : memref<!tpu.dma_semaphore, #tpu.memory_space<semaphore_mem>>)
      %add3A_450 = arith.constant 1 : i32
      %add3A_451 = arith.addi %mul3A_427, %add3A_450 : i32
      %dma_wait3A_452 = arith.constant 0 : i32
      %dma_wait3A_453 = tpu.memref_slice %arg6[%add3A_451, %dma_wait3A_452] : memref<79x128xi32, #tpu.memory_space<vmem>> -> memref<1x128xi32, #tpu.memory_space<vmem>>
      %dma_wait3A_454 = tpu.memref_squeeze %dma_wait3A_453 : memref<1x128xi32, #tpu.memory_space<vmem>> -> memref<128xi32, #tpu.memory_space<vmem>>
      %dma_wait3A_455 = arith.constant 0 : i32
      %dma_wait3A_456 = arith.constant 0 : i32
      %dma_wait3A_457 = tpu.memref_slice %arg2[%dma_wait3A_455, %dma_wait3A_456] : memref<40000x128xf32, #tpu.memory_space<hbm>> -> memref<40000x128xf32, #tpu.memory_space<hbm>>
      tpu.wait_indirect_dma semaphore(%arg12 : memref<!tpu.dma_semaphore, #tpu.memory_space<semaphore_mem>>) src(%dma_wait3A_457 : memref<40000x128xf32, #tpu.memory_space<hbm>>) dst(%arg9 : memref<128x128xf32, #tpu.memory_space<vmem>>)
      %add3A_458 = arith.constant 1 : i32
      %add3A_459 = arith.addi %mul3A_427, %add3A_458 : i32
      %dma_start3A_460 = arith.constant 0 : i32
      %dma_start3A_461 = tpu.memref_slice %arg7[%add3A_459, %dma_start3A_460] : memref<79x128xi32, #tpu.memory_space<vmem>> -> memref<1x128xi32, #tpu.memory_space<vmem>>
      %dma_start3A_462 = tpu.memref_squeeze %dma_start3A_461 : memref<1x128xi32, #tpu.memory_space<vmem>> -> memref<128xi32, #tpu.memory_space<vmem>>
      %dma_start3A_463 = arith.constant 0 : i32
      %dma_start3A_464 = arith.constant 0 : i32
      %dma_start3A_465 = tpu.memref_slice %arg11[%dma_start3A_463, %dma_start3A_464] : memref<5120x128xf32, #tpu.memory_space<vmem_shared>> -> memref<5120x128xf32, #tpu.memory_space<vmem_shared>>
      tpu.enqueue_indirect_dma source(%arg9 : memref<128x128xf32, #tpu.memory_space<vmem>>) target(%dma_start3A_465 : memref<5120x128xf32, #tpu.memory_space<vmem_shared>>) offsets(%dma_start3A_462 : memref<128xi32, #tpu.memory_space<vmem>>) semaphore(%arg14 : memref<!tpu.dma_semaphore, #tpu.memory_space<semaphore_mem>>) {add = true}
      %dma_wait3A_466 = arith.constant 0 : i32
      %dma_wait3A_467 = tpu.memref_slice %arg7[%mul3A_427, %dma_wait3A_466] : memref<79x128xi32, #tpu.memory_space<vmem>> -> memref<1x128xi32, #tpu.memory_space<vmem>>
      %dma_wait3A_468 = tpu.memref_squeeze %dma_wait3A_467 : memref<1x128xi32, #tpu.memory_space<vmem>> -> memref<128xi32, #tpu.memory_space<vmem>>
      %dma_wait3A_469 = arith.constant 0 : i32
      %dma_wait3A_470 = arith.constant 0 : i32
      %dma_wait3A_471 = tpu.memref_slice %arg11[%dma_wait3A_469, %dma_wait3A_470] : memref<5120x128xf32, #tpu.memory_space<vmem_shared>> -> memref<5120x128xf32, #tpu.memory_space<vmem_shared>>
      tpu.wait_indirect_dma semaphore(%arg13 : memref<!tpu.dma_semaphore, #tpu.memory_space<semaphore_mem>>) src(%arg8 : memref<128x128xf32, #tpu.memory_space<vmem>>) dst(%dma_wait3A_471 : memref<5120x128xf32, #tpu.memory_space<vmem_shared>>)
      %add3A_472 = arith.constant 2 : i32
      %add3A_473 = arith.addi %mul3A_427, %add3A_472 : i32
      %lt3A = arith.constant 79 : i32
      %lt3A_474 = arith.cmpi slt, %add3A_473, %lt3A : i32
      %convert_element_type3A_475 = arith.extui %lt3A_474 : i1 to i32
      %cond3A_476 = arith.constant 0 : i32
      %cond3A_477 = arith.cmpi ne, %convert_element_type3A_475, %cond3A_476 : i32
      scf.if %cond3A_477 {
        %add3A_479 = arith.constant 2 : i32
        %add3A_480 = arith.addi %mul3A_427, %add3A_479 : i32
        %dma_start3A_481 = arith.constant 0 : i32
        %dma_start3A_482 = tpu.memref_slice %arg6[%add3A_480, %dma_start3A_481] : memref<79x128xi32, #tpu.memory_space<vmem>> -> memref<1x128xi32, #tpu.memory_space<vmem>>
        %dma_start3A_483 = tpu.memref_squeeze %dma_start3A_482 : memref<1x128xi32, #tpu.memory_space<vmem>> -> memref<128xi32, #tpu.memory_space<vmem>>
        %dma_start3A_484 = arith.constant 0 : i32
        %dma_start3A_485 = arith.constant 0 : i32
        %dma_start3A_486 = tpu.memref_slice %arg2[%dma_start3A_484, %dma_start3A_485] : memref<40000x128xf32, #tpu.memory_space<hbm>> -> memref<40000x128xf32, #tpu.memory_space<hbm>>
        tpu.enqueue_indirect_dma source(%dma_start3A_486 : memref<40000x128xf32, #tpu.memory_space<hbm>>) target(%arg8 : memref<128x128xf32, #tpu.memory_space<vmem>>) offsets(%dma_start3A_483 : memref<128xi32, #tpu.memory_space<vmem>>) semaphore(%arg12 : memref<!tpu.dma_semaphore, #tpu.memory_space<semaphore_mem>>)
      } else {
      }
      %scan3A_478 = arith.constant 0 : i32
      scf.yield %scan3A_478 : i32
    }
    %scan3A_48 = arith.constant 39 : i32
    %dma_wait3A = arith.constant 78 : i32
    %dma_wait3A_49 = arith.constant 0 : i32
    %dma_wait3A_50 = tpu.memref_slice %arg6[%dma_wait3A, %dma_wait3A_49] : memref<79x128xi32, #tpu.memory_space<vmem>> -> memref<1x128xi32, #tpu.memory_space<vmem>>
    %dma_wait3A_51 = tpu.memref_squeeze %dma_wait3A_50 : memref<1x128xi32, #tpu.memory_space<vmem>> -> memref<128xi32, #tpu.memory_space<vmem>>
    %dma_wait3A_52 = arith.constant 0 : i32
    %dma_wait3A_53 = arith.constant 0 : i32
    %dma_wait3A_54 = tpu.memref_slice %arg2[%dma_wait3A_52, %dma_wait3A_53] : memref<40000x128xf32, #tpu.memory_space<hbm>> -> memref<40000x128xf32, #tpu.memory_space<hbm>>
    tpu.wait_indirect_dma semaphore(%arg12 : memref<!tpu.dma_semaphore, #tpu.memory_space<semaphore_mem>>) src(%dma_wait3A_54 : memref<40000x128xf32, #tpu.memory_space<hbm>>) dst(%arg8 : memref<128x128xf32, #tpu.memory_space<vmem>>)
    %dma_wait3A_55 = arith.constant 77 : i32
    %dma_wait3A_56 = arith.constant 0 : i32
    %dma_wait3A_57 = tpu.memref_slice %arg7[%dma_wait3A_55, %dma_wait3A_56] : memref<79x128xi32, #tpu.memory_space<vmem>> -> memref<1x128xi32, #tpu.memory_space<vmem>>
    %dma_wait3A_58 = tpu.memref_squeeze %dma_wait3A_57 : memref<1x128xi32, #tpu.memory_space<vmem>> -> memref<128xi32, #tpu.memory_space<vmem>>
    %dma_wait3A_59 = arith.constant 0 : i32
    %dma_wait3A_60 = arith.constant 0 : i32
    %dma_wait3A_61 = tpu.memref_slice %arg11[%dma_wait3A_59, %dma_wait3A_60] : memref<5120x128xf32, #tpu.memory_space<vmem_shared>> -> memref<5120x128xf32, #tpu.memory_space<vmem_shared>>
    tpu.wait_indirect_dma semaphore(%arg14 : memref<!tpu.dma_semaphore, #tpu.memory_space<semaphore_mem>>) src(%arg9 : memref<128x128xf32, #tpu.memory_space<vmem>>) dst(%dma_wait3A_61 : memref<5120x128xf32, #tpu.memory_space<vmem_shared>>)
    %run_scoped3A = arith.constant 78 : i32
    "tpu.region"() ({
      %run_scoped3A_424 = tpu.sem_alloc : memref<!tpu.dma_semaphore, #tpu.memory_space<semaphore_mem>>
      %dma_start3A_425 = arith.constant 0 : i32
      %dma_start3A_426 = tpu.memref_slice %arg7[%run_scoped3A, %dma_start3A_425] : memref<79x128xi32, #tpu.memory_space<vmem>> -> memref<1x128xi32, #tpu.memory_space<vmem>>
      %dma_start3A_427 = tpu.memref_squeeze %dma_start3A_426 : memref<1x128xi32, #tpu.memory_space<vmem>> -> memref<128xi32, #tpu.memory_space<vmem>>
      %dma_start3A_428 = arith.constant 0 : i32
      %dma_start3A_429 = arith.constant 0 : i32
      %dma_start3A_430 = tpu.memref_slice %arg11[%dma_start3A_428, %dma_start3A_429] : memref<5120x128xf32, #tpu.memory_space<vmem_shared>> -> memref<5120x128xf32, #tpu.memory_space<vmem_shared>>
      tpu.enqueue_indirect_dma source(%arg8 : memref<128x128xf32, #tpu.memory_space<vmem>>) target(%dma_start3A_430 : memref<5120x128xf32, #tpu.memory_space<vmem_shared>>) offsets(%dma_start3A_427 : memref<128xi32, #tpu.memory_space<vmem>>) semaphore(%run_scoped3A_424 : memref<!tpu.dma_semaphore, #tpu.memory_space<semaphore_mem>>) {add = true}
      %dma_wait3A_431 = arith.constant 0 : i32
      %dma_wait3A_432 = tpu.memref_slice %arg7[%run_scoped3A, %dma_wait3A_431] : memref<79x128xi32, #tpu.memory_space<vmem>> -> memref<1x128xi32, #tpu.memory_space<vmem>>
      %dma_wait3A_433 = tpu.memref_squeeze %dma_wait3A_432 : memref<1x128xi32, #tpu.memory_space<vmem>> -> memref<128xi32, #tpu.memory_space<vmem>>
      %dma_wait3A_434 = arith.constant 0 : i32
      %dma_wait3A_435 = arith.constant 0 : i32
      %dma_wait3A_436 = tpu.memref_slice %arg11[%dma_wait3A_434, %dma_wait3A_435] : memref<5120x128xf32, #tpu.memory_space<vmem_shared>> -> memref<5120x128xf32, #tpu.memory_space<vmem_shared>>
      tpu.wait_indirect_dma semaphore(%run_scoped3A_424 : memref<!tpu.dma_semaphore, #tpu.memory_space<semaphore_mem>>) src(%arg8 : memref<128x128xf32, #tpu.memory_space<vmem>>) dst(%dma_wait3A_436 : memref<5120x128xf32, #tpu.memory_space<vmem_shared>>)
      tpu.yield
    }) : () -> ()
    %barrier3A_62 = arith.constant 0 : index
    tpu.barrier barrier_id(%barrier3A_62)
    %mul3A_63 = arith.constant 320 : i32
    %mul3A_64 = arith.muli %arg1, %mul3A_63 : i32
    %add3A_65 = arith.constant 0 : i32
    %add3A_66 = arith.addi %mul3A_64, %add3A_65 : i32
    %mul3A_67 = arith.constant 320 : i32
    %mul3A_68 = arith.muli %arg1, %mul3A_67 : i32
    %add3A_69 = arith.constant 0 : i32
    %add3A_70 = arith.addi %mul3A_68, %add3A_69 : i32
    %run_scoped3A_71 = arith.constant 0 : i32
    "tpu.region"() ({
      %run_scoped3A_424 = tpu.sem_alloc : memref<!tpu.dma_semaphore, #tpu.memory_space<semaphore_mem>>
      %dma_start3A_425 = arith.constant 0 : i32
      %dma_start3A_426 = tpu.memref_slice %arg5[%run_scoped3A_71, %arg0, %add3A_70, %dma_start3A_425] : memref<4x2x5120x128xf32, #tpu.memory_space<hbm>> -> memref<1x1x64x128xf32, #tpu.memory_space<hbm>>
      %dma_start3A_427 = tpu.memref_squeeze %dma_start3A_426 : memref<1x1x64x128xf32, #tpu.memory_space<hbm>> -> memref<64x128xf32, #tpu.memory_space<hbm>>
      %dma_start3A_428 = arith.constant 0 : i32
      %dma_start3A_429 = tpu.memref_slice %arg11[%add3A_66, %dma_start3A_428] : memref<5120x128xf32, #tpu.memory_space<vmem_shared>> -> memref<64x128xf32, #tpu.memory_space<vmem_shared>>
      tpu.enqueue_dma source(%dma_start3A_429 : memref<64x128xf32, #tpu.memory_space<vmem_shared>>) target(%dma_start3A_427 : memref<64x128xf32, #tpu.memory_space<hbm>>) target_semaphore(%run_scoped3A_424 : memref<!tpu.dma_semaphore, #tpu.memory_space<semaphore_mem>>)
      %dma_wait3A_430 = arith.constant 0 : i32
      %dma_wait3A_431 = tpu.memref_slice %arg5[%run_scoped3A_71, %arg0, %add3A_70, %dma_wait3A_430] : memref<4x2x5120x128xf32, #tpu.memory_space<hbm>> -> memref<1x1x64x128xf32, #tpu.memory_space<hbm>>
      %dma_wait3A_432 = tpu.memref_squeeze %dma_wait3A_431 : memref<1x1x64x128xf32, #tpu.memory_space<hbm>> -> memref<64x128xf32, #tpu.memory_space<hbm>>
      %dma_wait3A_433 = arith.constant 0 : i32
      %dma_wait3A_434 = tpu.memref_slice %arg11[%add3A_66, %dma_wait3A_433] : memref<5120x128xf32, #tpu.memory_space<vmem_shared>> -> memref<64x128xf32, #tpu.memory_space<vmem_shared>>
      tpu.wait_dma2 semaphore(%run_scoped3A_424 : memref<!tpu.dma_semaphore, #tpu.memory_space<semaphore_mem>>) src(%dma_wait3A_434 : memref<64x128xf32, #tpu.memory_space<vmem_shared>>) dst(%dma_wait3A_432 : memref<64x128xf32, #tpu.memory_space<hbm>>)
      tpu.yield
    }) : () -> ()
    %mul3A_72 = arith.constant 320 : i32
    %mul3A_73 = arith.muli %arg1, %mul3A_72 : i32
    %add3A_74 = arith.constant 64 : i32
    %add3A_75 = arith.addi %mul3A_73, %add3A_74 : i32
    %mul3A_76 = arith.constant 320 : i32
    %mul3A_77 = arith.muli %arg1, %mul3A_76 : i32
    %add3A_78 = arith.constant 64 : i32
    %add3A_79 = arith.addi %mul3A_77, %add3A_78 : i32
    %run_scoped3A_80 = arith.constant 0 : i32
    "tpu.region"() ({
      %run_scoped3A_424 = tpu.sem_alloc : memref<!tpu.dma_semaphore, #tpu.memory_space<semaphore_mem>>
      %dma_start3A_425 = arith.constant 0 : i32
      %dma_start3A_426 = tpu.memref_slice %arg5[%run_scoped3A_80, %arg0, %add3A_79, %dma_start3A_425] : memref<4x2x5120x128xf32, #tpu.memory_space<hbm>> -> memref<1x1x64x128xf32, #tpu.memory_space<hbm>>
      %dma_start3A_427 = tpu.memref_squeeze %dma_start3A_426 : memref<1x1x64x128xf32, #tpu.memory_space<hbm>> -> memref<64x128xf32, #tpu.memory_space<hbm>>
      %dma_start3A_428 = arith.constant 0 : i32
      %dma_start3A_429 = tpu.memref_slice %arg11[%add3A_75, %dma_start3A_428] : memref<5120x128xf32, #tpu.memory_space<vmem_shared>> -> memref<64x128xf32, #tpu.memory_space<vmem_shared>>
      tpu.enqueue_dma source(%dma_start3A_429 : memref<64x128xf32, #tpu.memory_space<vmem_shared>>) target(%dma_start3A_427 : memref<64x128xf32, #tpu.memory_space<hbm>>) target_semaphore(%run_scoped3A_424 : memref<!tpu.dma_semaphore, #tpu.memory_space<semaphore_mem>>)
      %dma_wait3A_430 = arith.constant 0 : i32
      %dma_wait3A_431 = tpu.memref_slice %arg5[%run_scoped3A_80, %arg0, %add3A_79, %dma_wait3A_430] : memref<4x2x5120x128xf32, #tpu.memory_space<hbm>> -> memref<1x1x64x128xf32, #tpu.memory_space<hbm>>
      %dma_wait3A_432 = tpu.memref_squeeze %dma_wait3A_431 : memref<1x1x64x128xf32, #tpu.memory_space<hbm>> -> memref<64x128xf32, #tpu.memory_space<hbm>>
      %dma_wait3A_433 = arith.constant 0 : i32
      %dma_wait3A_434 = tpu.memref_slice %arg11[%add3A_75, %dma_wait3A_433] : memref<5120x128xf32, #tpu.memory_space<vmem_shared>> -> memref<64x128xf32, #tpu.memory_space<vmem_shared>>
      tpu.wait_dma2 semaphore(%run_scoped3A_424 : memref<!tpu.dma_semaphore, #tpu.memory_space<semaphore_mem>>) src(%dma_wait3A_434 : memref<64x128xf32, #tpu.memory_space<vmem_shared>>) dst(%dma_wait3A_432 : memref<64x128xf32, #tpu.memory_space<hbm>>)
      tpu.yield
    }) : () -> ()
    %mul3A_81 = arith.constant 320 : i32
    %mul3A_82 = arith.muli %arg1, %mul3A_81 : i32
    %add3A_83 = arith.constant 128 : i32
    %add3A_84 = arith.addi %mul3A_82, %add3A_83 : i32
    %mul3A_85 = arith.constant 320 : i32
    %mul3A_86 = arith.muli %arg1, %mul3A_85 : i32
    %add3A_87 = arith.constant 128 : i32
    %add3A_88 = arith.addi %mul3A_86, %add3A_87 : i32
    %run_scoped3A_89 = arith.constant 0 : i32
    "tpu.region"() ({
      %run_scoped3A_424 = tpu.sem_alloc : memref<!tpu.dma_semaphore, #tpu.memory_space<semaphore_mem>>
      %dma_start3A_425 = arith.constant 0 : i32
      %dma_start3A_426 = tpu.memref_slice %arg5[%run_scoped3A_89, %arg0, %add3A_88, %dma_start3A_425] : memref<4x2x5120x128xf32, #tpu.memory_space<hbm>> -> memref<1x1x64x128xf32, #tpu.memory_space<hbm>>
      %dma_start3A_427 = tpu.memref_squeeze %dma_start3A_426 : memref<1x1x64x128xf32, #tpu.memory_space<hbm>> -> memref<64x128xf32, #tpu.memory_space<hbm>>
      %dma_start3A_428 = arith.constant 0 : i32
      %dma_start3A_429 = tpu.memref_slice %arg11[%add3A_84, %dma_start3A_428] : memref<5120x128xf32, #tpu.memory_space<vmem_shared>> -> memref<64x128xf32, #tpu.memory_space<vmem_shared>>
      tpu.enqueue_dma source(%dma_start3A_429 : memref<64x128xf32, #tpu.memory_space<vmem_shared>>) target(%dma_start3A_427 : memref<64x128xf32, #tpu.memory_space<hbm>>) target_semaphore(%run_scoped3A_424 : memref<!tpu.dma_semaphore, #tpu.memory_space<semaphore_mem>>)
      %dma_wait3A_430 = arith.constant 0 : i32
      %dma_wait3A_431 = tpu.memref_slice %arg5[%run_scoped3A_89, %arg0, %add3A_88, %dma_wait3A_430] : memref<4x2x5120x128xf32, #tpu.memory_space<hbm>> -> memref<1x1x64x128xf32, #tpu.memory_space<hbm>>
      %dma_wait3A_432 = tpu.memref_squeeze %dma_wait3A_431 : memref<1x1x64x128xf32, #tpu.memory_space<hbm>> -> memref<64x128xf32, #tpu.memory_space<hbm>>
      %dma_wait3A_433 = arith.constant 0 : i32
      %dma_wait3A_434 = tpu.memref_slice %arg11[%add3A_84, %dma_wait3A_433] : memref<5120x128xf32, #tpu.memory_space<vmem_shared>> -> memref<64x128xf32, #tpu.memory_space<vmem_shared>>
      tpu.wait_dma2 semaphore(%run_scoped3A_424 : memref<!tpu.dma_semaphore, #tpu.memory_space<semaphore_mem>>) src(%dma_wait3A_434 : memref<64x128xf32, #tpu.memory_space<vmem_shared>>) dst(%dma_wait3A_432 : memref<64x128xf32, #tpu.memory_space<hbm>>)
      tpu.yield
    }) : () -> ()
    %mul3A_90 = arith.constant 320 : i32
    %mul3A_91 = arith.muli %arg1, %mul3A_90 : i32
    %add3A_92 = arith.constant 192 : i32
    %add3A_93 = arith.addi %mul3A_91, %add3A_92 : i32
    %mul3A_94 = arith.constant 320 : i32
    %mul3A_95 = arith.muli %arg1, %mul3A_94 : i32
    %add3A_96 = arith.constant 192 : i32
    %add3A_97 = arith.addi %mul3A_95, %add3A_96 : i32
    %run_scoped3A_98 = arith.constant 0 : i32
    "tpu.region"() ({
      %run_scoped3A_424 = tpu.sem_alloc : memref<!tpu.dma_semaphore, #tpu.memory_space<semaphore_mem>>
      %dma_start3A_425 = arith.constant 0 : i32
      %dma_start3A_426 = tpu.memref_slice %arg5[%run_scoped3A_98, %arg0, %add3A_97, %dma_start3A_425] : memref<4x2x5120x128xf32, #tpu.memory_space<hbm>> -> memref<1x1x64x128xf32, #tpu.memory_space<hbm>>
      %dma_start3A_427 = tpu.memref_squeeze %dma_start3A_426 : memref<1x1x64x128xf32, #tpu.memory_space<hbm>> -> memref<64x128xf32, #tpu.memory_space<hbm>>
      %dma_start3A_428 = arith.constant 0 : i32
      %dma_start3A_429 = tpu.memref_slice %arg11[%add3A_93, %dma_start3A_428] : memref<5120x128xf32, #tpu.memory_space<vmem_shared>> -> memref<64x128xf32, #tpu.memory_space<vmem_shared>>
      tpu.enqueue_dma source(%dma_start3A_429 : memref<64x128xf32, #tpu.memory_space<vmem_shared>>) target(%dma_start3A_427 : memref<64x128xf32, #tpu.memory_space<hbm>>) target_semaphore(%run_scoped3A_424 : memref<!tpu.dma_semaphore, #tpu.memory_space<semaphore_mem>>)
      %dma_wait3A_430 = arith.constant 0 : i32
      %dma_wait3A_431 = tpu.memref_slice %arg5[%run_scoped3A_98, %arg0, %add3A_97, %dma_wait3A_430] : memref<4x2x5120x128xf32, #tpu.memory_space<hbm>> -> memref<1x1x64x128xf32, #tpu.memory_space<hbm>>
      %dma_wait3A_432 = tpu.memref_squeeze %dma_wait3A_431 : memref<1x1x64x128xf32, #tpu.memory_space<hbm>> -> memref<64x128xf32, #tpu.memory_space<hbm>>
      %dma_wait3A_433 = arith.constant 0 : i32
      %dma_wait3A_434 = tpu.memref_slice %arg11[%add3A_93, %dma_wait3A_433] : memref<5120x128xf32, #tpu.memory_space<vmem_shared>> -> memref<64x128xf32, #tpu.memory_space<vmem_shared>>
      tpu.wait_dma2 semaphore(%run_scoped3A_424 : memref<!tpu.dma_semaphore, #tpu.memory_space<semaphore_mem>>) src(%dma_wait3A_434 : memref<64x128xf32, #tpu.memory_space<vmem_shared>>) dst(%dma_wait3A_432 : memref<64x128xf32, #tpu.memory_space<hbm>>)
      tpu.yield
    }) : () -> ()
    %mul3A_99 = arith.constant 320 : i32
    %mul3A_100 = arith.muli %arg1, %mul3A_99 : i32
    %add3A_101 = arith.constant 256 : i32
    %add3A_102 = arith.addi %mul3A_100, %add3A_101 : i32
    %mul3A_103 = arith.constant 320 : i32
    %mul3A_104 = arith.muli %arg1, %mul3A_103 : i32
    %add3A_105 = arith.constant 256 : i32
    %add3A_106 = arith.addi %mul3A_104, %add3A_105 : i32
    %run_scoped3A_107 = arith.constant 0 : i32
    "tpu.region"() ({
      %run_scoped3A_424 = tpu.sem_alloc : memref<!tpu.dma_semaphore, #tpu.memory_space<semaphore_mem>>
      %dma_start3A_425 = arith.constant 0 : i32
      %dma_start3A_426 = tpu.memref_slice %arg5[%run_scoped3A_107, %arg0, %add3A_106, %dma_start3A_425] : memref<4x2x5120x128xf32, #tpu.memory_space<hbm>> -> memref<1x1x64x128xf32, #tpu.memory_space<hbm>>
      %dma_start3A_427 = tpu.memref_squeeze %dma_start3A_426 : memref<1x1x64x128xf32, #tpu.memory_space<hbm>> -> memref<64x128xf32, #tpu.memory_space<hbm>>
      %dma_start3A_428 = arith.constant 0 : i32
      %dma_start3A_429 = tpu.memref_slice %arg11[%add3A_102, %dma_start3A_428] : memref<5120x128xf32, #tpu.memory_space<vmem_shared>> -> memref<64x128xf32, #tpu.memory_space<vmem_shared>>
      tpu.enqueue_dma source(%dma_start3A_429 : memref<64x128xf32, #tpu.memory_space<vmem_shared>>) target(%dma_start3A_427 : memref<64x128xf32, #tpu.memory_space<hbm>>) target_semaphore(%run_scoped3A_424 : memref<!tpu.dma_semaphore, #tpu.memory_space<semaphore_mem>>)
      %dma_wait3A_430 = arith.constant 0 : i32
      %dma_wait3A_431 = tpu.memref_slice %arg5[%run_scoped3A_107, %arg0, %add3A_106, %dma_wait3A_430] : memref<4x2x5120x128xf32, #tpu.memory_space<hbm>> -> memref<1x1x64x128xf32, #tpu.memory_space<hbm>>
      %dma_wait3A_432 = tpu.memref_squeeze %dma_wait3A_431 : memref<1x1x64x128xf32, #tpu.memory_space<hbm>> -> memref<64x128xf32, #tpu.memory_space<hbm>>
      %dma_wait3A_433 = arith.constant 0 : i32
      %dma_wait3A_434 = tpu.memref_slice %arg11[%add3A_102, %dma_wait3A_433] : memref<5120x128xf32, #tpu.memory_space<vmem_shared>> -> memref<64x128xf32, #tpu.memory_space<vmem_shared>>
      tpu.wait_dma2 semaphore(%run_scoped3A_424 : memref<!tpu.dma_semaphore, #tpu.memory_space<semaphore_mem>>) src(%dma_wait3A_434 : memref<64x128xf32, #tpu.memory_space<vmem_shared>>) dst(%dma_wait3A_432 : memref<64x128xf32, #tpu.memory_space<hbm>>)
      tpu.yield
    }) : () -> ()
    %barrier3A_108 = arith.constant 0 : index
    tpu.barrier barrier_id(%barrier3A_108)
    "tpu.region"() ({
      %run_scoped3A_424 = tpu.sem_alloc : memref<!tpu.dma_semaphore, #tpu.memory_space<semaphore_mem>>
      %dma_start3A_425 = arith.constant 0 : i32
      %dma_start3A_426 = arith.constant 0 : i32
      %dma_start3A_427 = tpu.memref_slice %arg3[%arg1, %dma_start3A_425, %dma_start3A_426] : memref<16x79x128xi32, #tpu.memory_space<hbm>> -> memref<1x79x128xi32, #tpu.memory_space<hbm>>
      %dma_start3A_428 = tpu.memref_squeeze %dma_start3A_427 : memref<1x79x128xi32, #tpu.memory_space<hbm>> -> memref<79x128xi32, #tpu.memory_space<hbm>>
      %dma_start3A_429 = arith.constant 0 : i32
      %dma_start3A_430 = arith.constant 0 : i32
      %dma_start3A_431 = tpu.memref_slice %arg3[%arg1, %dma_start3A_429, %dma_start3A_430] : memref<16x79x128xi32, #tpu.memory_space<hbm>> -> memref<1x79x128xi32, #tpu.memory_space<hbm>>
      %dma_start3A_432 = tpu.memref_squeeze %dma_start3A_431 : memref<1x79x128xi32, #tpu.memory_space<hbm>> -> memref<79x128xi32, #tpu.memory_space<hbm>>
      tpu.enqueue_dma source(%dma_start3A_432 : memref<79x128xi32, #tpu.memory_space<hbm>>) target(%arg6 : memref<79x128xi32, #tpu.memory_space<vmem>>) target_semaphore(%run_scoped3A_424 : memref<!tpu.dma_semaphore, #tpu.memory_space<semaphore_mem>>)
      %dma_wait3A_433 = arith.constant 0 : i32
      %dma_wait3A_434 = arith.constant 0 : i32
      %dma_wait3A_435 = tpu.memref_slice %arg3[%arg1, %dma_wait3A_433, %dma_wait3A_434] : memref<16x79x128xi32, #tpu.memory_space<hbm>> -> memref<1x79x128xi32, #tpu.memory_space<hbm>>
      %dma_wait3A_436 = tpu.memref_squeeze %dma_wait3A_435 : memref<1x79x128xi32, #tpu.memory_space<hbm>> -> memref<79x128xi32, #tpu.memory_space<hbm>>
      %dma_wait3A_437 = arith.constant 0 : i32
      %dma_wait3A_438 = arith.constant 0 : i32
      %dma_wait3A_439 = tpu.memref_slice %arg3[%arg1, %dma_wait3A_437, %dma_wait3A_438] : memref<16x79x128xi32, #tpu.memory_space<hbm>> -> memref<1x79x128xi32, #tpu.memory_space<hbm>>
      %dma_wait3A_440 = tpu.memref_squeeze %dma_wait3A_439 : memref<1x79x128xi32, #tpu.memory_space<hbm>> -> memref<79x128xi32, #tpu.memory_space<hbm>>
      tpu.wait_dma2 semaphore(%run_scoped3A_424 : memref<!tpu.dma_semaphore, #tpu.memory_space<semaphore_mem>>) src(%dma_wait3A_440 : memref<79x128xi32, #tpu.memory_space<hbm>>) dst(%arg6 : memref<79x128xi32, #tpu.memory_space<vmem>>)
      tpu.yield
    }) : () -> ()
    %scan3A_109 = arith.constant 10000 : i32
    %scan3A_110 = arith.constant 0 : i32
    %scan3A_111 = arith.constant 0 : i32
    %scan3A_112 = arith.constant 79 : i32
    %scan3A_113 = arith.addi %scan3A_111, %scan3A_112 : i32
    %scan3A_114 = arith.constant 1 : i32
    %scan3A_115 = scf.for %scan3A_424 = %scan3A_111 to %scan3A_113 step %scan3A_114 iter_args(%scan3A_425 = %scan3A_110) -> (i32)  : i32 {
      %get3A = arith.index_cast %scan3A_424 : i32 to index
      %get3A_426 = arith.constant 0 : index
      %get3A_427 = tpu.vector_load %arg6[%get3A, %get3A_426] {strides = array<i32>} : memref<79x128xi32, #tpu.memory_space<vmem>>, vector<1x16xi32>,
      %get3A_428 = vector.shape_cast %get3A_427 : vector<1x16xi32> to vector<16xi32>
      %add3A_429 = vector.broadcast %scan3A_109 : i32 to vector<16xi32>
      %add3A_430 = arith.addi %get3A_428, %add3A_429 : vector<16xi32>
      %swap3A = arith.index_cast %scan3A_424 : i32 to index
      %swap3A_431 = arith.constant 0 : index
      %swap3A_432 = tpu.vector_load %arg6[%swap3A, %swap3A_431] {strides = array<i32>} : memref<79x128xi32, #tpu.memory_space<vmem>>, vector<1x16xi32>,
      %swap3A_433 = vector.shape_cast %swap3A_432 : vector<1x16xi32> to vector<16xi32>
      %swap3A_434 = vector.shape_cast %add3A_430 : vector<16xi32> to vector<1x16xi32>
      tpu.vector_store %arg6[%swap3A, %swap3A_431], %swap3A_434 {strides = array<i32>} : memref<79x128xi32, #tpu.memory_space<vmem>>, vector<1x16xi32>,
      %get3A_435 = arith.index_cast %scan3A_424 : i32 to index
      %get3A_436 = arith.constant 16 : index
      %get3A_437 = tpu.vector_load %arg6[%get3A_435, %get3A_436] {strides = array<i32>} : memref<79x128xi32, #tpu.memory_space<vmem>>, vector<1x16xi32>,
      %get3A_438 = vector.shape_cast %get3A_437 : vector<1x16xi32> to vector<16xi32>
      %add3A_439 = vector.broadcast %scan3A_109 : i32 to vector<16xi32>
      %add3A_440 = arith.addi %get3A_438, %add3A_439 : vector<16xi32>
      %swap3A_441 = arith.index_cast %scan3A_424 : i32 to index
      %swap3A_442 = arith.constant 16 : index
      %swap3A_443 = tpu.vector_load %arg6[%swap3A_441, %swap3A_442] {strides = array<i32>} : memref<79x128xi32, #tpu.memory_space<vmem>>, vector<1x16xi32>,
      %swap3A_444 = vector.shape_cast %swap3A_443 : vector<1x16xi32> to vector<16xi32>
      %swap3A_445 = vector.shape_cast %add3A_440 : vector<16xi32> to vector<1x16xi32>
      tpu.vector_store %arg6[%swap3A_441, %swap3A_442], %swap3A_445 {strides = array<i32>} : memref<79x128xi32, #tpu.memory_space<vmem>>, vector<1x16xi32>,
      %get3A_446 = arith.index_cast %scan3A_424 : i32 to index
      %get3A_447 = arith.constant 32 : index
      %get3A_448 = tpu.vector_load %arg6[%get3A_446, %get3A_447] {strides = array<i32>} : memref<79x128xi32, #tpu.memory_space<vmem>>, vector<1x16xi32>,
      %get3A_449 = vector.shape_cast %get3A_448 : vector<1x16xi32> to vector<16xi32>
      %add3A_450 = vector.broadcast %scan3A_109 : i32 to vector<16xi32>
      %add3A_451 = arith.addi %get3A_449, %add3A_450 : vector<16xi32>
      %swap3A_452 = arith.index_cast %scan3A_424 : i32 to index
      %swap3A_453 = arith.constant 32 : index
      %swap3A_454 = tpu.vector_load %arg6[%swap3A_452, %swap3A_453] {strides = array<i32>} : memref<79x128xi32, #tpu.memory_space<vmem>>, vector<1x16xi32>,
      %swap3A_455 = vector.shape_cast %swap3A_454 : vector<1x16xi32> to vector<16xi32>
      %swap3A_456 = vector.shape_cast %add3A_451 : vector<16xi32> to vector<1x16xi32>
      tpu.vector_store %arg6[%swap3A_452, %swap3A_453], %swap3A_456 {strides = array<i32>} : memref<79x128xi32, #tpu.memory_space<vmem>>, vector<1x16xi32>,
      %get3A_457 = arith.index_cast %scan3A_424 : i32 to index
      %get3A_458 = arith.constant 48 : index
      %get3A_459 = tpu.vector_load %arg6[%get3A_457, %get3A_458] {strides = array<i32>} : memref<79x128xi32, #tpu.memory_space<vmem>>, vector<1x16xi32>,
      %get3A_460 = vector.shape_cast %get3A_459 : vector<1x16xi32> to vector<16xi32>
      %add3A_461 = vector.broadcast %scan3A_109 : i32 to vector<16xi32>
      %add3A_462 = arith.addi %get3A_460, %add3A_461 : vector<16xi32>
      %swap3A_463 = arith.index_cast %scan3A_424 : i32 to index
      %swap3A_464 = arith.constant 48 : index
      %swap3A_465 = tpu.vector_load %arg6[%swap3A_463, %swap3A_464] {strides = array<i32>} : memref<79x128xi32, #tpu.memory_space<vmem>>, vector<1x16xi32>,
      %swap3A_466 = vector.shape_cast %swap3A_465 : vector<1x16xi32> to vector<16xi32>
      %swap3A_467 = vector.shape_cast %add3A_462 : vector<16xi32> to vector<1x16xi32>
      tpu.vector_store %arg6[%swap3A_463, %swap3A_464], %swap3A_467 {strides = array<i32>} : memref<79x128xi32, #tpu.memory_space<vmem>>, vector<1x16xi32>,
      %get3A_468 = arith.index_cast %scan3A_424 : i32 to index
      %get3A_469 = arith.constant 64 : index
      %get3A_470 = tpu.vector_load %arg6[%get3A_468, %get3A_469] {strides = array<i32>} : memref<79x128xi32, #tpu.memory_space<vmem>>, vector<1x16xi32>,
      %get3A_471 = vector.shape_cast %get3A_470 : vector<1x16xi32> to vector<16xi32>
      %add3A_472 = vector.broadcast %scan3A_109 : i32 to vector<16xi32>
      %add3A_473 = arith.addi %get3A_471, %add3A_472 : vector<16xi32>
      %swap3A_474 = arith.index_cast %scan3A_424 : i32 to index
      %swap3A_475 = arith.constant 64 : index
      %swap3A_476 = tpu.vector_load %arg6[%swap3A_474, %swap3A_475] {strides = array<i32>} : memref<79x128xi32, #tpu.memory_space<vmem>>, vector<1x16xi32>,
      %swap3A_477 = vector.shape_cast %swap3A_476 : vector<1x16xi32> to vector<16xi32>
      %swap3A_478 = vector.shape_cast %add3A_473 : vector<16xi32> to vector<1x16xi32>
      tpu.vector_store %arg6[%swap3A_474, %swap3A_475], %swap3A_478 {strides = array<i32>} : memref<79x128xi32, #tpu.memory_space<vmem>>, vector<1x16xi32>,
      %get3A_479 = arith.index_cast %scan3A_424 : i32 to index
      %get3A_480 = arith.constant 80 : index
      %get3A_481 = tpu.vector_load %arg6[%get3A_479, %get3A_480] {strides = array<i32>} : memref<79x128xi32, #tpu.memory_space<vmem>>, vector<1x16xi32>,
      %get3A_482 = vector.shape_cast %get3A_481 : vector<1x16xi32> to vector<16xi32>
      %add3A_483 = vector.broadcast %scan3A_109 : i32 to vector<16xi32>
      %add3A_484 = arith.addi %get3A_482, %add3A_483 : vector<16xi32>
      %swap3A_485 = arith.index_cast %scan3A_424 : i32 to index
      %swap3A_486 = arith.constant 80 : index
      %swap3A_487 = tpu.vector_load %arg6[%swap3A_485, %swap3A_486] {strides = array<i32>} : memref<79x128xi32, #tpu.memory_space<vmem>>, vector<1x16xi32>,
      %swap3A_488 = vector.shape_cast %swap3A_487 : vector<1x16xi32> to vector<16xi32>
      %swap3A_489 = vector.shape_cast %add3A_484 : vector<16xi32> to vector<1x16xi32>
      tpu.vector_store %arg6[%swap3A_485, %swap3A_486], %swap3A_489 {strides = array<i32>} : memref<79x128xi32, #tpu.memory_space<vmem>>, vector<1x16xi32>,
      %get3A_490 = arith.index_cast %scan3A_424 : i32 to index
      %get3A_491 = arith.constant 96 : index
      %get3A_492 = tpu.vector_load %arg6[%get3A_490, %get3A_491] {strides = array<i32>} : memref<79x128xi32, #tpu.memory_space<vmem>>, vector<1x16xi32>,
      %get3A_493 = vector.shape_cast %get3A_492 : vector<1x16xi32> to vector<16xi32>
      %add3A_494 = vector.broadcast %scan3A_109 : i32 to vector<16xi32>
      %add3A_495 = arith.addi %get3A_493, %add3A_494 : vector<16xi32>
      %swap3A_496 = arith.index_cast %scan3A_424 : i32 to index
      %swap3A_497 = arith.constant 96 : index
      %swap3A_498 = tpu.vector_load %arg6[%swap3A_496, %swap3A_497] {strides = array<i32>} : memref<79x128xi32, #tpu.memory_space<vmem>>, vector<1x16xi32>,
      %swap3A_499 = vector.shape_cast %swap3A_498 : vector<1x16xi32> to vector<16xi32>
      %swap3A_500 = vector.shape_cast %add3A_495 : vector<16xi32> to vector<1x16xi32>
      tpu.vector_store %arg6[%swap3A_496, %swap3A_497], %swap3A_500 {strides = array<i32>} : memref<79x128xi32, #tpu.memory_space<vmem>>, vector<1x16xi32>,
      %get3A_501 = arith.index_cast %scan3A_424 : i32 to index
      %get3A_502 = arith.constant 112 : index
      %get3A_503 = tpu.vector_load %arg6[%get3A_501, %get3A_502] {strides = array<i32>} : memref<79x128xi32, #tpu.memory_space<vmem>>, vector<1x16xi32>,
      %get3A_504 = vector.shape_cast %get3A_503 : vector<1x16xi32> to vector<16xi32>
      %add3A_505 = vector.broadcast %scan3A_109 : i32 to vector<16xi32>
      %add3A_506 = arith.addi %get3A_504, %add3A_505 : vector<16xi32>
      %swap3A_507 = arith.index_cast %scan3A_424 : i32 to index
      %swap3A_508 = arith.constant 112 : index
      %swap3A_509 = tpu.vector_load %arg6[%swap3A_507, %swap3A_508] {strides = array<i32>} : memref<79x128xi32, #tpu.memory_space<vmem>>, vector<1x16xi32>,
      %swap3A_510 = vector.shape_cast %swap3A_509 : vector<1x16xi32> to vector<16xi32>
      %swap3A_511 = vector.shape_cast %add3A_506 : vector<16xi32> to vector<1x16xi32>
      tpu.vector_store %arg6[%swap3A_507, %swap3A_508], %swap3A_511 {strides = array<i32>} : memref<79x128xi32, #tpu.memory_space<vmem>>, vector<1x16xi32>,
      %scan3A_512 = arith.constant 0 : i32
      scf.yield %scan3A_512 : i32
    }
    %scan3A_116 = arith.constant 79 : i32
    %mul3A_117 = arith.constant 320 : i32
    %mul3A_118 = arith.muli %arg1, %mul3A_117 : i32
    %add3A_119 = arith.constant 0 : i32
    %add3A_120 = arith.addi %mul3A_118, %add3A_119 : i32
    "tpu.region"() ({
      %run_scoped3A_424 = tpu.sem_alloc : memref<!tpu.dma_semaphore, #tpu.memory_space<semaphore_mem>>
      %dma_start3A_425 = arith.constant 0 : i32
      %dma_start3A_426 = tpu.memref_slice %arg11[%add3A_120, %dma_start3A_425] : memref<5120x128xf32, #tpu.memory_space<vmem_shared>> -> memref<64x128xf32, #tpu.memory_space<vmem_shared>>
      %dma_start3A_427 = arith.constant 0 : i32
      %dma_start3A_428 = tpu.memref_slice %arg11[%add3A_120, %dma_start3A_427] : memref<5120x128xf32, #tpu.memory_space<vmem_shared>> -> memref<64x128xf32, #tpu.memory_space<vmem_shared>>
      tpu.enqueue_dma source(%arg10 : memref<64x128xf32, #tpu.memory_space<vmem>>) target(%dma_start3A_428 : memref<64x128xf32, #tpu.memory_space<vmem_shared>>) target_semaphore(%run_scoped3A_424 : memref<!tpu.dma_semaphore, #tpu.memory_space<semaphore_mem>>)
      %dma_wait3A_429 = arith.constant 0 : i32
      %dma_wait3A_430 = tpu.memref_slice %arg11[%add3A_120, %dma_wait3A_429] : memref<5120x128xf32, #tpu.memory_space<vmem_shared>> -> memref<64x128xf32, #tpu.memory_space<vmem_shared>>
      %dma_wait3A_431 = arith.constant 0 : i32
      %dma_wait3A_432 = tpu.memref_slice %arg11[%add3A_120, %dma_wait3A_431] : memref<5120x128xf32, #tpu.memory_space<vmem_shared>> -> memref<64x128xf32, #tpu.memory_space<vmem_shared>>
      tpu.wait_dma2 semaphore(%run_scoped3A_424 : memref<!tpu.dma_semaphore, #tpu.memory_space<semaphore_mem>>) src(%arg10 : memref<64x128xf32, #tpu.memory_space<vmem>>) dst(%dma_wait3A_432 : memref<64x128xf32, #tpu.memory_space<vmem_shared>>)
      tpu.yield
    }) : () -> ()
    %mul3A_121 = arith.constant 320 : i32
    %mul3A_122 = arith.muli %arg1, %mul3A_121 : i32
    %add3A_123 = arith.constant 64 : i32
    %add3A_124 = arith.addi %mul3A_122, %add3A_123 : i32
    "tpu.region"() ({
      %run_scoped3A_424 = tpu.sem_alloc : memref<!tpu.dma_semaphore, #tpu.memory_space<semaphore_mem>>
      %dma_start3A_425 = arith.constant 0 : i32
      %dma_start3A_426 = tpu.memref_slice %arg11[%add3A_124, %dma_start3A_425] : memref<5120x128xf32, #tpu.memory_space<vmem_shared>> -> memref<64x128xf32, #tpu.memory_space<vmem_shared>>
      %dma_start3A_427 = arith.constant 0 : i32
      %dma_start3A_428 = tpu.memref_slice %arg11[%add3A_124, %dma_start3A_427] : memref<5120x128xf32, #tpu.memory_space<vmem_shared>> -> memref<64x128xf32, #tpu.memory_space<vmem_shared>>
      tpu.enqueue_dma source(%arg10 : memref<64x128xf32, #tpu.memory_space<vmem>>) target(%dma_start3A_428 : memref<64x128xf32, #tpu.memory_space<vmem_shared>>) target_semaphore(%run_scoped3A_424 : memref<!tpu.dma_semaphore, #tpu.memory_space<semaphore_mem>>)
      %dma_wait3A_429 = arith.constant 0 : i32
      %dma_wait3A_430 = tpu.memref_slice %arg11[%add3A_124, %dma_wait3A_429] : memref<5120x128xf32, #tpu.memory_space<vmem_shared>> -> memref<64x128xf32, #tpu.memory_space<vmem_shared>>
      %dma_wait3A_431 = arith.constant 0 : i32
      %dma_wait3A_432 = tpu.memref_slice %arg11[%add3A_124, %dma_wait3A_431] : memref<5120x128xf32, #tpu.memory_space<vmem_shared>> -> memref<64x128xf32, #tpu.memory_space<vmem_shared>>
      tpu.wait_dma2 semaphore(%run_scoped3A_424 : memref<!tpu.dma_semaphore, #tpu.memory_space<semaphore_mem>>) src(%arg10 : memref<64x128xf32, #tpu.memory_space<vmem>>) dst(%dma_wait3A_432 : memref<64x128xf32, #tpu.memory_space<vmem_shared>>)
      tpu.yield
    }) : () -> ()
    %mul3A_125 = arith.constant 320 : i32
    %mul3A_126 = arith.muli %arg1, %mul3A_125 : i32
    %add3A_127 = arith.constant 128 : i32
    %add3A_128 = arith.addi %mul3A_126, %add3A_127 : i32
    "tpu.region"() ({
      %run_scoped3A_424 = tpu.sem_alloc : memref<!tpu.dma_semaphore, #tpu.memory_space<semaphore_mem>>
      %dma_start3A_425 = arith.constant 0 : i32
      %dma_start3A_426 = tpu.memref_slice %arg11[%add3A_128, %dma_start3A_425] : memref<5120x128xf32, #tpu.memory_space<vmem_shared>> -> memref<64x128xf32, #tpu.memory_space<vmem_shared>>
      %dma_start3A_427 = arith.constant 0 : i32
      %dma_start3A_428 = tpu.memref_slice %arg11[%add3A_128, %dma_start3A_427] : memref<5120x128xf32, #tpu.memory_space<vmem_shared>> -> memref<64x128xf32, #tpu.memory_space<vmem_shared>>
      tpu.enqueue_dma source(%arg10 : memref<64x128xf32, #tpu.memory_space<vmem>>) target(%dma_start3A_428 : memref<64x128xf32, #tpu.memory_space<vmem_shared>>) target_semaphore(%run_scoped3A_424 : memref<!tpu.dma_semaphore, #tpu.memory_space<semaphore_mem>>)
      %dma_wait3A_429 = arith.constant 0 : i32
      %dma_wait3A_430 = tpu.memref_slice %arg11[%add3A_128, %dma_wait3A_429] : memref<5120x128xf32, #tpu.memory_space<vmem_shared>> -> memref<64x128xf32, #tpu.memory_space<vmem_shared>>
      %dma_wait3A_431 = arith.constant 0 : i32
      %dma_wait3A_432 = tpu.memref_slice %arg11[%add3A_128, %dma_wait3A_431] : memref<5120x128xf32, #tpu.memory_space<vmem_shared>> -> memref<64x128xf32, #tpu.memory_space<vmem_shared>>
      tpu.wait_dma2 semaphore(%run_scoped3A_424 : memref<!tpu.dma_semaphore, #tpu.memory_space<semaphore_mem>>) src(%arg10 : memref<64x128xf32, #tpu.memory_space<vmem>>) dst(%dma_wait3A_432 : memref<64x128xf32, #tpu.memory_space<vmem_shared>>)
      tpu.yield
    }) : () -> ()
    %mul3A_129 = arith.constant 320 : i32
    %mul3A_130 = arith.muli %arg1, %mul3A_129 : i32
    %add3A_131 = arith.constant 192 : i32
    %add3A_132 = arith.addi %mul3A_130, %add3A_131 : i32
    "tpu.region"() ({
      %run_scoped3A_424 = tpu.sem_alloc : memref<!tpu.dma_semaphore, #tpu.memory_space<semaphore_mem>>
      %dma_start3A_425 = arith.constant 0 : i32
      %dma_start3A_426 = tpu.memref_slice %arg11[%add3A_132, %dma_start3A_425] : memref<5120x128xf32, #tpu.memory_space<vmem_shared>> -> memref<64x128xf32, #tpu.memory_space<vmem_shared>>
      %dma_start3A_427 = arith.constant 0 : i32
      %dma_start3A_428 = tpu.memref_slice %arg11[%add3A_132, %dma_start3A_427] : memref<5120x128xf32, #tpu.memory_space<vmem_shared>> -> memref<64x128xf32, #tpu.memory_space<vmem_shared>>
      tpu.enqueue_dma source(%arg10 : memref<64x128xf32, #tpu.memory_space<vmem>>) target(%dma_start3A_428 : memref<64x128xf32, #tpu.memory_space<vmem_shared>>) target_semaphore(%run_scoped3A_424 : memref<!tpu.dma_semaphore, #tpu.memory_space<semaphore_mem>>)
      %dma_wait3A_429 = arith.constant 0 : i32
      %dma_wait3A_430 = tpu.memref_slice %arg11[%add3A_132, %dma_wait3A_429] : memref<5120x128xf32, #tpu.memory_space<vmem_shared>> -> memref<64x128xf32, #tpu.memory_space<vmem_shared>>
      %dma_wait3A_431 = arith.constant 0 : i32
      %dma_wait3A_432 = tpu.memref_slice %arg11[%add3A_132, %dma_wait3A_431] : memref<5120x128xf32, #tpu.memory_space<vmem_shared>> -> memref<64x128xf32, #tpu.memory_space<vmem_shared>>
      tpu.wait_dma2 semaphore(%run_scoped3A_424 : memref<!tpu.dma_semaphore, #tpu.memory_space<semaphore_mem>>) src(%arg10 : memref<64x128xf32, #tpu.memory_space<vmem>>) dst(%dma_wait3A_432 : memref<64x128xf32, #tpu.memory_space<vmem_shared>>)
      tpu.yield
    }) : () -> ()
    %mul3A_133 = arith.constant 320 : i32
    %mul3A_134 = arith.muli %arg1, %mul3A_133 : i32
    %add3A_135 = arith.constant 256 : i32
    %add3A_136 = arith.addi %mul3A_134, %add3A_135 : i32
    "tpu.region"() ({
      %run_scoped3A_424 = tpu.sem_alloc : memref<!tpu.dma_semaphore, #tpu.memory_space<semaphore_mem>>
      %dma_start3A_425 = arith.constant 0 : i32
      %dma_start3A_426 = tpu.memref_slice %arg11[%add3A_136, %dma_start3A_425] : memref<5120x128xf32, #tpu.memory_space<vmem_shared>> -> memref<64x128xf32, #tpu.memory_space<vmem_shared>>
      %dma_start3A_427 = arith.constant 0 : i32
      %dma_start3A_428 = tpu.memref_slice %arg11[%add3A_136, %dma_start3A_427] : memref<5120x128xf32, #tpu.memory_space<vmem_shared>> -> memref<64x128xf32, #tpu.memory_space<vmem_shared>>
      tpu.enqueue_dma source(%arg10 : memref<64x128xf32, #tpu.memory_space<vmem>>) target(%dma_start3A_428 : memref<64x128xf32, #tpu.memory_space<vmem_shared>>) target_semaphore(%run_scoped3A_424 : memref<!tpu.dma_semaphore, #tpu.memory_space<semaphore_mem>>)
      %dma_wait3A_429 = arith.constant 0 : i32
      %dma_wait3A_430 = tpu.memref_slice %arg11[%add3A_136, %dma_wait3A_429] : memref<5120x128xf32, #tpu.memory_space<vmem_shared>> -> memref<64x128xf32, #tpu.memory_space<vmem_shared>>
      %dma_wait3A_431 = arith.constant 0 : i32
      %dma_wait3A_432 = tpu.memref_slice %arg11[%add3A_136, %dma_wait3A_431] : memref<5120x128xf32, #tpu.memory_space<vmem_shared>> -> memref<64x128xf32, #tpu.memory_space<vmem_shared>>
      tpu.wait_dma2 semaphore(%run_scoped3A_424 : memref<!tpu.dma_semaphore, #tpu.memory_space<semaphore_mem>>) src(%arg10 : memref<64x128xf32, #tpu.memory_space<vmem>>) dst(%dma_wait3A_432 : memref<64x128xf32, #tpu.memory_space<vmem_shared>>)
      tpu.yield
    }) : () -> ()
    %barrier3A_137 = arith.constant 0 : index
    tpu.barrier barrier_id(%barrier3A_137)
    %dma_start3A_138 = arith.constant 0 : i32
    %dma_start3A_139 = arith.constant 0 : i32
    %dma_start3A_140 = tpu.memref_slice %arg6[%dma_start3A_138, %dma_start3A_139] : memref<79x128xi32, #tpu.memory_space<vmem>> -> memref<1x128xi32, #tpu.memory_space<vmem>>
    %dma_start3A_141 = tpu.memref_squeeze %dma_start3A_140 : memref<1x128xi32, #tpu.memory_space<vmem>> -> memref<128xi32, #tpu.memory_space<vmem>>
    %dma_start3A_142 = arith.constant 0 : i32
    %dma_start3A_143 = arith.constant 0 : i32
    %dma_start3A_144 = tpu.memref_slice %arg2[%dma_start3A_142, %dma_start3A_143] : memref<40000x128xf32, #tpu.memory_space<hbm>> -> memref<40000x128xf32, #tpu.memory_space<hbm>>
    tpu.enqueue_indirect_dma source(%dma_start3A_144 : memref<40000x128xf32, #tpu.memory_space<hbm>>) target(%arg8 : memref<128x128xf32, #tpu.memory_space<vmem>>) offsets(%dma_start3A_141 : memref<128xi32, #tpu.memory_space<vmem>>) semaphore(%arg12 : memref<!tpu.dma_semaphore, #tpu.memory_space<semaphore_mem>>)
    %scan3A_145 = arith.constant 0 : i32
    %scan3A_146 = arith.constant 0 : i32
    %scan3A_147 = arith.constant 39 : i32
    %scan3A_148 = arith.addi %scan3A_146, %scan3A_147 : i32
    %scan3A_149 = arith.constant 1 : i32
    %scan3A_150 = scf.for %scan3A_424 = %scan3A_146 to %scan3A_148 step %scan3A_149 iter_args(%scan3A_425 = %scan3A_145) -> (i32)  : i32 {
      %mul3A_426 = arith.constant 2 : i32
      %mul3A_427 = arith.muli %mul3A_426, %scan3A_424 : i32
      %dma_wait3A_428 = arith.constant 0 : i32
      %dma_wait3A_429 = tpu.memref_slice %arg6[%mul3A_427, %dma_wait3A_428] : memref<79x128xi32, #tpu.memory_space<vmem>> -> memref<1x128xi32, #tpu.memory_space<vmem>>
      %dma_wait3A_430 = tpu.memref_squeeze %dma_wait3A_429 : memref<1x128xi32, #tpu.memory_space<vmem>> -> memref<128xi32, #tpu.memory_space<vmem>>
      %dma_wait3A_431 = arith.constant 0 : i32
      %dma_wait3A_432 = arith.constant 0 : i32
      %dma_wait3A_433 = tpu.memref_slice %arg2[%dma_wait3A_431, %dma_wait3A_432] : memref<40000x128xf32, #tpu.memory_space<hbm>> -> memref<40000x128xf32, #tpu.memory_space<hbm>>
      tpu.wait_indirect_dma semaphore(%arg12 : memref<!tpu.dma_semaphore, #tpu.memory_space<semaphore_mem>>) src(%dma_wait3A_433 : memref<40000x128xf32, #tpu.memory_space<hbm>>) dst(%arg8 : memref<128x128xf32, #tpu.memory_space<vmem>>)
      %dma_start3A_434 = arith.constant 0 : i32
      %dma_start3A_435 = tpu.memref_slice %arg7[%mul3A_427, %dma_start3A_434] : memref<79x128xi32, #tpu.memory_space<vmem>> -> memref<1x128xi32, #tpu.memory_space<vmem>>
      %dma_start3A_436 = tpu.memref_squeeze %dma_start3A_435 : memref<1x128xi32, #tpu.memory_space<vmem>> -> memref<128xi32, #tpu.memory_space<vmem>>
      %dma_start3A_437 = arith.constant 0 : i32
      %dma_start3A_438 = arith.constant 0 : i32
      %dma_start3A_439 = tpu.memref_slice %arg11[%dma_start3A_437, %dma_start3A_438] : memref<5120x128xf32, #tpu.memory_space<vmem_shared>> -> memref<5120x128xf32, #tpu.memory_space<vmem_shared>>
      tpu.enqueue_indirect_dma source(%arg8 : memref<128x128xf32, #tpu.memory_space<vmem>>) target(%dma_start3A_439 : memref<5120x128xf32, #tpu.memory_space<vmem_shared>>) offsets(%dma_start3A_436 : memref<128xi32, #tpu.memory_space<vmem>>) semaphore(%arg13 : memref<!tpu.dma_semaphore, #tpu.memory_space<semaphore_mem>>) {add = true}
      %gt3A = arith.constant 0 : i32
      %gt3A_440 = arith.cmpi sgt, %scan3A_424, %gt3A : i32
      %convert_element_type3A = arith.extui %gt3A_440 : i1 to i32
      %cond3A = arith.constant 0 : i32
      %cond3A_441 = arith.cmpi ne, %convert_element_type3A, %cond3A : i32
      scf.if %cond3A_441 {
        %sub3A = arith.constant 1 : i32
        %sub3A_479 = arith.subi %mul3A_427, %sub3A : i32
        %dma_wait3A_480 = arith.constant 0 : i32
        %dma_wait3A_481 = tpu.memref_slice %arg7[%sub3A_479, %dma_wait3A_480] : memref<79x128xi32, #tpu.memory_space<vmem>> -> memref<1x128xi32, #tpu.memory_space<vmem>>
        %dma_wait3A_482 = tpu.memref_squeeze %dma_wait3A_481 : memref<1x128xi32, #tpu.memory_space<vmem>> -> memref<128xi32, #tpu.memory_space<vmem>>
        %dma_wait3A_483 = arith.constant 0 : i32
        %dma_wait3A_484 = arith.constant 0 : i32
        %dma_wait3A_485 = tpu.memref_slice %arg11[%dma_wait3A_483, %dma_wait3A_484] : memref<5120x128xf32, #tpu.memory_space<vmem_shared>> -> memref<5120x128xf32, #tpu.memory_space<vmem_shared>>
        tpu.wait_indirect_dma semaphore(%arg14 : memref<!tpu.dma_semaphore, #tpu.memory_space<semaphore_mem>>) src(%arg9 : memref<128x128xf32, #tpu.memory_space<vmem>>) dst(%dma_wait3A_485 : memref<5120x128xf32, #tpu.memory_space<vmem_shared>>)
      } else {
      }
      %add3A_442 = arith.constant 1 : i32
      %add3A_443 = arith.addi %mul3A_427, %add3A_442 : i32
      %dma_start3A_444 = arith.constant 0 : i32
      %dma_start3A_445 = tpu.memref_slice %arg6[%add3A_443, %dma_start3A_444] : memref<79x128xi32, #tpu.memory_space<vmem>> -> memref<1x128xi32, #tpu.memory_space<vmem>>
      %dma_start3A_446 = tpu.memref_squeeze %dma_start3A_445 : memref<1x128xi32, #tpu.memory_space<vmem>> -> memref<128xi32, #tpu.memory_space<vmem>>
      %dma_start3A_447 = arith.constant 0 : i32
      %dma_start3A_448 = arith.constant 0 : i32
      %dma_start3A_449 = tpu.memref_slice %arg2[%dma_start3A_447, %dma_start3A_448] : memref<40000x128xf32, #tpu.memory_space<hbm>> -> memref<40000x128xf32, #tpu.memory_space<hbm>>
      tpu.enqueue_indirect_dma source(%dma_start3A_449 : memref<40000x128xf32, #tpu.memory_space<hbm>>) target(%arg9 : memref<128x128xf32, #tpu.memory_space<vmem>>) offsets(%dma_start3A_446 : memref<128xi32, #tpu.memory_space<vmem>>) semaphore(%arg12 : memref<!tpu.dma_semaphore, #tpu.memory_space<semaphore_mem>>)
      %add3A_450 = arith.constant 1 : i32
      %add3A_451 = arith.addi %mul3A_427, %add3A_450 : i32
      %dma_wait3A_452 = arith.constant 0 : i32
      %dma_wait3A_453 = tpu.memref_slice %arg6[%add3A_451, %dma_wait3A_452] : memref<79x128xi32, #tpu.memory_space<vmem>> -> memref<1x128xi32, #tpu.memory_space<vmem>>
      %dma_wait3A_454 = tpu.memref_squeeze %dma_wait3A_453 : memref<1x128xi32, #tpu.memory_space<vmem>> -> memref<128xi32, #tpu.memory_space<vmem>>
      %dma_wait3A_455 = arith.constant 0 : i32
      %dma_wait3A_456 = arith.constant 0 : i32
      %dma_wait3A_457 = tpu.memref_slice %arg2[%dma_wait3A_455, %dma_wait3A_456] : memref<40000x128xf32, #tpu.memory_space<hbm>> -> memref<40000x128xf32, #tpu.memory_space<hbm>>
      tpu.wait_indirect_dma semaphore(%arg12 : memref<!tpu.dma_semaphore, #tpu.memory_space<semaphore_mem>>) src(%dma_wait3A_457 : memref<40000x128xf32, #tpu.memory_space<hbm>>) dst(%arg9 : memref<128x128xf32, #tpu.memory_space<vmem>>)
      %add3A_458 = arith.constant 1 : i32
      %add3A_459 = arith.addi %mul3A_427, %add3A_458 : i32
      %dma_start3A_460 = arith.constant 0 : i32
      %dma_start3A_461 = tpu.memref_slice %arg7[%add3A_459, %dma_start3A_460] : memref<79x128xi32, #tpu.memory_space<vmem>> -> memref<1x128xi32, #tpu.memory_space<vmem>>
      %dma_start3A_462 = tpu.memref_squeeze %dma_start3A_461 : memref<1x128xi32, #tpu.memory_space<vmem>> -> memref<128xi32, #tpu.memory_space<vmem>>
      %dma_start3A_463 = arith.constant 0 : i32
      %dma_start3A_464 = arith.constant 0 : i32
      %dma_start3A_465 = tpu.memref_slice %arg11[%dma_start3A_463, %dma_start3A_464] : memref<5120x128xf32, #tpu.memory_space<vmem_shared>> -> memref<5120x128xf32, #tpu.memory_space<vmem_shared>>
      tpu.enqueue_indirect_dma source(%arg9 : memref<128x128xf32, #tpu.memory_space<vmem>>) target(%dma_start3A_465 : memref<5120x128xf32, #tpu.memory_space<vmem_shared>>) offsets(%dma_start3A_462 : memref<128xi32, #tpu.memory_space<vmem>>) semaphore(%arg14 : memref<!tpu.dma_semaphore, #tpu.memory_space<semaphore_mem>>) {add = true}
      %dma_wait3A_466 = arith.constant 0 : i32
      %dma_wait3A_467 = tpu.memref_slice %arg7[%mul3A_427, %dma_wait3A_466] : memref<79x128xi32, #tpu.memory_space<vmem>> -> memref<1x128xi32, #tpu.memory_space<vmem>>
      %dma_wait3A_468 = tpu.memref_squeeze %dma_wait3A_467 : memref<1x128xi32, #tpu.memory_space<vmem>> -> memref<128xi32, #tpu.memory_space<vmem>>
      %dma_wait3A_469 = arith.constant 0 : i32
      %dma_wait3A_470 = arith.constant 0 : i32
      %dma_wait3A_471 = tpu.memref_slice %arg11[%dma_wait3A_469, %dma_wait3A_470] : memref<5120x128xf32, #tpu.memory_space<vmem_shared>> -> memref<5120x128xf32, #tpu.memory_space<vmem_shared>>
      tpu.wait_indirect_dma semaphore(%arg13 : memref<!tpu.dma_semaphore, #tpu.memory_space<semaphore_mem>>) src(%arg8 : memref<128x128xf32, #tpu.memory_space<vmem>>) dst(%dma_wait3A_471 : memref<5120x128xf32, #tpu.memory_space<vmem_shared>>)
      %add3A_472 = arith.constant 2 : i32
      %add3A_473 = arith.addi %mul3A_427, %add3A_472 : i32
      %lt3A = arith.constant 79 : i32
      %lt3A_474 = arith.cmpi slt, %add3A_473, %lt3A : i32
      %convert_element_type3A_475 = arith.extui %lt3A_474 : i1 to i32
      %cond3A_476 = arith.constant 0 : i32
      %cond3A_477 = arith.cmpi ne, %convert_element_type3A_475, %cond3A_476 : i32
      scf.if %cond3A_477 {
        %add3A_479 = arith.constant 2 : i32
        %add3A_480 = arith.addi %mul3A_427, %add3A_479 : i32
        %dma_start3A_481 = arith.constant 0 : i32
        %dma_start3A_482 = tpu.memref_slice %arg6[%add3A_480, %dma_start3A_481] : memref<79x128xi32, #tpu.memory_space<vmem>> -> memref<1x128xi32, #tpu.memory_space<vmem>>
        %dma_start3A_483 = tpu.memref_squeeze %dma_start3A_482 : memref<1x128xi32, #tpu.memory_space<vmem>> -> memref<128xi32, #tpu.memory_space<vmem>>
        %dma_start3A_484 = arith.constant 0 : i32
        %dma_start3A_485 = arith.constant 0 : i32
        %dma_start3A_486 = tpu.memref_slice %arg2[%dma_start3A_484, %dma_start3A_485] : memref<40000x128xf32, #tpu.memory_space<hbm>> -> memref<40000x128xf32, #tpu.memory_space<hbm>>
        tpu.enqueue_indirect_dma source(%dma_start3A_486 : memref<40000x128xf32, #tpu.memory_space<hbm>>) target(%arg8 : memref<128x128xf32, #tpu.memory_space<vmem>>) offsets(%dma_start3A_483 : memref<128xi32, #tpu.memory_space<vmem>>) semaphore(%arg12 : memref<!tpu.dma_semaphore, #tpu.memory_space<semaphore_mem>>)
      } else {
      }
      %scan3A_478 = arith.constant 0 : i32
      scf.yield %scan3A_478 : i32
    }
    %scan3A_151 = arith.constant 39 : i32
    %dma_wait3A_152 = arith.constant 78 : i32
    %dma_wait3A_153 = arith.constant 0 : i32
    %dma_wait3A_154 = tpu.memref_slice %arg6[%dma_wait3A_152, %dma_wait3A_153] : memref<79x128xi32, #tpu.memory_space<vmem>> -> memref<1x128xi32, #tpu.memory_space<vmem>>
    %dma_wait3A_155 = tpu.memref_squeeze %dma_wait3A_154 : memref<1x128xi32, #tpu.memory_space<vmem>> -> memref<128xi32, #tpu.memory_space<vmem>>
    %dma_wait3A_156 = arith.constant 0 : i32
    %dma_wait3A_157 = arith.constant 0 : i32
    %dma_wait3A_158 = tpu.memref_slice %arg2[%dma_wait3A_156, %dma_wait3A_157] : memref<40000x128xf32, #tpu.memory_space<hbm>> -> memref<40000x128xf32, #tpu.memory_space<hbm>>
    tpu.wait_indirect_dma semaphore(%arg12 : memref<!tpu.dma_semaphore, #tpu.memory_space<semaphore_mem>>) src(%dma_wait3A_158 : memref<40000x128xf32, #tpu.memory_space<hbm>>) dst(%arg8 : memref<128x128xf32, #tpu.memory_space<vmem>>)
    %dma_wait3A_159 = arith.constant 77 : i32
    %dma_wait3A_160 = arith.constant 0 : i32
    %dma_wait3A_161 = tpu.memref_slice %arg7[%dma_wait3A_159, %dma_wait3A_160] : memref<79x128xi32, #tpu.memory_space<vmem>> -> memref<1x128xi32, #tpu.memory_space<vmem>>
    %dma_wait3A_162 = tpu.memref_squeeze %dma_wait3A_161 : memref<1x128xi32, #tpu.memory_space<vmem>> -> memref<128xi32, #tpu.memory_space<vmem>>
    %dma_wait3A_163 = arith.constant 0 : i32
    %dma_wait3A_164 = arith.constant 0 : i32
    %dma_wait3A_165 = tpu.memref_slice %arg11[%dma_wait3A_163, %dma_wait3A_164] : memref<5120x128xf32, #tpu.memory_space<vmem_shared>> -> memref<5120x128xf32, #tpu.memory_space<vmem_shared>>
    tpu.wait_indirect_dma semaphore(%arg14 : memref<!tpu.dma_semaphore, #tpu.memory_space<semaphore_mem>>) src(%arg9 : memref<128x128xf32, #tpu.memory_space<vmem>>) dst(%dma_wait3A_165 : memref<5120x128xf32, #tpu.memory_space<vmem_shared>>)
    %run_scoped3A_166 = arith.constant 78 : i32
    "tpu.region"() ({
      %run_scoped3A_424 = tpu.sem_alloc : memref<!tpu.dma_semaphore, #tpu.memory_space<semaphore_mem>>
      %dma_start3A_425 = arith.constant 0 : i32
      %dma_start3A_426 = tpu.memref_slice %arg7[%run_scoped3A_166, %dma_start3A_425] : memref<79x128xi32, #tpu.memory_space<vmem>> -> memref<1x128xi32, #tpu.memory_space<vmem>>
      %dma_start3A_427 = tpu.memref_squeeze %dma_start3A_426 : memref<1x128xi32, #tpu.memory_space<vmem>> -> memref<128xi32, #tpu.memory_space<vmem>>
      %dma_start3A_428 = arith.constant 0 : i32
      %dma_start3A_429 = arith.constant 0 : i32
      %dma_start3A_430 = tpu.memref_slice %arg11[%dma_start3A_428, %dma_start3A_429] : memref<5120x128xf32, #tpu.memory_space<vmem_shared>> -> memref<5120x128xf32, #tpu.memory_space<vmem_shared>>
      tpu.enqueue_indirect_dma source(%arg8 : memref<128x128xf32, #tpu.memory_space<vmem>>) target(%dma_start3A_430 : memref<5120x128xf32, #tpu.memory_space<vmem_shared>>) offsets(%dma_start3A_427 : memref<128xi32, #tpu.memory_space<vmem>>) semaphore(%run_scoped3A_424 : memref<!tpu.dma_semaphore, #tpu.memory_space<semaphore_mem>>) {add = true}
      %dma_wait3A_431 = arith.constant 0 : i32
      %dma_wait3A_432 = tpu.memref_slice %arg7[%run_scoped3A_166, %dma_wait3A_431] : memref<79x128xi32, #tpu.memory_space<vmem>> -> memref<1x128xi32, #tpu.memory_space<vmem>>
      %dma_wait3A_433 = tpu.memref_squeeze %dma_wait3A_432 : memref<1x128xi32, #tpu.memory_space<vmem>> -> memref<128xi32, #tpu.memory_space<vmem>>
      %dma_wait3A_434 = arith.constant 0 : i32
      %dma_wait3A_435 = arith.constant 0 : i32
      %dma_wait3A_436 = tpu.memref_slice %arg11[%dma_wait3A_434, %dma_wait3A_435] : memref<5120x128xf32, #tpu.memory_space<vmem_shared>> -> memref<5120x128xf32, #tpu.memory_space<vmem_shared>>
      tpu.wait_indirect_dma semaphore(%run_scoped3A_424 : memref<!tpu.dma_semaphore, #tpu.memory_space<semaphore_mem>>) src(%arg8 : memref<128x128xf32, #tpu.memory_space<vmem>>) dst(%dma_wait3A_436 : memref<5120x128xf32, #tpu.memory_space<vmem_shared>>)
      tpu.yield
    }) : () -> ()
    %barrier3A_167 = arith.constant 0 : index
    tpu.barrier barrier_id(%barrier3A_167)
    %mul3A_168 = arith.constant 320 : i32
    %mul3A_169 = arith.muli %arg1, %mul3A_168 : i32
    %add3A_170 = arith.constant 0 : i32
    %add3A_171 = arith.addi %mul3A_169, %add3A_170 : i32
    %mul3A_172 = arith.constant 320 : i32
    %mul3A_173 = arith.muli %arg1, %mul3A_172 : i32
    %add3A_174 = arith.constant 0 : i32
    %add3A_175 = arith.addi %mul3A_173, %add3A_174 : i32
    %run_scoped3A_176 = arith.constant 1 : i32
    "tpu.region"() ({
      %run_scoped3A_424 = tpu.sem_alloc : memref<!tpu.dma_semaphore, #tpu.memory_space<semaphore_mem>>
      %dma_start3A_425 = arith.constant 0 : i32
      %dma_start3A_426 = tpu.memref_slice %arg5[%run_scoped3A_176, %arg0, %add3A_175, %dma_start3A_425] : memref<4x2x5120x128xf32, #tpu.memory_space<hbm>> -> memref<1x1x64x128xf32, #tpu.memory_space<hbm>>
      %dma_start3A_427 = tpu.memref_squeeze %dma_start3A_426 : memref<1x1x64x128xf32, #tpu.memory_space<hbm>> -> memref<64x128xf32, #tpu.memory_space<hbm>>
      %dma_start3A_428 = arith.constant 0 : i32
      %dma_start3A_429 = tpu.memref_slice %arg11[%add3A_171, %dma_start3A_428] : memref<5120x128xf32, #tpu.memory_space<vmem_shared>> -> memref<64x128xf32, #tpu.memory_space<vmem_shared>>
      tpu.enqueue_dma source(%dma_start3A_429 : memref<64x128xf32, #tpu.memory_space<vmem_shared>>) target(%dma_start3A_427 : memref<64x128xf32, #tpu.memory_space<hbm>>) target_semaphore(%run_scoped3A_424 : memref<!tpu.dma_semaphore, #tpu.memory_space<semaphore_mem>>)
      %dma_wait3A_430 = arith.constant 0 : i32
      %dma_wait3A_431 = tpu.memref_slice %arg5[%run_scoped3A_176, %arg0, %add3A_175, %dma_wait3A_430] : memref<4x2x5120x128xf32, #tpu.memory_space<hbm>> -> memref<1x1x64x128xf32, #tpu.memory_space<hbm>>
      %dma_wait3A_432 = tpu.memref_squeeze %dma_wait3A_431 : memref<1x1x64x128xf32, #tpu.memory_space<hbm>> -> memref<64x128xf32, #tpu.memory_space<hbm>>
      %dma_wait3A_433 = arith.constant 0 : i32
      %dma_wait3A_434 = tpu.memref_slice %arg11[%add3A_171, %dma_wait3A_433] : memref<5120x128xf32, #tpu.memory_space<vmem_shared>> -> memref<64x128xf32, #tpu.memory_space<vmem_shared>>
      tpu.wait_dma2 semaphore(%run_scoped3A_424 : memref<!tpu.dma_semaphore, #tpu.memory_space<semaphore_mem>>) src(%dma_wait3A_434 : memref<64x128xf32, #tpu.memory_space<vmem_shared>>) dst(%dma_wait3A_432 : memref<64x128xf32, #tpu.memory_space<hbm>>)
      tpu.yield
    }) : () -> ()
    %mul3A_177 = arith.constant 320 : i32
    %mul3A_178 = arith.muli %arg1, %mul3A_177 : i32
    %add3A_179 = arith.constant 64 : i32
    %add3A_180 = arith.addi %mul3A_178, %add3A_179 : i32
    %mul3A_181 = arith.constant 320 : i32
    %mul3A_182 = arith.muli %arg1, %mul3A_181 : i32
    %add3A_183 = arith.constant 64 : i32
    %add3A_184 = arith.addi %mul3A_182, %add3A_183 : i32
    %run_scoped3A_185 = arith.constant 1 : i32
    "tpu.region"() ({
      %run_scoped3A_424 = tpu.sem_alloc : memref<!tpu.dma_semaphore, #tpu.memory_space<semaphore_mem>>
      %dma_start3A_425 = arith.constant 0 : i32
      %dma_start3A_426 = tpu.memref_slice %arg5[%run_scoped3A_185, %arg0, %add3A_184, %dma_start3A_425] : memref<4x2x5120x128xf32, #tpu.memory_space<hbm>> -> memref<1x1x64x128xf32, #tpu.memory_space<hbm>>
      %dma_start3A_427 = tpu.memref_squeeze %dma_start3A_426 : memref<1x1x64x128xf32, #tpu.memory_space<hbm>> -> memref<64x128xf32, #tpu.memory_space<hbm>>
      %dma_start3A_428 = arith.constant 0 : i32
      %dma_start3A_429 = tpu.memref_slice %arg11[%add3A_180, %dma_start3A_428] : memref<5120x128xf32, #tpu.memory_space<vmem_shared>> -> memref<64x128xf32, #tpu.memory_space<vmem_shared>>
      tpu.enqueue_dma source(%dma_start3A_429 : memref<64x128xf32, #tpu.memory_space<vmem_shared>>) target(%dma_start3A_427 : memref<64x128xf32, #tpu.memory_space<hbm>>) target_semaphore(%run_scoped3A_424 : memref<!tpu.dma_semaphore, #tpu.memory_space<semaphore_mem>>)
      %dma_wait3A_430 = arith.constant 0 : i32
      %dma_wait3A_431 = tpu.memref_slice %arg5[%run_scoped3A_185, %arg0, %add3A_184, %dma_wait3A_430] : memref<4x2x5120x128xf32, #tpu.memory_space<hbm>> -> memref<1x1x64x128xf32, #tpu.memory_space<hbm>>
      %dma_wait3A_432 = tpu.memref_squeeze %dma_wait3A_431 : memref<1x1x64x128xf32, #tpu.memory_space<hbm>> -> memref<64x128xf32, #tpu.memory_space<hbm>>
      %dma_wait3A_433 = arith.constant 0 : i32
      %dma_wait3A_434 = tpu.memref_slice %arg11[%add3A_180, %dma_wait3A_433] : memref<5120x128xf32, #tpu.memory_space<vmem_shared>> -> memref<64x128xf32, #tpu.memory_space<vmem_shared>>
      tpu.wait_dma2 semaphore(%run_scoped3A_424 : memref<!tpu.dma_semaphore, #tpu.memory_space<semaphore_mem>>) src(%dma_wait3A_434 : memref<64x128xf32, #tpu.memory_space<vmem_shared>>) dst(%dma_wait3A_432 : memref<64x128xf32, #tpu.memory_space<hbm>>)
      tpu.yield
    }) : () -> ()
    %mul3A_186 = arith.constant 320 : i32
    %mul3A_187 = arith.muli %arg1, %mul3A_186 : i32
    %add3A_188 = arith.constant 128 : i32
    %add3A_189 = arith.addi %mul3A_187, %add3A_188 : i32
    %mul3A_190 = arith.constant 320 : i32
    %mul3A_191 = arith.muli %arg1, %mul3A_190 : i32
    %add3A_192 = arith.constant 128 : i32
    %add3A_193 = arith.addi %mul3A_191, %add3A_192 : i32
    %run_scoped3A_194 = arith.constant 1 : i32
    "tpu.region"() ({
      %run_scoped3A_424 = tpu.sem_alloc : memref<!tpu.dma_semaphore, #tpu.memory_space<semaphore_mem>>
      %dma_start3A_425 = arith.constant 0 : i32
      %dma_start3A_426 = tpu.memref_slice %arg5[%run_scoped3A_194, %arg0, %add3A_193, %dma_start3A_425] : memref<4x2x5120x128xf32, #tpu.memory_space<hbm>> -> memref<1x1x64x128xf32, #tpu.memory_space<hbm>>
      %dma_start3A_427 = tpu.memref_squeeze %dma_start3A_426 : memref<1x1x64x128xf32, #tpu.memory_space<hbm>> -> memref<64x128xf32, #tpu.memory_space<hbm>>
      %dma_start3A_428 = arith.constant 0 : i32
      %dma_start3A_429 = tpu.memref_slice %arg11[%add3A_189, %dma_start3A_428] : memref<5120x128xf32, #tpu.memory_space<vmem_shared>> -> memref<64x128xf32, #tpu.memory_space<vmem_shared>>
      tpu.enqueue_dma source(%dma_start3A_429 : memref<64x128xf32, #tpu.memory_space<vmem_shared>>) target(%dma_start3A_427 : memref<64x128xf32, #tpu.memory_space<hbm>>) target_semaphore(%run_scoped3A_424 : memref<!tpu.dma_semaphore, #tpu.memory_space<semaphore_mem>>)
      %dma_wait3A_430 = arith.constant 0 : i32
      %dma_wait3A_431 = tpu.memref_slice %arg5[%run_scoped3A_194, %arg0, %add3A_193, %dma_wait3A_430] : memref<4x2x5120x128xf32, #tpu.memory_space<hbm>> -> memref<1x1x64x128xf32, #tpu.memory_space<hbm>>
      %dma_wait3A_432 = tpu.memref_squeeze %dma_wait3A_431 : memref<1x1x64x128xf32, #tpu.memory_space<hbm>> -> memref<64x128xf32, #tpu.memory_space<hbm>>
      %dma_wait3A_433 = arith.constant 0 : i32
      %dma_wait3A_434 = tpu.memref_slice %arg11[%add3A_189, %dma_wait3A_433] : memref<5120x128xf32, #tpu.memory_space<vmem_shared>> -> memref<64x128xf32, #tpu.memory_space<vmem_shared>>
      tpu.wait_dma2 semaphore(%run_scoped3A_424 : memref<!tpu.dma_semaphore, #tpu.memory_space<semaphore_mem>>) src(%dma_wait3A_434 : memref<64x128xf32, #tpu.memory_space<vmem_shared>>) dst(%dma_wait3A_432 : memref<64x128xf32, #tpu.memory_space<hbm>>)
      tpu.yield
    }) : () -> ()
    %mul3A_195 = arith.constant 320 : i32
    %mul3A_196 = arith.muli %arg1, %mul3A_195 : i32
    %add3A_197 = arith.constant 192 : i32
    %add3A_198 = arith.addi %mul3A_196, %add3A_197 : i32
    %mul3A_199 = arith.constant 320 : i32
    %mul3A_200 = arith.muli %arg1, %mul3A_199 : i32
    %add3A_201 = arith.constant 192 : i32
    %add3A_202 = arith.addi %mul3A_200, %add3A_201 : i32
    %run_scoped3A_203 = arith.constant 1 : i32
    "tpu.region"() ({
      %run_scoped3A_424 = tpu.sem_alloc : memref<!tpu.dma_semaphore, #tpu.memory_space<semaphore_mem>>
      %dma_start3A_425 = arith.constant 0 : i32
      %dma_start3A_426 = tpu.memref_slice %arg5[%run_scoped3A_203, %arg0, %add3A_202, %dma_start3A_425] : memref<4x2x5120x128xf32, #tpu.memory_space<hbm>> -> memref<1x1x64x128xf32, #tpu.memory_space<hbm>>
      %dma_start3A_427 = tpu.memref_squeeze %dma_start3A_426 : memref<1x1x64x128xf32, #tpu.memory_space<hbm>> -> memref<64x128xf32, #tpu.memory_space<hbm>>
      %dma_start3A_428 = arith.constant 0 : i32
      %dma_start3A_429 = tpu.memref_slice %arg11[%add3A_198, %dma_start3A_428] : memref<5120x128xf32, #tpu.memory_space<vmem_shared>> -> memref<64x128xf32, #tpu.memory_space<vmem_shared>>
      tpu.enqueue_dma source(%dma_start3A_429 : memref<64x128xf32, #tpu.memory_space<vmem_shared>>) target(%dma_start3A_427 : memref<64x128xf32, #tpu.memory_space<hbm>>) target_semaphore(%run_scoped3A_424 : memref<!tpu.dma_semaphore, #tpu.memory_space<semaphore_mem>>)
      %dma_wait3A_430 = arith.constant 0 : i32
      %dma_wait3A_431 = tpu.memref_slice %arg5[%run_scoped3A_203, %arg0, %add3A_202, %dma_wait3A_430] : memref<4x2x5120x128xf32, #tpu.memory_space<hbm>> -> memref<1x1x64x128xf32, #tpu.memory_space<hbm>>
      %dma_wait3A_432 = tpu.memref_squeeze %dma_wait3A_431 : memref<1x1x64x128xf32, #tpu.memory_space<hbm>> -> memref<64x128xf32, #tpu.memory_space<hbm>>
      %dma_wait3A_433 = arith.constant 0 : i32
      %dma_wait3A_434 = tpu.memref_slice %arg11[%add3A_198, %dma_wait3A_433] : memref<5120x128xf32, #tpu.memory_space<vmem_shared>> -> memref<64x128xf32, #tpu.memory_space<vmem_shared>>
      tpu.wait_dma2 semaphore(%run_scoped3A_424 : memref<!tpu.dma_semaphore, #tpu.memory_space<semaphore_mem>>) src(%dma_wait3A_434 : memref<64x128xf32, #tpu.memory_space<vmem_shared>>) dst(%dma_wait3A_432 : memref<64x128xf32, #tpu.memory_space<hbm>>)
      tpu.yield
    }) : () -> ()
    %mul3A_204 = arith.constant 320 : i32
    %mul3A_205 = arith.muli %arg1, %mul3A_204 : i32
    %add3A_206 = arith.constant 256 : i32
    %add3A_207 = arith.addi %mul3A_205, %add3A_206 : i32
    %mul3A_208 = arith.constant 320 : i32
    %mul3A_209 = arith.muli %arg1, %mul3A_208 : i32
    %add3A_210 = arith.constant 256 : i32
    %add3A_211 = arith.addi %mul3A_209, %add3A_210 : i32
    %run_scoped3A_212 = arith.constant 1 : i32
    "tpu.region"() ({
      %run_scoped3A_424 = tpu.sem_alloc : memref<!tpu.dma_semaphore, #tpu.memory_space<semaphore_mem>>
      %dma_start3A_425 = arith.constant 0 : i32
      %dma_start3A_426 = tpu.memref_slice %arg5[%run_scoped3A_212, %arg0, %add3A_211, %dma_start3A_425] : memref<4x2x5120x128xf32, #tpu.memory_space<hbm>> -> memref<1x1x64x128xf32, #tpu.memory_space<hbm>>
      %dma_start3A_427 = tpu.memref_squeeze %dma_start3A_426 : memref<1x1x64x128xf32, #tpu.memory_space<hbm>> -> memref<64x128xf32, #tpu.memory_space<hbm>>
      %dma_start3A_428 = arith.constant 0 : i32
      %dma_start3A_429 = tpu.memref_slice %arg11[%add3A_207, %dma_start3A_428] : memref<5120x128xf32, #tpu.memory_space<vmem_shared>> -> memref<64x128xf32, #tpu.memory_space<vmem_shared>>
      tpu.enqueue_dma source(%dma_start3A_429 : memref<64x128xf32, #tpu.memory_space<vmem_shared>>) target(%dma_start3A_427 : memref<64x128xf32, #tpu.memory_space<hbm>>) target_semaphore(%run_scoped3A_424 : memref<!tpu.dma_semaphore, #tpu.memory_space<semaphore_mem>>)
      %dma_wait3A_430 = arith.constant 0 : i32
      %dma_wait3A_431 = tpu.memref_slice %arg5[%run_scoped3A_212, %arg0, %add3A_211, %dma_wait3A_430] : memref<4x2x5120x128xf32, #tpu.memory_space<hbm>> -> memref<1x1x64x128xf32, #tpu.memory_space<hbm>>
      %dma_wait3A_432 = tpu.memref_squeeze %dma_wait3A_431 : memref<1x1x64x128xf32, #tpu.memory_space<hbm>> -> memref<64x128xf32, #tpu.memory_space<hbm>>
      %dma_wait3A_433 = arith.constant 0 : i32
      %dma_wait3A_434 = tpu.memref_slice %arg11[%add3A_207, %dma_wait3A_433] : memref<5120x128xf32, #tpu.memory_space<vmem_shared>> -> memref<64x128xf32, #tpu.memory_space<vmem_shared>>
      tpu.wait_dma2 semaphore(%run_scoped3A_424 : memref<!tpu.dma_semaphore, #tpu.memory_space<semaphore_mem>>) src(%dma_wait3A_434 : memref<64x128xf32, #tpu.memory_space<vmem_shared>>) dst(%dma_wait3A_432 : memref<64x128xf32, #tpu.memory_space<hbm>>)
      tpu.yield
    }) : () -> ()
    %barrier3A_213 = arith.constant 0 : index
    tpu.barrier barrier_id(%barrier3A_213)
    "tpu.region"() ({
      %run_scoped3A_424 = tpu.sem_alloc : memref<!tpu.dma_semaphore, #tpu.memory_space<semaphore_mem>>
      %dma_start3A_425 = arith.constant 0 : i32
      %dma_start3A_426 = arith.constant 0 : i32
      %dma_start3A_427 = tpu.memref_slice %arg3[%arg1, %dma_start3A_425, %dma_start3A_426] : memref<16x79x128xi32, #tpu.memory_space<hbm>> -> memref<1x79x128xi32, #tpu.memory_space<hbm>>
      %dma_start3A_428 = tpu.memref_squeeze %dma_start3A_427 : memref<1x79x128xi32, #tpu.memory_space<hbm>> -> memref<79x128xi32, #tpu.memory_space<hbm>>
      %dma_start3A_429 = arith.constant 0 : i32
      %dma_start3A_430 = arith.constant 0 : i32
      %dma_start3A_431 = tpu.memref_slice %arg3[%arg1, %dma_start3A_429, %dma_start3A_430] : memref<16x79x128xi32, #tpu.memory_space<hbm>> -> memref<1x79x128xi32, #tpu.memory_space<hbm>>
      %dma_start3A_432 = tpu.memref_squeeze %dma_start3A_431 : memref<1x79x128xi32, #tpu.memory_space<hbm>> -> memref<79x128xi32, #tpu.memory_space<hbm>>
      tpu.enqueue_dma source(%dma_start3A_432 : memref<79x128xi32, #tpu.memory_space<hbm>>) target(%arg6 : memref<79x128xi32, #tpu.memory_space<vmem>>) target_semaphore(%run_scoped3A_424 : memref<!tpu.dma_semaphore, #tpu.memory_space<semaphore_mem>>)
      %dma_wait3A_433 = arith.constant 0 : i32
      %dma_wait3A_434 = arith.constant 0 : i32
      %dma_wait3A_435 = tpu.memref_slice %arg3[%arg1, %dma_wait3A_433, %dma_wait3A_434] : memref<16x79x128xi32, #tpu.memory_space<hbm>> -> memref<1x79x128xi32, #tpu.memory_space<hbm>>
      %dma_wait3A_436 = tpu.memref_squeeze %dma_wait3A_435 : memref<1x79x128xi32, #tpu.memory_space<hbm>> -> memref<79x128xi32, #tpu.memory_space<hbm>>
      %dma_wait3A_437 = arith.constant 0 : i32
      %dma_wait3A_438 = arith.constant 0 : i32
      %dma_wait3A_439 = tpu.memref_slice %arg3[%arg1, %dma_wait3A_437, %dma_wait3A_438] : memref<16x79x128xi32, #tpu.memory_space<hbm>> -> memref<1x79x128xi32, #tpu.memory_space<hbm>>
      %dma_wait3A_440 = tpu.memref_squeeze %dma_wait3A_439 : memref<1x79x128xi32, #tpu.memory_space<hbm>> -> memref<79x128xi32, #tpu.memory_space<hbm>>
      tpu.wait_dma2 semaphore(%run_scoped3A_424 : memref<!tpu.dma_semaphore, #tpu.memory_space<semaphore_mem>>) src(%dma_wait3A_440 : memref<79x128xi32, #tpu.memory_space<hbm>>) dst(%arg6 : memref<79x128xi32, #tpu.memory_space<vmem>>)
      tpu.yield
    }) : () -> ()
    %scan3A_214 = arith.constant 20000 : i32
    %scan3A_215 = arith.constant 0 : i32
    %scan3A_216 = arith.constant 0 : i32
    %scan3A_217 = arith.constant 79 : i32
    %scan3A_218 = arith.addi %scan3A_216, %scan3A_217 : i32
    %scan3A_219 = arith.constant 1 : i32
    %scan3A_220 = scf.for %scan3A_424 = %scan3A_216 to %scan3A_218 step %scan3A_219 iter_args(%scan3A_425 = %scan3A_215) -> (i32)  : i32 {
      %get3A = arith.index_cast %scan3A_424 : i32 to index
      %get3A_426 = arith.constant 0 : index
      %get3A_427 = tpu.vector_load %arg6[%get3A, %get3A_426] {strides = array<i32>} : memref<79x128xi32, #tpu.memory_space<vmem>>, vector<1x16xi32>,
      %get3A_428 = vector.shape_cast %get3A_427 : vector<1x16xi32> to vector<16xi32>
      %add3A_429 = vector.broadcast %scan3A_214 : i32 to vector<16xi32>
      %add3A_430 = arith.addi %get3A_428, %add3A_429 : vector<16xi32>
      %swap3A = arith.index_cast %scan3A_424 : i32 to index
      %swap3A_431 = arith.constant 0 : index
      %swap3A_432 = tpu.vector_load %arg6[%swap3A, %swap3A_431] {strides = array<i32>} : memref<79x128xi32, #tpu.memory_space<vmem>>, vector<1x16xi32>,
      %swap3A_433 = vector.shape_cast %swap3A_432 : vector<1x16xi32> to vector<16xi32>
      %swap3A_434 = vector.shape_cast %add3A_430 : vector<16xi32> to vector<1x16xi32>
      tpu.vector_store %arg6[%swap3A, %swap3A_431], %swap3A_434 {strides = array<i32>} : memref<79x128xi32, #tpu.memory_space<vmem>>, vector<1x16xi32>,
      %get3A_435 = arith.index_cast %scan3A_424 : i32 to index
      %get3A_436 = arith.constant 16 : index
      %get3A_437 = tpu.vector_load %arg6[%get3A_435, %get3A_436] {strides = array<i32>} : memref<79x128xi32, #tpu.memory_space<vmem>>, vector<1x16xi32>,
      %get3A_438 = vector.shape_cast %get3A_437 : vector<1x16xi32> to vector<16xi32>
      %add3A_439 = vector.broadcast %scan3A_214 : i32 to vector<16xi32>
      %add3A_440 = arith.addi %get3A_438, %add3A_439 : vector<16xi32>
      %swap3A_441 = arith.index_cast %scan3A_424 : i32 to index
      %swap3A_442 = arith.constant 16 : index
      %swap3A_443 = tpu.vector_load %arg6[%swap3A_441, %swap3A_442] {strides = array<i32>} : memref<79x128xi32, #tpu.memory_space<vmem>>, vector<1x16xi32>,
      %swap3A_444 = vector.shape_cast %swap3A_443 : vector<1x16xi32> to vector<16xi32>
      %swap3A_445 = vector.shape_cast %add3A_440 : vector<16xi32> to vector<1x16xi32>
      tpu.vector_store %arg6[%swap3A_441, %swap3A_442], %swap3A_445 {strides = array<i32>} : memref<79x128xi32, #tpu.memory_space<vmem>>, vector<1x16xi32>,
      %get3A_446 = arith.index_cast %scan3A_424 : i32 to index
      %get3A_447 = arith.constant 32 : index
      %get3A_448 = tpu.vector_load %arg6[%get3A_446, %get3A_447] {strides = array<i32>} : memref<79x128xi32, #tpu.memory_space<vmem>>, vector<1x16xi32>,
      %get3A_449 = vector.shape_cast %get3A_448 : vector<1x16xi32> to vector<16xi32>
      %add3A_450 = vector.broadcast %scan3A_214 : i32 to vector<16xi32>
      %add3A_451 = arith.addi %get3A_449, %add3A_450 : vector<16xi32>
      %swap3A_452 = arith.index_cast %scan3A_424 : i32 to index
      %swap3A_453 = arith.constant 32 : index
      %swap3A_454 = tpu.vector_load %arg6[%swap3A_452, %swap3A_453] {strides = array<i32>} : memref<79x128xi32, #tpu.memory_space<vmem>>, vector<1x16xi32>,
      %swap3A_455 = vector.shape_cast %swap3A_454 : vector<1x16xi32> to vector<16xi32>
      %swap3A_456 = vector.shape_cast %add3A_451 : vector<16xi32> to vector<1x16xi32>
      tpu.vector_store %arg6[%swap3A_452, %swap3A_453], %swap3A_456 {strides = array<i32>} : memref<79x128xi32, #tpu.memory_space<vmem>>, vector<1x16xi32>,
      %get3A_457 = arith.index_cast %scan3A_424 : i32 to index
      %get3A_458 = arith.constant 48 : index
      %get3A_459 = tpu.vector_load %arg6[%get3A_457, %get3A_458] {strides = array<i32>} : memref<79x128xi32, #tpu.memory_space<vmem>>, vector<1x16xi32>,
      %get3A_460 = vector.shape_cast %get3A_459 : vector<1x16xi32> to vector<16xi32>
      %add3A_461 = vector.broadcast %scan3A_214 : i32 to vector<16xi32>
      %add3A_462 = arith.addi %get3A_460, %add3A_461 : vector<16xi32>
      %swap3A_463 = arith.index_cast %scan3A_424 : i32 to index
      %swap3A_464 = arith.constant 48 : index
      %swap3A_465 = tpu.vector_load %arg6[%swap3A_463, %swap3A_464] {strides = array<i32>} : memref<79x128xi32, #tpu.memory_space<vmem>>, vector<1x16xi32>,
      %swap3A_466 = vector.shape_cast %swap3A_465 : vector<1x16xi32> to vector<16xi32>
      %swap3A_467 = vector.shape_cast %add3A_462 : vector<16xi32> to vector<1x16xi32>
      tpu.vector_store %arg6[%swap3A_463, %swap3A_464], %swap3A_467 {strides = array<i32>} : memref<79x128xi32, #tpu.memory_space<vmem>>, vector<1x16xi32>,
      %get3A_468 = arith.index_cast %scan3A_424 : i32 to index
      %get3A_469 = arith.constant 64 : index
      %get3A_470 = tpu.vector_load %arg6[%get3A_468, %get3A_469] {strides = array<i32>} : memref<79x128xi32, #tpu.memory_space<vmem>>, vector<1x16xi32>,
      %get3A_471 = vector.shape_cast %get3A_470 : vector<1x16xi32> to vector<16xi32>
      %add3A_472 = vector.broadcast %scan3A_214 : i32 to vector<16xi32>
      %add3A_473 = arith.addi %get3A_471, %add3A_472 : vector<16xi32>
      %swap3A_474 = arith.index_cast %scan3A_424 : i32 to index
      %swap3A_475 = arith.constant 64 : index
      %swap3A_476 = tpu.vector_load %arg6[%swap3A_474, %swap3A_475] {strides = array<i32>} : memref<79x128xi32, #tpu.memory_space<vmem>>, vector<1x16xi32>,
      %swap3A_477 = vector.shape_cast %swap3A_476 : vector<1x16xi32> to vector<16xi32>
      %swap3A_478 = vector.shape_cast %add3A_473 : vector<16xi32> to vector<1x16xi32>
      tpu.vector_store %arg6[%swap3A_474, %swap3A_475], %swap3A_478 {strides = array<i32>} : memref<79x128xi32, #tpu.memory_space<vmem>>, vector<1x16xi32>,
      %get3A_479 = arith.index_cast %scan3A_424 : i32 to index
      %get3A_480 = arith.constant 80 : index
      %get3A_481 = tpu.vector_load %arg6[%get3A_479, %get3A_480] {strides = array<i32>} : memref<79x128xi32, #tpu.memory_space<vmem>>, vector<1x16xi32>,
      %get3A_482 = vector.shape_cast %get3A_481 : vector<1x16xi32> to vector<16xi32>
      %add3A_483 = vector.broadcast %scan3A_214 : i32 to vector<16xi32>
      %add3A_484 = arith.addi %get3A_482, %add3A_483 : vector<16xi32>
      %swap3A_485 = arith.index_cast %scan3A_424 : i32 to index
      %swap3A_486 = arith.constant 80 : index
      %swap3A_487 = tpu.vector_load %arg6[%swap3A_485, %swap3A_486] {strides = array<i32>} : memref<79x128xi32, #tpu.memory_space<vmem>>, vector<1x16xi32>,
      %swap3A_488 = vector.shape_cast %swap3A_487 : vector<1x16xi32> to vector<16xi32>
      %swap3A_489 = vector.shape_cast %add3A_484 : vector<16xi32> to vector<1x16xi32>
      tpu.vector_store %arg6[%swap3A_485, %swap3A_486], %swap3A_489 {strides = array<i32>} : memref<79x128xi32, #tpu.memory_space<vmem>>, vector<1x16xi32>,
      %get3A_490 = arith.index_cast %scan3A_424 : i32 to index
      %get3A_491 = arith.constant 96 : index
      %get3A_492 = tpu.vector_load %arg6[%get3A_490, %get3A_491] {strides = array<i32>} : memref<79x128xi32, #tpu.memory_space<vmem>>, vector<1x16xi32>,
      %get3A_493 = vector.shape_cast %get3A_492 : vector<1x16xi32> to vector<16xi32>
      %add3A_494 = vector.broadcast %scan3A_214 : i32 to vector<16xi32>
      %add3A_495 = arith.addi %get3A_493, %add3A_494 : vector<16xi32>
      %swap3A_496 = arith.index_cast %scan3A_424 : i32 to index
      %swap3A_497 = arith.constant 96 : index
      %swap3A_498 = tpu.vector_load %arg6[%swap3A_496, %swap3A_497] {strides = array<i32>} : memref<79x128xi32, #tpu.memory_space<vmem>>, vector<1x16xi32>,
      %swap3A_499 = vector.shape_cast %swap3A_498 : vector<1x16xi32> to vector<16xi32>
      %swap3A_500 = vector.shape_cast %add3A_495 : vector<16xi32> to vector<1x16xi32>
      tpu.vector_store %arg6[%swap3A_496, %swap3A_497], %swap3A_500 {strides = array<i32>} : memref<79x128xi32, #tpu.memory_space<vmem>>, vector<1x16xi32>,
      %get3A_501 = arith.index_cast %scan3A_424 : i32 to index
      %get3A_502 = arith.constant 112 : index
      %get3A_503 = tpu.vector_load %arg6[%get3A_501, %get3A_502] {strides = array<i32>} : memref<79x128xi32, #tpu.memory_space<vmem>>, vector<1x16xi32>,
      %get3A_504 = vector.shape_cast %get3A_503 : vector<1x16xi32> to vector<16xi32>
      %add3A_505 = vector.broadcast %scan3A_214 : i32 to vector<16xi32>
      %add3A_506 = arith.addi %get3A_504, %add3A_505 : vector<16xi32>
      %swap3A_507 = arith.index_cast %scan3A_424 : i32 to index
      %swap3A_508 = arith.constant 112 : index
      %swap3A_509 = tpu.vector_load %arg6[%swap3A_507, %swap3A_508] {strides = array<i32>} : memref<79x128xi32, #tpu.memory_space<vmem>>, vector<1x16xi32>,
      %swap3A_510 = vector.shape_cast %swap3A_509 : vector<1x16xi32> to vector<16xi32>
      %swap3A_511 = vector.shape_cast %add3A_506 : vector<16xi32> to vector<1x16xi32>
      tpu.vector_store %arg6[%swap3A_507, %swap3A_508], %swap3A_511 {strides = array<i32>} : memref<79x128xi32, #tpu.memory_space<vmem>>, vector<1x16xi32>,
      %scan3A_512 = arith.constant 0 : i32
      scf.yield %scan3A_512 : i32
    }
    %scan3A_221 = arith.constant 79 : i32
    %mul3A_222 = arith.constant 320 : i32
    %mul3A_223 = arith.muli %arg1, %mul3A_222 : i32
    %add3A_224 = arith.constant 0 : i32
    %add3A_225 = arith.addi %mul3A_223, %add3A_224 : i32
    "tpu.region"() ({
      %run_scoped3A_424 = tpu.sem_alloc : memref<!tpu.dma_semaphore, #tpu.memory_space<semaphore_mem>>
      %dma_start3A_425 = arith.constant 0 : i32
      %dma_start3A_426 = tpu.memref_slice %arg11[%add3A_225, %dma_start3A_425] : memref<5120x128xf32, #tpu.memory_space<vmem_shared>> -> memref<64x128xf32, #tpu.memory_space<vmem_shared>>
      %dma_start3A_427 = arith.constant 0 : i32
      %dma_start3A_428 = tpu.memref_slice %arg11[%add3A_225, %dma_start3A_427] : memref<5120x128xf32, #tpu.memory_space<vmem_shared>> -> memref<64x128xf32, #tpu.memory_space<vmem_shared>>
      tpu.enqueue_dma source(%arg10 : memref<64x128xf32, #tpu.memory_space<vmem>>) target(%dma_start3A_428 : memref<64x128xf32, #tpu.memory_space<vmem_shared>>) target_semaphore(%run_scoped3A_424 : memref<!tpu.dma_semaphore, #tpu.memory_space<semaphore_mem>>)
      %dma_wait3A_429 = arith.constant 0 : i32
      %dma_wait3A_430 = tpu.memref_slice %arg11[%add3A_225, %dma_wait3A_429] : memref<5120x128xf32, #tpu.memory_space<vmem_shared>> -> memref<64x128xf32, #tpu.memory_space<vmem_shared>>
      %dma_wait3A_431 = arith.constant 0 : i32
      %dma_wait3A_432 = tpu.memref_slice %arg11[%add3A_225, %dma_wait3A_431] : memref<5120x128xf32, #tpu.memory_space<vmem_shared>> -> memref<64x128xf32, #tpu.memory_space<vmem_shared>>
      tpu.wait_dma2 semaphore(%run_scoped3A_424 : memref<!tpu.dma_semaphore, #tpu.memory_space<semaphore_mem>>) src(%arg10 : memref<64x128xf32, #tpu.memory_space<vmem>>) dst(%dma_wait3A_432 : memref<64x128xf32, #tpu.memory_space<vmem_shared>>)
      tpu.yield
    }) : () -> ()
    %mul3A_226 = arith.constant 320 : i32
    %mul3A_227 = arith.muli %arg1, %mul3A_226 : i32
    %add3A_228 = arith.constant 64 : i32
    %add3A_229 = arith.addi %mul3A_227, %add3A_228 : i32
    "tpu.region"() ({
      %run_scoped3A_424 = tpu.sem_alloc : memref<!tpu.dma_semaphore, #tpu.memory_space<semaphore_mem>>
      %dma_start3A_425 = arith.constant 0 : i32
      %dma_start3A_426 = tpu.memref_slice %arg11[%add3A_229, %dma_start3A_425] : memref<5120x128xf32, #tpu.memory_space<vmem_shared>> -> memref<64x128xf32, #tpu.memory_space<vmem_shared>>
      %dma_start3A_427 = arith.constant 0 : i32
      %dma_start3A_428 = tpu.memref_slice %arg11[%add3A_229, %dma_start3A_427] : memref<5120x128xf32, #tpu.memory_space<vmem_shared>> -> memref<64x128xf32, #tpu.memory_space<vmem_shared>>
      tpu.enqueue_dma source(%arg10 : memref<64x128xf32, #tpu.memory_space<vmem>>) target(%dma_start3A_428 : memref<64x128xf32, #tpu.memory_space<vmem_shared>>) target_semaphore(%run_scoped3A_424 : memref<!tpu.dma_semaphore, #tpu.memory_space<semaphore_mem>>)
      %dma_wait3A_429 = arith.constant 0 : i32
      %dma_wait3A_430 = tpu.memref_slice %arg11[%add3A_229, %dma_wait3A_429] : memref<5120x128xf32, #tpu.memory_space<vmem_shared>> -> memref<64x128xf32, #tpu.memory_space<vmem_shared>>
      %dma_wait3A_431 = arith.constant 0 : i32
      %dma_wait3A_432 = tpu.memref_slice %arg11[%add3A_229, %dma_wait3A_431] : memref<5120x128xf32, #tpu.memory_space<vmem_shared>> -> memref<64x128xf32, #tpu.memory_space<vmem_shared>>
      tpu.wait_dma2 semaphore(%run_scoped3A_424 : memref<!tpu.dma_semaphore, #tpu.memory_space<semaphore_mem>>) src(%arg10 : memref<64x128xf32, #tpu.memory_space<vmem>>) dst(%dma_wait3A_432 : memref<64x128xf32, #tpu.memory_space<vmem_shared>>)
      tpu.yield
    }) : () -> ()
    %mul3A_230 = arith.constant 320 : i32
    %mul3A_231 = arith.muli %arg1, %mul3A_230 : i32
    %add3A_232 = arith.constant 128 : i32
    %add3A_233 = arith.addi %mul3A_231, %add3A_232 : i32
    "tpu.region"() ({
      %run_scoped3A_424 = tpu.sem_alloc : memref<!tpu.dma_semaphore, #tpu.memory_space<semaphore_mem>>
      %dma_start3A_425 = arith.constant 0 : i32
      %dma_start3A_426 = tpu.memref_slice %arg11[%add3A_233, %dma_start3A_425] : memref<5120x128xf32, #tpu.memory_space<vmem_shared>> -> memref<64x128xf32, #tpu.memory_space<vmem_shared>>
      %dma_start3A_427 = arith.constant 0 : i32
      %dma_start3A_428 = tpu.memref_slice %arg11[%add3A_233, %dma_start3A_427] : memref<5120x128xf32, #tpu.memory_space<vmem_shared>> -> memref<64x128xf32, #tpu.memory_space<vmem_shared>>
      tpu.enqueue_dma source(%arg10 : memref<64x128xf32, #tpu.memory_space<vmem>>) target(%dma_start3A_428 : memref<64x128xf32, #tpu.memory_space<vmem_shared>>) target_semaphore(%run_scoped3A_424 : memref<!tpu.dma_semaphore, #tpu.memory_space<semaphore_mem>>)
      %dma_wait3A_429 = arith.constant 0 : i32
      %dma_wait3A_430 = tpu.memref_slice %arg11[%add3A_233, %dma_wait3A_429] : memref<5120x128xf32, #tpu.memory_space<vmem_shared>> -> memref<64x128xf32, #tpu.memory_space<vmem_shared>>
      %dma_wait3A_431 = arith.constant 0 : i32
      %dma_wait3A_432 = tpu.memref_slice %arg11[%add3A_233, %dma_wait3A_431] : memref<5120x128xf32, #tpu.memory_space<vmem_shared>> -> memref<64x128xf32, #tpu.memory_space<vmem_shared>>
      tpu.wait_dma2 semaphore(%run_scoped3A_424 : memref<!tpu.dma_semaphore, #tpu.memory_space<semaphore_mem>>) src(%arg10 : memref<64x128xf32, #tpu.memory_space<vmem>>) dst(%dma_wait3A_432 : memref<64x128xf32, #tpu.memory_space<vmem_shared>>)
      tpu.yield
    }) : () -> ()
    %mul3A_234 = arith.constant 320 : i32
    %mul3A_235 = arith.muli %arg1, %mul3A_234 : i32
    %add3A_236 = arith.constant 192 : i32
    %add3A_237 = arith.addi %mul3A_235, %add3A_236 : i32
    "tpu.region"() ({
      %run_scoped3A_424 = tpu.sem_alloc : memref<!tpu.dma_semaphore, #tpu.memory_space<semaphore_mem>>
      %dma_start3A_425 = arith.constant 0 : i32
      %dma_start3A_426 = tpu.memref_slice %arg11[%add3A_237, %dma_start3A_425] : memref<5120x128xf32, #tpu.memory_space<vmem_shared>> -> memref<64x128xf32, #tpu.memory_space<vmem_shared>>
      %dma_start3A_427 = arith.constant 0 : i32
      %dma_start3A_428 = tpu.memref_slice %arg11[%add3A_237, %dma_start3A_427] : memref<5120x128xf32, #tpu.memory_space<vmem_shared>> -> memref<64x128xf32, #tpu.memory_space<vmem_shared>>
      tpu.enqueue_dma source(%arg10 : memref<64x128xf32, #tpu.memory_space<vmem>>) target(%dma_start3A_428 : memref<64x128xf32, #tpu.memory_space<vmem_shared>>) target_semaphore(%run_scoped3A_424 : memref<!tpu.dma_semaphore, #tpu.memory_space<semaphore_mem>>)
      %dma_wait3A_429 = arith.constant 0 : i32
      %dma_wait3A_430 = tpu.memref_slice %arg11[%add3A_237, %dma_wait3A_429] : memref<5120x128xf32, #tpu.memory_space<vmem_shared>> -> memref<64x128xf32, #tpu.memory_space<vmem_shared>>
      %dma_wait3A_431 = arith.constant 0 : i32
      %dma_wait3A_432 = tpu.memref_slice %arg11[%add3A_237, %dma_wait3A_431] : memref<5120x128xf32, #tpu.memory_space<vmem_shared>> -> memref<64x128xf32, #tpu.memory_space<vmem_shared>>
      tpu.wait_dma2 semaphore(%run_scoped3A_424 : memref<!tpu.dma_semaphore, #tpu.memory_space<semaphore_mem>>) src(%arg10 : memref<64x128xf32, #tpu.memory_space<vmem>>) dst(%dma_wait3A_432 : memref<64x128xf32, #tpu.memory_space<vmem_shared>>)
      tpu.yield
    }) : () -> ()
    %mul3A_238 = arith.constant 320 : i32
    %mul3A_239 = arith.muli %arg1, %mul3A_238 : i32
    %add3A_240 = arith.constant 256 : i32
    %add3A_241 = arith.addi %mul3A_239, %add3A_240 : i32
    "tpu.region"() ({
      %run_scoped3A_424 = tpu.sem_alloc : memref<!tpu.dma_semaphore, #tpu.memory_space<semaphore_mem>>
      %dma_start3A_425 = arith.constant 0 : i32
      %dma_start3A_426 = tpu.memref_slice %arg11[%add3A_241, %dma_start3A_425] : memref<5120x128xf32, #tpu.memory_space<vmem_shared>> -> memref<64x128xf32, #tpu.memory_space<vmem_shared>>
      %dma_start3A_427 = arith.constant 0 : i32
      %dma_start3A_428 = tpu.memref_slice %arg11[%add3A_241, %dma_start3A_427] : memref<5120x128xf32, #tpu.memory_space<vmem_shared>> -> memref<64x128xf32, #tpu.memory_space<vmem_shared>>
      tpu.enqueue_dma source(%arg10 : memref<64x128xf32, #tpu.memory_space<vmem>>) target(%dma_start3A_428 : memref<64x128xf32, #tpu.memory_space<vmem_shared>>) target_semaphore(%run_scoped3A_424 : memref<!tpu.dma_semaphore, #tpu.memory_space<semaphore_mem>>)
      %dma_wait3A_429 = arith.constant 0 : i32
      %dma_wait3A_430 = tpu.memref_slice %arg11[%add3A_241, %dma_wait3A_429] : memref<5120x128xf32, #tpu.memory_space<vmem_shared>> -> memref<64x128xf32, #tpu.memory_space<vmem_shared>>
      %dma_wait3A_431 = arith.constant 0 : i32
      %dma_wait3A_432 = tpu.memref_slice %arg11[%add3A_241, %dma_wait3A_431] : memref<5120x128xf32, #tpu.memory_space<vmem_shared>> -> memref<64x128xf32, #tpu.memory_space<vmem_shared>>
      tpu.wait_dma2 semaphore(%run_scoped3A_424 : memref<!tpu.dma_semaphore, #tpu.memory_space<semaphore_mem>>) src(%arg10 : memref<64x128xf32, #tpu.memory_space<vmem>>) dst(%dma_wait3A_432 : memref<64x128xf32, #tpu.memory_space<vmem_shared>>)
      tpu.yield
    }) : () -> ()
    %barrier3A_242 = arith.constant 0 : index
    tpu.barrier barrier_id(%barrier3A_242)
    %dma_start3A_243 = arith.constant 0 : i32
    %dma_start3A_244 = arith.constant 0 : i32
    %dma_start3A_245 = tpu.memref_slice %arg6[%dma_start3A_243, %dma_start3A_244] : memref<79x128xi32, #tpu.memory_space<vmem>> -> memref<1x128xi32, #tpu.memory_space<vmem>>
    %dma_start3A_246 = tpu.memref_squeeze %dma_start3A_245 : memref<1x128xi32, #tpu.memory_space<vmem>> -> memref<128xi32, #tpu.memory_space<vmem>>
    %dma_start3A_247 = arith.constant 0 : i32
    %dma_start3A_248 = arith.constant 0 : i32
    %dma_start3A_249 = tpu.memref_slice %arg2[%dma_start3A_247, %dma_start3A_248] : memref<40000x128xf32, #tpu.memory_space<hbm>> -> memref<40000x128xf32, #tpu.memory_space<hbm>>
    tpu.enqueue_indirect_dma source(%dma_start3A_249 : memref<40000x128xf32, #tpu.memory_space<hbm>>) target(%arg8 : memref<128x128xf32, #tpu.memory_space<vmem>>) offsets(%dma_start3A_246 : memref<128xi32, #tpu.memory_space<vmem>>) semaphore(%arg12 : memref<!tpu.dma_semaphore, #tpu.memory_space<semaphore_mem>>)
    %scan3A_250 = arith.constant 0 : i32
    %scan3A_251 = arith.constant 0 : i32
    %scan3A_252 = arith.constant 39 : i32
    %scan3A_253 = arith.addi %scan3A_251, %scan3A_252 : i32
    %scan3A_254 = arith.constant 1 : i32
    %scan3A_255 = scf.for %scan3A_424 = %scan3A_251 to %scan3A_253 step %scan3A_254 iter_args(%scan3A_425 = %scan3A_250) -> (i32)  : i32 {
      %mul3A_426 = arith.constant 2 : i32
      %mul3A_427 = arith.muli %mul3A_426, %scan3A_424 : i32
      %dma_wait3A_428 = arith.constant 0 : i32
      %dma_wait3A_429 = tpu.memref_slice %arg6[%mul3A_427, %dma_wait3A_428] : memref<79x128xi32, #tpu.memory_space<vmem>> -> memref<1x128xi32, #tpu.memory_space<vmem>>
      %dma_wait3A_430 = tpu.memref_squeeze %dma_wait3A_429 : memref<1x128xi32, #tpu.memory_space<vmem>> -> memref<128xi32, #tpu.memory_space<vmem>>
      %dma_wait3A_431 = arith.constant 0 : i32
      %dma_wait3A_432 = arith.constant 0 : i32
      %dma_wait3A_433 = tpu.memref_slice %arg2[%dma_wait3A_431, %dma_wait3A_432] : memref<40000x128xf32, #tpu.memory_space<hbm>> -> memref<40000x128xf32, #tpu.memory_space<hbm>>
      tpu.wait_indirect_dma semaphore(%arg12 : memref<!tpu.dma_semaphore, #tpu.memory_space<semaphore_mem>>) src(%dma_wait3A_433 : memref<40000x128xf32, #tpu.memory_space<hbm>>) dst(%arg8 : memref<128x128xf32, #tpu.memory_space<vmem>>)
      %dma_start3A_434 = arith.constant 0 : i32
      %dma_start3A_435 = tpu.memref_slice %arg7[%mul3A_427, %dma_start3A_434] : memref<79x128xi32, #tpu.memory_space<vmem>> -> memref<1x128xi32, #tpu.memory_space<vmem>>
      %dma_start3A_436 = tpu.memref_squeeze %dma_start3A_435 : memref<1x128xi32, #tpu.memory_space<vmem>> -> memref<128xi32, #tpu.memory_space<vmem>>
      %dma_start3A_437 = arith.constant 0 : i32
      %dma_start3A_438 = arith.constant 0 : i32
      %dma_start3A_439 = tpu.memref_slice %arg11[%dma_start3A_437, %dma_start3A_438] : memref<5120x128xf32, #tpu.memory_space<vmem_shared>> -> memref<5120x128xf32, #tpu.memory_space<vmem_shared>>
      tpu.enqueue_indirect_dma source(%arg8 : memref<128x128xf32, #tpu.memory_space<vmem>>) target(%dma_start3A_439 : memref<5120x128xf32, #tpu.memory_space<vmem_shared>>) offsets(%dma_start3A_436 : memref<128xi32, #tpu.memory_space<vmem>>) semaphore(%arg13 : memref<!tpu.dma_semaphore, #tpu.memory_space<semaphore_mem>>) {add = true}
      %gt3A = arith.constant 0 : i32
      %gt3A_440 = arith.cmpi sgt, %scan3A_424, %gt3A : i32
      %convert_element_type3A = arith.extui %gt3A_440 : i1 to i32
      %cond3A = arith.constant 0 : i32
      %cond3A_441 = arith.cmpi ne, %convert_element_type3A, %cond3A : i32
      scf.if %cond3A_441 {
        %sub3A = arith.constant 1 : i32
        %sub3A_479 = arith.subi %mul3A_427, %sub3A : i32
        %dma_wait3A_480 = arith.constant 0 : i32
        %dma_wait3A_481 = tpu.memref_slice %arg7[%sub3A_479, %dma_wait3A_480] : memref<79x128xi32, #tpu.memory_space<vmem>> -> memref<1x128xi32, #tpu.memory_space<vmem>>
        %dma_wait3A_482 = tpu.memref_squeeze %dma_wait3A_481 : memref<1x128xi32, #tpu.memory_space<vmem>> -> memref<128xi32, #tpu.memory_space<vmem>>
        %dma_wait3A_483 = arith.constant 0 : i32
        %dma_wait3A_484 = arith.constant 0 : i32
        %dma_wait3A_485 = tpu.memref_slice %arg11[%dma_wait3A_483, %dma_wait3A_484] : memref<5120x128xf32, #tpu.memory_space<vmem_shared>> -> memref<5120x128xf32, #tpu.memory_space<vmem_shared>>
        tpu.wait_indirect_dma semaphore(%arg14 : memref<!tpu.dma_semaphore, #tpu.memory_space<semaphore_mem>>) src(%arg9 : memref<128x128xf32, #tpu.memory_space<vmem>>) dst(%dma_wait3A_485 : memref<5120x128xf32, #tpu.memory_space<vmem_shared>>)
      } else {
      }
      %add3A_442 = arith.constant 1 : i32
      %add3A_443 = arith.addi %mul3A_427, %add3A_442 : i32
      %dma_start3A_444 = arith.constant 0 : i32
      %dma_start3A_445 = tpu.memref_slice %arg6[%add3A_443, %dma_start3A_444] : memref<79x128xi32, #tpu.memory_space<vmem>> -> memref<1x128xi32, #tpu.memory_space<vmem>>
      %dma_start3A_446 = tpu.memref_squeeze %dma_start3A_445 : memref<1x128xi32, #tpu.memory_space<vmem>> -> memref<128xi32, #tpu.memory_space<vmem>>
      %dma_start3A_447 = arith.constant 0 : i32
      %dma_start3A_448 = arith.constant 0 : i32
      %dma_start3A_449 = tpu.memref_slice %arg2[%dma_start3A_447, %dma_start3A_448] : memref<40000x128xf32, #tpu.memory_space<hbm>> -> memref<40000x128xf32, #tpu.memory_space<hbm>>
      tpu.enqueue_indirect_dma source(%dma_start3A_449 : memref<40000x128xf32, #tpu.memory_space<hbm>>) target(%arg9 : memref<128x128xf32, #tpu.memory_space<vmem>>) offsets(%dma_start3A_446 : memref<128xi32, #tpu.memory_space<vmem>>) semaphore(%arg12 : memref<!tpu.dma_semaphore, #tpu.memory_space<semaphore_mem>>)
      %add3A_450 = arith.constant 1 : i32
      %add3A_451 = arith.addi %mul3A_427, %add3A_450 : i32
      %dma_wait3A_452 = arith.constant 0 : i32
      %dma_wait3A_453 = tpu.memref_slice %arg6[%add3A_451, %dma_wait3A_452] : memref<79x128xi32, #tpu.memory_space<vmem>> -> memref<1x128xi32, #tpu.memory_space<vmem>>
      %dma_wait3A_454 = tpu.memref_squeeze %dma_wait3A_453 : memref<1x128xi32, #tpu.memory_space<vmem>> -> memref<128xi32, #tpu.memory_space<vmem>>
      %dma_wait3A_455 = arith.constant 0 : i32
      %dma_wait3A_456 = arith.constant 0 : i32
      %dma_wait3A_457 = tpu.memref_slice %arg2[%dma_wait3A_455, %dma_wait3A_456] : memref<40000x128xf32, #tpu.memory_space<hbm>> -> memref<40000x128xf32, #tpu.memory_space<hbm>>
      tpu.wait_indirect_dma semaphore(%arg12 : memref<!tpu.dma_semaphore, #tpu.memory_space<semaphore_mem>>) src(%dma_wait3A_457 : memref<40000x128xf32, #tpu.memory_space<hbm>>) dst(%arg9 : memref<128x128xf32, #tpu.memory_space<vmem>>)
      %add3A_458 = arith.constant 1 : i32
      %add3A_459 = arith.addi %mul3A_427, %add3A_458 : i32
      %dma_start3A_460 = arith.constant 0 : i32
      %dma_start3A_461 = tpu.memref_slice %arg7[%add3A_459, %dma_start3A_460] : memref<79x128xi32, #tpu.memory_space<vmem>> -> memref<1x128xi32, #tpu.memory_space<vmem>>
      %dma_start3A_462 = tpu.memref_squeeze %dma_start3A_461 : memref<1x128xi32, #tpu.memory_space<vmem>> -> memref<128xi32, #tpu.memory_space<vmem>>
      %dma_start3A_463 = arith.constant 0 : i32
      %dma_start3A_464 = arith.constant 0 : i32
      %dma_start3A_465 = tpu.memref_slice %arg11[%dma_start3A_463, %dma_start3A_464] : memref<5120x128xf32, #tpu.memory_space<vmem_shared>> -> memref<5120x128xf32, #tpu.memory_space<vmem_shared>>
      tpu.enqueue_indirect_dma source(%arg9 : memref<128x128xf32, #tpu.memory_space<vmem>>) target(%dma_start3A_465 : memref<5120x128xf32, #tpu.memory_space<vmem_shared>>) offsets(%dma_start3A_462 : memref<128xi32, #tpu.memory_space<vmem>>) semaphore(%arg14 : memref<!tpu.dma_semaphore, #tpu.memory_space<semaphore_mem>>) {add = true}
      %dma_wait3A_466 = arith.constant 0 : i32
      %dma_wait3A_467 = tpu.memref_slice %arg7[%mul3A_427, %dma_wait3A_466] : memref<79x128xi32, #tpu.memory_space<vmem>> -> memref<1x128xi32, #tpu.memory_space<vmem>>
      %dma_wait3A_468 = tpu.memref_squeeze %dma_wait3A_467 : memref<1x128xi32, #tpu.memory_space<vmem>> -> memref<128xi32, #tpu.memory_space<vmem>>
      %dma_wait3A_469 = arith.constant 0 : i32
      %dma_wait3A_470 = arith.constant 0 : i32
      %dma_wait3A_471 = tpu.memref_slice %arg11[%dma_wait3A_469, %dma_wait3A_470] : memref<5120x128xf32, #tpu.memory_space<vmem_shared>> -> memref<5120x128xf32, #tpu.memory_space<vmem_shared>>
      tpu.wait_indirect_dma semaphore(%arg13 : memref<!tpu.dma_semaphore, #tpu.memory_space<semaphore_mem>>) src(%arg8 : memref<128x128xf32, #tpu.memory_space<vmem>>) dst(%dma_wait3A_471 : memref<5120x128xf32, #tpu.memory_space<vmem_shared>>)
      %add3A_472 = arith.constant 2 : i32
      %add3A_473 = arith.addi %mul3A_427, %add3A_472 : i32
      %lt3A = arith.constant 79 : i32
      %lt3A_474 = arith.cmpi slt, %add3A_473, %lt3A : i32
      %convert_element_type3A_475 = arith.extui %lt3A_474 : i1 to i32
      %cond3A_476 = arith.constant 0 : i32
      %cond3A_477 = arith.cmpi ne, %convert_element_type3A_475, %cond3A_476 : i32
      scf.if %cond3A_477 {
        %add3A_479 = arith.constant 2 : i32
        %add3A_480 = arith.addi %mul3A_427, %add3A_479 : i32
        %dma_start3A_481 = arith.constant 0 : i32
        %dma_start3A_482 = tpu.memref_slice %arg6[%add3A_480, %dma_start3A_481] : memref<79x128xi32, #tpu.memory_space<vmem>> -> memref<1x128xi32, #tpu.memory_space<vmem>>
        %dma_start3A_483 = tpu.memref_squeeze %dma_start3A_482 : memref<1x128xi32, #tpu.memory_space<vmem>> -> memref<128xi32, #tpu.memory_space<vmem>>
        %dma_start3A_484 = arith.constant 0 : i32
        %dma_start3A_485 = arith.constant 0 : i32
        %dma_start3A_486 = tpu.memref_slice %arg2[%dma_start3A_484, %dma_start3A_485] : memref<40000x128xf32, #tpu.memory_space<hbm>> -> memref<40000x128xf32, #tpu.memory_space<hbm>>
        tpu.enqueue_indirect_dma source(%dma_start3A_486 : memref<40000x128xf32, #tpu.memory_space<hbm>>) target(%arg8 : memref<128x128xf32, #tpu.memory_space<vmem>>) offsets(%dma_start3A_483 : memref<128xi32, #tpu.memory_space<vmem>>) semaphore(%arg12 : memref<!tpu.dma_semaphore, #tpu.memory_space<semaphore_mem>>)
      } else {
      }
      %scan3A_478 = arith.constant 0 : i32
      scf.yield %scan3A_478 : i32
    }
    %scan3A_256 = arith.constant 39 : i32
    %dma_wait3A_257 = arith.constant 78 : i32
    %dma_wait3A_258 = arith.constant 0 : i32
    %dma_wait3A_259 = tpu.memref_slice %arg6[%dma_wait3A_257, %dma_wait3A_258] : memref<79x128xi32, #tpu.memory_space<vmem>> -> memref<1x128xi32, #tpu.memory_space<vmem>>
    %dma_wait3A_260 = tpu.memref_squeeze %dma_wait3A_259 : memref<1x128xi32, #tpu.memory_space<vmem>> -> memref<128xi32, #tpu.memory_space<vmem>>
    %dma_wait3A_261 = arith.constant 0 : i32
    %dma_wait3A_262 = arith.constant 0 : i32
    %dma_wait3A_263 = tpu.memref_slice %arg2[%dma_wait3A_261, %dma_wait3A_262] : memref<40000x128xf32, #tpu.memory_space<hbm>> -> memref<40000x128xf32, #tpu.memory_space<hbm>>
    tpu.wait_indirect_dma semaphore(%arg12 : memref<!tpu.dma_semaphore, #tpu.memory_space<semaphore_mem>>) src(%dma_wait3A_263 : memref<40000x128xf32, #tpu.memory_space<hbm>>) dst(%arg8 : memref<128x128xf32, #tpu.memory_space<vmem>>)
    %dma_wait3A_264 = arith.constant 77 : i32
    %dma_wait3A_265 = arith.constant 0 : i32
    %dma_wait3A_266 = tpu.memref_slice %arg7[%dma_wait3A_264, %dma_wait3A_265] : memref<79x128xi32, #tpu.memory_space<vmem>> -> memref<1x128xi32, #tpu.memory_space<vmem>>
    %dma_wait3A_267 = tpu.memref_squeeze %dma_wait3A_266 : memref<1x128xi32, #tpu.memory_space<vmem>> -> memref<128xi32, #tpu.memory_space<vmem>>
    %dma_wait3A_268 = arith.constant 0 : i32
    %dma_wait3A_269 = arith.constant 0 : i32
    %dma_wait3A_270 = tpu.memref_slice %arg11[%dma_wait3A_268, %dma_wait3A_269] : memref<5120x128xf32, #tpu.memory_space<vmem_shared>> -> memref<5120x128xf32, #tpu.memory_space<vmem_shared>>
    tpu.wait_indirect_dma semaphore(%arg14 : memref<!tpu.dma_semaphore, #tpu.memory_space<semaphore_mem>>) src(%arg9 : memref<128x128xf32, #tpu.memory_space<vmem>>) dst(%dma_wait3A_270 : memref<5120x128xf32, #tpu.memory_space<vmem_shared>>)
    %run_scoped3A_271 = arith.constant 78 : i32
    "tpu.region"() ({
      %run_scoped3A_424 = tpu.sem_alloc : memref<!tpu.dma_semaphore, #tpu.memory_space<semaphore_mem>>
      %dma_start3A_425 = arith.constant 0 : i32
      %dma_start3A_426 = tpu.memref_slice %arg7[%run_scoped3A_271, %dma_start3A_425] : memref<79x128xi32, #tpu.memory_space<vmem>> -> memref<1x128xi32, #tpu.memory_space<vmem>>
      %dma_start3A_427 = tpu.memref_squeeze %dma_start3A_426 : memref<1x128xi32, #tpu.memory_space<vmem>> -> memref<128xi32, #tpu.memory_space<vmem>>
      %dma_start3A_428 = arith.constant 0 : i32
      %dma_start3A_429 = arith.constant 0 : i32
      %dma_start3A_430 = tpu.memref_slice %arg11[%dma_start3A_428, %dma_start3A_429] : memref<5120x128xf32, #tpu.memory_space<vmem_shared>> -> memref<5120x128xf32, #tpu.memory_space<vmem_shared>>
      tpu.enqueue_indirect_dma source(%arg8 : memref<128x128xf32, #tpu.memory_space<vmem>>) target(%dma_start3A_430 : memref<5120x128xf32, #tpu.memory_space<vmem_shared>>) offsets(%dma_start3A_427 : memref<128xi32, #tpu.memory_space<vmem>>) semaphore(%run_scoped3A_424 : memref<!tpu.dma_semaphore, #tpu.memory_space<semaphore_mem>>) {add = true}
      %dma_wait3A_431 = arith.constant 0 : i32
      %dma_wait3A_432 = tpu.memref_slice %arg7[%run_scoped3A_271, %dma_wait3A_431] : memref<79x128xi32, #tpu.memory_space<vmem>> -> memref<1x128xi32, #tpu.memory_space<vmem>>
      %dma_wait3A_433 = tpu.memref_squeeze %dma_wait3A_432 : memref<1x128xi32, #tpu.memory_space<vmem>> -> memref<128xi32, #tpu.memory_space<vmem>>
      %dma_wait3A_434 = arith.constant 0 : i32
      %dma_wait3A_435 = arith.constant 0 : i32
      %dma_wait3A_436 = tpu.memref_slice %arg11[%dma_wait3A_434, %dma_wait3A_435] : memref<5120x128xf32, #tpu.memory_space<vmem_shared>> -> memref<5120x128xf32, #tpu.memory_space<vmem_shared>>
      tpu.wait_indirect_dma semaphore(%run_scoped3A_424 : memref<!tpu.dma_semaphore, #tpu.memory_space<semaphore_mem>>) src(%arg8 : memref<128x128xf32, #tpu.memory_space<vmem>>) dst(%dma_wait3A_436 : memref<5120x128xf32, #tpu.memory_space<vmem_shared>>)
      tpu.yield
    }) : () -> ()
    %barrier3A_272 = arith.constant 0 : index
    tpu.barrier barrier_id(%barrier3A_272)
    %mul3A_273 = arith.constant 320 : i32
    %mul3A_274 = arith.muli %arg1, %mul3A_273 : i32
    %add3A_275 = arith.constant 0 : i32
    %add3A_276 = arith.addi %mul3A_274, %add3A_275 : i32
    %mul3A_277 = arith.constant 320 : i32
    %mul3A_278 = arith.muli %arg1, %mul3A_277 : i32
    %add3A_279 = arith.constant 0 : i32
    %add3A_280 = arith.addi %mul3A_278, %add3A_279 : i32
    %run_scoped3A_281 = arith.constant 2 : i32
    "tpu.region"() ({
      %run_scoped3A_424 = tpu.sem_alloc : memref<!tpu.dma_semaphore, #tpu.memory_space<semaphore_mem>>
      %dma_start3A_425 = arith.constant 0 : i32
      %dma_start3A_426 = tpu.memref_slice %arg5[%run_scoped3A_281, %arg0, %add3A_280, %dma_start3A_425] : memref<4x2x5120x128xf32, #tpu.memory_space<hbm>> -> memref<1x1x64x128xf32, #tpu.memory_space<hbm>>
      %dma_start3A_427 = tpu.memref_squeeze %dma_start3A_426 : memref<1x1x64x128xf32, #tpu.memory_space<hbm>> -> memref<64x128xf32, #tpu.memory_space<hbm>>
      %dma_start3A_428 = arith.constant 0 : i32
      %dma_start3A_429 = tpu.memref_slice %arg11[%add3A_276, %dma_start3A_428] : memref<5120x128xf32, #tpu.memory_space<vmem_shared>> -> memref<64x128xf32, #tpu.memory_space<vmem_shared>>
      tpu.enqueue_dma source(%dma_start3A_429 : memref<64x128xf32, #tpu.memory_space<vmem_shared>>) target(%dma_start3A_427 : memref<64x128xf32, #tpu.memory_space<hbm>>) target_semaphore(%run_scoped3A_424 : memref<!tpu.dma_semaphore, #tpu.memory_space<semaphore_mem>>)
      %dma_wait3A_430 = arith.constant 0 : i32
      %dma_wait3A_431 = tpu.memref_slice %arg5[%run_scoped3A_281, %arg0, %add3A_280, %dma_wait3A_430] : memref<4x2x5120x128xf32, #tpu.memory_space<hbm>> -> memref<1x1x64x128xf32, #tpu.memory_space<hbm>>
      %dma_wait3A_432 = tpu.memref_squeeze %dma_wait3A_431 : memref<1x1x64x128xf32, #tpu.memory_space<hbm>> -> memref<64x128xf32, #tpu.memory_space<hbm>>
      %dma_wait3A_433 = arith.constant 0 : i32
      %dma_wait3A_434 = tpu.memref_slice %arg11[%add3A_276, %dma_wait3A_433] : memref<5120x128xf32, #tpu.memory_space<vmem_shared>> -> memref<64x128xf32, #tpu.memory_space<vmem_shared>>
      tpu.wait_dma2 semaphore(%run_scoped3A_424 : memref<!tpu.dma_semaphore, #tpu.memory_space<semaphore_mem>>) src(%dma_wait3A_434 : memref<64x128xf32, #tpu.memory_space<vmem_shared>>) dst(%dma_wait3A_432 : memref<64x128xf32, #tpu.memory_space<hbm>>)
      tpu.yield
    }) : () -> ()
    %mul3A_282 = arith.constant 320 : i32
    %mul3A_283 = arith.muli %arg1, %mul3A_282 : i32
    %add3A_284 = arith.constant 64 : i32
    %add3A_285 = arith.addi %mul3A_283, %add3A_284 : i32
    %mul3A_286 = arith.constant 320 : i32
    %mul3A_287 = arith.muli %arg1, %mul3A_286 : i32
    %add3A_288 = arith.constant 64 : i32
    %add3A_289 = arith.addi %mul3A_287, %add3A_288 : i32
    %run_scoped3A_290 = arith.constant 2 : i32
    "tpu.region"() ({
      %run_scoped3A_424 = tpu.sem_alloc : memref<!tpu.dma_semaphore, #tpu.memory_space<semaphore_mem>>
      %dma_start3A_425 = arith.constant 0 : i32
      %dma_start3A_426 = tpu.memref_slice %arg5[%run_scoped3A_290, %arg0, %add3A_289, %dma_start3A_425] : memref<4x2x5120x128xf32, #tpu.memory_space<hbm>> -> memref<1x1x64x128xf32, #tpu.memory_space<hbm>>
      %dma_start3A_427 = tpu.memref_squeeze %dma_start3A_426 : memref<1x1x64x128xf32, #tpu.memory_space<hbm>> -> memref<64x128xf32, #tpu.memory_space<hbm>>
      %dma_start3A_428 = arith.constant 0 : i32
      %dma_start3A_429 = tpu.memref_slice %arg11[%add3A_285, %dma_start3A_428] : memref<5120x128xf32, #tpu.memory_space<vmem_shared>> -> memref<64x128xf32, #tpu.memory_space<vmem_shared>>
      tpu.enqueue_dma source(%dma_start3A_429 : memref<64x128xf32, #tpu.memory_space<vmem_shared>>) target(%dma_start3A_427 : memref<64x128xf32, #tpu.memory_space<hbm>>) target_semaphore(%run_scoped3A_424 : memref<!tpu.dma_semaphore, #tpu.memory_space<semaphore_mem>>)
      %dma_wait3A_430 = arith.constant 0 : i32
      %dma_wait3A_431 = tpu.memref_slice %arg5[%run_scoped3A_290, %arg0, %add3A_289, %dma_wait3A_430] : memref<4x2x5120x128xf32, #tpu.memory_space<hbm>> -> memref<1x1x64x128xf32, #tpu.memory_space<hbm>>
      %dma_wait3A_432 = tpu.memref_squeeze %dma_wait3A_431 : memref<1x1x64x128xf32, #tpu.memory_space<hbm>> -> memref<64x128xf32, #tpu.memory_space<hbm>>
      %dma_wait3A_433 = arith.constant 0 : i32
      %dma_wait3A_434 = tpu.memref_slice %arg11[%add3A_285, %dma_wait3A_433] : memref<5120x128xf32, #tpu.memory_space<vmem_shared>> -> memref<64x128xf32, #tpu.memory_space<vmem_shared>>
      tpu.wait_dma2 semaphore(%run_scoped3A_424 : memref<!tpu.dma_semaphore, #tpu.memory_space<semaphore_mem>>) src(%dma_wait3A_434 : memref<64x128xf32, #tpu.memory_space<vmem_shared>>) dst(%dma_wait3A_432 : memref<64x128xf32, #tpu.memory_space<hbm>>)
      tpu.yield
    }) : () -> ()
    %mul3A_291 = arith.constant 320 : i32
    %mul3A_292 = arith.muli %arg1, %mul3A_291 : i32
    %add3A_293 = arith.constant 128 : i32
    %add3A_294 = arith.addi %mul3A_292, %add3A_293 : i32
    %mul3A_295 = arith.constant 320 : i32
    %mul3A_296 = arith.muli %arg1, %mul3A_295 : i32
    %add3A_297 = arith.constant 128 : i32
    %add3A_298 = arith.addi %mul3A_296, %add3A_297 : i32
    %run_scoped3A_299 = arith.constant 2 : i32
    "tpu.region"() ({
      %run_scoped3A_424 = tpu.sem_alloc : memref<!tpu.dma_semaphore, #tpu.memory_space<semaphore_mem>>
      %dma_start3A_425 = arith.constant 0 : i32
      %dma_start3A_426 = tpu.memref_slice %arg5[%run_scoped3A_299, %arg0, %add3A_298, %dma_start3A_425] : memref<4x2x5120x128xf32, #tpu.memory_space<hbm>> -> memref<1x1x64x128xf32, #tpu.memory_space<hbm>>
      %dma_start3A_427 = tpu.memref_squeeze %dma_start3A_426 : memref<1x1x64x128xf32, #tpu.memory_space<hbm>> -> memref<64x128xf32, #tpu.memory_space<hbm>>
      %dma_start3A_428 = arith.constant 0 : i32
      %dma_start3A_429 = tpu.memref_slice %arg11[%add3A_294, %dma_start3A_428] : memref<5120x128xf32, #tpu.memory_space<vmem_shared>> -> memref<64x128xf32, #tpu.memory_space<vmem_shared>>
      tpu.enqueue_dma source(%dma_start3A_429 : memref<64x128xf32, #tpu.memory_space<vmem_shared>>) target(%dma_start3A_427 : memref<64x128xf32, #tpu.memory_space<hbm>>) target_semaphore(%run_scoped3A_424 : memref<!tpu.dma_semaphore, #tpu.memory_space<semaphore_mem>>)
      %dma_wait3A_430 = arith.constant 0 : i32
      %dma_wait3A_431 = tpu.memref_slice %arg5[%run_scoped3A_299, %arg0, %add3A_298, %dma_wait3A_430] : memref<4x2x5120x128xf32, #tpu.memory_space<hbm>> -> memref<1x1x64x128xf32, #tpu.memory_space<hbm>>
      %dma_wait3A_432 = tpu.memref_squeeze %dma_wait3A_431 : memref<1x1x64x128xf32, #tpu.memory_space<hbm>> -> memref<64x128xf32, #tpu.memory_space<hbm>>
      %dma_wait3A_433 = arith.constant 0 : i32
      %dma_wait3A_434 = tpu.memref_slice %arg11[%add3A_294, %dma_wait3A_433] : memref<5120x128xf32, #tpu.memory_space<vmem_shared>> -> memref<64x128xf32, #tpu.memory_space<vmem_shared>>
      tpu.wait_dma2 semaphore(%run_scoped3A_424 : memref<!tpu.dma_semaphore, #tpu.memory_space<semaphore_mem>>) src(%dma_wait3A_434 : memref<64x128xf32, #tpu.memory_space<vmem_shared>>) dst(%dma_wait3A_432 : memref<64x128xf32, #tpu.memory_space<hbm>>)
      tpu.yield
    }) : () -> ()
    %mul3A_300 = arith.constant 320 : i32
    %mul3A_301 = arith.muli %arg1, %mul3A_300 : i32
    %add3A_302 = arith.constant 192 : i32
    %add3A_303 = arith.addi %mul3A_301, %add3A_302 : i32
    %mul3A_304 = arith.constant 320 : i32
    %mul3A_305 = arith.muli %arg1, %mul3A_304 : i32
    %add3A_306 = arith.constant 192 : i32
    %add3A_307 = arith.addi %mul3A_305, %add3A_306 : i32
    %run_scoped3A_308 = arith.constant 2 : i32
    "tpu.region"() ({
      %run_scoped3A_424 = tpu.sem_alloc : memref<!tpu.dma_semaphore, #tpu.memory_space<semaphore_mem>>
      %dma_start3A_425 = arith.constant 0 : i32
      %dma_start3A_426 = tpu.memref_slice %arg5[%run_scoped3A_308, %arg0, %add3A_307, %dma_start3A_425] : memref<4x2x5120x128xf32, #tpu.memory_space<hbm>> -> memref<1x1x64x128xf32, #tpu.memory_space<hbm>>
      %dma_start3A_427 = tpu.memref_squeeze %dma_start3A_426 : memref<1x1x64x128xf32, #tpu.memory_space<hbm>> -> memref<64x128xf32, #tpu.memory_space<hbm>>
      %dma_start3A_428 = arith.constant 0 : i32
      %dma_start3A_429 = tpu.memref_slice %arg11[%add3A_303, %dma_start3A_428] : memref<5120x128xf32, #tpu.memory_space<vmem_shared>> -> memref<64x128xf32, #tpu.memory_space<vmem_shared>>
      tpu.enqueue_dma source(%dma_start3A_429 : memref<64x128xf32, #tpu.memory_space<vmem_shared>>) target(%dma_start3A_427 : memref<64x128xf32, #tpu.memory_space<hbm>>) target_semaphore(%run_scoped3A_424 : memref<!tpu.dma_semaphore, #tpu.memory_space<semaphore_mem>>)
      %dma_wait3A_430 = arith.constant 0 : i32
      %dma_wait3A_431 = tpu.memref_slice %arg5[%run_scoped3A_308, %arg0, %add3A_307, %dma_wait3A_430] : memref<4x2x5120x128xf32, #tpu.memory_space<hbm>> -> memref<1x1x64x128xf32, #tpu.memory_space<hbm>>
      %dma_wait3A_432 = tpu.memref_squeeze %dma_wait3A_431 : memref<1x1x64x128xf32, #tpu.memory_space<hbm>> -> memref<64x128xf32, #tpu.memory_space<hbm>>
      %dma_wait3A_433 = arith.constant 0 : i32
      %dma_wait3A_434 = tpu.memref_slice %arg11[%add3A_303, %dma_wait3A_433] : memref<5120x128xf32, #tpu.memory_space<vmem_shared>> -> memref<64x128xf32, #tpu.memory_space<vmem_shared>>
      tpu.wait_dma2 semaphore(%run_scoped3A_424 : memref<!tpu.dma_semaphore, #tpu.memory_space<semaphore_mem>>) src(%dma_wait3A_434 : memref<64x128xf32, #tpu.memory_space<vmem_shared>>) dst(%dma_wait3A_432 : memref<64x128xf32, #tpu.memory_space<hbm>>)
      tpu.yield
    }) : () -> ()
    %mul3A_309 = arith.constant 320 : i32
    %mul3A_310 = arith.muli %arg1, %mul3A_309 : i32
    %add3A_311 = arith.constant 256 : i32
    %add3A_312 = arith.addi %mul3A_310, %add3A_311 : i32
    %mul3A_313 = arith.constant 320 : i32
    %mul3A_314 = arith.muli %arg1, %mul3A_313 : i32
    %add3A_315 = arith.constant 256 : i32
    %add3A_316 = arith.addi %mul3A_314, %add3A_315 : i32
    %run_scoped3A_317 = arith.constant 2 : i32
    "tpu.region"() ({
      %run_scoped3A_424 = tpu.sem_alloc : memref<!tpu.dma_semaphore, #tpu.memory_space<semaphore_mem>>
      %dma_start3A_425 = arith.constant 0 : i32
      %dma_start3A_426 = tpu.memref_slice %arg5[%run_scoped3A_317, %arg0, %add3A_316, %dma_start3A_425] : memref<4x2x5120x128xf32, #tpu.memory_space<hbm>> -> memref<1x1x64x128xf32, #tpu.memory_space<hbm>>
      %dma_start3A_427 = tpu.memref_squeeze %dma_start3A_426 : memref<1x1x64x128xf32, #tpu.memory_space<hbm>> -> memref<64x128xf32, #tpu.memory_space<hbm>>
      %dma_start3A_428 = arith.constant 0 : i32
      %dma_start3A_429 = tpu.memref_slice %arg11[%add3A_312, %dma_start3A_428] : memref<5120x128xf32, #tpu.memory_space<vmem_shared>> -> memref<64x128xf32, #tpu.memory_space<vmem_shared>>
      tpu.enqueue_dma source(%dma_start3A_429 : memref<64x128xf32, #tpu.memory_space<vmem_shared>>) target(%dma_start3A_427 : memref<64x128xf32, #tpu.memory_space<hbm>>) target_semaphore(%run_scoped3A_424 : memref<!tpu.dma_semaphore, #tpu.memory_space<semaphore_mem>>)
      %dma_wait3A_430 = arith.constant 0 : i32
      %dma_wait3A_431 = tpu.memref_slice %arg5[%run_scoped3A_317, %arg0, %add3A_316, %dma_wait3A_430] : memref<4x2x5120x128xf32, #tpu.memory_space<hbm>> -> memref<1x1x64x128xf32, #tpu.memory_space<hbm>>
      %dma_wait3A_432 = tpu.memref_squeeze %dma_wait3A_431 : memref<1x1x64x128xf32, #tpu.memory_space<hbm>> -> memref<64x128xf32, #tpu.memory_space<hbm>>
      %dma_wait3A_433 = arith.constant 0 : i32
      %dma_wait3A_434 = tpu.memref_slice %arg11[%add3A_312, %dma_wait3A_433] : memref<5120x128xf32, #tpu.memory_space<vmem_shared>> -> memref<64x128xf32, #tpu.memory_space<vmem_shared>>
      tpu.wait_dma2 semaphore(%run_scoped3A_424 : memref<!tpu.dma_semaphore, #tpu.memory_space<semaphore_mem>>) src(%dma_wait3A_434 : memref<64x128xf32, #tpu.memory_space<vmem_shared>>) dst(%dma_wait3A_432 : memref<64x128xf32, #tpu.memory_space<hbm>>)
      tpu.yield
    }) : () -> ()
    %barrier3A_318 = arith.constant 0 : index
    tpu.barrier barrier_id(%barrier3A_318)
    "tpu.region"() ({
      %run_scoped3A_424 = tpu.sem_alloc : memref<!tpu.dma_semaphore, #tpu.memory_space<semaphore_mem>>
      %dma_start3A_425 = arith.constant 0 : i32
      %dma_start3A_426 = arith.constant 0 : i32
      %dma_start3A_427 = tpu.memref_slice %arg3[%arg1, %dma_start3A_425, %dma_start3A_426] : memref<16x79x128xi32, #tpu.memory_space<hbm>> -> memref<1x79x128xi32, #tpu.memory_space<hbm>>
      %dma_start3A_428 = tpu.memref_squeeze %dma_start3A_427 : memref<1x79x128xi32, #tpu.memory_space<hbm>> -> memref<79x128xi32, #tpu.memory_space<hbm>>
      %dma_start3A_429 = arith.constant 0 : i32
      %dma_start3A_430 = arith.constant 0 : i32
      %dma_start3A_431 = tpu.memref_slice %arg3[%arg1, %dma_start3A_429, %dma_start3A_430] : memref<16x79x128xi32, #tpu.memory_space<hbm>> -> memref<1x79x128xi32, #tpu.memory_space<hbm>>
      %dma_start3A_432 = tpu.memref_squeeze %dma_start3A_431 : memref<1x79x128xi32, #tpu.memory_space<hbm>> -> memref<79x128xi32, #tpu.memory_space<hbm>>
      tpu.enqueue_dma source(%dma_start3A_432 : memref<79x128xi32, #tpu.memory_space<hbm>>) target(%arg6 : memref<79x128xi32, #tpu.memory_space<vmem>>) target_semaphore(%run_scoped3A_424 : memref<!tpu.dma_semaphore, #tpu.memory_space<semaphore_mem>>)
      %dma_wait3A_433 = arith.constant 0 : i32
      %dma_wait3A_434 = arith.constant 0 : i32
      %dma_wait3A_435 = tpu.memref_slice %arg3[%arg1, %dma_wait3A_433, %dma_wait3A_434] : memref<16x79x128xi32, #tpu.memory_space<hbm>> -> memref<1x79x128xi32, #tpu.memory_space<hbm>>
      %dma_wait3A_436 = tpu.memref_squeeze %dma_wait3A_435 : memref<1x79x128xi32, #tpu.memory_space<hbm>> -> memref<79x128xi32, #tpu.memory_space<hbm>>
      %dma_wait3A_437 = arith.constant 0 : i32
      %dma_wait3A_438 = arith.constant 0 : i32
      %dma_wait3A_439 = tpu.memref_slice %arg3[%arg1, %dma_wait3A_437, %dma_wait3A_438] : memref<16x79x128xi32, #tpu.memory_space<hbm>> -> memref<1x79x128xi32, #tpu.memory_space<hbm>>
      %dma_wait3A_440 = tpu.memref_squeeze %dma_wait3A_439 : memref<1x79x128xi32, #tpu.memory_space<hbm>> -> memref<79x128xi32, #tpu.memory_space<hbm>>
      tpu.wait_dma2 semaphore(%run_scoped3A_424 : memref<!tpu.dma_semaphore, #tpu.memory_space<semaphore_mem>>) src(%dma_wait3A_440 : memref<79x128xi32, #tpu.memory_space<hbm>>) dst(%arg6 : memref<79x128xi32, #tpu.memory_space<vmem>>)
      tpu.yield
    }) : () -> ()
    %scan3A_319 = arith.constant 30000 : i32
    %scan3A_320 = arith.constant 0 : i32
    %scan3A_321 = arith.constant 0 : i32
    %scan3A_322 = arith.constant 79 : i32
    %scan3A_323 = arith.addi %scan3A_321, %scan3A_322 : i32
    %scan3A_324 = arith.constant 1 : i32
    %scan3A_325 = scf.for %scan3A_424 = %scan3A_321 to %scan3A_323 step %scan3A_324 iter_args(%scan3A_425 = %scan3A_320) -> (i32)  : i32 {
      %get3A = arith.index_cast %scan3A_424 : i32 to index
      %get3A_426 = arith.constant 0 : index
      %get3A_427 = tpu.vector_load %arg6[%get3A, %get3A_426] {strides = array<i32>} : memref<79x128xi32, #tpu.memory_space<vmem>>, vector<1x16xi32>,
      %get3A_428 = vector.shape_cast %get3A_427 : vector<1x16xi32> to vector<16xi32>
      %add3A_429 = vector.broadcast %scan3A_319 : i32 to vector<16xi32>
      %add3A_430 = arith.addi %get3A_428, %add3A_429 : vector<16xi32>
      %swap3A = arith.index_cast %scan3A_424 : i32 to index
      %swap3A_431 = arith.constant 0 : index
      %swap3A_432 = tpu.vector_load %arg6[%swap3A, %swap3A_431] {strides = array<i32>} : memref<79x128xi32, #tpu.memory_space<vmem>>, vector<1x16xi32>,
      %swap3A_433 = vector.shape_cast %swap3A_432 : vector<1x16xi32> to vector<16xi32>
      %swap3A_434 = vector.shape_cast %add3A_430 : vector<16xi32> to vector<1x16xi32>
      tpu.vector_store %arg6[%swap3A, %swap3A_431], %swap3A_434 {strides = array<i32>} : memref<79x128xi32, #tpu.memory_space<vmem>>, vector<1x16xi32>,
      %get3A_435 = arith.index_cast %scan3A_424 : i32 to index
      %get3A_436 = arith.constant 16 : index
      %get3A_437 = tpu.vector_load %arg6[%get3A_435, %get3A_436] {strides = array<i32>} : memref<79x128xi32, #tpu.memory_space<vmem>>, vector<1x16xi32>,
      %get3A_438 = vector.shape_cast %get3A_437 : vector<1x16xi32> to vector<16xi32>
      %add3A_439 = vector.broadcast %scan3A_319 : i32 to vector<16xi32>
      %add3A_440 = arith.addi %get3A_438, %add3A_439 : vector<16xi32>
      %swap3A_441 = arith.index_cast %scan3A_424 : i32 to index
      %swap3A_442 = arith.constant 16 : index
      %swap3A_443 = tpu.vector_load %arg6[%swap3A_441, %swap3A_442] {strides = array<i32>} : memref<79x128xi32, #tpu.memory_space<vmem>>, vector<1x16xi32>,
      %swap3A_444 = vector.shape_cast %swap3A_443 : vector<1x16xi32> to vector<16xi32>
      %swap3A_445 = vector.shape_cast %add3A_440 : vector<16xi32> to vector<1x16xi32>
      tpu.vector_store %arg6[%swap3A_441, %swap3A_442], %swap3A_445 {strides = array<i32>} : memref<79x128xi32, #tpu.memory_space<vmem>>, vector<1x16xi32>,
      %get3A_446 = arith.index_cast %scan3A_424 : i32 to index
      %get3A_447 = arith.constant 32 : index
      %get3A_448 = tpu.vector_load %arg6[%get3A_446, %get3A_447] {strides = array<i32>} : memref<79x128xi32, #tpu.memory_space<vmem>>, vector<1x16xi32>,
      %get3A_449 = vector.shape_cast %get3A_448 : vector<1x16xi32> to vector<16xi32>
      %add3A_450 = vector.broadcast %scan3A_319 : i32 to vector<16xi32>
      %add3A_451 = arith.addi %get3A_449, %add3A_450 : vector<16xi32>
      %swap3A_452 = arith.index_cast %scan3A_424 : i32 to index
      %swap3A_453 = arith.constant 32 : index
      %swap3A_454 = tpu.vector_load %arg6[%swap3A_452, %swap3A_453] {strides = array<i32>} : memref<79x128xi32, #tpu.memory_space<vmem>>, vector<1x16xi32>,
      %swap3A_455 = vector.shape_cast %swap3A_454 : vector<1x16xi32> to vector<16xi32>
      %swap3A_456 = vector.shape_cast %add3A_451 : vector<16xi32> to vector<1x16xi32>
      tpu.vector_store %arg6[%swap3A_452, %swap3A_453], %swap3A_456 {strides = array<i32>} : memref<79x128xi32, #tpu.memory_space<vmem>>, vector<1x16xi32>,
      %get3A_457 = arith.index_cast %scan3A_424 : i32 to index
      %get3A_458 = arith.constant 48 : index
      %get3A_459 = tpu.vector_load %arg6[%get3A_457, %get3A_458] {strides = array<i32>} : memref<79x128xi32, #tpu.memory_space<vmem>>, vector<1x16xi32>,
      %get3A_460 = vector.shape_cast %get3A_459 : vector<1x16xi32> to vector<16xi32>
      %add3A_461 = vector.broadcast %scan3A_319 : i32 to vector<16xi32>
      %add3A_462 = arith.addi %get3A_460, %add3A_461 : vector<16xi32>
      %swap3A_463 = arith.index_cast %scan3A_424 : i32 to index
      %swap3A_464 = arith.constant 48 : index
      %swap3A_465 = tpu.vector_load %arg6[%swap3A_463, %swap3A_464] {strides = array<i32>} : memref<79x128xi32, #tpu.memory_space<vmem>>, vector<1x16xi32>,
      %swap3A_466 = vector.shape_cast %swap3A_465 : vector<1x16xi32> to vector<16xi32>
      %swap3A_467 = vector.shape_cast %add3A_462 : vector<16xi32> to vector<1x16xi32>
      tpu.vector_store %arg6[%swap3A_463, %swap3A_464], %swap3A_467 {strides = array<i32>} : memref<79x128xi32, #tpu.memory_space<vmem>>, vector<1x16xi32>,
      %get3A_468 = arith.index_cast %scan3A_424 : i32 to index
      %get3A_469 = arith.constant 64 : index
      %get3A_470 = tpu.vector_load %arg6[%get3A_468, %get3A_469] {strides = array<i32>} : memref<79x128xi32, #tpu.memory_space<vmem>>, vector<1x16xi32>,
      %get3A_471 = vector.shape_cast %get3A_470 : vector<1x16xi32> to vector<16xi32>
      %add3A_472 = vector.broadcast %scan3A_319 : i32 to vector<16xi32>
      %add3A_473 = arith.addi %get3A_471, %add3A_472 : vector<16xi32>
      %swap3A_474 = arith.index_cast %scan3A_424 : i32 to index
      %swap3A_475 = arith.constant 64 : index
      %swap3A_476 = tpu.vector_load %arg6[%swap3A_474, %swap3A_475] {strides = array<i32>} : memref<79x128xi32, #tpu.memory_space<vmem>>, vector<1x16xi32>,
      %swap3A_477 = vector.shape_cast %swap3A_476 : vector<1x16xi32> to vector<16xi32>
      %swap3A_478 = vector.shape_cast %add3A_473 : vector<16xi32> to vector<1x16xi32>
      tpu.vector_store %arg6[%swap3A_474, %swap3A_475], %swap3A_478 {strides = array<i32>} : memref<79x128xi32, #tpu.memory_space<vmem>>, vector<1x16xi32>,
      %get3A_479 = arith.index_cast %scan3A_424 : i32 to index
      %get3A_480 = arith.constant 80 : index
      %get3A_481 = tpu.vector_load %arg6[%get3A_479, %get3A_480] {strides = array<i32>} : memref<79x128xi32, #tpu.memory_space<vmem>>, vector<1x16xi32>,
      %get3A_482 = vector.shape_cast %get3A_481 : vector<1x16xi32> to vector<16xi32>
      %add3A_483 = vector.broadcast %scan3A_319 : i32 to vector<16xi32>
      %add3A_484 = arith.addi %get3A_482, %add3A_483 : vector<16xi32>
      %swap3A_485 = arith.index_cast %scan3A_424 : i32 to index
      %swap3A_486 = arith.constant 80 : index
      %swap3A_487 = tpu.vector_load %arg6[%swap3A_485, %swap3A_486] {strides = array<i32>} : memref<79x128xi32, #tpu.memory_space<vmem>>, vector<1x16xi32>,
      %swap3A_488 = vector.shape_cast %swap3A_487 : vector<1x16xi32> to vector<16xi32>
      %swap3A_489 = vector.shape_cast %add3A_484 : vector<16xi32> to vector<1x16xi32>
      tpu.vector_store %arg6[%swap3A_485, %swap3A_486], %swap3A_489 {strides = array<i32>} : memref<79x128xi32, #tpu.memory_space<vmem>>, vector<1x16xi32>,
      %get3A_490 = arith.index_cast %scan3A_424 : i32 to index
      %get3A_491 = arith.constant 96 : index
      %get3A_492 = tpu.vector_load %arg6[%get3A_490, %get3A_491] {strides = array<i32>} : memref<79x128xi32, #tpu.memory_space<vmem>>, vector<1x16xi32>,
      %get3A_493 = vector.shape_cast %get3A_492 : vector<1x16xi32> to vector<16xi32>
      %add3A_494 = vector.broadcast %scan3A_319 : i32 to vector<16xi32>
      %add3A_495 = arith.addi %get3A_493, %add3A_494 : vector<16xi32>
      %swap3A_496 = arith.index_cast %scan3A_424 : i32 to index
      %swap3A_497 = arith.constant 96 : index
      %swap3A_498 = tpu.vector_load %arg6[%swap3A_496, %swap3A_497] {strides = array<i32>} : memref<79x128xi32, #tpu.memory_space<vmem>>, vector<1x16xi32>,
      %swap3A_499 = vector.shape_cast %swap3A_498 : vector<1x16xi32> to vector<16xi32>
      %swap3A_500 = vector.shape_cast %add3A_495 : vector<16xi32> to vector<1x16xi32>
      tpu.vector_store %arg6[%swap3A_496, %swap3A_497], %swap3A_500 {strides = array<i32>} : memref<79x128xi32, #tpu.memory_space<vmem>>, vector<1x16xi32>,
      %get3A_501 = arith.index_cast %scan3A_424 : i32 to index
      %get3A_502 = arith.constant 112 : index
      %get3A_503 = tpu.vector_load %arg6[%get3A_501, %get3A_502] {strides = array<i32>} : memref<79x128xi32, #tpu.memory_space<vmem>>, vector<1x16xi32>,
      %get3A_504 = vector.shape_cast %get3A_503 : vector<1x16xi32> to vector<16xi32>
      %add3A_505 = vector.broadcast %scan3A_319 : i32 to vector<16xi32>
      %add3A_506 = arith.addi %get3A_504, %add3A_505 : vector<16xi32>
      %swap3A_507 = arith.index_cast %scan3A_424 : i32 to index
      %swap3A_508 = arith.constant 112 : index
      %swap3A_509 = tpu.vector_load %arg6[%swap3A_507, %swap3A_508] {strides = array<i32>} : memref<79x128xi32, #tpu.memory_space<vmem>>, vector<1x16xi32>,
      %swap3A_510 = vector.shape_cast %swap3A_509 : vector<1x16xi32> to vector<16xi32>
      %swap3A_511 = vector.shape_cast %add3A_506 : vector<16xi32> to vector<1x16xi32>
      tpu.vector_store %arg6[%swap3A_507, %swap3A_508], %swap3A_511 {strides = array<i32>} : memref<79x128xi32, #tpu.memory_space<vmem>>, vector<1x16xi32>,
      %scan3A_512 = arith.constant 0 : i32
      scf.yield %scan3A_512 : i32
    }
    %scan3A_326 = arith.constant 79 : i32
    %mul3A_327 = arith.constant 320 : i32
    %mul3A_328 = arith.muli %arg1, %mul3A_327 : i32
    %add3A_329 = arith.constant 0 : i32
    %add3A_330 = arith.addi %mul3A_328, %add3A_329 : i32
    "tpu.region"() ({
      %run_scoped3A_424 = tpu.sem_alloc : memref<!tpu.dma_semaphore, #tpu.memory_space<semaphore_mem>>
      %dma_start3A_425 = arith.constant 0 : i32
      %dma_start3A_426 = tpu.memref_slice %arg11[%add3A_330, %dma_start3A_425] : memref<5120x128xf32, #tpu.memory_space<vmem_shared>> -> memref<64x128xf32, #tpu.memory_space<vmem_shared>>
      %dma_start3A_427 = arith.constant 0 : i32
      %dma_start3A_428 = tpu.memref_slice %arg11[%add3A_330, %dma_start3A_427] : memref<5120x128xf32, #tpu.memory_space<vmem_shared>> -> memref<64x128xf32, #tpu.memory_space<vmem_shared>>
      tpu.enqueue_dma source(%arg10 : memref<64x128xf32, #tpu.memory_space<vmem>>) target(%dma_start3A_428 : memref<64x128xf32, #tpu.memory_space<vmem_shared>>) target_semaphore(%run_scoped3A_424 : memref<!tpu.dma_semaphore, #tpu.memory_space<semaphore_mem>>)
      %dma_wait3A_429 = arith.constant 0 : i32
      %dma_wait3A_430 = tpu.memref_slice %arg11[%add3A_330, %dma_wait3A_429] : memref<5120x128xf32, #tpu.memory_space<vmem_shared>> -> memref<64x128xf32, #tpu.memory_space<vmem_shared>>
      %dma_wait3A_431 = arith.constant 0 : i32
      %dma_wait3A_432 = tpu.memref_slice %arg11[%add3A_330, %dma_wait3A_431] : memref<5120x128xf32, #tpu.memory_space<vmem_shared>> -> memref<64x128xf32, #tpu.memory_space<vmem_shared>>
      tpu.wait_dma2 semaphore(%run_scoped3A_424 : memref<!tpu.dma_semaphore, #tpu.memory_space<semaphore_mem>>) src(%arg10 : memref<64x128xf32, #tpu.memory_space<vmem>>) dst(%dma_wait3A_432 : memref<64x128xf32, #tpu.memory_space<vmem_shared>>)
      tpu.yield
    }) : () -> ()
    %mul3A_331 = arith.constant 320 : i32
    %mul3A_332 = arith.muli %arg1, %mul3A_331 : i32
    %add3A_333 = arith.constant 64 : i32
    %add3A_334 = arith.addi %mul3A_332, %add3A_333 : i32
    "tpu.region"() ({
      %run_scoped3A_424 = tpu.sem_alloc : memref<!tpu.dma_semaphore, #tpu.memory_space<semaphore_mem>>
      %dma_start3A_425 = arith.constant 0 : i32
      %dma_start3A_426 = tpu.memref_slice %arg11[%add3A_334, %dma_start3A_425] : memref<5120x128xf32, #tpu.memory_space<vmem_shared>> -> memref<64x128xf32, #tpu.memory_space<vmem_shared>>
      %dma_start3A_427 = arith.constant 0 : i32
      %dma_start3A_428 = tpu.memref_slice %arg11[%add3A_334, %dma_start3A_427] : memref<5120x128xf32, #tpu.memory_space<vmem_shared>> -> memref<64x128xf32, #tpu.memory_space<vmem_shared>>
      tpu.enqueue_dma source(%arg10 : memref<64x128xf32, #tpu.memory_space<vmem>>) target(%dma_start3A_428 : memref<64x128xf32, #tpu.memory_space<vmem_shared>>) target_semaphore(%run_scoped3A_424 : memref<!tpu.dma_semaphore, #tpu.memory_space<semaphore_mem>>)
      %dma_wait3A_429 = arith.constant 0 : i32
      %dma_wait3A_430 = tpu.memref_slice %arg11[%add3A_334, %dma_wait3A_429] : memref<5120x128xf32, #tpu.memory_space<vmem_shared>> -> memref<64x128xf32, #tpu.memory_space<vmem_shared>>
      %dma_wait3A_431 = arith.constant 0 : i32
      %dma_wait3A_432 = tpu.memref_slice %arg11[%add3A_334, %dma_wait3A_431] : memref<5120x128xf32, #tpu.memory_space<vmem_shared>> -> memref<64x128xf32, #tpu.memory_space<vmem_shared>>
      tpu.wait_dma2 semaphore(%run_scoped3A_424 : memref<!tpu.dma_semaphore, #tpu.memory_space<semaphore_mem>>) src(%arg10 : memref<64x128xf32, #tpu.memory_space<vmem>>) dst(%dma_wait3A_432 : memref<64x128xf32, #tpu.memory_space<vmem_shared>>)
      tpu.yield
    }) : () -> ()
    %mul3A_335 = arith.constant 320 : i32
    %mul3A_336 = arith.muli %arg1, %mul3A_335 : i32
    %add3A_337 = arith.constant 128 : i32
    %add3A_338 = arith.addi %mul3A_336, %add3A_337 : i32
    "tpu.region"() ({
      %run_scoped3A_424 = tpu.sem_alloc : memref<!tpu.dma_semaphore, #tpu.memory_space<semaphore_mem>>
      %dma_start3A_425 = arith.constant 0 : i32
      %dma_start3A_426 = tpu.memref_slice %arg11[%add3A_338, %dma_start3A_425] : memref<5120x128xf32, #tpu.memory_space<vmem_shared>> -> memref<64x128xf32, #tpu.memory_space<vmem_shared>>
      %dma_start3A_427 = arith.constant 0 : i32
      %dma_start3A_428 = tpu.memref_slice %arg11[%add3A_338, %dma_start3A_427] : memref<5120x128xf32, #tpu.memory_space<vmem_shared>> -> memref<64x128xf32, #tpu.memory_space<vmem_shared>>
      tpu.enqueue_dma source(%arg10 : memref<64x128xf32, #tpu.memory_space<vmem>>) target(%dma_start3A_428 : memref<64x128xf32, #tpu.memory_space<vmem_shared>>) target_semaphore(%run_scoped3A_424 : memref<!tpu.dma_semaphore, #tpu.memory_space<semaphore_mem>>)
      %dma_wait3A_429 = arith.constant 0 : i32
      %dma_wait3A_430 = tpu.memref_slice %arg11[%add3A_338, %dma_wait3A_429] : memref<5120x128xf32, #tpu.memory_space<vmem_shared>> -> memref<64x128xf32, #tpu.memory_space<vmem_shared>>
      %dma_wait3A_431 = arith.constant 0 : i32
      %dma_wait3A_432 = tpu.memref_slice %arg11[%add3A_338, %dma_wait3A_431] : memref<5120x128xf32, #tpu.memory_space<vmem_shared>> -> memref<64x128xf32, #tpu.memory_space<vmem_shared>>
      tpu.wait_dma2 semaphore(%run_scoped3A_424 : memref<!tpu.dma_semaphore, #tpu.memory_space<semaphore_mem>>) src(%arg10 : memref<64x128xf32, #tpu.memory_space<vmem>>) dst(%dma_wait3A_432 : memref<64x128xf32, #tpu.memory_space<vmem_shared>>)
      tpu.yield
    }) : () -> ()
    %mul3A_339 = arith.constant 320 : i32
    %mul3A_340 = arith.muli %arg1, %mul3A_339 : i32
    %add3A_341 = arith.constant 192 : i32
    %add3A_342 = arith.addi %mul3A_340, %add3A_341 : i32
    "tpu.region"() ({
      %run_scoped3A_424 = tpu.sem_alloc : memref<!tpu.dma_semaphore, #tpu.memory_space<semaphore_mem>>
      %dma_start3A_425 = arith.constant 0 : i32
      %dma_start3A_426 = tpu.memref_slice %arg11[%add3A_342, %dma_start3A_425] : memref<5120x128xf32, #tpu.memory_space<vmem_shared>> -> memref<64x128xf32, #tpu.memory_space<vmem_shared>>
      %dma_start3A_427 = arith.constant 0 : i32
      %dma_start3A_428 = tpu.memref_slice %arg11[%add3A_342, %dma_start3A_427] : memref<5120x128xf32, #tpu.memory_space<vmem_shared>> -> memref<64x128xf32, #tpu.memory_space<vmem_shared>>
      tpu.enqueue_dma source(%arg10 : memref<64x128xf32, #tpu.memory_space<vmem>>) target(%dma_start3A_428 : memref<64x128xf32, #tpu.memory_space<vmem_shared>>) target_semaphore(%run_scoped3A_424 : memref<!tpu.dma_semaphore, #tpu.memory_space<semaphore_mem>>)
      %dma_wait3A_429 = arith.constant 0 : i32
      %dma_wait3A_430 = tpu.memref_slice %arg11[%add3A_342, %dma_wait3A_429] : memref<5120x128xf32, #tpu.memory_space<vmem_shared>> -> memref<64x128xf32, #tpu.memory_space<vmem_shared>>
      %dma_wait3A_431 = arith.constant 0 : i32
      %dma_wait3A_432 = tpu.memref_slice %arg11[%add3A_342, %dma_wait3A_431] : memref<5120x128xf32, #tpu.memory_space<vmem_shared>> -> memref<64x128xf32, #tpu.memory_space<vmem_shared>>
      tpu.wait_dma2 semaphore(%run_scoped3A_424 : memref<!tpu.dma_semaphore, #tpu.memory_space<semaphore_mem>>) src(%arg10 : memref<64x128xf32, #tpu.memory_space<vmem>>) dst(%dma_wait3A_432 : memref<64x128xf32, #tpu.memory_space<vmem_shared>>)
      tpu.yield
    }) : () -> ()
    %mul3A_343 = arith.constant 320 : i32
    %mul3A_344 = arith.muli %arg1, %mul3A_343 : i32
    %add3A_345 = arith.constant 256 : i32
    %add3A_346 = arith.addi %mul3A_344, %add3A_345 : i32
    "tpu.region"() ({
      %run_scoped3A_424 = tpu.sem_alloc : memref<!tpu.dma_semaphore, #tpu.memory_space<semaphore_mem>>
      %dma_start3A_425 = arith.constant 0 : i32
      %dma_start3A_426 = tpu.memref_slice %arg11[%add3A_346, %dma_start3A_425] : memref<5120x128xf32, #tpu.memory_space<vmem_shared>> -> memref<64x128xf32, #tpu.memory_space<vmem_shared>>
      %dma_start3A_427 = arith.constant 0 : i32
      %dma_start3A_428 = tpu.memref_slice %arg11[%add3A_346, %dma_start3A_427] : memref<5120x128xf32, #tpu.memory_space<vmem_shared>> -> memref<64x128xf32, #tpu.memory_space<vmem_shared>>
      tpu.enqueue_dma source(%arg10 : memref<64x128xf32, #tpu.memory_space<vmem>>) target(%dma_start3A_428 : memref<64x128xf32, #tpu.memory_space<vmem_shared>>) target_semaphore(%run_scoped3A_424 : memref<!tpu.dma_semaphore, #tpu.memory_space<semaphore_mem>>)
      %dma_wait3A_429 = arith.constant 0 : i32
      %dma_wait3A_430 = tpu.memref_slice %arg11[%add3A_346, %dma_wait3A_429] : memref<5120x128xf32, #tpu.memory_space<vmem_shared>> -> memref<64x128xf32, #tpu.memory_space<vmem_shared>>
      %dma_wait3A_431 = arith.constant 0 : i32
      %dma_wait3A_432 = tpu.memref_slice %arg11[%add3A_346, %dma_wait3A_431] : memref<5120x128xf32, #tpu.memory_space<vmem_shared>> -> memref<64x128xf32, #tpu.memory_space<vmem_shared>>
      tpu.wait_dma2 semaphore(%run_scoped3A_424 : memref<!tpu.dma_semaphore, #tpu.memory_space<semaphore_mem>>) src(%arg10 : memref<64x128xf32, #tpu.memory_space<vmem>>) dst(%dma_wait3A_432 : memref<64x128xf32, #tpu.memory_space<vmem_shared>>)
      tpu.yield
    }) : () -> ()
    %barrier3A_347 = arith.constant 0 : index
    tpu.barrier barrier_id(%barrier3A_347)
    %dma_start3A_348 = arith.constant 0 : i32
    %dma_start3A_349 = arith.constant 0 : i32
    %dma_start3A_350 = tpu.memref_slice %arg6[%dma_start3A_348, %dma_start3A_349] : memref<79x128xi32, #tpu.memory_space<vmem>> -> memref<1x128xi32, #tpu.memory_space<vmem>>
    %dma_start3A_351 = tpu.memref_squeeze %dma_start3A_350 : memref<1x128xi32, #tpu.memory_space<vmem>> -> memref<128xi32, #tpu.memory_space<vmem>>
    %dma_start3A_352 = arith.constant 0 : i32
    %dma_start3A_353 = arith.constant 0 : i32
    %dma_start3A_354 = tpu.memref_slice %arg2[%dma_start3A_352, %dma_start3A_353] : memref<40000x128xf32, #tpu.memory_space<hbm>> -> memref<40000x128xf32, #tpu.memory_space<hbm>>
    tpu.enqueue_indirect_dma source(%dma_start3A_354 : memref<40000x128xf32, #tpu.memory_space<hbm>>) target(%arg8 : memref<128x128xf32, #tpu.memory_space<vmem>>) offsets(%dma_start3A_351 : memref<128xi32, #tpu.memory_space<vmem>>) semaphore(%arg12 : memref<!tpu.dma_semaphore, #tpu.memory_space<semaphore_mem>>)
    %scan3A_355 = arith.constant 0 : i32
    %scan3A_356 = arith.constant 0 : i32
    %scan3A_357 = arith.constant 39 : i32
    %scan3A_358 = arith.addi %scan3A_356, %scan3A_357 : i32
    %scan3A_359 = arith.constant 1 : i32
    %scan3A_360 = scf.for %scan3A_424 = %scan3A_356 to %scan3A_358 step %scan3A_359 iter_args(%scan3A_425 = %scan3A_355) -> (i32)  : i32 {
      %mul3A_426 = arith.constant 2 : i32
      %mul3A_427 = arith.muli %mul3A_426, %scan3A_424 : i32
      %dma_wait3A_428 = arith.constant 0 : i32
      %dma_wait3A_429 = tpu.memref_slice %arg6[%mul3A_427, %dma_wait3A_428] : memref<79x128xi32, #tpu.memory_space<vmem>> -> memref<1x128xi32, #tpu.memory_space<vmem>>
      %dma_wait3A_430 = tpu.memref_squeeze %dma_wait3A_429 : memref<1x128xi32, #tpu.memory_space<vmem>> -> memref<128xi32, #tpu.memory_space<vmem>>
      %dma_wait3A_431 = arith.constant 0 : i32
      %dma_wait3A_432 = arith.constant 0 : i32
      %dma_wait3A_433 = tpu.memref_slice %arg2[%dma_wait3A_431, %dma_wait3A_432] : memref<40000x128xf32, #tpu.memory_space<hbm>> -> memref<40000x128xf32, #tpu.memory_space<hbm>>
      tpu.wait_indirect_dma semaphore(%arg12 : memref<!tpu.dma_semaphore, #tpu.memory_space<semaphore_mem>>) src(%dma_wait3A_433 : memref<40000x128xf32, #tpu.memory_space<hbm>>) dst(%arg8 : memref<128x128xf32, #tpu.memory_space<vmem>>)
      %dma_start3A_434 = arith.constant 0 : i32
      %dma_start3A_435 = tpu.memref_slice %arg7[%mul3A_427, %dma_start3A_434] : memref<79x128xi32, #tpu.memory_space<vmem>> -> memref<1x128xi32, #tpu.memory_space<vmem>>
      %dma_start3A_436 = tpu.memref_squeeze %dma_start3A_435 : memref<1x128xi32, #tpu.memory_space<vmem>> -> memref<128xi32, #tpu.memory_space<vmem>>
      %dma_start3A_437 = arith.constant 0 : i32
      %dma_start3A_438 = arith.constant 0 : i32
      %dma_start3A_439 = tpu.memref_slice %arg11[%dma_start3A_437, %dma_start3A_438] : memref<5120x128xf32, #tpu.memory_space<vmem_shared>> -> memref<5120x128xf32, #tpu.memory_space<vmem_shared>>
      tpu.enqueue_indirect_dma source(%arg8 : memref<128x128xf32, #tpu.memory_space<vmem>>) target(%dma_start3A_439 : memref<5120x128xf32, #tpu.memory_space<vmem_shared>>) offsets(%dma_start3A_436 : memref<128xi32, #tpu.memory_space<vmem>>) semaphore(%arg13 : memref<!tpu.dma_semaphore, #tpu.memory_space<semaphore_mem>>) {add = true}
      %gt3A = arith.constant 0 : i32
      %gt3A_440 = arith.cmpi sgt, %scan3A_424, %gt3A : i32
      %convert_element_type3A = arith.extui %gt3A_440 : i1 to i32
      %cond3A = arith.constant 0 : i32
      %cond3A_441 = arith.cmpi ne, %convert_element_type3A, %cond3A : i32
      scf.if %cond3A_441 {
        %sub3A = arith.constant 1 : i32
        %sub3A_479 = arith.subi %mul3A_427, %sub3A : i32
        %dma_wait3A_480 = arith.constant 0 : i32
        %dma_wait3A_481 = tpu.memref_slice %arg7[%sub3A_479, %dma_wait3A_480] : memref<79x128xi32, #tpu.memory_space<vmem>> -> memref<1x128xi32, #tpu.memory_space<vmem>>
        %dma_wait3A_482 = tpu.memref_squeeze %dma_wait3A_481 : memref<1x128xi32, #tpu.memory_space<vmem>> -> memref<128xi32, #tpu.memory_space<vmem>>
        %dma_wait3A_483 = arith.constant 0 : i32
        %dma_wait3A_484 = arith.constant 0 : i32
        %dma_wait3A_485 = tpu.memref_slice %arg11[%dma_wait3A_483, %dma_wait3A_484] : memref<5120x128xf32, #tpu.memory_space<vmem_shared>> -> memref<5120x128xf32, #tpu.memory_space<vmem_shared>>
        tpu.wait_indirect_dma semaphore(%arg14 : memref<!tpu.dma_semaphore, #tpu.memory_space<semaphore_mem>>) src(%arg9 : memref<128x128xf32, #tpu.memory_space<vmem>>) dst(%dma_wait3A_485 : memref<5120x128xf32, #tpu.memory_space<vmem_shared>>)
      } else {
      }
      %add3A_442 = arith.constant 1 : i32
      %add3A_443 = arith.addi %mul3A_427, %add3A_442 : i32
      %dma_start3A_444 = arith.constant 0 : i32
      %dma_start3A_445 = tpu.memref_slice %arg6[%add3A_443, %dma_start3A_444] : memref<79x128xi32, #tpu.memory_space<vmem>> -> memref<1x128xi32, #tpu.memory_space<vmem>>
      %dma_start3A_446 = tpu.memref_squeeze %dma_start3A_445 : memref<1x128xi32, #tpu.memory_space<vmem>> -> memref<128xi32, #tpu.memory_space<vmem>>
      %dma_start3A_447 = arith.constant 0 : i32
      %dma_start3A_448 = arith.constant 0 : i32
      %dma_start3A_449 = tpu.memref_slice %arg2[%dma_start3A_447, %dma_start3A_448] : memref<40000x128xf32, #tpu.memory_space<hbm>> -> memref<40000x128xf32, #tpu.memory_space<hbm>>
      tpu.enqueue_indirect_dma source(%dma_start3A_449 : memref<40000x128xf32, #tpu.memory_space<hbm>>) target(%arg9 : memref<128x128xf32, #tpu.memory_space<vmem>>) offsets(%dma_start3A_446 : memref<128xi32, #tpu.memory_space<vmem>>) semaphore(%arg12 : memref<!tpu.dma_semaphore, #tpu.memory_space<semaphore_mem>>)
      %add3A_450 = arith.constant 1 : i32
      %add3A_451 = arith.addi %mul3A_427, %add3A_450 : i32
      %dma_wait3A_452 = arith.constant 0 : i32
      %dma_wait3A_453 = tpu.memref_slice %arg6[%add3A_451, %dma_wait3A_452] : memref<79x128xi32, #tpu.memory_space<vmem>> -> memref<1x128xi32, #tpu.memory_space<vmem>>
      %dma_wait3A_454 = tpu.memref_squeeze %dma_wait3A_453 : memref<1x128xi32, #tpu.memory_space<vmem>> -> memref<128xi32, #tpu.memory_space<vmem>>
      %dma_wait3A_455 = arith.constant 0 : i32
      %dma_wait3A_456 = arith.constant 0 : i32
      %dma_wait3A_457 = tpu.memref_slice %arg2[%dma_wait3A_455, %dma_wait3A_456] : memref<40000x128xf32, #tpu.memory_space<hbm>> -> memref<40000x128xf32, #tpu.memory_space<hbm>>
      tpu.wait_indirect_dma semaphore(%arg12 : memref<!tpu.dma_semaphore, #tpu.memory_space<semaphore_mem>>) src(%dma_wait3A_457 : memref<40000x128xf32, #tpu.memory_space<hbm>>) dst(%arg9 : memref<128x128xf32, #tpu.memory_space<vmem>>)
      %add3A_458 = arith.constant 1 : i32
      %add3A_459 = arith.addi %mul3A_427, %add3A_458 : i32
      %dma_start3A_460 = arith.constant 0 : i32
      %dma_start3A_461 = tpu.memref_slice %arg7[%add3A_459, %dma_start3A_460] : memref<79x128xi32, #tpu.memory_space<vmem>> -> memref<1x128xi32, #tpu.memory_space<vmem>>
      %dma_start3A_462 = tpu.memref_squeeze %dma_start3A_461 : memref<1x128xi32, #tpu.memory_space<vmem>> -> memref<128xi32, #tpu.memory_space<vmem>>
      %dma_start3A_463 = arith.constant 0 : i32
      %dma_start3A_464 = arith.constant 0 : i32
      %dma_start3A_465 = tpu.memref_slice %arg11[%dma_start3A_463, %dma_start3A_464] : memref<5120x128xf32, #tpu.memory_space<vmem_shared>> -> memref<5120x128xf32, #tpu.memory_space<vmem_shared>>
      tpu.enqueue_indirect_dma source(%arg9 : memref<128x128xf32, #tpu.memory_space<vmem>>) target(%dma_start3A_465 : memref<5120x128xf32, #tpu.memory_space<vmem_shared>>) offsets(%dma_start3A_462 : memref<128xi32, #tpu.memory_space<vmem>>) semaphore(%arg14 : memref<!tpu.dma_semaphore, #tpu.memory_space<semaphore_mem>>) {add = true}
      %dma_wait3A_466 = arith.constant 0 : i32
      %dma_wait3A_467 = tpu.memref_slice %arg7[%mul3A_427, %dma_wait3A_466] : memref<79x128xi32, #tpu.memory_space<vmem>> -> memref<1x128xi32, #tpu.memory_space<vmem>>
      %dma_wait3A_468 = tpu.memref_squeeze %dma_wait3A_467 : memref<1x128xi32, #tpu.memory_space<vmem>> -> memref<128xi32, #tpu.memory_space<vmem>>
      %dma_wait3A_469 = arith.constant 0 : i32
      %dma_wait3A_470 = arith.constant 0 : i32
      %dma_wait3A_471 = tpu.memref_slice %arg11[%dma_wait3A_469, %dma_wait3A_470] : memref<5120x128xf32, #tpu.memory_space<vmem_shared>> -> memref<5120x128xf32, #tpu.memory_space<vmem_shared>>
      tpu.wait_indirect_dma semaphore(%arg13 : memref<!tpu.dma_semaphore, #tpu.memory_space<semaphore_mem>>) src(%arg8 : memref<128x128xf32, #tpu.memory_space<vmem>>) dst(%dma_wait3A_471 : memref<5120x128xf32, #tpu.memory_space<vmem_shared>>)
      %add3A_472 = arith.constant 2 : i32
      %add3A_473 = arith.addi %mul3A_427, %add3A_472 : i32
      %lt3A = arith.constant 79 : i32
      %lt3A_474 = arith.cmpi slt, %add3A_473, %lt3A : i32
      %convert_element_type3A_475 = arith.extui %lt3A_474 : i1 to i32
      %cond3A_476 = arith.constant 0 : i32
      %cond3A_477 = arith.cmpi ne, %convert_element_type3A_475, %cond3A_476 : i32
      scf.if %cond3A_477 {
        %add3A_479 = arith.constant 2 : i32
        %add3A_480 = arith.addi %mul3A_427, %add3A_479 : i32
        %dma_start3A_481 = arith.constant 0 : i32
        %dma_start3A_482 = tpu.memref_slice %arg6[%add3A_480, %dma_start3A_481] : memref<79x128xi32, #tpu.memory_space<vmem>> -> memref<1x128xi32, #tpu.memory_space<vmem>>
        %dma_start3A_483 = tpu.memref_squeeze %dma_start3A_482 : memref<1x128xi32, #tpu.memory_space<vmem>> -> memref<128xi32, #tpu.memory_space<vmem>>
        %dma_start3A_484 = arith.constant 0 : i32
        %dma_start3A_485 = arith.constant 0 : i32
        %dma_start3A_486 = tpu.memref_slice %arg2[%dma_start3A_484, %dma_start3A_485] : memref<40000x128xf32, #tpu.memory_space<hbm>> -> memref<40000x128xf32, #tpu.memory_space<hbm>>
        tpu.enqueue_indirect_dma source(%dma_start3A_486 : memref<40000x128xf32, #tpu.memory_space<hbm>>) target(%arg8 : memref<128x128xf32, #tpu.memory_space<vmem>>) offsets(%dma_start3A_483 : memref<128xi32, #tpu.memory_space<vmem>>) semaphore(%arg12 : memref<!tpu.dma_semaphore, #tpu.memory_space<semaphore_mem>>)
      } else {
      }
      %scan3A_478 = arith.constant 0 : i32
      scf.yield %scan3A_478 : i32
    }
    %scan3A_361 = arith.constant 39 : i32
    %dma_wait3A_362 = arith.constant 78 : i32
    %dma_wait3A_363 = arith.constant 0 : i32
    %dma_wait3A_364 = tpu.memref_slice %arg6[%dma_wait3A_362, %dma_wait3A_363] : memref<79x128xi32, #tpu.memory_space<vmem>> -> memref<1x128xi32, #tpu.memory_space<vmem>>
    %dma_wait3A_365 = tpu.memref_squeeze %dma_wait3A_364 : memref<1x128xi32, #tpu.memory_space<vmem>> -> memref<128xi32, #tpu.memory_space<vmem>>
    %dma_wait3A_366 = arith.constant 0 : i32
    %dma_wait3A_367 = arith.constant 0 : i32
    %dma_wait3A_368 = tpu.memref_slice %arg2[%dma_wait3A_366, %dma_wait3A_367] : memref<40000x128xf32, #tpu.memory_space<hbm>> -> memref<40000x128xf32, #tpu.memory_space<hbm>>
    tpu.wait_indirect_dma semaphore(%arg12 : memref<!tpu.dma_semaphore, #tpu.memory_space<semaphore_mem>>) src(%dma_wait3A_368 : memref<40000x128xf32, #tpu.memory_space<hbm>>) dst(%arg8 : memref<128x128xf32, #tpu.memory_space<vmem>>)
    %dma_wait3A_369 = arith.constant 77 : i32
    %dma_wait3A_370 = arith.constant 0 : i32
    %dma_wait3A_371 = tpu.memref_slice %arg7[%dma_wait3A_369, %dma_wait3A_370] : memref<79x128xi32, #tpu.memory_space<vmem>> -> memref<1x128xi32, #tpu.memory_space<vmem>>
    %dma_wait3A_372 = tpu.memref_squeeze %dma_wait3A_371 : memref<1x128xi32, #tpu.memory_space<vmem>> -> memref<128xi32, #tpu.memory_space<vmem>>
    %dma_wait3A_373 = arith.constant 0 : i32
    %dma_wait3A_374 = arith.constant 0 : i32
    %dma_wait3A_375 = tpu.memref_slice %arg11[%dma_wait3A_373, %dma_wait3A_374] : memref<5120x128xf32, #tpu.memory_space<vmem_shared>> -> memref<5120x128xf32, #tpu.memory_space<vmem_shared>>
    tpu.wait_indirect_dma semaphore(%arg14 : memref<!tpu.dma_semaphore, #tpu.memory_space<semaphore_mem>>) src(%arg9 : memref<128x128xf32, #tpu.memory_space<vmem>>) dst(%dma_wait3A_375 : memref<5120x128xf32, #tpu.memory_space<vmem_shared>>)
    %run_scoped3A_376 = arith.constant 78 : i32
    "tpu.region"() ({
      %run_scoped3A_424 = tpu.sem_alloc : memref<!tpu.dma_semaphore, #tpu.memory_space<semaphore_mem>>
      %dma_start3A_425 = arith.constant 0 : i32
      %dma_start3A_426 = tpu.memref_slice %arg7[%run_scoped3A_376, %dma_start3A_425] : memref<79x128xi32, #tpu.memory_space<vmem>> -> memref<1x128xi32, #tpu.memory_space<vmem>>
      %dma_start3A_427 = tpu.memref_squeeze %dma_start3A_426 : memref<1x128xi32, #tpu.memory_space<vmem>> -> memref<128xi32, #tpu.memory_space<vmem>>
      %dma_start3A_428 = arith.constant 0 : i32
      %dma_start3A_429 = arith.constant 0 : i32
      %dma_start3A_430 = tpu.memref_slice %arg11[%dma_start3A_428, %dma_start3A_429] : memref<5120x128xf32, #tpu.memory_space<vmem_shared>> -> memref<5120x128xf32, #tpu.memory_space<vmem_shared>>
      tpu.enqueue_indirect_dma source(%arg8 : memref<128x128xf32, #tpu.memory_space<vmem>>) target(%dma_start3A_430 : memref<5120x128xf32, #tpu.memory_space<vmem_shared>>) offsets(%dma_start3A_427 : memref<128xi32, #tpu.memory_space<vmem>>) semaphore(%run_scoped3A_424 : memref<!tpu.dma_semaphore, #tpu.memory_space<semaphore_mem>>) {add = true}
      %dma_wait3A_431 = arith.constant 0 : i32
      %dma_wait3A_432 = tpu.memref_slice %arg7[%run_scoped3A_376, %dma_wait3A_431] : memref<79x128xi32, #tpu.memory_space<vmem>> -> memref<1x128xi32, #tpu.memory_space<vmem>>
      %dma_wait3A_433 = tpu.memref_squeeze %dma_wait3A_432 : memref<1x128xi32, #tpu.memory_space<vmem>> -> memref<128xi32, #tpu.memory_space<vmem>>
      %dma_wait3A_434 = arith.constant 0 : i32
      %dma_wait3A_435 = arith.constant 0 : i32
      %dma_wait3A_436 = tpu.memref_slice %arg11[%dma_wait3A_434, %dma_wait3A_435] : memref<5120x128xf32, #tpu.memory_space<vmem_shared>> -> memref<5120x128xf32, #tpu.memory_space<vmem_shared>>
      tpu.wait_indirect_dma semaphore(%run_scoped3A_424 : memref<!tpu.dma_semaphore, #tpu.memory_space<semaphore_mem>>) src(%arg8 : memref<128x128xf32, #tpu.memory_space<vmem>>) dst(%dma_wait3A_436 : memref<5120x128xf32, #tpu.memory_space<vmem_shared>>)
      tpu.yield
    }) : () -> ()
    %barrier3A_377 = arith.constant 0 : index
    tpu.barrier barrier_id(%barrier3A_377)
    %mul3A_378 = arith.constant 320 : i32
    %mul3A_379 = arith.muli %arg1, %mul3A_378 : i32
    %add3A_380 = arith.constant 0 : i32
    %add3A_381 = arith.addi %mul3A_379, %add3A_380 : i32
    %mul3A_382 = arith.constant 320 : i32
    %mul3A_383 = arith.muli %arg1, %mul3A_382 : i32
    %add3A_384 = arith.constant 0 : i32
    %add3A_385 = arith.addi %mul3A_383, %add3A_384 : i32
    %run_scoped3A_386 = arith.constant 3 : i32
    "tpu.region"() ({
      %run_scoped3A_424 = tpu.sem_alloc : memref<!tpu.dma_semaphore, #tpu.memory_space<semaphore_mem>>
      %dma_start3A_425 = arith.constant 0 : i32
      %dma_start3A_426 = tpu.memref_slice %arg5[%run_scoped3A_386, %arg0, %add3A_385, %dma_start3A_425] : memref<4x2x5120x128xf32, #tpu.memory_space<hbm>> -> memref<1x1x64x128xf32, #tpu.memory_space<hbm>>
      %dma_start3A_427 = tpu.memref_squeeze %dma_start3A_426 : memref<1x1x64x128xf32, #tpu.memory_space<hbm>> -> memref<64x128xf32, #tpu.memory_space<hbm>>
      %dma_start3A_428 = arith.constant 0 : i32
      %dma_start3A_429 = tpu.memref_slice %arg11[%add3A_381, %dma_start3A_428] : memref<5120x128xf32, #tpu.memory_space<vmem_shared>> -> memref<64x128xf32, #tpu.memory_space<vmem_shared>>
      tpu.enqueue_dma source(%dma_start3A_429 : memref<64x128xf32, #tpu.memory_space<vmem_shared>>) target(%dma_start3A_427 : memref<64x128xf32, #tpu.memory_space<hbm>>) target_semaphore(%run_scoped3A_424 : memref<!tpu.dma_semaphore, #tpu.memory_space<semaphore_mem>>)
      %dma_wait3A_430 = arith.constant 0 : i32
      %dma_wait3A_431 = tpu.memref_slice %arg5[%run_scoped3A_386, %arg0, %add3A_385, %dma_wait3A_430] : memref<4x2x5120x128xf32, #tpu.memory_space<hbm>> -> memref<1x1x64x128xf32, #tpu.memory_space<hbm>>
      %dma_wait3A_432 = tpu.memref_squeeze %dma_wait3A_431 : memref<1x1x64x128xf32, #tpu.memory_space<hbm>> -> memref<64x128xf32, #tpu.memory_space<hbm>>
      %dma_wait3A_433 = arith.constant 0 : i32
      %dma_wait3A_434 = tpu.memref_slice %arg11[%add3A_381, %dma_wait3A_433] : memref<5120x128xf32, #tpu.memory_space<vmem_shared>> -> memref<64x128xf32, #tpu.memory_space<vmem_shared>>
      tpu.wait_dma2 semaphore(%run_scoped3A_424 : memref<!tpu.dma_semaphore, #tpu.memory_space<semaphore_mem>>) src(%dma_wait3A_434 : memref<64x128xf32, #tpu.memory_space<vmem_shared>>) dst(%dma_wait3A_432 : memref<64x128xf32, #tpu.memory_space<hbm>>)
      tpu.yield
    }) : () -> ()
    %mul3A_387 = arith.constant 320 : i32
    %mul3A_388 = arith.muli %arg1, %mul3A_387 : i32
    %add3A_389 = arith.constant 64 : i32
    %add3A_390 = arith.addi %mul3A_388, %add3A_389 : i32
    %mul3A_391 = arith.constant 320 : i32
    %mul3A_392 = arith.muli %arg1, %mul3A_391 : i32
    %add3A_393 = arith.constant 64 : i32
    %add3A_394 = arith.addi %mul3A_392, %add3A_393 : i32
    %run_scoped3A_395 = arith.constant 3 : i32
    "tpu.region"() ({
      %run_scoped3A_424 = tpu.sem_alloc : memref<!tpu.dma_semaphore, #tpu.memory_space<semaphore_mem>>
      %dma_start3A_425 = arith.constant 0 : i32
      %dma_start3A_426 = tpu.memref_slice %arg5[%run_scoped3A_395, %arg0, %add3A_394, %dma_start3A_425] : memref<4x2x5120x128xf32, #tpu.memory_space<hbm>> -> memref<1x1x64x128xf32, #tpu.memory_space<hbm>>
      %dma_start3A_427 = tpu.memref_squeeze %dma_start3A_426 : memref<1x1x64x128xf32, #tpu.memory_space<hbm>> -> memref<64x128xf32, #tpu.memory_space<hbm>>
      %dma_start3A_428 = arith.constant 0 : i32
      %dma_start3A_429 = tpu.memref_slice %arg11[%add3A_390, %dma_start3A_428] : memref<5120x128xf32, #tpu.memory_space<vmem_shared>> -> memref<64x128xf32, #tpu.memory_space<vmem_shared>>
      tpu.enqueue_dma source(%dma_start3A_429 : memref<64x128xf32, #tpu.memory_space<vmem_shared>>) target(%dma_start3A_427 : memref<64x128xf32, #tpu.memory_space<hbm>>) target_semaphore(%run_scoped3A_424 : memref<!tpu.dma_semaphore, #tpu.memory_space<semaphore_mem>>)
      %dma_wait3A_430 = arith.constant 0 : i32
      %dma_wait3A_431 = tpu.memref_slice %arg5[%run_scoped3A_395, %arg0, %add3A_394, %dma_wait3A_430] : memref<4x2x5120x128xf32, #tpu.memory_space<hbm>> -> memref<1x1x64x128xf32, #tpu.memory_space<hbm>>
      %dma_wait3A_432 = tpu.memref_squeeze %dma_wait3A_431 : memref<1x1x64x128xf32, #tpu.memory_space<hbm>> -> memref<64x128xf32, #tpu.memory_space<hbm>>
      %dma_wait3A_433 = arith.constant 0 : i32
      %dma_wait3A_434 = tpu.memref_slice %arg11[%add3A_390, %dma_wait3A_433] : memref<5120x128xf32, #tpu.memory_space<vmem_shared>> -> memref<64x128xf32, #tpu.memory_space<vmem_shared>>
      tpu.wait_dma2 semaphore(%run_scoped3A_424 : memref<!tpu.dma_semaphore, #tpu.memory_space<semaphore_mem>>) src(%dma_wait3A_434 : memref<64x128xf32, #tpu.memory_space<vmem_shared>>) dst(%dma_wait3A_432 : memref<64x128xf32, #tpu.memory_space<hbm>>)
      tpu.yield
    }) : () -> ()
    %mul3A_396 = arith.constant 320 : i32
    %mul3A_397 = arith.muli %arg1, %mul3A_396 : i32
    %add3A_398 = arith.constant 128 : i32
    %add3A_399 = arith.addi %mul3A_397, %add3A_398 : i32
    %mul3A_400 = arith.constant 320 : i32
    %mul3A_401 = arith.muli %arg1, %mul3A_400 : i32
    %add3A_402 = arith.constant 128 : i32
    %add3A_403 = arith.addi %mul3A_401, %add3A_402 : i32
    %run_scoped3A_404 = arith.constant 3 : i32
    "tpu.region"() ({
      %run_scoped3A_424 = tpu.sem_alloc : memref<!tpu.dma_semaphore, #tpu.memory_space<semaphore_mem>>
      %dma_start3A_425 = arith.constant 0 : i32
      %dma_start3A_426 = tpu.memref_slice %arg5[%run_scoped3A_404, %arg0, %add3A_403, %dma_start3A_425] : memref<4x2x5120x128xf32, #tpu.memory_space<hbm>> -> memref<1x1x64x128xf32, #tpu.memory_space<hbm>>
      %dma_start3A_427 = tpu.memref_squeeze %dma_start3A_426 : memref<1x1x64x128xf32, #tpu.memory_space<hbm>> -> memref<64x128xf32, #tpu.memory_space<hbm>>
      %dma_start3A_428 = arith.constant 0 : i32
      %dma_start3A_429 = tpu.memref_slice %arg11[%add3A_399, %dma_start3A_428] : memref<5120x128xf32, #tpu.memory_space<vmem_shared>> -> memref<64x128xf32, #tpu.memory_space<vmem_shared>>
      tpu.enqueue_dma source(%dma_start3A_429 : memref<64x128xf32, #tpu.memory_space<vmem_shared>>) target(%dma_start3A_427 : memref<64x128xf32, #tpu.memory_space<hbm>>) target_semaphore(%run_scoped3A_424 : memref<!tpu.dma_semaphore, #tpu.memory_space<semaphore_mem>>)
      %dma_wait3A_430 = arith.constant 0 : i32
      %dma_wait3A_431 = tpu.memref_slice %arg5[%run_scoped3A_404, %arg0, %add3A_403, %dma_wait3A_430] : memref<4x2x5120x128xf32, #tpu.memory_space<hbm>> -> memref<1x1x64x128xf32, #tpu.memory_space<hbm>>
      %dma_wait3A_432 = tpu.memref_squeeze %dma_wait3A_431 : memref<1x1x64x128xf32, #tpu.memory_space<hbm>> -> memref<64x128xf32, #tpu.memory_space<hbm>>
      %dma_wait3A_433 = arith.constant 0 : i32
      %dma_wait3A_434 = tpu.memref_slice %arg11[%add3A_399, %dma_wait3A_433] : memref<5120x128xf32, #tpu.memory_space<vmem_shared>> -> memref<64x128xf32, #tpu.memory_space<vmem_shared>>
      tpu.wait_dma2 semaphore(%run_scoped3A_424 : memref<!tpu.dma_semaphore, #tpu.memory_space<semaphore_mem>>) src(%dma_wait3A_434 : memref<64x128xf32, #tpu.memory_space<vmem_shared>>) dst(%dma_wait3A_432 : memref<64x128xf32, #tpu.memory_space<hbm>>)
      tpu.yield
    }) : () -> ()
    %mul3A_405 = arith.constant 320 : i32
    %mul3A_406 = arith.muli %arg1, %mul3A_405 : i32
    %add3A_407 = arith.constant 192 : i32
    %add3A_408 = arith.addi %mul3A_406, %add3A_407 : i32
    %mul3A_409 = arith.constant 320 : i32
    %mul3A_410 = arith.muli %arg1, %mul3A_409 : i32
    %add3A_411 = arith.constant 192 : i32
    %add3A_412 = arith.addi %mul3A_410, %add3A_411 : i32
    %run_scoped3A_413 = arith.constant 3 : i32
    "tpu.region"() ({
      %run_scoped3A_424 = tpu.sem_alloc : memref<!tpu.dma_semaphore, #tpu.memory_space<semaphore_mem>>
      %dma_start3A_425 = arith.constant 0 : i32
      %dma_start3A_426 = tpu.memref_slice %arg5[%run_scoped3A_413, %arg0, %add3A_412, %dma_start3A_425] : memref<4x2x5120x128xf32, #tpu.memory_space<hbm>> -> memref<1x1x64x128xf32, #tpu.memory_space<hbm>>
      %dma_start3A_427 = tpu.memref_squeeze %dma_start3A_426 : memref<1x1x64x128xf32, #tpu.memory_space<hbm>> -> memref<64x128xf32, #tpu.memory_space<hbm>>
      %dma_start3A_428 = arith.constant 0 : i32
      %dma_start3A_429 = tpu.memref_slice %arg11[%add3A_408, %dma_start3A_428] : memref<5120x128xf32, #tpu.memory_space<vmem_shared>> -> memref<64x128xf32, #tpu.memory_space<vmem_shared>>
      tpu.enqueue_dma source(%dma_start3A_429 : memref<64x128xf32, #tpu.memory_space<vmem_shared>>) target(%dma_start3A_427 : memref<64x128xf32, #tpu.memory_space<hbm>>) target_semaphore(%run_scoped3A_424 : memref<!tpu.dma_semaphore, #tpu.memory_space<semaphore_mem>>)
      %dma_wait3A_430 = arith.constant 0 : i32
      %dma_wait3A_431 = tpu.memref_slice %arg5[%run_scoped3A_413, %arg0, %add3A_412, %dma_wait3A_430] : memref<4x2x5120x128xf32, #tpu.memory_space<hbm>> -> memref<1x1x64x128xf32, #tpu.memory_space<hbm>>
      %dma_wait3A_432 = tpu.memref_squeeze %dma_wait3A_431 : memref<1x1x64x128xf32, #tpu.memory_space<hbm>> -> memref<64x128xf32, #tpu.memory_space<hbm>>
      %dma_wait3A_433 = arith.constant 0 : i32
      %dma_wait3A_434 = tpu.memref_slice %arg11[%add3A_408, %dma_wait3A_433] : memref<5120x128xf32, #tpu.memory_space<vmem_shared>> -> memref<64x128xf32, #tpu.memory_space<vmem_shared>>
      tpu.wait_dma2 semaphore(%run_scoped3A_424 : memref<!tpu.dma_semaphore, #tpu.memory_space<semaphore_mem>>) src(%dma_wait3A_434 : memref<64x128xf32, #tpu.memory_space<vmem_shared>>) dst(%dma_wait3A_432 : memref<64x128xf32, #tpu.memory_space<hbm>>)
      tpu.yield
    }) : () -> ()
    %mul3A_414 = arith.constant 320 : i32
    %mul3A_415 = arith.muli %arg1, %mul3A_414 : i32
    %add3A_416 = arith.constant 256 : i32
    %add3A_417 = arith.addi %mul3A_415, %add3A_416 : i32
    %mul3A_418 = arith.constant 320 : i32
    %mul3A_419 = arith.muli %arg1, %mul3A_418 : i32
    %add3A_420 = arith.constant 256 : i32
    %add3A_421 = arith.addi %mul3A_419, %add3A_420 : i32
    %run_scoped3A_422 = arith.constant 3 : i32
    "tpu.region"() ({
      %run_scoped3A_424 = tpu.sem_alloc : memref<!tpu.dma_semaphore, #tpu.memory_space<semaphore_mem>>
      %dma_start3A_425 = arith.constant 0 : i32
      %dma_start3A_426 = tpu.memref_slice %arg5[%run_scoped3A_422, %arg0, %add3A_421, %dma_start3A_425] : memref<4x2x5120x128xf32, #tpu.memory_space<hbm>> -> memref<1x1x64x128xf32, #tpu.memory_space<hbm>>
      %dma_start3A_427 = tpu.memref_squeeze %dma_start3A_426 : memref<1x1x64x128xf32, #tpu.memory_space<hbm>> -> memref<64x128xf32, #tpu.memory_space<hbm>>
      %dma_start3A_428 = arith.constant 0 : i32
      %dma_start3A_429 = tpu.memref_slice %arg11[%add3A_417, %dma_start3A_428] : memref<5120x128xf32, #tpu.memory_space<vmem_shared>> -> memref<64x128xf32, #tpu.memory_space<vmem_shared>>
      tpu.enqueue_dma source(%dma_start3A_429 : memref<64x128xf32, #tpu.memory_space<vmem_shared>>) target(%dma_start3A_427 : memref<64x128xf32, #tpu.memory_space<hbm>>) target_semaphore(%run_scoped3A_424 : memref<!tpu.dma_semaphore, #tpu.memory_space<semaphore_mem>>)
      %dma_wait3A_430 = arith.constant 0 : i32
      %dma_wait3A_431 = tpu.memref_slice %arg5[%run_scoped3A_422, %arg0, %add3A_421, %dma_wait3A_430] : memref<4x2x5120x128xf32, #tpu.memory_space<hbm>> -> memref<1x1x64x128xf32, #tpu.memory_space<hbm>>
      %dma_wait3A_432 = tpu.memref_squeeze %dma_wait3A_431 : memref<1x1x64x128xf32, #tpu.memory_space<hbm>> -> memref<64x128xf32, #tpu.memory_space<hbm>>
      %dma_wait3A_433 = arith.constant 0 : i32
      %dma_wait3A_434 = tpu.memref_slice %arg11[%add3A_417, %dma_wait3A_433] : memref<5120x128xf32, #tpu.memory_space<vmem_shared>> -> memref<64x128xf32, #tpu.memory_space<vmem_shared>>
      tpu.wait_dma2 semaphore(%run_scoped3A_424 : memref<!tpu.dma_semaphore, #tpu.memory_space<semaphore_mem>>) src(%dma_wait3A_434 : memref<64x128xf32, #tpu.memory_space<vmem_shared>>) dst(%dma_wait3A_432 : memref<64x128xf32, #tpu.memory_space<hbm>>)
      tpu.yield
    }) : () -> ()
    %barrier3A_423 = arith.constant 0 : index
    tpu.barrier barrier_id(%barrier3A_423)
    return
  }
}

#map = affine_map<(d0, d1) -> (0, 0)>
#map1 = affine_map<(d0, d1) -> (0, 0, 0)>
#map2 = affine_map<(d0, d1) -> (0, 0, 0, 0)>
module attributes {stable_mosaic.version = 14 : i64} {
  func.func @spmm(%arg0: i32, %arg1: i32, %arg2: memref<20000x128xf32, #tpu.memory_space<hbm>>, %arg3: memref<16x79x128xi32, #tpu.memory_space<hbm>>, %arg4: memref<16x79x128xi32, #tpu.memory_space<hbm>>, %arg5: memref<2x2x5120x128xf32, #tpu.memory_space<hbm>>, %arg6: memref<79x128xi32, #tpu.memory_space<vmem>>, %arg7: memref<79x128xi32, #tpu.memory_space<vmem>>, %arg8: memref<128x128xf32, #tpu.memory_space<vmem>>, %arg9: memref<128x128xf32, #tpu.memory_space<vmem>>, %arg10: memref<64x128xf32, #tpu.memory_space<vmem>>, %arg11: memref<5120x128xf32, #tpu.memory_space<vmem_shared>>, %arg12: memref<!tpu.dma_semaphore, #tpu.memory_space<semaphore_mem>>, %arg13: memref<!tpu.dma_semaphore, #tpu.memory_space<semaphore_mem>>, %arg14: memref<!tpu.dma_semaphore, #tpu.memory_space<semaphore_mem>>) attributes {dimension_semantics = [#tpu.dimension_semantics<core_parallel>, #tpu.dimension_semantics<subcore_parallel>], iteration_bounds = array<i64: 2, 16>, scalar_prefetch = 0 : i64, scratch_operands = 9 : i64, tpu.core_type = #tpu.core_type<sc_vector_subcore>, window_params = [{transform_indices = #map}, {transform_indices = #map1}, {transform_indices = #map1}, {transform_indices = #map2}]} {
    %broadcast_in_dim3A = arith.constant 0.000000e+00 : f32
    %broadcast_in_dim3A_0 = vector.broadcast %broadcast_in_dim3A : f32 to vector<16xf32>
    %scan3A = arith.constant 0 : i32
    %scan3A_1 = arith.constant 0 : i32
    %scan3A_2 = arith.constant 64 : i32
    %scan3A_3 = arith.addi %scan3A_1, %scan3A_2 : i32
    %scan3A_4 = arith.constant 1 : i32
    %scan3A_5 = scf.for %scan3A_214 = %scan3A_1 to %scan3A_3 step %scan3A_4 iter_args(%scan3A_215 = %scan3A) -> (i32)  : i32 {
      %swap3A = arith.index_cast %scan3A_214 : i32 to index
      %swap3A_216 = arith.constant 0 : index
      %swap3A_217 = tpu.vector_load %arg10[%swap3A, %swap3A_216] {strides = array<i32>} : memref<64x128xf32, #tpu.memory_space<vmem>>, vector<1x16xf32>,
      %swap3A_218 = vector.shape_cast %swap3A_217 : vector<1x16xf32> to vector<16xf32>
      %swap3A_219 = vector.shape_cast %broadcast_in_dim3A_0 : vector<16xf32> to vector<1x16xf32>
      tpu.vector_store %arg10[%swap3A, %swap3A_216], %swap3A_219 {strides = array<i32>} : memref<64x128xf32, #tpu.memory_space<vmem>>, vector<1x16xf32>,
      %swap3A_220 = arith.index_cast %scan3A_214 : i32 to index
      %swap3A_221 = arith.constant 16 : index
      %swap3A_222 = tpu.vector_load %arg10[%swap3A_220, %swap3A_221] {strides = array<i32>} : memref<64x128xf32, #tpu.memory_space<vmem>>, vector<1x16xf32>,
      %swap3A_223 = vector.shape_cast %swap3A_222 : vector<1x16xf32> to vector<16xf32>
      %swap3A_224 = vector.shape_cast %broadcast_in_dim3A_0 : vector<16xf32> to vector<1x16xf32>
      tpu.vector_store %arg10[%swap3A_220, %swap3A_221], %swap3A_224 {strides = array<i32>} : memref<64x128xf32, #tpu.memory_space<vmem>>, vector<1x16xf32>,
      %swap3A_225 = arith.index_cast %scan3A_214 : i32 to index
      %swap3A_226 = arith.constant 32 : index
      %swap3A_227 = tpu.vector_load %arg10[%swap3A_225, %swap3A_226] {strides = array<i32>} : memref<64x128xf32, #tpu.memory_space<vmem>>, vector<1x16xf32>,
      %swap3A_228 = vector.shape_cast %swap3A_227 : vector<1x16xf32> to vector<16xf32>
      %swap3A_229 = vector.shape_cast %broadcast_in_dim3A_0 : vector<16xf32> to vector<1x16xf32>
      tpu.vector_store %arg10[%swap3A_225, %swap3A_226], %swap3A_229 {strides = array<i32>} : memref<64x128xf32, #tpu.memory_space<vmem>>, vector<1x16xf32>,
      %swap3A_230 = arith.index_cast %scan3A_214 : i32 to index
      %swap3A_231 = arith.constant 48 : index
      %swap3A_232 = tpu.vector_load %arg10[%swap3A_230, %swap3A_231] {strides = array<i32>} : memref<64x128xf32, #tpu.memory_space<vmem>>, vector<1x16xf32>,
      %swap3A_233 = vector.shape_cast %swap3A_232 : vector<1x16xf32> to vector<16xf32>
      %swap3A_234 = vector.shape_cast %broadcast_in_dim3A_0 : vector<16xf32> to vector<1x16xf32>
      tpu.vector_store %arg10[%swap3A_230, %swap3A_231], %swap3A_234 {strides = array<i32>} : memref<64x128xf32, #tpu.memory_space<vmem>>, vector<1x16xf32>,
      %swap3A_235 = arith.index_cast %scan3A_214 : i32 to index
      %swap3A_236 = arith.constant 64 : index
      %swap3A_237 = tpu.vector_load %arg10[%swap3A_235, %swap3A_236] {strides = array<i32>} : memref<64x128xf32, #tpu.memory_space<vmem>>, vector<1x16xf32>,
      %swap3A_238 = vector.shape_cast %swap3A_237 : vector<1x16xf32> to vector<16xf32>
      %swap3A_239 = vector.shape_cast %broadcast_in_dim3A_0 : vector<16xf32> to vector<1x16xf32>
      tpu.vector_store %arg10[%swap3A_235, %swap3A_236], %swap3A_239 {strides = array<i32>} : memref<64x128xf32, #tpu.memory_space<vmem>>, vector<1x16xf32>,
      %swap3A_240 = arith.index_cast %scan3A_214 : i32 to index
      %swap3A_241 = arith.constant 80 : index
      %swap3A_242 = tpu.vector_load %arg10[%swap3A_240, %swap3A_241] {strides = array<i32>} : memref<64x128xf32, #tpu.memory_space<vmem>>, vector<1x16xf32>,
      %swap3A_243 = vector.shape_cast %swap3A_242 : vector<1x16xf32> to vector<16xf32>
      %swap3A_244 = vector.shape_cast %broadcast_in_dim3A_0 : vector<16xf32> to vector<1x16xf32>
      tpu.vector_store %arg10[%swap3A_240, %swap3A_241], %swap3A_244 {strides = array<i32>} : memref<64x128xf32, #tpu.memory_space<vmem>>, vector<1x16xf32>,
      %swap3A_245 = arith.index_cast %scan3A_214 : i32 to index
      %swap3A_246 = arith.constant 96 : index
      %swap3A_247 = tpu.vector_load %arg10[%swap3A_245, %swap3A_246] {strides = array<i32>} : memref<64x128xf32, #tpu.memory_space<vmem>>, vector<1x16xf32>,
      %swap3A_248 = vector.shape_cast %swap3A_247 : vector<1x16xf32> to vector<16xf32>
      %swap3A_249 = vector.shape_cast %broadcast_in_dim3A_0 : vector<16xf32> to vector<1x16xf32>
      tpu.vector_store %arg10[%swap3A_245, %swap3A_246], %swap3A_249 {strides = array<i32>} : memref<64x128xf32, #tpu.memory_space<vmem>>, vector<1x16xf32>,
      %swap3A_250 = arith.index_cast %scan3A_214 : i32 to index
      %swap3A_251 = arith.constant 112 : index
      %swap3A_252 = tpu.vector_load %arg10[%swap3A_250, %swap3A_251] {strides = array<i32>} : memref<64x128xf32, #tpu.memory_space<vmem>>, vector<1x16xf32>,
      %swap3A_253 = vector.shape_cast %swap3A_252 : vector<1x16xf32> to vector<16xf32>
      %swap3A_254 = vector.shape_cast %broadcast_in_dim3A_0 : vector<16xf32> to vector<1x16xf32>
      tpu.vector_store %arg10[%swap3A_250, %swap3A_251], %swap3A_254 {strides = array<i32>} : memref<64x128xf32, #tpu.memory_space<vmem>>, vector<1x16xf32>,
      %scan3A_255 = arith.constant 0 : i32
      scf.yield %scan3A_255 : i32
    }
    %scan3A_6 = arith.constant 64 : i32
    "tpu.region"() ({
      %run_scoped3A_214 = tpu.sem_alloc : memref<!tpu.dma_semaphore, #tpu.memory_space<semaphore_mem>>
      %dma_start3A_215 = arith.constant 0 : i32
      %dma_start3A_216 = arith.constant 0 : i32
      %dma_start3A_217 = tpu.memref_slice %arg4[%arg1, %dma_start3A_215, %dma_start3A_216] : memref<16x79x128xi32, #tpu.memory_space<hbm>> -> memref<1x79x128xi32, #tpu.memory_space<hbm>>
      %dma_start3A_218 = tpu.memref_squeeze %dma_start3A_217 : memref<1x79x128xi32, #tpu.memory_space<hbm>> -> memref<79x128xi32, #tpu.memory_space<hbm>>
      %dma_start3A_219 = arith.constant 0 : i32
      %dma_start3A_220 = arith.constant 0 : i32
      %dma_start3A_221 = tpu.memref_slice %arg4[%arg1, %dma_start3A_219, %dma_start3A_220] : memref<16x79x128xi32, #tpu.memory_space<hbm>> -> memref<1x79x128xi32, #tpu.memory_space<hbm>>
      %dma_start3A_222 = tpu.memref_squeeze %dma_start3A_221 : memref<1x79x128xi32, #tpu.memory_space<hbm>> -> memref<79x128xi32, #tpu.memory_space<hbm>>
      tpu.enqueue_dma source(%dma_start3A_222 : memref<79x128xi32, #tpu.memory_space<hbm>>) target(%arg7 : memref<79x128xi32, #tpu.memory_space<vmem>>) target_semaphore(%run_scoped3A_214 : memref<!tpu.dma_semaphore, #tpu.memory_space<semaphore_mem>>)
      %dma_wait3A_223 = arith.constant 0 : i32
      %dma_wait3A_224 = arith.constant 0 : i32
      %dma_wait3A_225 = tpu.memref_slice %arg4[%arg1, %dma_wait3A_223, %dma_wait3A_224] : memref<16x79x128xi32, #tpu.memory_space<hbm>> -> memref<1x79x128xi32, #tpu.memory_space<hbm>>
      %dma_wait3A_226 = tpu.memref_squeeze %dma_wait3A_225 : memref<1x79x128xi32, #tpu.memory_space<hbm>> -> memref<79x128xi32, #tpu.memory_space<hbm>>
      %dma_wait3A_227 = arith.constant 0 : i32
      %dma_wait3A_228 = arith.constant 0 : i32
      %dma_wait3A_229 = tpu.memref_slice %arg4[%arg1, %dma_wait3A_227, %dma_wait3A_228] : memref<16x79x128xi32, #tpu.memory_space<hbm>> -> memref<1x79x128xi32, #tpu.memory_space<hbm>>
      %dma_wait3A_230 = tpu.memref_squeeze %dma_wait3A_229 : memref<1x79x128xi32, #tpu.memory_space<hbm>> -> memref<79x128xi32, #tpu.memory_space<hbm>>
      tpu.wait_dma2 semaphore(%run_scoped3A_214 : memref<!tpu.dma_semaphore, #tpu.memory_space<semaphore_mem>>) src(%dma_wait3A_230 : memref<79x128xi32, #tpu.memory_space<hbm>>) dst(%arg7 : memref<79x128xi32, #tpu.memory_space<vmem>>)
      tpu.yield
    }) : () -> ()
    %mul3A = arith.constant 5000 : i32
    %mul3A_7 = arith.muli %arg0, %mul3A : i32
    %broadcast_in_dim3A_8 = arith.constant 5056 : i32
    %broadcast_in_dim3A_9 = vector.broadcast %broadcast_in_dim3A_8 : i32 to vector<16xi32>
    %scan3A_10 = arith.constant 0 : i32
    %scan3A_11 = arith.constant 0 : i32
    %scan3A_12 = arith.constant 79 : i32
    %scan3A_13 = arith.addi %scan3A_11, %scan3A_12 : i32
    %scan3A_14 = arith.constant 1 : i32
    %scan3A_15 = scf.for %scan3A_214 = %scan3A_11 to %scan3A_13 step %scan3A_14 iter_args(%scan3A_215 = %scan3A_10) -> (i32)  : i32 {
      %get3A = arith.index_cast %scan3A_214 : i32 to index
      %get3A_216 = arith.constant 0 : index
      %get3A_217 = tpu.vector_load %arg7[%get3A, %get3A_216] {strides = array<i32>} : memref<79x128xi32, #tpu.memory_space<vmem>>, vector<1x16xi32>,
      %get3A_218 = vector.shape_cast %get3A_217 : vector<1x16xi32> to vector<16xi32>
      %sub3A = vector.broadcast %mul3A_7 : i32 to vector<16xi32>
      %sub3A_219 = arith.subi %get3A_218, %sub3A : vector<16xi32>
      %ge3A = arith.constant 0 : i32
      %ge3A_220 = vector.broadcast %ge3A : i32 to vector<16xi32>
      %ge3A_221 = arith.cmpi sge, %sub3A_219, %ge3A_220 : vector<16xi32>
      %lt3A = arith.constant 5000 : i32
      %lt3A_222 = vector.broadcast %lt3A : i32 to vector<16xi32>
      %lt3A_223 = arith.cmpi slt, %sub3A_219, %lt3A_222 : vector<16xi32>
      %and3A = arith.andi %ge3A_221, %lt3A_223 : vector<16xi1>
      %select_n3A = arith.select %and3A, %sub3A_219, %broadcast_in_dim3A_9 : vector<16xi1>, vector<16xi32>
      %swap3A = arith.index_cast %scan3A_214 : i32 to index
      %swap3A_224 = arith.constant 0 : index
      %swap3A_225 = tpu.vector_load %arg7[%swap3A, %swap3A_224] {strides = array<i32>} : memref<79x128xi32, #tpu.memory_space<vmem>>, vector<1x16xi32>,
      %swap3A_226 = vector.shape_cast %swap3A_225 : vector<1x16xi32> to vector<16xi32>
      %swap3A_227 = vector.shape_cast %select_n3A : vector<16xi32> to vector<1x16xi32>
      tpu.vector_store %arg7[%swap3A, %swap3A_224], %swap3A_227 {strides = array<i32>} : memref<79x128xi32, #tpu.memory_space<vmem>>, vector<1x16xi32>,
      %get3A_228 = arith.index_cast %scan3A_214 : i32 to index
      %get3A_229 = arith.constant 16 : index
      %get3A_230 = tpu.vector_load %arg7[%get3A_228, %get3A_229] {strides = array<i32>} : memref<79x128xi32, #tpu.memory_space<vmem>>, vector<1x16xi32>,
      %get3A_231 = vector.shape_cast %get3A_230 : vector<1x16xi32> to vector<16xi32>
      %sub3A_232 = vector.broadcast %mul3A_7 : i32 to vector<16xi32>
      %sub3A_233 = arith.subi %get3A_231, %sub3A_232 : vector<16xi32>
      %ge3A_234 = arith.constant 0 : i32
      %ge3A_235 = vector.broadcast %ge3A_234 : i32 to vector<16xi32>
      %ge3A_236 = arith.cmpi sge, %sub3A_233, %ge3A_235 : vector<16xi32>
      %lt3A_237 = arith.constant 5000 : i32
      %lt3A_238 = vector.broadcast %lt3A_237 : i32 to vector<16xi32>
      %lt3A_239 = arith.cmpi slt, %sub3A_233, %lt3A_238 : vector<16xi32>
      %and3A_240 = arith.andi %ge3A_236, %lt3A_239 : vector<16xi1>
      %select_n3A_241 = arith.select %and3A_240, %sub3A_233, %broadcast_in_dim3A_9 : vector<16xi1>, vector<16xi32>
      %swap3A_242 = arith.index_cast %scan3A_214 : i32 to index
      %swap3A_243 = arith.constant 16 : index
      %swap3A_244 = tpu.vector_load %arg7[%swap3A_242, %swap3A_243] {strides = array<i32>} : memref<79x128xi32, #tpu.memory_space<vmem>>, vector<1x16xi32>,
      %swap3A_245 = vector.shape_cast %swap3A_244 : vector<1x16xi32> to vector<16xi32>
      %swap3A_246 = vector.shape_cast %select_n3A_241 : vector<16xi32> to vector<1x16xi32>
      tpu.vector_store %arg7[%swap3A_242, %swap3A_243], %swap3A_246 {strides = array<i32>} : memref<79x128xi32, #tpu.memory_space<vmem>>, vector<1x16xi32>,
      %get3A_247 = arith.index_cast %scan3A_214 : i32 to index
      %get3A_248 = arith.constant 32 : index
      %get3A_249 = tpu.vector_load %arg7[%get3A_247, %get3A_248] {strides = array<i32>} : memref<79x128xi32, #tpu.memory_space<vmem>>, vector<1x16xi32>,
      %get3A_250 = vector.shape_cast %get3A_249 : vector<1x16xi32> to vector<16xi32>
      %sub3A_251 = vector.broadcast %mul3A_7 : i32 to vector<16xi32>
      %sub3A_252 = arith.subi %get3A_250, %sub3A_251 : vector<16xi32>
      %ge3A_253 = arith.constant 0 : i32
      %ge3A_254 = vector.broadcast %ge3A_253 : i32 to vector<16xi32>
      %ge3A_255 = arith.cmpi sge, %sub3A_252, %ge3A_254 : vector<16xi32>
      %lt3A_256 = arith.constant 5000 : i32
      %lt3A_257 = vector.broadcast %lt3A_256 : i32 to vector<16xi32>
      %lt3A_258 = arith.cmpi slt, %sub3A_252, %lt3A_257 : vector<16xi32>
      %and3A_259 = arith.andi %ge3A_255, %lt3A_258 : vector<16xi1>
      %select_n3A_260 = arith.select %and3A_259, %sub3A_252, %broadcast_in_dim3A_9 : vector<16xi1>, vector<16xi32>
      %swap3A_261 = arith.index_cast %scan3A_214 : i32 to index
      %swap3A_262 = arith.constant 32 : index
      %swap3A_263 = tpu.vector_load %arg7[%swap3A_261, %swap3A_262] {strides = array<i32>} : memref<79x128xi32, #tpu.memory_space<vmem>>, vector<1x16xi32>,
      %swap3A_264 = vector.shape_cast %swap3A_263 : vector<1x16xi32> to vector<16xi32>
      %swap3A_265 = vector.shape_cast %select_n3A_260 : vector<16xi32> to vector<1x16xi32>
      tpu.vector_store %arg7[%swap3A_261, %swap3A_262], %swap3A_265 {strides = array<i32>} : memref<79x128xi32, #tpu.memory_space<vmem>>, vector<1x16xi32>,
      %get3A_266 = arith.index_cast %scan3A_214 : i32 to index
      %get3A_267 = arith.constant 48 : index
      %get3A_268 = tpu.vector_load %arg7[%get3A_266, %get3A_267] {strides = array<i32>} : memref<79x128xi32, #tpu.memory_space<vmem>>, vector<1x16xi32>,
      %get3A_269 = vector.shape_cast %get3A_268 : vector<1x16xi32> to vector<16xi32>
      %sub3A_270 = vector.broadcast %mul3A_7 : i32 to vector<16xi32>
      %sub3A_271 = arith.subi %get3A_269, %sub3A_270 : vector<16xi32>
      %ge3A_272 = arith.constant 0 : i32
      %ge3A_273 = vector.broadcast %ge3A_272 : i32 to vector<16xi32>
      %ge3A_274 = arith.cmpi sge, %sub3A_271, %ge3A_273 : vector<16xi32>
      %lt3A_275 = arith.constant 5000 : i32
      %lt3A_276 = vector.broadcast %lt3A_275 : i32 to vector<16xi32>
      %lt3A_277 = arith.cmpi slt, %sub3A_271, %lt3A_276 : vector<16xi32>
      %and3A_278 = arith.andi %ge3A_274, %lt3A_277 : vector<16xi1>
      %select_n3A_279 = arith.select %and3A_278, %sub3A_271, %broadcast_in_dim3A_9 : vector<16xi1>, vector<16xi32>
      %swap3A_280 = arith.index_cast %scan3A_214 : i32 to index
      %swap3A_281 = arith.constant 48 : index
      %swap3A_282 = tpu.vector_load %arg7[%swap3A_280, %swap3A_281] {strides = array<i32>} : memref<79x128xi32, #tpu.memory_space<vmem>>, vector<1x16xi32>,
      %swap3A_283 = vector.shape_cast %swap3A_282 : vector<1x16xi32> to vector<16xi32>
      %swap3A_284 = vector.shape_cast %select_n3A_279 : vector<16xi32> to vector<1x16xi32>
      tpu.vector_store %arg7[%swap3A_280, %swap3A_281], %swap3A_284 {strides = array<i32>} : memref<79x128xi32, #tpu.memory_space<vmem>>, vector<1x16xi32>,
      %get3A_285 = arith.index_cast %scan3A_214 : i32 to index
      %get3A_286 = arith.constant 64 : index
      %get3A_287 = tpu.vector_load %arg7[%get3A_285, %get3A_286] {strides = array<i32>} : memref<79x128xi32, #tpu.memory_space<vmem>>, vector<1x16xi32>,
      %get3A_288 = vector.shape_cast %get3A_287 : vector<1x16xi32> to vector<16xi32>
      %sub3A_289 = vector.broadcast %mul3A_7 : i32 to vector<16xi32>
      %sub3A_290 = arith.subi %get3A_288, %sub3A_289 : vector<16xi32>
      %ge3A_291 = arith.constant 0 : i32
      %ge3A_292 = vector.broadcast %ge3A_291 : i32 to vector<16xi32>
      %ge3A_293 = arith.cmpi sge, %sub3A_290, %ge3A_292 : vector<16xi32>
      %lt3A_294 = arith.constant 5000 : i32
      %lt3A_295 = vector.broadcast %lt3A_294 : i32 to vector<16xi32>
      %lt3A_296 = arith.cmpi slt, %sub3A_290, %lt3A_295 : vector<16xi32>
      %and3A_297 = arith.andi %ge3A_293, %lt3A_296 : vector<16xi1>
      %select_n3A_298 = arith.select %and3A_297, %sub3A_290, %broadcast_in_dim3A_9 : vector<16xi1>, vector<16xi32>
      %swap3A_299 = arith.index_cast %scan3A_214 : i32 to index
      %swap3A_300 = arith.constant 64 : index
      %swap3A_301 = tpu.vector_load %arg7[%swap3A_299, %swap3A_300] {strides = array<i32>} : memref<79x128xi32, #tpu.memory_space<vmem>>, vector<1x16xi32>,
      %swap3A_302 = vector.shape_cast %swap3A_301 : vector<1x16xi32> to vector<16xi32>
      %swap3A_303 = vector.shape_cast %select_n3A_298 : vector<16xi32> to vector<1x16xi32>
      tpu.vector_store %arg7[%swap3A_299, %swap3A_300], %swap3A_303 {strides = array<i32>} : memref<79x128xi32, #tpu.memory_space<vmem>>, vector<1x16xi32>,
      %get3A_304 = arith.index_cast %scan3A_214 : i32 to index
      %get3A_305 = arith.constant 80 : index
      %get3A_306 = tpu.vector_load %arg7[%get3A_304, %get3A_305] {strides = array<i32>} : memref<79x128xi32, #tpu.memory_space<vmem>>, vector<1x16xi32>,
      %get3A_307 = vector.shape_cast %get3A_306 : vector<1x16xi32> to vector<16xi32>
      %sub3A_308 = vector.broadcast %mul3A_7 : i32 to vector<16xi32>
      %sub3A_309 = arith.subi %get3A_307, %sub3A_308 : vector<16xi32>
      %ge3A_310 = arith.constant 0 : i32
      %ge3A_311 = vector.broadcast %ge3A_310 : i32 to vector<16xi32>
      %ge3A_312 = arith.cmpi sge, %sub3A_309, %ge3A_311 : vector<16xi32>
      %lt3A_313 = arith.constant 5000 : i32
      %lt3A_314 = vector.broadcast %lt3A_313 : i32 to vector<16xi32>
      %lt3A_315 = arith.cmpi slt, %sub3A_309, %lt3A_314 : vector<16xi32>
      %and3A_316 = arith.andi %ge3A_312, %lt3A_315 : vector<16xi1>
      %select_n3A_317 = arith.select %and3A_316, %sub3A_309, %broadcast_in_dim3A_9 : vector<16xi1>, vector<16xi32>
      %swap3A_318 = arith.index_cast %scan3A_214 : i32 to index
      %swap3A_319 = arith.constant 80 : index
      %swap3A_320 = tpu.vector_load %arg7[%swap3A_318, %swap3A_319] {strides = array<i32>} : memref<79x128xi32, #tpu.memory_space<vmem>>, vector<1x16xi32>,
      %swap3A_321 = vector.shape_cast %swap3A_320 : vector<1x16xi32> to vector<16xi32>
      %swap3A_322 = vector.shape_cast %select_n3A_317 : vector<16xi32> to vector<1x16xi32>
      tpu.vector_store %arg7[%swap3A_318, %swap3A_319], %swap3A_322 {strides = array<i32>} : memref<79x128xi32, #tpu.memory_space<vmem>>, vector<1x16xi32>,
      %get3A_323 = arith.index_cast %scan3A_214 : i32 to index
      %get3A_324 = arith.constant 96 : index
      %get3A_325 = tpu.vector_load %arg7[%get3A_323, %get3A_324] {strides = array<i32>} : memref<79x128xi32, #tpu.memory_space<vmem>>, vector<1x16xi32>,
      %get3A_326 = vector.shape_cast %get3A_325 : vector<1x16xi32> to vector<16xi32>
      %sub3A_327 = vector.broadcast %mul3A_7 : i32 to vector<16xi32>
      %sub3A_328 = arith.subi %get3A_326, %sub3A_327 : vector<16xi32>
      %ge3A_329 = arith.constant 0 : i32
      %ge3A_330 = vector.broadcast %ge3A_329 : i32 to vector<16xi32>
      %ge3A_331 = arith.cmpi sge, %sub3A_328, %ge3A_330 : vector<16xi32>
      %lt3A_332 = arith.constant 5000 : i32
      %lt3A_333 = vector.broadcast %lt3A_332 : i32 to vector<16xi32>
      %lt3A_334 = arith.cmpi slt, %sub3A_328, %lt3A_333 : vector<16xi32>
      %and3A_335 = arith.andi %ge3A_331, %lt3A_334 : vector<16xi1>
      %select_n3A_336 = arith.select %and3A_335, %sub3A_328, %broadcast_in_dim3A_9 : vector<16xi1>, vector<16xi32>
      %swap3A_337 = arith.index_cast %scan3A_214 : i32 to index
      %swap3A_338 = arith.constant 96 : index
      %swap3A_339 = tpu.vector_load %arg7[%swap3A_337, %swap3A_338] {strides = array<i32>} : memref<79x128xi32, #tpu.memory_space<vmem>>, vector<1x16xi32>,
      %swap3A_340 = vector.shape_cast %swap3A_339 : vector<1x16xi32> to vector<16xi32>
      %swap3A_341 = vector.shape_cast %select_n3A_336 : vector<16xi32> to vector<1x16xi32>
      tpu.vector_store %arg7[%swap3A_337, %swap3A_338], %swap3A_341 {strides = array<i32>} : memref<79x128xi32, #tpu.memory_space<vmem>>, vector<1x16xi32>,
      %get3A_342 = arith.index_cast %scan3A_214 : i32 to index
      %get3A_343 = arith.constant 112 : index
      %get3A_344 = tpu.vector_load %arg7[%get3A_342, %get3A_343] {strides = array<i32>} : memref<79x128xi32, #tpu.memory_space<vmem>>, vector<1x16xi32>,
      %get3A_345 = vector.shape_cast %get3A_344 : vector<1x16xi32> to vector<16xi32>
      %sub3A_346 = vector.broadcast %mul3A_7 : i32 to vector<16xi32>
      %sub3A_347 = arith.subi %get3A_345, %sub3A_346 : vector<16xi32>
      %ge3A_348 = arith.constant 0 : i32
      %ge3A_349 = vector.broadcast %ge3A_348 : i32 to vector<16xi32>
      %ge3A_350 = arith.cmpi sge, %sub3A_347, %ge3A_349 : vector<16xi32>
      %lt3A_351 = arith.constant 5000 : i32
      %lt3A_352 = vector.broadcast %lt3A_351 : i32 to vector<16xi32>
      %lt3A_353 = arith.cmpi slt, %sub3A_347, %lt3A_352 : vector<16xi32>
      %and3A_354 = arith.andi %ge3A_350, %lt3A_353 : vector<16xi1>
      %select_n3A_355 = arith.select %and3A_354, %sub3A_347, %broadcast_in_dim3A_9 : vector<16xi1>, vector<16xi32>
      %swap3A_356 = arith.index_cast %scan3A_214 : i32 to index
      %swap3A_357 = arith.constant 112 : index
      %swap3A_358 = tpu.vector_load %arg7[%swap3A_356, %swap3A_357] {strides = array<i32>} : memref<79x128xi32, #tpu.memory_space<vmem>>, vector<1x16xi32>,
      %swap3A_359 = vector.shape_cast %swap3A_358 : vector<1x16xi32> to vector<16xi32>
      %swap3A_360 = vector.shape_cast %select_n3A_355 : vector<16xi32> to vector<1x16xi32>
      tpu.vector_store %arg7[%swap3A_356, %swap3A_357], %swap3A_360 {strides = array<i32>} : memref<79x128xi32, #tpu.memory_space<vmem>>, vector<1x16xi32>,
      %scan3A_361 = arith.constant 0 : i32
      scf.yield %scan3A_361 : i32
    }
    %scan3A_16 = arith.constant 79 : i32
    "tpu.region"() ({
      %run_scoped3A_214 = tpu.sem_alloc : memref<!tpu.dma_semaphore, #tpu.memory_space<semaphore_mem>>
      %dma_start3A_215 = arith.constant 0 : i32
      %dma_start3A_216 = arith.constant 0 : i32
      %dma_start3A_217 = tpu.memref_slice %arg3[%arg1, %dma_start3A_215, %dma_start3A_216] : memref<16x79x128xi32, #tpu.memory_space<hbm>> -> memref<1x79x128xi32, #tpu.memory_space<hbm>>
      %dma_start3A_218 = tpu.memref_squeeze %dma_start3A_217 : memref<1x79x128xi32, #tpu.memory_space<hbm>> -> memref<79x128xi32, #tpu.memory_space<hbm>>
      %dma_start3A_219 = arith.constant 0 : i32
      %dma_start3A_220 = arith.constant 0 : i32
      %dma_start3A_221 = tpu.memref_slice %arg3[%arg1, %dma_start3A_219, %dma_start3A_220] : memref<16x79x128xi32, #tpu.memory_space<hbm>> -> memref<1x79x128xi32, #tpu.memory_space<hbm>>
      %dma_start3A_222 = tpu.memref_squeeze %dma_start3A_221 : memref<1x79x128xi32, #tpu.memory_space<hbm>> -> memref<79x128xi32, #tpu.memory_space<hbm>>
      tpu.enqueue_dma source(%dma_start3A_222 : memref<79x128xi32, #tpu.memory_space<hbm>>) target(%arg6 : memref<79x128xi32, #tpu.memory_space<vmem>>) target_semaphore(%run_scoped3A_214 : memref<!tpu.dma_semaphore, #tpu.memory_space<semaphore_mem>>)
      %dma_wait3A_223 = arith.constant 0 : i32
      %dma_wait3A_224 = arith.constant 0 : i32
      %dma_wait3A_225 = tpu.memref_slice %arg3[%arg1, %dma_wait3A_223, %dma_wait3A_224] : memref<16x79x128xi32, #tpu.memory_space<hbm>> -> memref<1x79x128xi32, #tpu.memory_space<hbm>>
      %dma_wait3A_226 = tpu.memref_squeeze %dma_wait3A_225 : memref<1x79x128xi32, #tpu.memory_space<hbm>> -> memref<79x128xi32, #tpu.memory_space<hbm>>
      %dma_wait3A_227 = arith.constant 0 : i32
      %dma_wait3A_228 = arith.constant 0 : i32
      %dma_wait3A_229 = tpu.memref_slice %arg3[%arg1, %dma_wait3A_227, %dma_wait3A_228] : memref<16x79x128xi32, #tpu.memory_space<hbm>> -> memref<1x79x128xi32, #tpu.memory_space<hbm>>
      %dma_wait3A_230 = tpu.memref_squeeze %dma_wait3A_229 : memref<1x79x128xi32, #tpu.memory_space<hbm>> -> memref<79x128xi32, #tpu.memory_space<hbm>>
      tpu.wait_dma2 semaphore(%run_scoped3A_214 : memref<!tpu.dma_semaphore, #tpu.memory_space<semaphore_mem>>) src(%dma_wait3A_230 : memref<79x128xi32, #tpu.memory_space<hbm>>) dst(%arg6 : memref<79x128xi32, #tpu.memory_space<vmem>>)
      tpu.yield
    }) : () -> ()
    %mul3A_17 = arith.constant 320 : i32
    %mul3A_18 = arith.muli %arg1, %mul3A_17 : i32
    %add3A = arith.constant 0 : i32
    %add3A_19 = arith.addi %mul3A_18, %add3A : i32
    "tpu.region"() ({
      %run_scoped3A_214 = tpu.sem_alloc : memref<!tpu.dma_semaphore, #tpu.memory_space<semaphore_mem>>
      %dma_start3A_215 = arith.constant 0 : i32
      %dma_start3A_216 = tpu.memref_slice %arg11[%add3A_19, %dma_start3A_215] : memref<5120x128xf32, #tpu.memory_space<vmem_shared>> -> memref<64x128xf32, #tpu.memory_space<vmem_shared>>
      %dma_start3A_217 = arith.constant 0 : i32
      %dma_start3A_218 = tpu.memref_slice %arg11[%add3A_19, %dma_start3A_217] : memref<5120x128xf32, #tpu.memory_space<vmem_shared>> -> memref<64x128xf32, #tpu.memory_space<vmem_shared>>
      tpu.enqueue_dma source(%arg10 : memref<64x128xf32, #tpu.memory_space<vmem>>) target(%dma_start3A_218 : memref<64x128xf32, #tpu.memory_space<vmem_shared>>) target_semaphore(%run_scoped3A_214 : memref<!tpu.dma_semaphore, #tpu.memory_space<semaphore_mem>>)
      %dma_wait3A_219 = arith.constant 0 : i32
      %dma_wait3A_220 = tpu.memref_slice %arg11[%add3A_19, %dma_wait3A_219] : memref<5120x128xf32, #tpu.memory_space<vmem_shared>> -> memref<64x128xf32, #tpu.memory_space<vmem_shared>>
      %dma_wait3A_221 = arith.constant 0 : i32
      %dma_wait3A_222 = tpu.memref_slice %arg11[%add3A_19, %dma_wait3A_221] : memref<5120x128xf32, #tpu.memory_space<vmem_shared>> -> memref<64x128xf32, #tpu.memory_space<vmem_shared>>
      tpu.wait_dma2 semaphore(%run_scoped3A_214 : memref<!tpu.dma_semaphore, #tpu.memory_space<semaphore_mem>>) src(%arg10 : memref<64x128xf32, #tpu.memory_space<vmem>>) dst(%dma_wait3A_222 : memref<64x128xf32, #tpu.memory_space<vmem_shared>>)
      tpu.yield
    }) : () -> ()
    %mul3A_20 = arith.constant 320 : i32
    %mul3A_21 = arith.muli %arg1, %mul3A_20 : i32
    %add3A_22 = arith.constant 64 : i32
    %add3A_23 = arith.addi %mul3A_21, %add3A_22 : i32
    "tpu.region"() ({
      %run_scoped3A_214 = tpu.sem_alloc : memref<!tpu.dma_semaphore, #tpu.memory_space<semaphore_mem>>
      %dma_start3A_215 = arith.constant 0 : i32
      %dma_start3A_216 = tpu.memref_slice %arg11[%add3A_23, %dma_start3A_215] : memref<5120x128xf32, #tpu.memory_space<vmem_shared>> -> memref<64x128xf32, #tpu.memory_space<vmem_shared>>
      %dma_start3A_217 = arith.constant 0 : i32
      %dma_start3A_218 = tpu.memref_slice %arg11[%add3A_23, %dma_start3A_217] : memref<5120x128xf32, #tpu.memory_space<vmem_shared>> -> memref<64x128xf32, #tpu.memory_space<vmem_shared>>
      tpu.enqueue_dma source(%arg10 : memref<64x128xf32, #tpu.memory_space<vmem>>) target(%dma_start3A_218 : memref<64x128xf32, #tpu.memory_space<vmem_shared>>) target_semaphore(%run_scoped3A_214 : memref<!tpu.dma_semaphore, #tpu.memory_space<semaphore_mem>>)
      %dma_wait3A_219 = arith.constant 0 : i32
      %dma_wait3A_220 = tpu.memref_slice %arg11[%add3A_23, %dma_wait3A_219] : memref<5120x128xf32, #tpu.memory_space<vmem_shared>> -> memref<64x128xf32, #tpu.memory_space<vmem_shared>>
      %dma_wait3A_221 = arith.constant 0 : i32
      %dma_wait3A_222 = tpu.memref_slice %arg11[%add3A_23, %dma_wait3A_221] : memref<5120x128xf32, #tpu.memory_space<vmem_shared>> -> memref<64x128xf32, #tpu.memory_space<vmem_shared>>
      tpu.wait_dma2 semaphore(%run_scoped3A_214 : memref<!tpu.dma_semaphore, #tpu.memory_space<semaphore_mem>>) src(%arg10 : memref<64x128xf32, #tpu.memory_space<vmem>>) dst(%dma_wait3A_222 : memref<64x128xf32, #tpu.memory_space<vmem_shared>>)
      tpu.yield
    }) : () -> ()
    %mul3A_24 = arith.constant 320 : i32
    %mul3A_25 = arith.muli %arg1, %mul3A_24 : i32
    %add3A_26 = arith.constant 128 : i32
    %add3A_27 = arith.addi %mul3A_25, %add3A_26 : i32
    "tpu.region"() ({
      %run_scoped3A_214 = tpu.sem_alloc : memref<!tpu.dma_semaphore, #tpu.memory_space<semaphore_mem>>
      %dma_start3A_215 = arith.constant 0 : i32
      %dma_start3A_216 = tpu.memref_slice %arg11[%add3A_27, %dma_start3A_215] : memref<5120x128xf32, #tpu.memory_space<vmem_shared>> -> memref<64x128xf32, #tpu.memory_space<vmem_shared>>
      %dma_start3A_217 = arith.constant 0 : i32
      %dma_start3A_218 = tpu.memref_slice %arg11[%add3A_27, %dma_start3A_217] : memref<5120x128xf32, #tpu.memory_space<vmem_shared>> -> memref<64x128xf32, #tpu.memory_space<vmem_shared>>
      tpu.enqueue_dma source(%arg10 : memref<64x128xf32, #tpu.memory_space<vmem>>) target(%dma_start3A_218 : memref<64x128xf32, #tpu.memory_space<vmem_shared>>) target_semaphore(%run_scoped3A_214 : memref<!tpu.dma_semaphore, #tpu.memory_space<semaphore_mem>>)
      %dma_wait3A_219 = arith.constant 0 : i32
      %dma_wait3A_220 = tpu.memref_slice %arg11[%add3A_27, %dma_wait3A_219] : memref<5120x128xf32, #tpu.memory_space<vmem_shared>> -> memref<64x128xf32, #tpu.memory_space<vmem_shared>>
      %dma_wait3A_221 = arith.constant 0 : i32
      %dma_wait3A_222 = tpu.memref_slice %arg11[%add3A_27, %dma_wait3A_221] : memref<5120x128xf32, #tpu.memory_space<vmem_shared>> -> memref<64x128xf32, #tpu.memory_space<vmem_shared>>
      tpu.wait_dma2 semaphore(%run_scoped3A_214 : memref<!tpu.dma_semaphore, #tpu.memory_space<semaphore_mem>>) src(%arg10 : memref<64x128xf32, #tpu.memory_space<vmem>>) dst(%dma_wait3A_222 : memref<64x128xf32, #tpu.memory_space<vmem_shared>>)
      tpu.yield
    }) : () -> ()
    %mul3A_28 = arith.constant 320 : i32
    %mul3A_29 = arith.muli %arg1, %mul3A_28 : i32
    %add3A_30 = arith.constant 192 : i32
    %add3A_31 = arith.addi %mul3A_29, %add3A_30 : i32
    "tpu.region"() ({
      %run_scoped3A_214 = tpu.sem_alloc : memref<!tpu.dma_semaphore, #tpu.memory_space<semaphore_mem>>
      %dma_start3A_215 = arith.constant 0 : i32
      %dma_start3A_216 = tpu.memref_slice %arg11[%add3A_31, %dma_start3A_215] : memref<5120x128xf32, #tpu.memory_space<vmem_shared>> -> memref<64x128xf32, #tpu.memory_space<vmem_shared>>
      %dma_start3A_217 = arith.constant 0 : i32
      %dma_start3A_218 = tpu.memref_slice %arg11[%add3A_31, %dma_start3A_217] : memref<5120x128xf32, #tpu.memory_space<vmem_shared>> -> memref<64x128xf32, #tpu.memory_space<vmem_shared>>
      tpu.enqueue_dma source(%arg10 : memref<64x128xf32, #tpu.memory_space<vmem>>) target(%dma_start3A_218 : memref<64x128xf32, #tpu.memory_space<vmem_shared>>) target_semaphore(%run_scoped3A_214 : memref<!tpu.dma_semaphore, #tpu.memory_space<semaphore_mem>>)
      %dma_wait3A_219 = arith.constant 0 : i32
      %dma_wait3A_220 = tpu.memref_slice %arg11[%add3A_31, %dma_wait3A_219] : memref<5120x128xf32, #tpu.memory_space<vmem_shared>> -> memref<64x128xf32, #tpu.memory_space<vmem_shared>>
      %dma_wait3A_221 = arith.constant 0 : i32
      %dma_wait3A_222 = tpu.memref_slice %arg11[%add3A_31, %dma_wait3A_221] : memref<5120x128xf32, #tpu.memory_space<vmem_shared>> -> memref<64x128xf32, #tpu.memory_space<vmem_shared>>
      tpu.wait_dma2 semaphore(%run_scoped3A_214 : memref<!tpu.dma_semaphore, #tpu.memory_space<semaphore_mem>>) src(%arg10 : memref<64x128xf32, #tpu.memory_space<vmem>>) dst(%dma_wait3A_222 : memref<64x128xf32, #tpu.memory_space<vmem_shared>>)
      tpu.yield
    }) : () -> ()
    %mul3A_32 = arith.constant 320 : i32
    %mul3A_33 = arith.muli %arg1, %mul3A_32 : i32
    %add3A_34 = arith.constant 256 : i32
    %add3A_35 = arith.addi %mul3A_33, %add3A_34 : i32
    "tpu.region"() ({
      %run_scoped3A_214 = tpu.sem_alloc : memref<!tpu.dma_semaphore, #tpu.memory_space<semaphore_mem>>
      %dma_start3A_215 = arith.constant 0 : i32
      %dma_start3A_216 = tpu.memref_slice %arg11[%add3A_35, %dma_start3A_215] : memref<5120x128xf32, #tpu.memory_space<vmem_shared>> -> memref<64x128xf32, #tpu.memory_space<vmem_shared>>
      %dma_start3A_217 = arith.constant 0 : i32
      %dma_start3A_218 = tpu.memref_slice %arg11[%add3A_35, %dma_start3A_217] : memref<5120x128xf32, #tpu.memory_space<vmem_shared>> -> memref<64x128xf32, #tpu.memory_space<vmem_shared>>
      tpu.enqueue_dma source(%arg10 : memref<64x128xf32, #tpu.memory_space<vmem>>) target(%dma_start3A_218 : memref<64x128xf32, #tpu.memory_space<vmem_shared>>) target_semaphore(%run_scoped3A_214 : memref<!tpu.dma_semaphore, #tpu.memory_space<semaphore_mem>>)
      %dma_wait3A_219 = arith.constant 0 : i32
      %dma_wait3A_220 = tpu.memref_slice %arg11[%add3A_35, %dma_wait3A_219] : memref<5120x128xf32, #tpu.memory_space<vmem_shared>> -> memref<64x128xf32, #tpu.memory_space<vmem_shared>>
      %dma_wait3A_221 = arith.constant 0 : i32
      %dma_wait3A_222 = tpu.memref_slice %arg11[%add3A_35, %dma_wait3A_221] : memref<5120x128xf32, #tpu.memory_space<vmem_shared>> -> memref<64x128xf32, #tpu.memory_space<vmem_shared>>
      tpu.wait_dma2 semaphore(%run_scoped3A_214 : memref<!tpu.dma_semaphore, #tpu.memory_space<semaphore_mem>>) src(%arg10 : memref<64x128xf32, #tpu.memory_space<vmem>>) dst(%dma_wait3A_222 : memref<64x128xf32, #tpu.memory_space<vmem_shared>>)
      tpu.yield
    }) : () -> ()
    %barrier3A = arith.constant 0 : index
    tpu.barrier barrier_id(%barrier3A)
    %dma_start3A = arith.constant 0 : i32
    %dma_start3A_36 = arith.constant 0 : i32
    %dma_start3A_37 = tpu.memref_slice %arg6[%dma_start3A, %dma_start3A_36] : memref<79x128xi32, #tpu.memory_space<vmem>> -> memref<1x128xi32, #tpu.memory_space<vmem>>
    %dma_start3A_38 = tpu.memref_squeeze %dma_start3A_37 : memref<1x128xi32, #tpu.memory_space<vmem>> -> memref<128xi32, #tpu.memory_space<vmem>>
    %dma_start3A_39 = arith.constant 0 : i32
    %dma_start3A_40 = arith.constant 0 : i32
    %dma_start3A_41 = tpu.memref_slice %arg2[%dma_start3A_39, %dma_start3A_40] : memref<20000x128xf32, #tpu.memory_space<hbm>> -> memref<20000x128xf32, #tpu.memory_space<hbm>>
    tpu.enqueue_indirect_dma source(%dma_start3A_41 : memref<20000x128xf32, #tpu.memory_space<hbm>>) target(%arg8 : memref<128x128xf32, #tpu.memory_space<vmem>>) offsets(%dma_start3A_38 : memref<128xi32, #tpu.memory_space<vmem>>) semaphore(%arg12 : memref<!tpu.dma_semaphore, #tpu.memory_space<semaphore_mem>>)
    %scan3A_42 = arith.constant 0 : i32
    %scan3A_43 = arith.constant 0 : i32
    %scan3A_44 = arith.constant 39 : i32
    %scan3A_45 = arith.addi %scan3A_43, %scan3A_44 : i32
    %scan3A_46 = arith.constant 1 : i32
    %scan3A_47 = scf.for %scan3A_214 = %scan3A_43 to %scan3A_45 step %scan3A_46 iter_args(%scan3A_215 = %scan3A_42) -> (i32)  : i32 {
      %mul3A_216 = arith.constant 2 : i32
      %mul3A_217 = arith.muli %mul3A_216, %scan3A_214 : i32
      %dma_wait3A_218 = arith.constant 0 : i32
      %dma_wait3A_219 = tpu.memref_slice %arg6[%mul3A_217, %dma_wait3A_218] : memref<79x128xi32, #tpu.memory_space<vmem>> -> memref<1x128xi32, #tpu.memory_space<vmem>>
      %dma_wait3A_220 = tpu.memref_squeeze %dma_wait3A_219 : memref<1x128xi32, #tpu.memory_space<vmem>> -> memref<128xi32, #tpu.memory_space<vmem>>
      %dma_wait3A_221 = arith.constant 0 : i32
      %dma_wait3A_222 = arith.constant 0 : i32
      %dma_wait3A_223 = tpu.memref_slice %arg2[%dma_wait3A_221, %dma_wait3A_222] : memref<20000x128xf32, #tpu.memory_space<hbm>> -> memref<20000x128xf32, #tpu.memory_space<hbm>>
      tpu.wait_indirect_dma semaphore(%arg12 : memref<!tpu.dma_semaphore, #tpu.memory_space<semaphore_mem>>) src(%dma_wait3A_223 : memref<20000x128xf32, #tpu.memory_space<hbm>>) dst(%arg8 : memref<128x128xf32, #tpu.memory_space<vmem>>)
      %dma_start3A_224 = arith.constant 0 : i32
      %dma_start3A_225 = tpu.memref_slice %arg7[%mul3A_217, %dma_start3A_224] : memref<79x128xi32, #tpu.memory_space<vmem>> -> memref<1x128xi32, #tpu.memory_space<vmem>>
      %dma_start3A_226 = tpu.memref_squeeze %dma_start3A_225 : memref<1x128xi32, #tpu.memory_space<vmem>> -> memref<128xi32, #tpu.memory_space<vmem>>
      %dma_start3A_227 = arith.constant 0 : i32
      %dma_start3A_228 = arith.constant 0 : i32
      %dma_start3A_229 = tpu.memref_slice %arg11[%dma_start3A_227, %dma_start3A_228] : memref<5120x128xf32, #tpu.memory_space<vmem_shared>> -> memref<5120x128xf32, #tpu.memory_space<vmem_shared>>
      tpu.enqueue_indirect_dma source(%arg8 : memref<128x128xf32, #tpu.memory_space<vmem>>) target(%dma_start3A_229 : memref<5120x128xf32, #tpu.memory_space<vmem_shared>>) offsets(%dma_start3A_226 : memref<128xi32, #tpu.memory_space<vmem>>) semaphore(%arg13 : memref<!tpu.dma_semaphore, #tpu.memory_space<semaphore_mem>>) {add = true}
      %gt3A = arith.constant 0 : i32
      %gt3A_230 = arith.cmpi sgt, %scan3A_214, %gt3A : i32
      %convert_element_type3A = arith.extui %gt3A_230 : i1 to i32
      %cond3A = arith.constant 0 : i32
      %cond3A_231 = arith.cmpi ne, %convert_element_type3A, %cond3A : i32
      scf.if %cond3A_231 {
        %sub3A = arith.constant 1 : i32
        %sub3A_269 = arith.subi %mul3A_217, %sub3A : i32
        %dma_wait3A_270 = arith.constant 0 : i32
        %dma_wait3A_271 = tpu.memref_slice %arg7[%sub3A_269, %dma_wait3A_270] : memref<79x128xi32, #tpu.memory_space<vmem>> -> memref<1x128xi32, #tpu.memory_space<vmem>>
        %dma_wait3A_272 = tpu.memref_squeeze %dma_wait3A_271 : memref<1x128xi32, #tpu.memory_space<vmem>> -> memref<128xi32, #tpu.memory_space<vmem>>
        %dma_wait3A_273 = arith.constant 0 : i32
        %dma_wait3A_274 = arith.constant 0 : i32
        %dma_wait3A_275 = tpu.memref_slice %arg11[%dma_wait3A_273, %dma_wait3A_274] : memref<5120x128xf32, #tpu.memory_space<vmem_shared>> -> memref<5120x128xf32, #tpu.memory_space<vmem_shared>>
        tpu.wait_indirect_dma semaphore(%arg14 : memref<!tpu.dma_semaphore, #tpu.memory_space<semaphore_mem>>) src(%arg9 : memref<128x128xf32, #tpu.memory_space<vmem>>) dst(%dma_wait3A_275 : memref<5120x128xf32, #tpu.memory_space<vmem_shared>>)
      } else {
      }
      %add3A_232 = arith.constant 1 : i32
      %add3A_233 = arith.addi %mul3A_217, %add3A_232 : i32
      %dma_start3A_234 = arith.constant 0 : i32
      %dma_start3A_235 = tpu.memref_slice %arg6[%add3A_233, %dma_start3A_234] : memref<79x128xi32, #tpu.memory_space<vmem>> -> memref<1x128xi32, #tpu.memory_space<vmem>>
      %dma_start3A_236 = tpu.memref_squeeze %dma_start3A_235 : memref<1x128xi32, #tpu.memory_space<vmem>> -> memref<128xi32, #tpu.memory_space<vmem>>
      %dma_start3A_237 = arith.constant 0 : i32
      %dma_start3A_238 = arith.constant 0 : i32
      %dma_start3A_239 = tpu.memref_slice %arg2[%dma_start3A_237, %dma_start3A_238] : memref<20000x128xf32, #tpu.memory_space<hbm>> -> memref<20000x128xf32, #tpu.memory_space<hbm>>
      tpu.enqueue_indirect_dma source(%dma_start3A_239 : memref<20000x128xf32, #tpu.memory_space<hbm>>) target(%arg9 : memref<128x128xf32, #tpu.memory_space<vmem>>) offsets(%dma_start3A_236 : memref<128xi32, #tpu.memory_space<vmem>>) semaphore(%arg12 : memref<!tpu.dma_semaphore, #tpu.memory_space<semaphore_mem>>)
      %add3A_240 = arith.constant 1 : i32
      %add3A_241 = arith.addi %mul3A_217, %add3A_240 : i32
      %dma_wait3A_242 = arith.constant 0 : i32
      %dma_wait3A_243 = tpu.memref_slice %arg6[%add3A_241, %dma_wait3A_242] : memref<79x128xi32, #tpu.memory_space<vmem>> -> memref<1x128xi32, #tpu.memory_space<vmem>>
      %dma_wait3A_244 = tpu.memref_squeeze %dma_wait3A_243 : memref<1x128xi32, #tpu.memory_space<vmem>> -> memref<128xi32, #tpu.memory_space<vmem>>
      %dma_wait3A_245 = arith.constant 0 : i32
      %dma_wait3A_246 = arith.constant 0 : i32
      %dma_wait3A_247 = tpu.memref_slice %arg2[%dma_wait3A_245, %dma_wait3A_246] : memref<20000x128xf32, #tpu.memory_space<hbm>> -> memref<20000x128xf32, #tpu.memory_space<hbm>>
      tpu.wait_indirect_dma semaphore(%arg12 : memref<!tpu.dma_semaphore, #tpu.memory_space<semaphore_mem>>) src(%dma_wait3A_247 : memref<20000x128xf32, #tpu.memory_space<hbm>>) dst(%arg9 : memref<128x128xf32, #tpu.memory_space<vmem>>)
      %add3A_248 = arith.constant 1 : i32
      %add3A_249 = arith.addi %mul3A_217, %add3A_248 : i32
      %dma_start3A_250 = arith.constant 0 : i32
      %dma_start3A_251 = tpu.memref_slice %arg7[%add3A_249, %dma_start3A_250] : memref<79x128xi32, #tpu.memory_space<vmem>> -> memref<1x128xi32, #tpu.memory_space<vmem>>
      %dma_start3A_252 = tpu.memref_squeeze %dma_start3A_251 : memref<1x128xi32, #tpu.memory_space<vmem>> -> memref<128xi32, #tpu.memory_space<vmem>>
      %dma_start3A_253 = arith.constant 0 : i32
      %dma_start3A_254 = arith.constant 0 : i32
      %dma_start3A_255 = tpu.memref_slice %arg11[%dma_start3A_253, %dma_start3A_254] : memref<5120x128xf32, #tpu.memory_space<vmem_shared>> -> memref<5120x128xf32, #tpu.memory_space<vmem_shared>>
      tpu.enqueue_indirect_dma source(%arg9 : memref<128x128xf32, #tpu.memory_space<vmem>>) target(%dma_start3A_255 : memref<5120x128xf32, #tpu.memory_space<vmem_shared>>) offsets(%dma_start3A_252 : memref<128xi32, #tpu.memory_space<vmem>>) semaphore(%arg14 : memref<!tpu.dma_semaphore, #tpu.memory_space<semaphore_mem>>) {add = true}
      %dma_wait3A_256 = arith.constant 0 : i32
      %dma_wait3A_257 = tpu.memref_slice %arg7[%mul3A_217, %dma_wait3A_256] : memref<79x128xi32, #tpu.memory_space<vmem>> -> memref<1x128xi32, #tpu.memory_space<vmem>>
      %dma_wait3A_258 = tpu.memref_squeeze %dma_wait3A_257 : memref<1x128xi32, #tpu.memory_space<vmem>> -> memref<128xi32, #tpu.memory_space<vmem>>
      %dma_wait3A_259 = arith.constant 0 : i32
      %dma_wait3A_260 = arith.constant 0 : i32
      %dma_wait3A_261 = tpu.memref_slice %arg11[%dma_wait3A_259, %dma_wait3A_260] : memref<5120x128xf32, #tpu.memory_space<vmem_shared>> -> memref<5120x128xf32, #tpu.memory_space<vmem_shared>>
      tpu.wait_indirect_dma semaphore(%arg13 : memref<!tpu.dma_semaphore, #tpu.memory_space<semaphore_mem>>) src(%arg8 : memref<128x128xf32, #tpu.memory_space<vmem>>) dst(%dma_wait3A_261 : memref<5120x128xf32, #tpu.memory_space<vmem_shared>>)
      %add3A_262 = arith.constant 2 : i32
      %add3A_263 = arith.addi %mul3A_217, %add3A_262 : i32
      %lt3A = arith.constant 79 : i32
      %lt3A_264 = arith.cmpi slt, %add3A_263, %lt3A : i32
      %convert_element_type3A_265 = arith.extui %lt3A_264 : i1 to i32
      %cond3A_266 = arith.constant 0 : i32
      %cond3A_267 = arith.cmpi ne, %convert_element_type3A_265, %cond3A_266 : i32
      scf.if %cond3A_267 {
        %add3A_269 = arith.constant 2 : i32
        %add3A_270 = arith.addi %mul3A_217, %add3A_269 : i32
        %dma_start3A_271 = arith.constant 0 : i32
        %dma_start3A_272 = tpu.memref_slice %arg6[%add3A_270, %dma_start3A_271] : memref<79x128xi32, #tpu.memory_space<vmem>> -> memref<1x128xi32, #tpu.memory_space<vmem>>
        %dma_start3A_273 = tpu.memref_squeeze %dma_start3A_272 : memref<1x128xi32, #tpu.memory_space<vmem>> -> memref<128xi32, #tpu.memory_space<vmem>>
        %dma_start3A_274 = arith.constant 0 : i32
        %dma_start3A_275 = arith.constant 0 : i32
        %dma_start3A_276 = tpu.memref_slice %arg2[%dma_start3A_274, %dma_start3A_275] : memref<20000x128xf32, #tpu.memory_space<hbm>> -> memref<20000x128xf32, #tpu.memory_space<hbm>>
        tpu.enqueue_indirect_dma source(%dma_start3A_276 : memref<20000x128xf32, #tpu.memory_space<hbm>>) target(%arg8 : memref<128x128xf32, #tpu.memory_space<vmem>>) offsets(%dma_start3A_273 : memref<128xi32, #tpu.memory_space<vmem>>) semaphore(%arg12 : memref<!tpu.dma_semaphore, #tpu.memory_space<semaphore_mem>>)
      } else {
      }
      %scan3A_268 = arith.constant 0 : i32
      scf.yield %scan3A_268 : i32
    }
    %scan3A_48 = arith.constant 39 : i32
    %dma_wait3A = arith.constant 78 : i32
    %dma_wait3A_49 = arith.constant 0 : i32
    %dma_wait3A_50 = tpu.memref_slice %arg6[%dma_wait3A, %dma_wait3A_49] : memref<79x128xi32, #tpu.memory_space<vmem>> -> memref<1x128xi32, #tpu.memory_space<vmem>>
    %dma_wait3A_51 = tpu.memref_squeeze %dma_wait3A_50 : memref<1x128xi32, #tpu.memory_space<vmem>> -> memref<128xi32, #tpu.memory_space<vmem>>
    %dma_wait3A_52 = arith.constant 0 : i32
    %dma_wait3A_53 = arith.constant 0 : i32
    %dma_wait3A_54 = tpu.memref_slice %arg2[%dma_wait3A_52, %dma_wait3A_53] : memref<20000x128xf32, #tpu.memory_space<hbm>> -> memref<20000x128xf32, #tpu.memory_space<hbm>>
    tpu.wait_indirect_dma semaphore(%arg12 : memref<!tpu.dma_semaphore, #tpu.memory_space<semaphore_mem>>) src(%dma_wait3A_54 : memref<20000x128xf32, #tpu.memory_space<hbm>>) dst(%arg8 : memref<128x128xf32, #tpu.memory_space<vmem>>)
    %dma_wait3A_55 = arith.constant 77 : i32
    %dma_wait3A_56 = arith.constant 0 : i32
    %dma_wait3A_57 = tpu.memref_slice %arg7[%dma_wait3A_55, %dma_wait3A_56] : memref<79x128xi32, #tpu.memory_space<vmem>> -> memref<1x128xi32, #tpu.memory_space<vmem>>
    %dma_wait3A_58 = tpu.memref_squeeze %dma_wait3A_57 : memref<1x128xi32, #tpu.memory_space<vmem>> -> memref<128xi32, #tpu.memory_space<vmem>>
    %dma_wait3A_59 = arith.constant 0 : i32
    %dma_wait3A_60 = arith.constant 0 : i32
    %dma_wait3A_61 = tpu.memref_slice %arg11[%dma_wait3A_59, %dma_wait3A_60] : memref<5120x128xf32, #tpu.memory_space<vmem_shared>> -> memref<5120x128xf32, #tpu.memory_space<vmem_shared>>
    tpu.wait_indirect_dma semaphore(%arg14 : memref<!tpu.dma_semaphore, #tpu.memory_space<semaphore_mem>>) src(%arg9 : memref<128x128xf32, #tpu.memory_space<vmem>>) dst(%dma_wait3A_61 : memref<5120x128xf32, #tpu.memory_space<vmem_shared>>)
    %run_scoped3A = arith.constant 78 : i32
    "tpu.region"() ({
      %run_scoped3A_214 = tpu.sem_alloc : memref<!tpu.dma_semaphore, #tpu.memory_space<semaphore_mem>>
      %dma_start3A_215 = arith.constant 0 : i32
      %dma_start3A_216 = tpu.memref_slice %arg7[%run_scoped3A, %dma_start3A_215] : memref<79x128xi32, #tpu.memory_space<vmem>> -> memref<1x128xi32, #tpu.memory_space<vmem>>
      %dma_start3A_217 = tpu.memref_squeeze %dma_start3A_216 : memref<1x128xi32, #tpu.memory_space<vmem>> -> memref<128xi32, #tpu.memory_space<vmem>>
      %dma_start3A_218 = arith.constant 0 : i32
      %dma_start3A_219 = arith.constant 0 : i32
      %dma_start3A_220 = tpu.memref_slice %arg11[%dma_start3A_218, %dma_start3A_219] : memref<5120x128xf32, #tpu.memory_space<vmem_shared>> -> memref<5120x128xf32, #tpu.memory_space<vmem_shared>>
      tpu.enqueue_indirect_dma source(%arg8 : memref<128x128xf32, #tpu.memory_space<vmem>>) target(%dma_start3A_220 : memref<5120x128xf32, #tpu.memory_space<vmem_shared>>) offsets(%dma_start3A_217 : memref<128xi32, #tpu.memory_space<vmem>>) semaphore(%run_scoped3A_214 : memref<!tpu.dma_semaphore, #tpu.memory_space<semaphore_mem>>) {add = true}
      %dma_wait3A_221 = arith.constant 0 : i32
      %dma_wait3A_222 = tpu.memref_slice %arg7[%run_scoped3A, %dma_wait3A_221] : memref<79x128xi32, #tpu.memory_space<vmem>> -> memref<1x128xi32, #tpu.memory_space<vmem>>
      %dma_wait3A_223 = tpu.memref_squeeze %dma_wait3A_222 : memref<1x128xi32, #tpu.memory_space<vmem>> -> memref<128xi32, #tpu.memory_space<vmem>>
      %dma_wait3A_224 = arith.constant 0 : i32
      %dma_wait3A_225 = arith.constant 0 : i32
      %dma_wait3A_226 = tpu.memref_slice %arg11[%dma_wait3A_224, %dma_wait3A_225] : memref<5120x128xf32, #tpu.memory_space<vmem_shared>> -> memref<5120x128xf32, #tpu.memory_space<vmem_shared>>
      tpu.wait_indirect_dma semaphore(%run_scoped3A_214 : memref<!tpu.dma_semaphore, #tpu.memory_space<semaphore_mem>>) src(%arg8 : memref<128x128xf32, #tpu.memory_space<vmem>>) dst(%dma_wait3A_226 : memref<5120x128xf32, #tpu.memory_space<vmem_shared>>)
      tpu.yield
    }) : () -> ()
    %barrier3A_62 = arith.constant 0 : index
    tpu.barrier barrier_id(%barrier3A_62)
    %mul3A_63 = arith.constant 320 : i32
    %mul3A_64 = arith.muli %arg1, %mul3A_63 : i32
    %add3A_65 = arith.constant 0 : i32
    %add3A_66 = arith.addi %mul3A_64, %add3A_65 : i32
    %mul3A_67 = arith.constant 320 : i32
    %mul3A_68 = arith.muli %arg1, %mul3A_67 : i32
    %add3A_69 = arith.constant 0 : i32
    %add3A_70 = arith.addi %mul3A_68, %add3A_69 : i32
    %run_scoped3A_71 = arith.constant 0 : i32
    "tpu.region"() ({
      %run_scoped3A_214 = tpu.sem_alloc : memref<!tpu.dma_semaphore, #tpu.memory_space<semaphore_mem>>
      %dma_start3A_215 = arith.constant 0 : i32
      %dma_start3A_216 = tpu.memref_slice %arg5[%run_scoped3A_71, %arg0, %add3A_70, %dma_start3A_215] : memref<2x2x5120x128xf32, #tpu.memory_space<hbm>> -> memref<1x1x64x128xf32, #tpu.memory_space<hbm>>
      %dma_start3A_217 = tpu.memref_squeeze %dma_start3A_216 : memref<1x1x64x128xf32, #tpu.memory_space<hbm>> -> memref<64x128xf32, #tpu.memory_space<hbm>>
      %dma_start3A_218 = arith.constant 0 : i32
      %dma_start3A_219 = tpu.memref_slice %arg11[%add3A_66, %dma_start3A_218] : memref<5120x128xf32, #tpu.memory_space<vmem_shared>> -> memref<64x128xf32, #tpu.memory_space<vmem_shared>>
      tpu.enqueue_dma source(%dma_start3A_219 : memref<64x128xf32, #tpu.memory_space<vmem_shared>>) target(%dma_start3A_217 : memref<64x128xf32, #tpu.memory_space<hbm>>) target_semaphore(%run_scoped3A_214 : memref<!tpu.dma_semaphore, #tpu.memory_space<semaphore_mem>>)
      %dma_wait3A_220 = arith.constant 0 : i32
      %dma_wait3A_221 = tpu.memref_slice %arg5[%run_scoped3A_71, %arg0, %add3A_70, %dma_wait3A_220] : memref<2x2x5120x128xf32, #tpu.memory_space<hbm>> -> memref<1x1x64x128xf32, #tpu.memory_space<hbm>>
      %dma_wait3A_222 = tpu.memref_squeeze %dma_wait3A_221 : memref<1x1x64x128xf32, #tpu.memory_space<hbm>> -> memref<64x128xf32, #tpu.memory_space<hbm>>
      %dma_wait3A_223 = arith.constant 0 : i32
      %dma_wait3A_224 = tpu.memref_slice %arg11[%add3A_66, %dma_wait3A_223] : memref<5120x128xf32, #tpu.memory_space<vmem_shared>> -> memref<64x128xf32, #tpu.memory_space<vmem_shared>>
      tpu.wait_dma2 semaphore(%run_scoped3A_214 : memref<!tpu.dma_semaphore, #tpu.memory_space<semaphore_mem>>) src(%dma_wait3A_224 : memref<64x128xf32, #tpu.memory_space<vmem_shared>>) dst(%dma_wait3A_222 : memref<64x128xf32, #tpu.memory_space<hbm>>)
      tpu.yield
    }) : () -> ()
    %mul3A_72 = arith.constant 320 : i32
    %mul3A_73 = arith.muli %arg1, %mul3A_72 : i32
    %add3A_74 = arith.constant 64 : i32
    %add3A_75 = arith.addi %mul3A_73, %add3A_74 : i32
    %mul3A_76 = arith.constant 320 : i32
    %mul3A_77 = arith.muli %arg1, %mul3A_76 : i32
    %add3A_78 = arith.constant 64 : i32
    %add3A_79 = arith.addi %mul3A_77, %add3A_78 : i32
    %run_scoped3A_80 = arith.constant 0 : i32
    "tpu.region"() ({
      %run_scoped3A_214 = tpu.sem_alloc : memref<!tpu.dma_semaphore, #tpu.memory_space<semaphore_mem>>
      %dma_start3A_215 = arith.constant 0 : i32
      %dma_start3A_216 = tpu.memref_slice %arg5[%run_scoped3A_80, %arg0, %add3A_79, %dma_start3A_215] : memref<2x2x5120x128xf32, #tpu.memory_space<hbm>> -> memref<1x1x64x128xf32, #tpu.memory_space<hbm>>
      %dma_start3A_217 = tpu.memref_squeeze %dma_start3A_216 : memref<1x1x64x128xf32, #tpu.memory_space<hbm>> -> memref<64x128xf32, #tpu.memory_space<hbm>>
      %dma_start3A_218 = arith.constant 0 : i32
      %dma_start3A_219 = tpu.memref_slice %arg11[%add3A_75, %dma_start3A_218] : memref<5120x128xf32, #tpu.memory_space<vmem_shared>> -> memref<64x128xf32, #tpu.memory_space<vmem_shared>>
      tpu.enqueue_dma source(%dma_start3A_219 : memref<64x128xf32, #tpu.memory_space<vmem_shared>>) target(%dma_start3A_217 : memref<64x128xf32, #tpu.memory_space<hbm>>) target_semaphore(%run_scoped3A_214 : memref<!tpu.dma_semaphore, #tpu.memory_space<semaphore_mem>>)
      %dma_wait3A_220 = arith.constant 0 : i32
      %dma_wait3A_221 = tpu.memref_slice %arg5[%run_scoped3A_80, %arg0, %add3A_79, %dma_wait3A_220] : memref<2x2x5120x128xf32, #tpu.memory_space<hbm>> -> memref<1x1x64x128xf32, #tpu.memory_space<hbm>>
      %dma_wait3A_222 = tpu.memref_squeeze %dma_wait3A_221 : memref<1x1x64x128xf32, #tpu.memory_space<hbm>> -> memref<64x128xf32, #tpu.memory_space<hbm>>
      %dma_wait3A_223 = arith.constant 0 : i32
      %dma_wait3A_224 = tpu.memref_slice %arg11[%add3A_75, %dma_wait3A_223] : memref<5120x128xf32, #tpu.memory_space<vmem_shared>> -> memref<64x128xf32, #tpu.memory_space<vmem_shared>>
      tpu.wait_dma2 semaphore(%run_scoped3A_214 : memref<!tpu.dma_semaphore, #tpu.memory_space<semaphore_mem>>) src(%dma_wait3A_224 : memref<64x128xf32, #tpu.memory_space<vmem_shared>>) dst(%dma_wait3A_222 : memref<64x128xf32, #tpu.memory_space<hbm>>)
      tpu.yield
    }) : () -> ()
    %mul3A_81 = arith.constant 320 : i32
    %mul3A_82 = arith.muli %arg1, %mul3A_81 : i32
    %add3A_83 = arith.constant 128 : i32
    %add3A_84 = arith.addi %mul3A_82, %add3A_83 : i32
    %mul3A_85 = arith.constant 320 : i32
    %mul3A_86 = arith.muli %arg1, %mul3A_85 : i32
    %add3A_87 = arith.constant 128 : i32
    %add3A_88 = arith.addi %mul3A_86, %add3A_87 : i32
    %run_scoped3A_89 = arith.constant 0 : i32
    "tpu.region"() ({
      %run_scoped3A_214 = tpu.sem_alloc : memref<!tpu.dma_semaphore, #tpu.memory_space<semaphore_mem>>
      %dma_start3A_215 = arith.constant 0 : i32
      %dma_start3A_216 = tpu.memref_slice %arg5[%run_scoped3A_89, %arg0, %add3A_88, %dma_start3A_215] : memref<2x2x5120x128xf32, #tpu.memory_space<hbm>> -> memref<1x1x64x128xf32, #tpu.memory_space<hbm>>
      %dma_start3A_217 = tpu.memref_squeeze %dma_start3A_216 : memref<1x1x64x128xf32, #tpu.memory_space<hbm>> -> memref<64x128xf32, #tpu.memory_space<hbm>>
      %dma_start3A_218 = arith.constant 0 : i32
      %dma_start3A_219 = tpu.memref_slice %arg11[%add3A_84, %dma_start3A_218] : memref<5120x128xf32, #tpu.memory_space<vmem_shared>> -> memref<64x128xf32, #tpu.memory_space<vmem_shared>>
      tpu.enqueue_dma source(%dma_start3A_219 : memref<64x128xf32, #tpu.memory_space<vmem_shared>>) target(%dma_start3A_217 : memref<64x128xf32, #tpu.memory_space<hbm>>) target_semaphore(%run_scoped3A_214 : memref<!tpu.dma_semaphore, #tpu.memory_space<semaphore_mem>>)
      %dma_wait3A_220 = arith.constant 0 : i32
      %dma_wait3A_221 = tpu.memref_slice %arg5[%run_scoped3A_89, %arg0, %add3A_88, %dma_wait3A_220] : memref<2x2x5120x128xf32, #tpu.memory_space<hbm>> -> memref<1x1x64x128xf32, #tpu.memory_space<hbm>>
      %dma_wait3A_222 = tpu.memref_squeeze %dma_wait3A_221 : memref<1x1x64x128xf32, #tpu.memory_space<hbm>> -> memref<64x128xf32, #tpu.memory_space<hbm>>
      %dma_wait3A_223 = arith.constant 0 : i32
      %dma_wait3A_224 = tpu.memref_slice %arg11[%add3A_84, %dma_wait3A_223] : memref<5120x128xf32, #tpu.memory_space<vmem_shared>> -> memref<64x128xf32, #tpu.memory_space<vmem_shared>>
      tpu.wait_dma2 semaphore(%run_scoped3A_214 : memref<!tpu.dma_semaphore, #tpu.memory_space<semaphore_mem>>) src(%dma_wait3A_224 : memref<64x128xf32, #tpu.memory_space<vmem_shared>>) dst(%dma_wait3A_222 : memref<64x128xf32, #tpu.memory_space<hbm>>)
      tpu.yield
    }) : () -> ()
    %mul3A_90 = arith.constant 320 : i32
    %mul3A_91 = arith.muli %arg1, %mul3A_90 : i32
    %add3A_92 = arith.constant 192 : i32
    %add3A_93 = arith.addi %mul3A_91, %add3A_92 : i32
    %mul3A_94 = arith.constant 320 : i32
    %mul3A_95 = arith.muli %arg1, %mul3A_94 : i32
    %add3A_96 = arith.constant 192 : i32
    %add3A_97 = arith.addi %mul3A_95, %add3A_96 : i32
    %run_scoped3A_98 = arith.constant 0 : i32
    "tpu.region"() ({
      %run_scoped3A_214 = tpu.sem_alloc : memref<!tpu.dma_semaphore, #tpu.memory_space<semaphore_mem>>
      %dma_start3A_215 = arith.constant 0 : i32
      %dma_start3A_216 = tpu.memref_slice %arg5[%run_scoped3A_98, %arg0, %add3A_97, %dma_start3A_215] : memref<2x2x5120x128xf32, #tpu.memory_space<hbm>> -> memref<1x1x64x128xf32, #tpu.memory_space<hbm>>
      %dma_start3A_217 = tpu.memref_squeeze %dma_start3A_216 : memref<1x1x64x128xf32, #tpu.memory_space<hbm>> -> memref<64x128xf32, #tpu.memory_space<hbm>>
      %dma_start3A_218 = arith.constant 0 : i32
      %dma_start3A_219 = tpu.memref_slice %arg11[%add3A_93, %dma_start3A_218] : memref<5120x128xf32, #tpu.memory_space<vmem_shared>> -> memref<64x128xf32, #tpu.memory_space<vmem_shared>>
      tpu.enqueue_dma source(%dma_start3A_219 : memref<64x128xf32, #tpu.memory_space<vmem_shared>>) target(%dma_start3A_217 : memref<64x128xf32, #tpu.memory_space<hbm>>) target_semaphore(%run_scoped3A_214 : memref<!tpu.dma_semaphore, #tpu.memory_space<semaphore_mem>>)
      %dma_wait3A_220 = arith.constant 0 : i32
      %dma_wait3A_221 = tpu.memref_slice %arg5[%run_scoped3A_98, %arg0, %add3A_97, %dma_wait3A_220] : memref<2x2x5120x128xf32, #tpu.memory_space<hbm>> -> memref<1x1x64x128xf32, #tpu.memory_space<hbm>>
      %dma_wait3A_222 = tpu.memref_squeeze %dma_wait3A_221 : memref<1x1x64x128xf32, #tpu.memory_space<hbm>> -> memref<64x128xf32, #tpu.memory_space<hbm>>
      %dma_wait3A_223 = arith.constant 0 : i32
      %dma_wait3A_224 = tpu.memref_slice %arg11[%add3A_93, %dma_wait3A_223] : memref<5120x128xf32, #tpu.memory_space<vmem_shared>> -> memref<64x128xf32, #tpu.memory_space<vmem_shared>>
      tpu.wait_dma2 semaphore(%run_scoped3A_214 : memref<!tpu.dma_semaphore, #tpu.memory_space<semaphore_mem>>) src(%dma_wait3A_224 : memref<64x128xf32, #tpu.memory_space<vmem_shared>>) dst(%dma_wait3A_222 : memref<64x128xf32, #tpu.memory_space<hbm>>)
      tpu.yield
    }) : () -> ()
    %mul3A_99 = arith.constant 320 : i32
    %mul3A_100 = arith.muli %arg1, %mul3A_99 : i32
    %add3A_101 = arith.constant 256 : i32
    %add3A_102 = arith.addi %mul3A_100, %add3A_101 : i32
    %mul3A_103 = arith.constant 320 : i32
    %mul3A_104 = arith.muli %arg1, %mul3A_103 : i32
    %add3A_105 = arith.constant 256 : i32
    %add3A_106 = arith.addi %mul3A_104, %add3A_105 : i32
    %run_scoped3A_107 = arith.constant 0 : i32
    "tpu.region"() ({
      %run_scoped3A_214 = tpu.sem_alloc : memref<!tpu.dma_semaphore, #tpu.memory_space<semaphore_mem>>
      %dma_start3A_215 = arith.constant 0 : i32
      %dma_start3A_216 = tpu.memref_slice %arg5[%run_scoped3A_107, %arg0, %add3A_106, %dma_start3A_215] : memref<2x2x5120x128xf32, #tpu.memory_space<hbm>> -> memref<1x1x64x128xf32, #tpu.memory_space<hbm>>
      %dma_start3A_217 = tpu.memref_squeeze %dma_start3A_216 : memref<1x1x64x128xf32, #tpu.memory_space<hbm>> -> memref<64x128xf32, #tpu.memory_space<hbm>>
      %dma_start3A_218 = arith.constant 0 : i32
      %dma_start3A_219 = tpu.memref_slice %arg11[%add3A_102, %dma_start3A_218] : memref<5120x128xf32, #tpu.memory_space<vmem_shared>> -> memref<64x128xf32, #tpu.memory_space<vmem_shared>>
      tpu.enqueue_dma source(%dma_start3A_219 : memref<64x128xf32, #tpu.memory_space<vmem_shared>>) target(%dma_start3A_217 : memref<64x128xf32, #tpu.memory_space<hbm>>) target_semaphore(%run_scoped3A_214 : memref<!tpu.dma_semaphore, #tpu.memory_space<semaphore_mem>>)
      %dma_wait3A_220 = arith.constant 0 : i32
      %dma_wait3A_221 = tpu.memref_slice %arg5[%run_scoped3A_107, %arg0, %add3A_106, %dma_wait3A_220] : memref<2x2x5120x128xf32, #tpu.memory_space<hbm>> -> memref<1x1x64x128xf32, #tpu.memory_space<hbm>>
      %dma_wait3A_222 = tpu.memref_squeeze %dma_wait3A_221 : memref<1x1x64x128xf32, #tpu.memory_space<hbm>> -> memref<64x128xf32, #tpu.memory_space<hbm>>
      %dma_wait3A_223 = arith.constant 0 : i32
      %dma_wait3A_224 = tpu.memref_slice %arg11[%add3A_102, %dma_wait3A_223] : memref<5120x128xf32, #tpu.memory_space<vmem_shared>> -> memref<64x128xf32, #tpu.memory_space<vmem_shared>>
      tpu.wait_dma2 semaphore(%run_scoped3A_214 : memref<!tpu.dma_semaphore, #tpu.memory_space<semaphore_mem>>) src(%dma_wait3A_224 : memref<64x128xf32, #tpu.memory_space<vmem_shared>>) dst(%dma_wait3A_222 : memref<64x128xf32, #tpu.memory_space<hbm>>)
      tpu.yield
    }) : () -> ()
    %barrier3A_108 = arith.constant 0 : index
    tpu.barrier barrier_id(%barrier3A_108)
    "tpu.region"() ({
      %run_scoped3A_214 = tpu.sem_alloc : memref<!tpu.dma_semaphore, #tpu.memory_space<semaphore_mem>>
      %dma_start3A_215 = arith.constant 0 : i32
      %dma_start3A_216 = arith.constant 0 : i32
      %dma_start3A_217 = tpu.memref_slice %arg3[%arg1, %dma_start3A_215, %dma_start3A_216] : memref<16x79x128xi32, #tpu.memory_space<hbm>> -> memref<1x79x128xi32, #tpu.memory_space<hbm>>
      %dma_start3A_218 = tpu.memref_squeeze %dma_start3A_217 : memref<1x79x128xi32, #tpu.memory_space<hbm>> -> memref<79x128xi32, #tpu.memory_space<hbm>>
      %dma_start3A_219 = arith.constant 0 : i32
      %dma_start3A_220 = arith.constant 0 : i32
      %dma_start3A_221 = tpu.memref_slice %arg3[%arg1, %dma_start3A_219, %dma_start3A_220] : memref<16x79x128xi32, #tpu.memory_space<hbm>> -> memref<1x79x128xi32, #tpu.memory_space<hbm>>
      %dma_start3A_222 = tpu.memref_squeeze %dma_start3A_221 : memref<1x79x128xi32, #tpu.memory_space<hbm>> -> memref<79x128xi32, #tpu.memory_space<hbm>>
      tpu.enqueue_dma source(%dma_start3A_222 : memref<79x128xi32, #tpu.memory_space<hbm>>) target(%arg6 : memref<79x128xi32, #tpu.memory_space<vmem>>) target_semaphore(%run_scoped3A_214 : memref<!tpu.dma_semaphore, #tpu.memory_space<semaphore_mem>>)
      %dma_wait3A_223 = arith.constant 0 : i32
      %dma_wait3A_224 = arith.constant 0 : i32
      %dma_wait3A_225 = tpu.memref_slice %arg3[%arg1, %dma_wait3A_223, %dma_wait3A_224] : memref<16x79x128xi32, #tpu.memory_space<hbm>> -> memref<1x79x128xi32, #tpu.memory_space<hbm>>
      %dma_wait3A_226 = tpu.memref_squeeze %dma_wait3A_225 : memref<1x79x128xi32, #tpu.memory_space<hbm>> -> memref<79x128xi32, #tpu.memory_space<hbm>>
      %dma_wait3A_227 = arith.constant 0 : i32
      %dma_wait3A_228 = arith.constant 0 : i32
      %dma_wait3A_229 = tpu.memref_slice %arg3[%arg1, %dma_wait3A_227, %dma_wait3A_228] : memref<16x79x128xi32, #tpu.memory_space<hbm>> -> memref<1x79x128xi32, #tpu.memory_space<hbm>>
      %dma_wait3A_230 = tpu.memref_squeeze %dma_wait3A_229 : memref<1x79x128xi32, #tpu.memory_space<hbm>> -> memref<79x128xi32, #tpu.memory_space<hbm>>
      tpu.wait_dma2 semaphore(%run_scoped3A_214 : memref<!tpu.dma_semaphore, #tpu.memory_space<semaphore_mem>>) src(%dma_wait3A_230 : memref<79x128xi32, #tpu.memory_space<hbm>>) dst(%arg6 : memref<79x128xi32, #tpu.memory_space<vmem>>)
      tpu.yield
    }) : () -> ()
    %scan3A_109 = arith.constant 10000 : i32
    %scan3A_110 = arith.constant 0 : i32
    %scan3A_111 = arith.constant 0 : i32
    %scan3A_112 = arith.constant 79 : i32
    %scan3A_113 = arith.addi %scan3A_111, %scan3A_112 : i32
    %scan3A_114 = arith.constant 1 : i32
    %scan3A_115 = scf.for %scan3A_214 = %scan3A_111 to %scan3A_113 step %scan3A_114 iter_args(%scan3A_215 = %scan3A_110) -> (i32)  : i32 {
      %get3A = arith.index_cast %scan3A_214 : i32 to index
      %get3A_216 = arith.constant 0 : index
      %get3A_217 = tpu.vector_load %arg6[%get3A, %get3A_216] {strides = array<i32>} : memref<79x128xi32, #tpu.memory_space<vmem>>, vector<1x16xi32>,
      %get3A_218 = vector.shape_cast %get3A_217 : vector<1x16xi32> to vector<16xi32>
      %add3A_219 = vector.broadcast %scan3A_109 : i32 to vector<16xi32>
      %add3A_220 = arith.addi %get3A_218, %add3A_219 : vector<16xi32>
      %swap3A = arith.index_cast %scan3A_214 : i32 to index
      %swap3A_221 = arith.constant 0 : index
      %swap3A_222 = tpu.vector_load %arg6[%swap3A, %swap3A_221] {strides = array<i32>} : memref<79x128xi32, #tpu.memory_space<vmem>>, vector<1x16xi32>,
      %swap3A_223 = vector.shape_cast %swap3A_222 : vector<1x16xi32> to vector<16xi32>
      %swap3A_224 = vector.shape_cast %add3A_220 : vector<16xi32> to vector<1x16xi32>
      tpu.vector_store %arg6[%swap3A, %swap3A_221], %swap3A_224 {strides = array<i32>} : memref<79x128xi32, #tpu.memory_space<vmem>>, vector<1x16xi32>,
      %get3A_225 = arith.index_cast %scan3A_214 : i32 to index
      %get3A_226 = arith.constant 16 : index
      %get3A_227 = tpu.vector_load %arg6[%get3A_225, %get3A_226] {strides = array<i32>} : memref<79x128xi32, #tpu.memory_space<vmem>>, vector<1x16xi32>,
      %get3A_228 = vector.shape_cast %get3A_227 : vector<1x16xi32> to vector<16xi32>
      %add3A_229 = vector.broadcast %scan3A_109 : i32 to vector<16xi32>
      %add3A_230 = arith.addi %get3A_228, %add3A_229 : vector<16xi32>
      %swap3A_231 = arith.index_cast %scan3A_214 : i32 to index
      %swap3A_232 = arith.constant 16 : index
      %swap3A_233 = tpu.vector_load %arg6[%swap3A_231, %swap3A_232] {strides = array<i32>} : memref<79x128xi32, #tpu.memory_space<vmem>>, vector<1x16xi32>,
      %swap3A_234 = vector.shape_cast %swap3A_233 : vector<1x16xi32> to vector<16xi32>
      %swap3A_235 = vector.shape_cast %add3A_230 : vector<16xi32> to vector<1x16xi32>
      tpu.vector_store %arg6[%swap3A_231, %swap3A_232], %swap3A_235 {strides = array<i32>} : memref<79x128xi32, #tpu.memory_space<vmem>>, vector<1x16xi32>,
      %get3A_236 = arith.index_cast %scan3A_214 : i32 to index
      %get3A_237 = arith.constant 32 : index
      %get3A_238 = tpu.vector_load %arg6[%get3A_236, %get3A_237] {strides = array<i32>} : memref<79x128xi32, #tpu.memory_space<vmem>>, vector<1x16xi32>,
      %get3A_239 = vector.shape_cast %get3A_238 : vector<1x16xi32> to vector<16xi32>
      %add3A_240 = vector.broadcast %scan3A_109 : i32 to vector<16xi32>
      %add3A_241 = arith.addi %get3A_239, %add3A_240 : vector<16xi32>
      %swap3A_242 = arith.index_cast %scan3A_214 : i32 to index
      %swap3A_243 = arith.constant 32 : index
      %swap3A_244 = tpu.vector_load %arg6[%swap3A_242, %swap3A_243] {strides = array<i32>} : memref<79x128xi32, #tpu.memory_space<vmem>>, vector<1x16xi32>,
      %swap3A_245 = vector.shape_cast %swap3A_244 : vector<1x16xi32> to vector<16xi32>
      %swap3A_246 = vector.shape_cast %add3A_241 : vector<16xi32> to vector<1x16xi32>
      tpu.vector_store %arg6[%swap3A_242, %swap3A_243], %swap3A_246 {strides = array<i32>} : memref<79x128xi32, #tpu.memory_space<vmem>>, vector<1x16xi32>,
      %get3A_247 = arith.index_cast %scan3A_214 : i32 to index
      %get3A_248 = arith.constant 48 : index
      %get3A_249 = tpu.vector_load %arg6[%get3A_247, %get3A_248] {strides = array<i32>} : memref<79x128xi32, #tpu.memory_space<vmem>>, vector<1x16xi32>,
      %get3A_250 = vector.shape_cast %get3A_249 : vector<1x16xi32> to vector<16xi32>
      %add3A_251 = vector.broadcast %scan3A_109 : i32 to vector<16xi32>
      %add3A_252 = arith.addi %get3A_250, %add3A_251 : vector<16xi32>
      %swap3A_253 = arith.index_cast %scan3A_214 : i32 to index
      %swap3A_254 = arith.constant 48 : index
      %swap3A_255 = tpu.vector_load %arg6[%swap3A_253, %swap3A_254] {strides = array<i32>} : memref<79x128xi32, #tpu.memory_space<vmem>>, vector<1x16xi32>,
      %swap3A_256 = vector.shape_cast %swap3A_255 : vector<1x16xi32> to vector<16xi32>
      %swap3A_257 = vector.shape_cast %add3A_252 : vector<16xi32> to vector<1x16xi32>
      tpu.vector_store %arg6[%swap3A_253, %swap3A_254], %swap3A_257 {strides = array<i32>} : memref<79x128xi32, #tpu.memory_space<vmem>>, vector<1x16xi32>,
      %get3A_258 = arith.index_cast %scan3A_214 : i32 to index
      %get3A_259 = arith.constant 64 : index
      %get3A_260 = tpu.vector_load %arg6[%get3A_258, %get3A_259] {strides = array<i32>} : memref<79x128xi32, #tpu.memory_space<vmem>>, vector<1x16xi32>,
      %get3A_261 = vector.shape_cast %get3A_260 : vector<1x16xi32> to vector<16xi32>
      %add3A_262 = vector.broadcast %scan3A_109 : i32 to vector<16xi32>
      %add3A_263 = arith.addi %get3A_261, %add3A_262 : vector<16xi32>
      %swap3A_264 = arith.index_cast %scan3A_214 : i32 to index
      %swap3A_265 = arith.constant 64 : index
      %swap3A_266 = tpu.vector_load %arg6[%swap3A_264, %swap3A_265] {strides = array<i32>} : memref<79x128xi32, #tpu.memory_space<vmem>>, vector<1x16xi32>,
      %swap3A_267 = vector.shape_cast %swap3A_266 : vector<1x16xi32> to vector<16xi32>
      %swap3A_268 = vector.shape_cast %add3A_263 : vector<16xi32> to vector<1x16xi32>
      tpu.vector_store %arg6[%swap3A_264, %swap3A_265], %swap3A_268 {strides = array<i32>} : memref<79x128xi32, #tpu.memory_space<vmem>>, vector<1x16xi32>,
      %get3A_269 = arith.index_cast %scan3A_214 : i32 to index
      %get3A_270 = arith.constant 80 : index
      %get3A_271 = tpu.vector_load %arg6[%get3A_269, %get3A_270] {strides = array<i32>} : memref<79x128xi32, #tpu.memory_space<vmem>>, vector<1x16xi32>,
      %get3A_272 = vector.shape_cast %get3A_271 : vector<1x16xi32> to vector<16xi32>
      %add3A_273 = vector.broadcast %scan3A_109 : i32 to vector<16xi32>
      %add3A_274 = arith.addi %get3A_272, %add3A_273 : vector<16xi32>
      %swap3A_275 = arith.index_cast %scan3A_214 : i32 to index
      %swap3A_276 = arith.constant 80 : index
      %swap3A_277 = tpu.vector_load %arg6[%swap3A_275, %swap3A_276] {strides = array<i32>} : memref<79x128xi32, #tpu.memory_space<vmem>>, vector<1x16xi32>,
      %swap3A_278 = vector.shape_cast %swap3A_277 : vector<1x16xi32> to vector<16xi32>
      %swap3A_279 = vector.shape_cast %add3A_274 : vector<16xi32> to vector<1x16xi32>
      tpu.vector_store %arg6[%swap3A_275, %swap3A_276], %swap3A_279 {strides = array<i32>} : memref<79x128xi32, #tpu.memory_space<vmem>>, vector<1x16xi32>,
      %get3A_280 = arith.index_cast %scan3A_214 : i32 to index
      %get3A_281 = arith.constant 96 : index
      %get3A_282 = tpu.vector_load %arg6[%get3A_280, %get3A_281] {strides = array<i32>} : memref<79x128xi32, #tpu.memory_space<vmem>>, vector<1x16xi32>,
      %get3A_283 = vector.shape_cast %get3A_282 : vector<1x16xi32> to vector<16xi32>
      %add3A_284 = vector.broadcast %scan3A_109 : i32 to vector<16xi32>
      %add3A_285 = arith.addi %get3A_283, %add3A_284 : vector<16xi32>
      %swap3A_286 = arith.index_cast %scan3A_214 : i32 to index
      %swap3A_287 = arith.constant 96 : index
      %swap3A_288 = tpu.vector_load %arg6[%swap3A_286, %swap3A_287] {strides = array<i32>} : memref<79x128xi32, #tpu.memory_space<vmem>>, vector<1x16xi32>,
      %swap3A_289 = vector.shape_cast %swap3A_288 : vector<1x16xi32> to vector<16xi32>
      %swap3A_290 = vector.shape_cast %add3A_285 : vector<16xi32> to vector<1x16xi32>
      tpu.vector_store %arg6[%swap3A_286, %swap3A_287], %swap3A_290 {strides = array<i32>} : memref<79x128xi32, #tpu.memory_space<vmem>>, vector<1x16xi32>,
      %get3A_291 = arith.index_cast %scan3A_214 : i32 to index
      %get3A_292 = arith.constant 112 : index
      %get3A_293 = tpu.vector_load %arg6[%get3A_291, %get3A_292] {strides = array<i32>} : memref<79x128xi32, #tpu.memory_space<vmem>>, vector<1x16xi32>,
      %get3A_294 = vector.shape_cast %get3A_293 : vector<1x16xi32> to vector<16xi32>
      %add3A_295 = vector.broadcast %scan3A_109 : i32 to vector<16xi32>
      %add3A_296 = arith.addi %get3A_294, %add3A_295 : vector<16xi32>
      %swap3A_297 = arith.index_cast %scan3A_214 : i32 to index
      %swap3A_298 = arith.constant 112 : index
      %swap3A_299 = tpu.vector_load %arg6[%swap3A_297, %swap3A_298] {strides = array<i32>} : memref<79x128xi32, #tpu.memory_space<vmem>>, vector<1x16xi32>,
      %swap3A_300 = vector.shape_cast %swap3A_299 : vector<1x16xi32> to vector<16xi32>
      %swap3A_301 = vector.shape_cast %add3A_296 : vector<16xi32> to vector<1x16xi32>
      tpu.vector_store %arg6[%swap3A_297, %swap3A_298], %swap3A_301 {strides = array<i32>} : memref<79x128xi32, #tpu.memory_space<vmem>>, vector<1x16xi32>,
      %scan3A_302 = arith.constant 0 : i32
      scf.yield %scan3A_302 : i32
    }
    %scan3A_116 = arith.constant 79 : i32
    %mul3A_117 = arith.constant 320 : i32
    %mul3A_118 = arith.muli %arg1, %mul3A_117 : i32
    %add3A_119 = arith.constant 0 : i32
    %add3A_120 = arith.addi %mul3A_118, %add3A_119 : i32
    "tpu.region"() ({
      %run_scoped3A_214 = tpu.sem_alloc : memref<!tpu.dma_semaphore, #tpu.memory_space<semaphore_mem>>
      %dma_start3A_215 = arith.constant 0 : i32
      %dma_start3A_216 = tpu.memref_slice %arg11[%add3A_120, %dma_start3A_215] : memref<5120x128xf32, #tpu.memory_space<vmem_shared>> -> memref<64x128xf32, #tpu.memory_space<vmem_shared>>
      %dma_start3A_217 = arith.constant 0 : i32
      %dma_start3A_218 = tpu.memref_slice %arg11[%add3A_120, %dma_start3A_217] : memref<5120x128xf32, #tpu.memory_space<vmem_shared>> -> memref<64x128xf32, #tpu.memory_space<vmem_shared>>
      tpu.enqueue_dma source(%arg10 : memref<64x128xf32, #tpu.memory_space<vmem>>) target(%dma_start3A_218 : memref<64x128xf32, #tpu.memory_space<vmem_shared>>) target_semaphore(%run_scoped3A_214 : memref<!tpu.dma_semaphore, #tpu.memory_space<semaphore_mem>>)
      %dma_wait3A_219 = arith.constant 0 : i32
      %dma_wait3A_220 = tpu.memref_slice %arg11[%add3A_120, %dma_wait3A_219] : memref<5120x128xf32, #tpu.memory_space<vmem_shared>> -> memref<64x128xf32, #tpu.memory_space<vmem_shared>>
      %dma_wait3A_221 = arith.constant 0 : i32
      %dma_wait3A_222 = tpu.memref_slice %arg11[%add3A_120, %dma_wait3A_221] : memref<5120x128xf32, #tpu.memory_space<vmem_shared>> -> memref<64x128xf32, #tpu.memory_space<vmem_shared>>
      tpu.wait_dma2 semaphore(%run_scoped3A_214 : memref<!tpu.dma_semaphore, #tpu.memory_space<semaphore_mem>>) src(%arg10 : memref<64x128xf32, #tpu.memory_space<vmem>>) dst(%dma_wait3A_222 : memref<64x128xf32, #tpu.memory_space<vmem_shared>>)
      tpu.yield
    }) : () -> ()
    %mul3A_121 = arith.constant 320 : i32
    %mul3A_122 = arith.muli %arg1, %mul3A_121 : i32
    %add3A_123 = arith.constant 64 : i32
    %add3A_124 = arith.addi %mul3A_122, %add3A_123 : i32
    "tpu.region"() ({
      %run_scoped3A_214 = tpu.sem_alloc : memref<!tpu.dma_semaphore, #tpu.memory_space<semaphore_mem>>
      %dma_start3A_215 = arith.constant 0 : i32
      %dma_start3A_216 = tpu.memref_slice %arg11[%add3A_124, %dma_start3A_215] : memref<5120x128xf32, #tpu.memory_space<vmem_shared>> -> memref<64x128xf32, #tpu.memory_space<vmem_shared>>
      %dma_start3A_217 = arith.constant 0 : i32
      %dma_start3A_218 = tpu.memref_slice %arg11[%add3A_124, %dma_start3A_217] : memref<5120x128xf32, #tpu.memory_space<vmem_shared>> -> memref<64x128xf32, #tpu.memory_space<vmem_shared>>
      tpu.enqueue_dma source(%arg10 : memref<64x128xf32, #tpu.memory_space<vmem>>) target(%dma_start3A_218 : memref<64x128xf32, #tpu.memory_space<vmem_shared>>) target_semaphore(%run_scoped3A_214 : memref<!tpu.dma_semaphore, #tpu.memory_space<semaphore_mem>>)
      %dma_wait3A_219 = arith.constant 0 : i32
      %dma_wait3A_220 = tpu.memref_slice %arg11[%add3A_124, %dma_wait3A_219] : memref<5120x128xf32, #tpu.memory_space<vmem_shared>> -> memref<64x128xf32, #tpu.memory_space<vmem_shared>>
      %dma_wait3A_221 = arith.constant 0 : i32
      %dma_wait3A_222 = tpu.memref_slice %arg11[%add3A_124, %dma_wait3A_221] : memref<5120x128xf32, #tpu.memory_space<vmem_shared>> -> memref<64x128xf32, #tpu.memory_space<vmem_shared>>
      tpu.wait_dma2 semaphore(%run_scoped3A_214 : memref<!tpu.dma_semaphore, #tpu.memory_space<semaphore_mem>>) src(%arg10 : memref<64x128xf32, #tpu.memory_space<vmem>>) dst(%dma_wait3A_222 : memref<64x128xf32, #tpu.memory_space<vmem_shared>>)
      tpu.yield
    }) : () -> ()
    %mul3A_125 = arith.constant 320 : i32
    %mul3A_126 = arith.muli %arg1, %mul3A_125 : i32
    %add3A_127 = arith.constant 128 : i32
    %add3A_128 = arith.addi %mul3A_126, %add3A_127 : i32
    "tpu.region"() ({
      %run_scoped3A_214 = tpu.sem_alloc : memref<!tpu.dma_semaphore, #tpu.memory_space<semaphore_mem>>
      %dma_start3A_215 = arith.constant 0 : i32
      %dma_start3A_216 = tpu.memref_slice %arg11[%add3A_128, %dma_start3A_215] : memref<5120x128xf32, #tpu.memory_space<vmem_shared>> -> memref<64x128xf32, #tpu.memory_space<vmem_shared>>
      %dma_start3A_217 = arith.constant 0 : i32
      %dma_start3A_218 = tpu.memref_slice %arg11[%add3A_128, %dma_start3A_217] : memref<5120x128xf32, #tpu.memory_space<vmem_shared>> -> memref<64x128xf32, #tpu.memory_space<vmem_shared>>
      tpu.enqueue_dma source(%arg10 : memref<64x128xf32, #tpu.memory_space<vmem>>) target(%dma_start3A_218 : memref<64x128xf32, #tpu.memory_space<vmem_shared>>) target_semaphore(%run_scoped3A_214 : memref<!tpu.dma_semaphore, #tpu.memory_space<semaphore_mem>>)
      %dma_wait3A_219 = arith.constant 0 : i32
      %dma_wait3A_220 = tpu.memref_slice %arg11[%add3A_128, %dma_wait3A_219] : memref<5120x128xf32, #tpu.memory_space<vmem_shared>> -> memref<64x128xf32, #tpu.memory_space<vmem_shared>>
      %dma_wait3A_221 = arith.constant 0 : i32
      %dma_wait3A_222 = tpu.memref_slice %arg11[%add3A_128, %dma_wait3A_221] : memref<5120x128xf32, #tpu.memory_space<vmem_shared>> -> memref<64x128xf32, #tpu.memory_space<vmem_shared>>
      tpu.wait_dma2 semaphore(%run_scoped3A_214 : memref<!tpu.dma_semaphore, #tpu.memory_space<semaphore_mem>>) src(%arg10 : memref<64x128xf32, #tpu.memory_space<vmem>>) dst(%dma_wait3A_222 : memref<64x128xf32, #tpu.memory_space<vmem_shared>>)
      tpu.yield
    }) : () -> ()
    %mul3A_129 = arith.constant 320 : i32
    %mul3A_130 = arith.muli %arg1, %mul3A_129 : i32
    %add3A_131 = arith.constant 192 : i32
    %add3A_132 = arith.addi %mul3A_130, %add3A_131 : i32
    "tpu.region"() ({
      %run_scoped3A_214 = tpu.sem_alloc : memref<!tpu.dma_semaphore, #tpu.memory_space<semaphore_mem>>
      %dma_start3A_215 = arith.constant 0 : i32
      %dma_start3A_216 = tpu.memref_slice %arg11[%add3A_132, %dma_start3A_215] : memref<5120x128xf32, #tpu.memory_space<vmem_shared>> -> memref<64x128xf32, #tpu.memory_space<vmem_shared>>
      %dma_start3A_217 = arith.constant 0 : i32
      %dma_start3A_218 = tpu.memref_slice %arg11[%add3A_132, %dma_start3A_217] : memref<5120x128xf32, #tpu.memory_space<vmem_shared>> -> memref<64x128xf32, #tpu.memory_space<vmem_shared>>
      tpu.enqueue_dma source(%arg10 : memref<64x128xf32, #tpu.memory_space<vmem>>) target(%dma_start3A_218 : memref<64x128xf32, #tpu.memory_space<vmem_shared>>) target_semaphore(%run_scoped3A_214 : memref<!tpu.dma_semaphore, #tpu.memory_space<semaphore_mem>>)
      %dma_wait3A_219 = arith.constant 0 : i32
      %dma_wait3A_220 = tpu.memref_slice %arg11[%add3A_132, %dma_wait3A_219] : memref<5120x128xf32, #tpu.memory_space<vmem_shared>> -> memref<64x128xf32, #tpu.memory_space<vmem_shared>>
      %dma_wait3A_221 = arith.constant 0 : i32
      %dma_wait3A_222 = tpu.memref_slice %arg11[%add3A_132, %dma_wait3A_221] : memref<5120x128xf32, #tpu.memory_space<vmem_shared>> -> memref<64x128xf32, #tpu.memory_space<vmem_shared>>
      tpu.wait_dma2 semaphore(%run_scoped3A_214 : memref<!tpu.dma_semaphore, #tpu.memory_space<semaphore_mem>>) src(%arg10 : memref<64x128xf32, #tpu.memory_space<vmem>>) dst(%dma_wait3A_222 : memref<64x128xf32, #tpu.memory_space<vmem_shared>>)
      tpu.yield
    }) : () -> ()
    %mul3A_133 = arith.constant 320 : i32
    %mul3A_134 = arith.muli %arg1, %mul3A_133 : i32
    %add3A_135 = arith.constant 256 : i32
    %add3A_136 = arith.addi %mul3A_134, %add3A_135 : i32
    "tpu.region"() ({
      %run_scoped3A_214 = tpu.sem_alloc : memref<!tpu.dma_semaphore, #tpu.memory_space<semaphore_mem>>
      %dma_start3A_215 = arith.constant 0 : i32
      %dma_start3A_216 = tpu.memref_slice %arg11[%add3A_136, %dma_start3A_215] : memref<5120x128xf32, #tpu.memory_space<vmem_shared>> -> memref<64x128xf32, #tpu.memory_space<vmem_shared>>
      %dma_start3A_217 = arith.constant 0 : i32
      %dma_start3A_218 = tpu.memref_slice %arg11[%add3A_136, %dma_start3A_217] : memref<5120x128xf32, #tpu.memory_space<vmem_shared>> -> memref<64x128xf32, #tpu.memory_space<vmem_shared>>
      tpu.enqueue_dma source(%arg10 : memref<64x128xf32, #tpu.memory_space<vmem>>) target(%dma_start3A_218 : memref<64x128xf32, #tpu.memory_space<vmem_shared>>) target_semaphore(%run_scoped3A_214 : memref<!tpu.dma_semaphore, #tpu.memory_space<semaphore_mem>>)
      %dma_wait3A_219 = arith.constant 0 : i32
      %dma_wait3A_220 = tpu.memref_slice %arg11[%add3A_136, %dma_wait3A_219] : memref<5120x128xf32, #tpu.memory_space<vmem_shared>> -> memref<64x128xf32, #tpu.memory_space<vmem_shared>>
      %dma_wait3A_221 = arith.constant 0 : i32
      %dma_wait3A_222 = tpu.memref_slice %arg11[%add3A_136, %dma_wait3A_221] : memref<5120x128xf32, #tpu.memory_space<vmem_shared>> -> memref<64x128xf32, #tpu.memory_space<vmem_shared>>
      tpu.wait_dma2 semaphore(%run_scoped3A_214 : memref<!tpu.dma_semaphore, #tpu.memory_space<semaphore_mem>>) src(%arg10 : memref<64x128xf32, #tpu.memory_space<vmem>>) dst(%dma_wait3A_222 : memref<64x128xf32, #tpu.memory_space<vmem_shared>>)
      tpu.yield
    }) : () -> ()
    %barrier3A_137 = arith.constant 0 : index
    tpu.barrier barrier_id(%barrier3A_137)
    %dma_start3A_138 = arith.constant 0 : i32
    %dma_start3A_139 = arith.constant 0 : i32
    %dma_start3A_140 = tpu.memref_slice %arg6[%dma_start3A_138, %dma_start3A_139] : memref<79x128xi32, #tpu.memory_space<vmem>> -> memref<1x128xi32, #tpu.memory_space<vmem>>
    %dma_start3A_141 = tpu.memref_squeeze %dma_start3A_140 : memref<1x128xi32, #tpu.memory_space<vmem>> -> memref<128xi32, #tpu.memory_space<vmem>>
    %dma_start3A_142 = arith.constant 0 : i32
    %dma_start3A_143 = arith.constant 0 : i32
    %dma_start3A_144 = tpu.memref_slice %arg2[%dma_start3A_142, %dma_start3A_143] : memref<20000x128xf32, #tpu.memory_space<hbm>> -> memref<20000x128xf32, #tpu.memory_space<hbm>>
    tpu.enqueue_indirect_dma source(%dma_start3A_144 : memref<20000x128xf32, #tpu.memory_space<hbm>>) target(%arg8 : memref<128x128xf32, #tpu.memory_space<vmem>>) offsets(%dma_start3A_141 : memref<128xi32, #tpu.memory_space<vmem>>) semaphore(%arg12 : memref<!tpu.dma_semaphore, #tpu.memory_space<semaphore_mem>>)
    %scan3A_145 = arith.constant 0 : i32
    %scan3A_146 = arith.constant 0 : i32
    %scan3A_147 = arith.constant 39 : i32
    %scan3A_148 = arith.addi %scan3A_146, %scan3A_147 : i32
    %scan3A_149 = arith.constant 1 : i32
    %scan3A_150 = scf.for %scan3A_214 = %scan3A_146 to %scan3A_148 step %scan3A_149 iter_args(%scan3A_215 = %scan3A_145) -> (i32)  : i32 {
      %mul3A_216 = arith.constant 2 : i32
      %mul3A_217 = arith.muli %mul3A_216, %scan3A_214 : i32
      %dma_wait3A_218 = arith.constant 0 : i32
      %dma_wait3A_219 = tpu.memref_slice %arg6[%mul3A_217, %dma_wait3A_218] : memref<79x128xi32, #tpu.memory_space<vmem>> -> memref<1x128xi32, #tpu.memory_space<vmem>>
      %dma_wait3A_220 = tpu.memref_squeeze %dma_wait3A_219 : memref<1x128xi32, #tpu.memory_space<vmem>> -> memref<128xi32, #tpu.memory_space<vmem>>
      %dma_wait3A_221 = arith.constant 0 : i32
      %dma_wait3A_222 = arith.constant 0 : i32
      %dma_wait3A_223 = tpu.memref_slice %arg2[%dma_wait3A_221, %dma_wait3A_222] : memref<20000x128xf32, #tpu.memory_space<hbm>> -> memref<20000x128xf32, #tpu.memory_space<hbm>>
      tpu.wait_indirect_dma semaphore(%arg12 : memref<!tpu.dma_semaphore, #tpu.memory_space<semaphore_mem>>) src(%dma_wait3A_223 : memref<20000x128xf32, #tpu.memory_space<hbm>>) dst(%arg8 : memref<128x128xf32, #tpu.memory_space<vmem>>)
      %dma_start3A_224 = arith.constant 0 : i32
      %dma_start3A_225 = tpu.memref_slice %arg7[%mul3A_217, %dma_start3A_224] : memref<79x128xi32, #tpu.memory_space<vmem>> -> memref<1x128xi32, #tpu.memory_space<vmem>>
      %dma_start3A_226 = tpu.memref_squeeze %dma_start3A_225 : memref<1x128xi32, #tpu.memory_space<vmem>> -> memref<128xi32, #tpu.memory_space<vmem>>
      %dma_start3A_227 = arith.constant 0 : i32
      %dma_start3A_228 = arith.constant 0 : i32
      %dma_start3A_229 = tpu.memref_slice %arg11[%dma_start3A_227, %dma_start3A_228] : memref<5120x128xf32, #tpu.memory_space<vmem_shared>> -> memref<5120x128xf32, #tpu.memory_space<vmem_shared>>
      tpu.enqueue_indirect_dma source(%arg8 : memref<128x128xf32, #tpu.memory_space<vmem>>) target(%dma_start3A_229 : memref<5120x128xf32, #tpu.memory_space<vmem_shared>>) offsets(%dma_start3A_226 : memref<128xi32, #tpu.memory_space<vmem>>) semaphore(%arg13 : memref<!tpu.dma_semaphore, #tpu.memory_space<semaphore_mem>>) {add = true}
      %gt3A = arith.constant 0 : i32
      %gt3A_230 = arith.cmpi sgt, %scan3A_214, %gt3A : i32
      %convert_element_type3A = arith.extui %gt3A_230 : i1 to i32
      %cond3A = arith.constant 0 : i32
      %cond3A_231 = arith.cmpi ne, %convert_element_type3A, %cond3A : i32
      scf.if %cond3A_231 {
        %sub3A = arith.constant 1 : i32
        %sub3A_269 = arith.subi %mul3A_217, %sub3A : i32
        %dma_wait3A_270 = arith.constant 0 : i32
        %dma_wait3A_271 = tpu.memref_slice %arg7[%sub3A_269, %dma_wait3A_270] : memref<79x128xi32, #tpu.memory_space<vmem>> -> memref<1x128xi32, #tpu.memory_space<vmem>>
        %dma_wait3A_272 = tpu.memref_squeeze %dma_wait3A_271 : memref<1x128xi32, #tpu.memory_space<vmem>> -> memref<128xi32, #tpu.memory_space<vmem>>
        %dma_wait3A_273 = arith.constant 0 : i32
        %dma_wait3A_274 = arith.constant 0 : i32
        %dma_wait3A_275 = tpu.memref_slice %arg11[%dma_wait3A_273, %dma_wait3A_274] : memref<5120x128xf32, #tpu.memory_space<vmem_shared>> -> memref<5120x128xf32, #tpu.memory_space<vmem_shared>>
        tpu.wait_indirect_dma semaphore(%arg14 : memref<!tpu.dma_semaphore, #tpu.memory_space<semaphore_mem>>) src(%arg9 : memref<128x128xf32, #tpu.memory_space<vmem>>) dst(%dma_wait3A_275 : memref<5120x128xf32, #tpu.memory_space<vmem_shared>>)
      } else {
      }
      %add3A_232 = arith.constant 1 : i32
      %add3A_233 = arith.addi %mul3A_217, %add3A_232 : i32
      %dma_start3A_234 = arith.constant 0 : i32
      %dma_start3A_235 = tpu.memref_slice %arg6[%add3A_233, %dma_start3A_234] : memref<79x128xi32, #tpu.memory_space<vmem>> -> memref<1x128xi32, #tpu.memory_space<vmem>>
      %dma_start3A_236 = tpu.memref_squeeze %dma_start3A_235 : memref<1x128xi32, #tpu.memory_space<vmem>> -> memref<128xi32, #tpu.memory_space<vmem>>
      %dma_start3A_237 = arith.constant 0 : i32
      %dma_start3A_238 = arith.constant 0 : i32
      %dma_start3A_239 = tpu.memref_slice %arg2[%dma_start3A_237, %dma_start3A_238] : memref<20000x128xf32, #tpu.memory_space<hbm>> -> memref<20000x128xf32, #tpu.memory_space<hbm>>
      tpu.enqueue_indirect_dma source(%dma_start3A_239 : memref<20000x128xf32, #tpu.memory_space<hbm>>) target(%arg9 : memref<128x128xf32, #tpu.memory_space<vmem>>) offsets(%dma_start3A_236 : memref<128xi32, #tpu.memory_space<vmem>>) semaphore(%arg12 : memref<!tpu.dma_semaphore, #tpu.memory_space<semaphore_mem>>)
      %add3A_240 = arith.constant 1 : i32
      %add3A_241 = arith.addi %mul3A_217, %add3A_240 : i32
      %dma_wait3A_242 = arith.constant 0 : i32
      %dma_wait3A_243 = tpu.memref_slice %arg6[%add3A_241, %dma_wait3A_242] : memref<79x128xi32, #tpu.memory_space<vmem>> -> memref<1x128xi32, #tpu.memory_space<vmem>>
      %dma_wait3A_244 = tpu.memref_squeeze %dma_wait3A_243 : memref<1x128xi32, #tpu.memory_space<vmem>> -> memref<128xi32, #tpu.memory_space<vmem>>
      %dma_wait3A_245 = arith.constant 0 : i32
      %dma_wait3A_246 = arith.constant 0 : i32
      %dma_wait3A_247 = tpu.memref_slice %arg2[%dma_wait3A_245, %dma_wait3A_246] : memref<20000x128xf32, #tpu.memory_space<hbm>> -> memref<20000x128xf32, #tpu.memory_space<hbm>>
      tpu.wait_indirect_dma semaphore(%arg12 : memref<!tpu.dma_semaphore, #tpu.memory_space<semaphore_mem>>) src(%dma_wait3A_247 : memref<20000x128xf32, #tpu.memory_space<hbm>>) dst(%arg9 : memref<128x128xf32, #tpu.memory_space<vmem>>)
      %add3A_248 = arith.constant 1 : i32
      %add3A_249 = arith.addi %mul3A_217, %add3A_248 : i32
      %dma_start3A_250 = arith.constant 0 : i32
      %dma_start3A_251 = tpu.memref_slice %arg7[%add3A_249, %dma_start3A_250] : memref<79x128xi32, #tpu.memory_space<vmem>> -> memref<1x128xi32, #tpu.memory_space<vmem>>
      %dma_start3A_252 = tpu.memref_squeeze %dma_start3A_251 : memref<1x128xi32, #tpu.memory_space<vmem>> -> memref<128xi32, #tpu.memory_space<vmem>>
      %dma_start3A_253 = arith.constant 0 : i32
      %dma_start3A_254 = arith.constant 0 : i32
      %dma_start3A_255 = tpu.memref_slice %arg11[%dma_start3A_253, %dma_start3A_254] : memref<5120x128xf32, #tpu.memory_space<vmem_shared>> -> memref<5120x128xf32, #tpu.memory_space<vmem_shared>>
      tpu.enqueue_indirect_dma source(%arg9 : memref<128x128xf32, #tpu.memory_space<vmem>>) target(%dma_start3A_255 : memref<5120x128xf32, #tpu.memory_space<vmem_shared>>) offsets(%dma_start3A_252 : memref<128xi32, #tpu.memory_space<vmem>>) semaphore(%arg14 : memref<!tpu.dma_semaphore, #tpu.memory_space<semaphore_mem>>) {add = true}
      %dma_wait3A_256 = arith.constant 0 : i32
      %dma_wait3A_257 = tpu.memref_slice %arg7[%mul3A_217, %dma_wait3A_256] : memref<79x128xi32, #tpu.memory_space<vmem>> -> memref<1x128xi32, #tpu.memory_space<vmem>>
      %dma_wait3A_258 = tpu.memref_squeeze %dma_wait3A_257 : memref<1x128xi32, #tpu.memory_space<vmem>> -> memref<128xi32, #tpu.memory_space<vmem>>
      %dma_wait3A_259 = arith.constant 0 : i32
      %dma_wait3A_260 = arith.constant 0 : i32
      %dma_wait3A_261 = tpu.memref_slice %arg11[%dma_wait3A_259, %dma_wait3A_260] : memref<5120x128xf32, #tpu.memory_space<vmem_shared>> -> memref<5120x128xf32, #tpu.memory_space<vmem_shared>>
      tpu.wait_indirect_dma semaphore(%arg13 : memref<!tpu.dma_semaphore, #tpu.memory_space<semaphore_mem>>) src(%arg8 : memref<128x128xf32, #tpu.memory_space<vmem>>) dst(%dma_wait3A_261 : memref<5120x128xf32, #tpu.memory_space<vmem_shared>>)
      %add3A_262 = arith.constant 2 : i32
      %add3A_263 = arith.addi %mul3A_217, %add3A_262 : i32
      %lt3A = arith.constant 79 : i32
      %lt3A_264 = arith.cmpi slt, %add3A_263, %lt3A : i32
      %convert_element_type3A_265 = arith.extui %lt3A_264 : i1 to i32
      %cond3A_266 = arith.constant 0 : i32
      %cond3A_267 = arith.cmpi ne, %convert_element_type3A_265, %cond3A_266 : i32
      scf.if %cond3A_267 {
        %add3A_269 = arith.constant 2 : i32
        %add3A_270 = arith.addi %mul3A_217, %add3A_269 : i32
        %dma_start3A_271 = arith.constant 0 : i32
        %dma_start3A_272 = tpu.memref_slice %arg6[%add3A_270, %dma_start3A_271] : memref<79x128xi32, #tpu.memory_space<vmem>> -> memref<1x128xi32, #tpu.memory_space<vmem>>
        %dma_start3A_273 = tpu.memref_squeeze %dma_start3A_272 : memref<1x128xi32, #tpu.memory_space<vmem>> -> memref<128xi32, #tpu.memory_space<vmem>>
        %dma_start3A_274 = arith.constant 0 : i32
        %dma_start3A_275 = arith.constant 0 : i32
        %dma_start3A_276 = tpu.memref_slice %arg2[%dma_start3A_274, %dma_start3A_275] : memref<20000x128xf32, #tpu.memory_space<hbm>> -> memref<20000x128xf32, #tpu.memory_space<hbm>>
        tpu.enqueue_indirect_dma source(%dma_start3A_276 : memref<20000x128xf32, #tpu.memory_space<hbm>>) target(%arg8 : memref<128x128xf32, #tpu.memory_space<vmem>>) offsets(%dma_start3A_273 : memref<128xi32, #tpu.memory_space<vmem>>) semaphore(%arg12 : memref<!tpu.dma_semaphore, #tpu.memory_space<semaphore_mem>>)
      } else {
      }
      %scan3A_268 = arith.constant 0 : i32
      scf.yield %scan3A_268 : i32
    }
    %scan3A_151 = arith.constant 39 : i32
    %dma_wait3A_152 = arith.constant 78 : i32
    %dma_wait3A_153 = arith.constant 0 : i32
    %dma_wait3A_154 = tpu.memref_slice %arg6[%dma_wait3A_152, %dma_wait3A_153] : memref<79x128xi32, #tpu.memory_space<vmem>> -> memref<1x128xi32, #tpu.memory_space<vmem>>
    %dma_wait3A_155 = tpu.memref_squeeze %dma_wait3A_154 : memref<1x128xi32, #tpu.memory_space<vmem>> -> memref<128xi32, #tpu.memory_space<vmem>>
    %dma_wait3A_156 = arith.constant 0 : i32
    %dma_wait3A_157 = arith.constant 0 : i32
    %dma_wait3A_158 = tpu.memref_slice %arg2[%dma_wait3A_156, %dma_wait3A_157] : memref<20000x128xf32, #tpu.memory_space<hbm>> -> memref<20000x128xf32, #tpu.memory_space<hbm>>
    tpu.wait_indirect_dma semaphore(%arg12 : memref<!tpu.dma_semaphore, #tpu.memory_space<semaphore_mem>>) src(%dma_wait3A_158 : memref<20000x128xf32, #tpu.memory_space<hbm>>) dst(%arg8 : memref<128x128xf32, #tpu.memory_space<vmem>>)
    %dma_wait3A_159 = arith.constant 77 : i32
    %dma_wait3A_160 = arith.constant 0 : i32
    %dma_wait3A_161 = tpu.memref_slice %arg7[%dma_wait3A_159, %dma_wait3A_160] : memref<79x128xi32, #tpu.memory_space<vmem>> -> memref<1x128xi32, #tpu.memory_space<vmem>>
    %dma_wait3A_162 = tpu.memref_squeeze %dma_wait3A_161 : memref<1x128xi32, #tpu.memory_space<vmem>> -> memref<128xi32, #tpu.memory_space<vmem>>
    %dma_wait3A_163 = arith.constant 0 : i32
    %dma_wait3A_164 = arith.constant 0 : i32
    %dma_wait3A_165 = tpu.memref_slice %arg11[%dma_wait3A_163, %dma_wait3A_164] : memref<5120x128xf32, #tpu.memory_space<vmem_shared>> -> memref<5120x128xf32, #tpu.memory_space<vmem_shared>>
    tpu.wait_indirect_dma semaphore(%arg14 : memref<!tpu.dma_semaphore, #tpu.memory_space<semaphore_mem>>) src(%arg9 : memref<128x128xf32, #tpu.memory_space<vmem>>) dst(%dma_wait3A_165 : memref<5120x128xf32, #tpu.memory_space<vmem_shared>>)
    %run_scoped3A_166 = arith.constant 78 : i32
    "tpu.region"() ({
      %run_scoped3A_214 = tpu.sem_alloc : memref<!tpu.dma_semaphore, #tpu.memory_space<semaphore_mem>>
      %dma_start3A_215 = arith.constant 0 : i32
      %dma_start3A_216 = tpu.memref_slice %arg7[%run_scoped3A_166, %dma_start3A_215] : memref<79x128xi32, #tpu.memory_space<vmem>> -> memref<1x128xi32, #tpu.memory_space<vmem>>
      %dma_start3A_217 = tpu.memref_squeeze %dma_start3A_216 : memref<1x128xi32, #tpu.memory_space<vmem>> -> memref<128xi32, #tpu.memory_space<vmem>>
      %dma_start3A_218 = arith.constant 0 : i32
      %dma_start3A_219 = arith.constant 0 : i32
      %dma_start3A_220 = tpu.memref_slice %arg11[%dma_start3A_218, %dma_start3A_219] : memref<5120x128xf32, #tpu.memory_space<vmem_shared>> -> memref<5120x128xf32, #tpu.memory_space<vmem_shared>>
      tpu.enqueue_indirect_dma source(%arg8 : memref<128x128xf32, #tpu.memory_space<vmem>>) target(%dma_start3A_220 : memref<5120x128xf32, #tpu.memory_space<vmem_shared>>) offsets(%dma_start3A_217 : memref<128xi32, #tpu.memory_space<vmem>>) semaphore(%run_scoped3A_214 : memref<!tpu.dma_semaphore, #tpu.memory_space<semaphore_mem>>) {add = true}
      %dma_wait3A_221 = arith.constant 0 : i32
      %dma_wait3A_222 = tpu.memref_slice %arg7[%run_scoped3A_166, %dma_wait3A_221] : memref<79x128xi32, #tpu.memory_space<vmem>> -> memref<1x128xi32, #tpu.memory_space<vmem>>
      %dma_wait3A_223 = tpu.memref_squeeze %dma_wait3A_222 : memref<1x128xi32, #tpu.memory_space<vmem>> -> memref<128xi32, #tpu.memory_space<vmem>>
      %dma_wait3A_224 = arith.constant 0 : i32
      %dma_wait3A_225 = arith.constant 0 : i32
      %dma_wait3A_226 = tpu.memref_slice %arg11[%dma_wait3A_224, %dma_wait3A_225] : memref<5120x128xf32, #tpu.memory_space<vmem_shared>> -> memref<5120x128xf32, #tpu.memory_space<vmem_shared>>
      tpu.wait_indirect_dma semaphore(%run_scoped3A_214 : memref<!tpu.dma_semaphore, #tpu.memory_space<semaphore_mem>>) src(%arg8 : memref<128x128xf32, #tpu.memory_space<vmem>>) dst(%dma_wait3A_226 : memref<5120x128xf32, #tpu.memory_space<vmem_shared>>)
      tpu.yield
    }) : () -> ()
    %barrier3A_167 = arith.constant 0 : index
    tpu.barrier barrier_id(%barrier3A_167)
    %mul3A_168 = arith.constant 320 : i32
    %mul3A_169 = arith.muli %arg1, %mul3A_168 : i32
    %add3A_170 = arith.constant 0 : i32
    %add3A_171 = arith.addi %mul3A_169, %add3A_170 : i32
    %mul3A_172 = arith.constant 320 : i32
    %mul3A_173 = arith.muli %arg1, %mul3A_172 : i32
    %add3A_174 = arith.constant 0 : i32
    %add3A_175 = arith.addi %mul3A_173, %add3A_174 : i32
    %run_scoped3A_176 = arith.constant 1 : i32
    "tpu.region"() ({
      %run_scoped3A_214 = tpu.sem_alloc : memref<!tpu.dma_semaphore, #tpu.memory_space<semaphore_mem>>
      %dma_start3A_215 = arith.constant 0 : i32
      %dma_start3A_216 = tpu.memref_slice %arg5[%run_scoped3A_176, %arg0, %add3A_175, %dma_start3A_215] : memref<2x2x5120x128xf32, #tpu.memory_space<hbm>> -> memref<1x1x64x128xf32, #tpu.memory_space<hbm>>
      %dma_start3A_217 = tpu.memref_squeeze %dma_start3A_216 : memref<1x1x64x128xf32, #tpu.memory_space<hbm>> -> memref<64x128xf32, #tpu.memory_space<hbm>>
      %dma_start3A_218 = arith.constant 0 : i32
      %dma_start3A_219 = tpu.memref_slice %arg11[%add3A_171, %dma_start3A_218] : memref<5120x128xf32, #tpu.memory_space<vmem_shared>> -> memref<64x128xf32, #tpu.memory_space<vmem_shared>>
      tpu.enqueue_dma source(%dma_start3A_219 : memref<64x128xf32, #tpu.memory_space<vmem_shared>>) target(%dma_start3A_217 : memref<64x128xf32, #tpu.memory_space<hbm>>) target_semaphore(%run_scoped3A_214 : memref<!tpu.dma_semaphore, #tpu.memory_space<semaphore_mem>>)
      %dma_wait3A_220 = arith.constant 0 : i32
      %dma_wait3A_221 = tpu.memref_slice %arg5[%run_scoped3A_176, %arg0, %add3A_175, %dma_wait3A_220] : memref<2x2x5120x128xf32, #tpu.memory_space<hbm>> -> memref<1x1x64x128xf32, #tpu.memory_space<hbm>>
      %dma_wait3A_222 = tpu.memref_squeeze %dma_wait3A_221 : memref<1x1x64x128xf32, #tpu.memory_space<hbm>> -> memref<64x128xf32, #tpu.memory_space<hbm>>
      %dma_wait3A_223 = arith.constant 0 : i32
      %dma_wait3A_224 = tpu.memref_slice %arg11[%add3A_171, %dma_wait3A_223] : memref<5120x128xf32, #tpu.memory_space<vmem_shared>> -> memref<64x128xf32, #tpu.memory_space<vmem_shared>>
      tpu.wait_dma2 semaphore(%run_scoped3A_214 : memref<!tpu.dma_semaphore, #tpu.memory_space<semaphore_mem>>) src(%dma_wait3A_224 : memref<64x128xf32, #tpu.memory_space<vmem_shared>>) dst(%dma_wait3A_222 : memref<64x128xf32, #tpu.memory_space<hbm>>)
      tpu.yield
    }) : () -> ()
    %mul3A_177 = arith.constant 320 : i32
    %mul3A_178 = arith.muli %arg1, %mul3A_177 : i32
    %add3A_179 = arith.constant 64 : i32
    %add3A_180 = arith.addi %mul3A_178, %add3A_179 : i32
    %mul3A_181 = arith.constant 320 : i32
    %mul3A_182 = arith.muli %arg1, %mul3A_181 : i32
    %add3A_183 = arith.constant 64 : i32
    %add3A_184 = arith.addi %mul3A_182, %add3A_183 : i32
    %run_scoped3A_185 = arith.constant 1 : i32
    "tpu.region"() ({
      %run_scoped3A_214 = tpu.sem_alloc : memref<!tpu.dma_semaphore, #tpu.memory_space<semaphore_mem>>
      %dma_start3A_215 = arith.constant 0 : i32
      %dma_start3A_216 = tpu.memref_slice %arg5[%run_scoped3A_185, %arg0, %add3A_184, %dma_start3A_215] : memref<2x2x5120x128xf32, #tpu.memory_space<hbm>> -> memref<1x1x64x128xf32, #tpu.memory_space<hbm>>
      %dma_start3A_217 = tpu.memref_squeeze %dma_start3A_216 : memref<1x1x64x128xf32, #tpu.memory_space<hbm>> -> memref<64x128xf32, #tpu.memory_space<hbm>>
      %dma_start3A_218 = arith.constant 0 : i32
      %dma_start3A_219 = tpu.memref_slice %arg11[%add3A_180, %dma_start3A_218] : memref<5120x128xf32, #tpu.memory_space<vmem_shared>> -> memref<64x128xf32, #tpu.memory_space<vmem_shared>>
      tpu.enqueue_dma source(%dma_start3A_219 : memref<64x128xf32, #tpu.memory_space<vmem_shared>>) target(%dma_start3A_217 : memref<64x128xf32, #tpu.memory_space<hbm>>) target_semaphore(%run_scoped3A_214 : memref<!tpu.dma_semaphore, #tpu.memory_space<semaphore_mem>>)
      %dma_wait3A_220 = arith.constant 0 : i32
      %dma_wait3A_221 = tpu.memref_slice %arg5[%run_scoped3A_185, %arg0, %add3A_184, %dma_wait3A_220] : memref<2x2x5120x128xf32, #tpu.memory_space<hbm>> -> memref<1x1x64x128xf32, #tpu.memory_space<hbm>>
      %dma_wait3A_222 = tpu.memref_squeeze %dma_wait3A_221 : memref<1x1x64x128xf32, #tpu.memory_space<hbm>> -> memref<64x128xf32, #tpu.memory_space<hbm>>
      %dma_wait3A_223 = arith.constant 0 : i32
      %dma_wait3A_224 = tpu.memref_slice %arg11[%add3A_180, %dma_wait3A_223] : memref<5120x128xf32, #tpu.memory_space<vmem_shared>> -> memref<64x128xf32, #tpu.memory_space<vmem_shared>>
      tpu.wait_dma2 semaphore(%run_scoped3A_214 : memref<!tpu.dma_semaphore, #tpu.memory_space<semaphore_mem>>) src(%dma_wait3A_224 : memref<64x128xf32, #tpu.memory_space<vmem_shared>>) dst(%dma_wait3A_222 : memref<64x128xf32, #tpu.memory_space<hbm>>)
      tpu.yield
    }) : () -> ()
    %mul3A_186 = arith.constant 320 : i32
    %mul3A_187 = arith.muli %arg1, %mul3A_186 : i32
    %add3A_188 = arith.constant 128 : i32
    %add3A_189 = arith.addi %mul3A_187, %add3A_188 : i32
    %mul3A_190 = arith.constant 320 : i32
    %mul3A_191 = arith.muli %arg1, %mul3A_190 : i32
    %add3A_192 = arith.constant 128 : i32
    %add3A_193 = arith.addi %mul3A_191, %add3A_192 : i32
    %run_scoped3A_194 = arith.constant 1 : i32
    "tpu.region"() ({
      %run_scoped3A_214 = tpu.sem_alloc : memref<!tpu.dma_semaphore, #tpu.memory_space<semaphore_mem>>
      %dma_start3A_215 = arith.constant 0 : i32
      %dma_start3A_216 = tpu.memref_slice %arg5[%run_scoped3A_194, %arg0, %add3A_193, %dma_start3A_215] : memref<2x2x5120x128xf32, #tpu.memory_space<hbm>> -> memref<1x1x64x128xf32, #tpu.memory_space<hbm>>
      %dma_start3A_217 = tpu.memref_squeeze %dma_start3A_216 : memref<1x1x64x128xf32, #tpu.memory_space<hbm>> -> memref<64x128xf32, #tpu.memory_space<hbm>>
      %dma_start3A_218 = arith.constant 0 : i32
      %dma_start3A_219 = tpu.memref_slice %arg11[%add3A_189, %dma_start3A_218] : memref<5120x128xf32, #tpu.memory_space<vmem_shared>> -> memref<64x128xf32, #tpu.memory_space<vmem_shared>>
      tpu.enqueue_dma source(%dma_start3A_219 : memref<64x128xf32, #tpu.memory_space<vmem_shared>>) target(%dma_start3A_217 : memref<64x128xf32, #tpu.memory_space<hbm>>) target_semaphore(%run_scoped3A_214 : memref<!tpu.dma_semaphore, #tpu.memory_space<semaphore_mem>>)
      %dma_wait3A_220 = arith.constant 0 : i32
      %dma_wait3A_221 = tpu.memref_slice %arg5[%run_scoped3A_194, %arg0, %add3A_193, %dma_wait3A_220] : memref<2x2x5120x128xf32, #tpu.memory_space<hbm>> -> memref<1x1x64x128xf32, #tpu.memory_space<hbm>>
      %dma_wait3A_222 = tpu.memref_squeeze %dma_wait3A_221 : memref<1x1x64x128xf32, #tpu.memory_space<hbm>> -> memref<64x128xf32, #tpu.memory_space<hbm>>
      %dma_wait3A_223 = arith.constant 0 : i32
      %dma_wait3A_224 = tpu.memref_slice %arg11[%add3A_189, %dma_wait3A_223] : memref<5120x128xf32, #tpu.memory_space<vmem_shared>> -> memref<64x128xf32, #tpu.memory_space<vmem_shared>>
      tpu.wait_dma2 semaphore(%run_scoped3A_214 : memref<!tpu.dma_semaphore, #tpu.memory_space<semaphore_mem>>) src(%dma_wait3A_224 : memref<64x128xf32, #tpu.memory_space<vmem_shared>>) dst(%dma_wait3A_222 : memref<64x128xf32, #tpu.memory_space<hbm>>)
      tpu.yield
    }) : () -> ()
    %mul3A_195 = arith.constant 320 : i32
    %mul3A_196 = arith.muli %arg1, %mul3A_195 : i32
    %add3A_197 = arith.constant 192 : i32
    %add3A_198 = arith.addi %mul3A_196, %add3A_197 : i32
    %mul3A_199 = arith.constant 320 : i32
    %mul3A_200 = arith.muli %arg1, %mul3A_199 : i32
    %add3A_201 = arith.constant 192 : i32
    %add3A_202 = arith.addi %mul3A_200, %add3A_201 : i32
    %run_scoped3A_203 = arith.constant 1 : i32
    "tpu.region"() ({
      %run_scoped3A_214 = tpu.sem_alloc : memref<!tpu.dma_semaphore, #tpu.memory_space<semaphore_mem>>
      %dma_start3A_215 = arith.constant 0 : i32
      %dma_start3A_216 = tpu.memref_slice %arg5[%run_scoped3A_203, %arg0, %add3A_202, %dma_start3A_215] : memref<2x2x5120x128xf32, #tpu.memory_space<hbm>> -> memref<1x1x64x128xf32, #tpu.memory_space<hbm>>
      %dma_start3A_217 = tpu.memref_squeeze %dma_start3A_216 : memref<1x1x64x128xf32, #tpu.memory_space<hbm>> -> memref<64x128xf32, #tpu.memory_space<hbm>>
      %dma_start3A_218 = arith.constant 0 : i32
      %dma_start3A_219 = tpu.memref_slice %arg11[%add3A_198, %dma_start3A_218] : memref<5120x128xf32, #tpu.memory_space<vmem_shared>> -> memref<64x128xf32, #tpu.memory_space<vmem_shared>>
      tpu.enqueue_dma source(%dma_start3A_219 : memref<64x128xf32, #tpu.memory_space<vmem_shared>>) target(%dma_start3A_217 : memref<64x128xf32, #tpu.memory_space<hbm>>) target_semaphore(%run_scoped3A_214 : memref<!tpu.dma_semaphore, #tpu.memory_space<semaphore_mem>>)
      %dma_wait3A_220 = arith.constant 0 : i32
      %dma_wait3A_221 = tpu.memref_slice %arg5[%run_scoped3A_203, %arg0, %add3A_202, %dma_wait3A_220] : memref<2x2x5120x128xf32, #tpu.memory_space<hbm>> -> memref<1x1x64x128xf32, #tpu.memory_space<hbm>>
      %dma_wait3A_222 = tpu.memref_squeeze %dma_wait3A_221 : memref<1x1x64x128xf32, #tpu.memory_space<hbm>> -> memref<64x128xf32, #tpu.memory_space<hbm>>
      %dma_wait3A_223 = arith.constant 0 : i32
      %dma_wait3A_224 = tpu.memref_slice %arg11[%add3A_198, %dma_wait3A_223] : memref<5120x128xf32, #tpu.memory_space<vmem_shared>> -> memref<64x128xf32, #tpu.memory_space<vmem_shared>>
      tpu.wait_dma2 semaphore(%run_scoped3A_214 : memref<!tpu.dma_semaphore, #tpu.memory_space<semaphore_mem>>) src(%dma_wait3A_224 : memref<64x128xf32, #tpu.memory_space<vmem_shared>>) dst(%dma_wait3A_222 : memref<64x128xf32, #tpu.memory_space<hbm>>)
      tpu.yield
    }) : () -> ()
    %mul3A_204 = arith.constant 320 : i32
    %mul3A_205 = arith.muli %arg1, %mul3A_204 : i32
    %add3A_206 = arith.constant 256 : i32
    %add3A_207 = arith.addi %mul3A_205, %add3A_206 : i32
    %mul3A_208 = arith.constant 320 : i32
    %mul3A_209 = arith.muli %arg1, %mul3A_208 : i32
    %add3A_210 = arith.constant 256 : i32
    %add3A_211 = arith.addi %mul3A_209, %add3A_210 : i32
    %run_scoped3A_212 = arith.constant 1 : i32
    "tpu.region"() ({
      %run_scoped3A_214 = tpu.sem_alloc : memref<!tpu.dma_semaphore, #tpu.memory_space<semaphore_mem>>
      %dma_start3A_215 = arith.constant 0 : i32
      %dma_start3A_216 = tpu.memref_slice %arg5[%run_scoped3A_212, %arg0, %add3A_211, %dma_start3A_215] : memref<2x2x5120x128xf32, #tpu.memory_space<hbm>> -> memref<1x1x64x128xf32, #tpu.memory_space<hbm>>
      %dma_start3A_217 = tpu.memref_squeeze %dma_start3A_216 : memref<1x1x64x128xf32, #tpu.memory_space<hbm>> -> memref<64x128xf32, #tpu.memory_space<hbm>>
      %dma_start3A_218 = arith.constant 0 : i32
      %dma_start3A_219 = tpu.memref_slice %arg11[%add3A_207, %dma_start3A_218] : memref<5120x128xf32, #tpu.memory_space<vmem_shared>> -> memref<64x128xf32, #tpu.memory_space<vmem_shared>>
      tpu.enqueue_dma source(%dma_start3A_219 : memref<64x128xf32, #tpu.memory_space<vmem_shared>>) target(%dma_start3A_217 : memref<64x128xf32, #tpu.memory_space<hbm>>) target_semaphore(%run_scoped3A_214 : memref<!tpu.dma_semaphore, #tpu.memory_space<semaphore_mem>>)
      %dma_wait3A_220 = arith.constant 0 : i32
      %dma_wait3A_221 = tpu.memref_slice %arg5[%run_scoped3A_212, %arg0, %add3A_211, %dma_wait3A_220] : memref<2x2x5120x128xf32, #tpu.memory_space<hbm>> -> memref<1x1x64x128xf32, #tpu.memory_space<hbm>>
      %dma_wait3A_222 = tpu.memref_squeeze %dma_wait3A_221 : memref<1x1x64x128xf32, #tpu.memory_space<hbm>> -> memref<64x128xf32, #tpu.memory_space<hbm>>
      %dma_wait3A_223 = arith.constant 0 : i32
      %dma_wait3A_224 = tpu.memref_slice %arg11[%add3A_207, %dma_wait3A_223] : memref<5120x128xf32, #tpu.memory_space<vmem_shared>> -> memref<64x128xf32, #tpu.memory_space<vmem_shared>>
      tpu.wait_dma2 semaphore(%run_scoped3A_214 : memref<!tpu.dma_semaphore, #tpu.memory_space<semaphore_mem>>) src(%dma_wait3A_224 : memref<64x128xf32, #tpu.memory_space<vmem_shared>>) dst(%dma_wait3A_222 : memref<64x128xf32, #tpu.memory_space<hbm>>)
      tpu.yield
    }) : () -> ()
    %barrier3A_213 = arith.constant 0 : index
    tpu.barrier barrier_id(%barrier3A_213)
    return
  }
}

#map = affine_map<(d0, d1) -> (0, 0, 0, 0)>
#map1 = affine_map<(d0, d1) -> (0, 0)>
module attributes {stable_mosaic.version = 14 : i64} {
  func.func @_deg_kernel(%arg0: i32, %arg1: i32, %arg2: memref<2x16x40x128xi32, #tpu.memory_space<hbm>>, %arg3: memref<2x10240xf32, #tpu.memory_space<hbm>>, %arg4: memref<40x128xi32, #tpu.memory_space<vmem>>, %arg5: memref<128xf32, #tpu.memory_space<vmem>>, %arg6: memref<640xf32, #tpu.memory_space<vmem>>, %arg7: memref<10240xf32, #tpu.memory_space<vmem_shared>>) attributes {dimension_semantics = [#tpu.dimension_semantics<core_parallel>, #tpu.dimension_semantics<subcore_parallel>], iteration_bounds = array<i64: 2, 16>, scalar_prefetch = 0 : i64, scratch_operands = 4 : i64, tpu.core_type = #tpu.core_type<sc_vector_subcore>, window_params = [{transform_indices = #map}, {transform_indices = #map1}]} {
    %broadcast_in_dim3A = arith.constant 1.000000e+00 : f32
    %broadcast_in_dim3A_0 = vector.broadcast %broadcast_in_dim3A : f32 to vector<16xf32>
    %broadcast_in_dim3A_1 = arith.constant 0.000000e+00 : f32
    %broadcast_in_dim3A_2 = vector.broadcast %broadcast_in_dim3A_1 : f32 to vector<16xf32>
    %swap3A = arith.constant 0 : index
    %swap3A_3 = tpu.vector_load %arg5[%swap3A] {strides = array<i32>} : memref<128xf32, #tpu.memory_space<vmem>>, vector<16xf32>,
    %swap3A_4 = vector.shape_cast %swap3A_3 : vector<16xf32> to vector<16xf32>
    %swap3A_5 = vector.shape_cast %broadcast_in_dim3A_0 : vector<16xf32> to vector<16xf32>
    tpu.vector_store %arg5[%swap3A], %swap3A_5 {strides = array<i32>} : memref<128xf32, #tpu.memory_space<vmem>>, vector<16xf32>,
    %swap3A_6 = arith.constant 16 : index
    %swap3A_7 = tpu.vector_load %arg5[%swap3A_6] {strides = array<i32>} : memref<128xf32, #tpu.memory_space<vmem>>, vector<16xf32>,
    %swap3A_8 = vector.shape_cast %swap3A_7 : vector<16xf32> to vector<16xf32>
    %swap3A_9 = vector.shape_cast %broadcast_in_dim3A_0 : vector<16xf32> to vector<16xf32>
    tpu.vector_store %arg5[%swap3A_6], %swap3A_9 {strides = array<i32>} : memref<128xf32, #tpu.memory_space<vmem>>, vector<16xf32>,
    %swap3A_10 = arith.constant 32 : index
    %swap3A_11 = tpu.vector_load %arg5[%swap3A_10] {strides = array<i32>} : memref<128xf32, #tpu.memory_space<vmem>>, vector<16xf32>,
    %swap3A_12 = vector.shape_cast %swap3A_11 : vector<16xf32> to vector<16xf32>
    %swap3A_13 = vector.shape_cast %broadcast_in_dim3A_0 : vector<16xf32> to vector<16xf32>
    tpu.vector_store %arg5[%swap3A_10], %swap3A_13 {strides = array<i32>} : memref<128xf32, #tpu.memory_space<vmem>>, vector<16xf32>,
    %swap3A_14 = arith.constant 48 : index
    %swap3A_15 = tpu.vector_load %arg5[%swap3A_14] {strides = array<i32>} : memref<128xf32, #tpu.memory_space<vmem>>, vector<16xf32>,
    %swap3A_16 = vector.shape_cast %swap3A_15 : vector<16xf32> to vector<16xf32>
    %swap3A_17 = vector.shape_cast %broadcast_in_dim3A_0 : vector<16xf32> to vector<16xf32>
    tpu.vector_store %arg5[%swap3A_14], %swap3A_17 {strides = array<i32>} : memref<128xf32, #tpu.memory_space<vmem>>, vector<16xf32>,
    %swap3A_18 = arith.constant 64 : index
    %swap3A_19 = tpu.vector_load %arg5[%swap3A_18] {strides = array<i32>} : memref<128xf32, #tpu.memory_space<vmem>>, vector<16xf32>,
    %swap3A_20 = vector.shape_cast %swap3A_19 : vector<16xf32> to vector<16xf32>
    %swap3A_21 = vector.shape_cast %broadcast_in_dim3A_0 : vector<16xf32> to vector<16xf32>
    tpu.vector_store %arg5[%swap3A_18], %swap3A_21 {strides = array<i32>} : memref<128xf32, #tpu.memory_space<vmem>>, vector<16xf32>,
    %swap3A_22 = arith.constant 80 : index
    %swap3A_23 = tpu.vector_load %arg5[%swap3A_22] {strides = array<i32>} : memref<128xf32, #tpu.memory_space<vmem>>, vector<16xf32>,
    %swap3A_24 = vector.shape_cast %swap3A_23 : vector<16xf32> to vector<16xf32>
    %swap3A_25 = vector.shape_cast %broadcast_in_dim3A_0 : vector<16xf32> to vector<16xf32>
    tpu.vector_store %arg5[%swap3A_22], %swap3A_25 {strides = array<i32>} : memref<128xf32, #tpu.memory_space<vmem>>, vector<16xf32>,
    %swap3A_26 = arith.constant 96 : index
    %swap3A_27 = tpu.vector_load %arg5[%swap3A_26] {strides = array<i32>} : memref<128xf32, #tpu.memory_space<vmem>>, vector<16xf32>,
    %swap3A_28 = vector.shape_cast %swap3A_27 : vector<16xf32> to vector<16xf32>
    %swap3A_29 = vector.shape_cast %broadcast_in_dim3A_0 : vector<16xf32> to vector<16xf32>
    tpu.vector_store %arg5[%swap3A_26], %swap3A_29 {strides = array<i32>} : memref<128xf32, #tpu.memory_space<vmem>>, vector<16xf32>,
    %swap3A_30 = arith.constant 112 : index
    %swap3A_31 = tpu.vector_load %arg5[%swap3A_30] {strides = array<i32>} : memref<128xf32, #tpu.memory_space<vmem>>, vector<16xf32>,
    %swap3A_32 = vector.shape_cast %swap3A_31 : vector<16xf32> to vector<16xf32>
    %swap3A_33 = vector.shape_cast %broadcast_in_dim3A_0 : vector<16xf32> to vector<16xf32>
    tpu.vector_store %arg5[%swap3A_30], %swap3A_33 {strides = array<i32>} : memref<128xf32, #tpu.memory_space<vmem>>, vector<16xf32>,
    %swap3A_34 = arith.constant 0 : index
    %swap3A_35 = tpu.vector_load %arg6[%swap3A_34] {strides = array<i32>} : memref<640xf32, #tpu.memory_space<vmem>>, vector<16xf32>,
    %swap3A_36 = vector.shape_cast %swap3A_35 : vector<16xf32> to vector<16xf32>
    %swap3A_37 = vector.shape_cast %broadcast_in_dim3A_2 : vector<16xf32> to vector<16xf32>
    tpu.vector_store %arg6[%swap3A_34], %swap3A_37 {strides = array<i32>} : memref<640xf32, #tpu.memory_space<vmem>>, vector<16xf32>,
    %swap3A_38 = arith.constant 16 : index
    %swap3A_39 = tpu.vector_load %arg6[%swap3A_38] {strides = array<i32>} : memref<640xf32, #tpu.memory_space<vmem>>, vector<16xf32>,
    %swap3A_40 = vector.shape_cast %swap3A_39 : vector<16xf32> to vector<16xf32>
    %swap3A_41 = vector.shape_cast %broadcast_in_dim3A_2 : vector<16xf32> to vector<16xf32>
    tpu.vector_store %arg6[%swap3A_38], %swap3A_41 {strides = array<i32>} : memref<640xf32, #tpu.memory_space<vmem>>, vector<16xf32>,
    %swap3A_42 = arith.constant 32 : index
    %swap3A_43 = tpu.vector_load %arg6[%swap3A_42] {strides = array<i32>} : memref<640xf32, #tpu.memory_space<vmem>>, vector<16xf32>,
    %swap3A_44 = vector.shape_cast %swap3A_43 : vector<16xf32> to vector<16xf32>
    %swap3A_45 = vector.shape_cast %broadcast_in_dim3A_2 : vector<16xf32> to vector<16xf32>
    tpu.vector_store %arg6[%swap3A_42], %swap3A_45 {strides = array<i32>} : memref<640xf32, #tpu.memory_space<vmem>>, vector<16xf32>,
    %swap3A_46 = arith.constant 48 : index
    %swap3A_47 = tpu.vector_load %arg6[%swap3A_46] {strides = array<i32>} : memref<640xf32, #tpu.memory_space<vmem>>, vector<16xf32>,
    %swap3A_48 = vector.shape_cast %swap3A_47 : vector<16xf32> to vector<16xf32>
    %swap3A_49 = vector.shape_cast %broadcast_in_dim3A_2 : vector<16xf32> to vector<16xf32>
    tpu.vector_store %arg6[%swap3A_46], %swap3A_49 {strides = array<i32>} : memref<640xf32, #tpu.memory_space<vmem>>, vector<16xf32>,
    %swap3A_50 = arith.constant 64 : index
    %swap3A_51 = tpu.vector_load %arg6[%swap3A_50] {strides = array<i32>} : memref<640xf32, #tpu.memory_space<vmem>>, vector<16xf32>,
    %swap3A_52 = vector.shape_cast %swap3A_51 : vector<16xf32> to vector<16xf32>
    %swap3A_53 = vector.shape_cast %broadcast_in_dim3A_2 : vector<16xf32> to vector<16xf32>
    tpu.vector_store %arg6[%swap3A_50], %swap3A_53 {strides = array<i32>} : memref<640xf32, #tpu.memory_space<vmem>>, vector<16xf32>,
    %swap3A_54 = arith.constant 80 : index
    %swap3A_55 = tpu.vector_load %arg6[%swap3A_54] {strides = array<i32>} : memref<640xf32, #tpu.memory_space<vmem>>, vector<16xf32>,
    %swap3A_56 = vector.shape_cast %swap3A_55 : vector<16xf32> to vector<16xf32>
    %swap3A_57 = vector.shape_cast %broadcast_in_dim3A_2 : vector<16xf32> to vector<16xf32>
    tpu.vector_store %arg6[%swap3A_54], %swap3A_57 {strides = array<i32>} : memref<640xf32, #tpu.memory_space<vmem>>, vector<16xf32>,
    %swap3A_58 = arith.constant 96 : index
    %swap3A_59 = tpu.vector_load %arg6[%swap3A_58] {strides = array<i32>} : memref<640xf32, #tpu.memory_space<vmem>>, vector<16xf32>,
    %swap3A_60 = vector.shape_cast %swap3A_59 : vector<16xf32> to vector<16xf32>
    %swap3A_61 = vector.shape_cast %broadcast_in_dim3A_2 : vector<16xf32> to vector<16xf32>
    tpu.vector_store %arg6[%swap3A_58], %swap3A_61 {strides = array<i32>} : memref<640xf32, #tpu.memory_space<vmem>>, vector<16xf32>,
    %swap3A_62 = arith.constant 112 : index
    %swap3A_63 = tpu.vector_load %arg6[%swap3A_62] {strides = array<i32>} : memref<640xf32, #tpu.memory_space<vmem>>, vector<16xf32>,
    %swap3A_64 = vector.shape_cast %swap3A_63 : vector<16xf32> to vector<16xf32>
    %swap3A_65 = vector.shape_cast %broadcast_in_dim3A_2 : vector<16xf32> to vector<16xf32>
    tpu.vector_store %arg6[%swap3A_62], %swap3A_65 {strides = array<i32>} : memref<640xf32, #tpu.memory_space<vmem>>, vector<16xf32>,
    %swap3A_66 = arith.constant 128 : index
    %swap3A_67 = tpu.vector_load %arg6[%swap3A_66] {strides = array<i32>} : memref<640xf32, #tpu.memory_space<vmem>>, vector<16xf32>,
    %swap3A_68 = vector.shape_cast %swap3A_67 : vector<16xf32> to vector<16xf32>
    %swap3A_69 = vector.shape_cast %broadcast_in_dim3A_2 : vector<16xf32> to vector<16xf32>
    tpu.vector_store %arg6[%swap3A_66], %swap3A_69 {strides = array<i32>} : memref<640xf32, #tpu.memory_space<vmem>>, vector<16xf32>,
    %swap3A_70 = arith.constant 144 : index
    %swap3A_71 = tpu.vector_load %arg6[%swap3A_70] {strides = array<i32>} : memref<640xf32, #tpu.memory_space<vmem>>, vector<16xf32>,
    %swap3A_72 = vector.shape_cast %swap3A_71 : vector<16xf32> to vector<16xf32>
    %swap3A_73 = vector.shape_cast %broadcast_in_dim3A_2 : vector<16xf32> to vector<16xf32>
    tpu.vector_store %arg6[%swap3A_70], %swap3A_73 {strides = array<i32>} : memref<640xf32, #tpu.memory_space<vmem>>, vector<16xf32>,
    %swap3A_74 = arith.constant 160 : index
    %swap3A_75 = tpu.vector_load %arg6[%swap3A_74] {strides = array<i32>} : memref<640xf32, #tpu.memory_space<vmem>>, vector<16xf32>,
    %swap3A_76 = vector.shape_cast %swap3A_75 : vector<16xf32> to vector<16xf32>
    %swap3A_77 = vector.shape_cast %broadcast_in_dim3A_2 : vector<16xf32> to vector<16xf32>
    tpu.vector_store %arg6[%swap3A_74], %swap3A_77 {strides = array<i32>} : memref<640xf32, #tpu.memory_space<vmem>>, vector<16xf32>,
    %swap3A_78 = arith.constant 176 : index
    %swap3A_79 = tpu.vector_load %arg6[%swap3A_78] {strides = array<i32>} : memref<640xf32, #tpu.memory_space<vmem>>, vector<16xf32>,
    %swap3A_80 = vector.shape_cast %swap3A_79 : vector<16xf32> to vector<16xf32>
    %swap3A_81 = vector.shape_cast %broadcast_in_dim3A_2 : vector<16xf32> to vector<16xf32>
    tpu.vector_store %arg6[%swap3A_78], %swap3A_81 {strides = array<i32>} : memref<640xf32, #tpu.memory_space<vmem>>, vector<16xf32>,
    %swap3A_82 = arith.constant 192 : index
    %swap3A_83 = tpu.vector_load %arg6[%swap3A_82] {strides = array<i32>} : memref<640xf32, #tpu.memory_space<vmem>>, vector<16xf32>,
    %swap3A_84 = vector.shape_cast %swap3A_83 : vector<16xf32> to vector<16xf32>
    %swap3A_85 = vector.shape_cast %broadcast_in_dim3A_2 : vector<16xf32> to vector<16xf32>
    tpu.vector_store %arg6[%swap3A_82], %swap3A_85 {strides = array<i32>} : memref<640xf32, #tpu.memory_space<vmem>>, vector<16xf32>,
    %swap3A_86 = arith.constant 208 : index
    %swap3A_87 = tpu.vector_load %arg6[%swap3A_86] {strides = array<i32>} : memref<640xf32, #tpu.memory_space<vmem>>, vector<16xf32>,
    %swap3A_88 = vector.shape_cast %swap3A_87 : vector<16xf32> to vector<16xf32>
    %swap3A_89 = vector.shape_cast %broadcast_in_dim3A_2 : vector<16xf32> to vector<16xf32>
    tpu.vector_store %arg6[%swap3A_86], %swap3A_89 {strides = array<i32>} : memref<640xf32, #tpu.memory_space<vmem>>, vector<16xf32>,
    %swap3A_90 = arith.constant 224 : index
    %swap3A_91 = tpu.vector_load %arg6[%swap3A_90] {strides = array<i32>} : memref<640xf32, #tpu.memory_space<vmem>>, vector<16xf32>,
    %swap3A_92 = vector.shape_cast %swap3A_91 : vector<16xf32> to vector<16xf32>
    %swap3A_93 = vector.shape_cast %broadcast_in_dim3A_2 : vector<16xf32> to vector<16xf32>
    tpu.vector_store %arg6[%swap3A_90], %swap3A_93 {strides = array<i32>} : memref<640xf32, #tpu.memory_space<vmem>>, vector<16xf32>,
    %swap3A_94 = arith.constant 240 : index
    %swap3A_95 = tpu.vector_load %arg6[%swap3A_94] {strides = array<i32>} : memref<640xf32, #tpu.memory_space<vmem>>, vector<16xf32>,
    %swap3A_96 = vector.shape_cast %swap3A_95 : vector<16xf32> to vector<16xf32>
    %swap3A_97 = vector.shape_cast %broadcast_in_dim3A_2 : vector<16xf32> to vector<16xf32>
    tpu.vector_store %arg6[%swap3A_94], %swap3A_97 {strides = array<i32>} : memref<640xf32, #tpu.memory_space<vmem>>, vector<16xf32>,
    %swap3A_98 = arith.constant 256 : index
    %swap3A_99 = tpu.vector_load %arg6[%swap3A_98] {strides = array<i32>} : memref<640xf32, #tpu.memory_space<vmem>>, vector<16xf32>,
    %swap3A_100 = vector.shape_cast %swap3A_99 : vector<16xf32> to vector<16xf32>
    %swap3A_101 = vector.shape_cast %broadcast_in_dim3A_2 : vector<16xf32> to vector<16xf32>
    tpu.vector_store %arg6[%swap3A_98], %swap3A_101 {strides = array<i32>} : memref<640xf32, #tpu.memory_space<vmem>>, vector<16xf32>,
    %swap3A_102 = arith.constant 272 : index
    %swap3A_103 = tpu.vector_load %arg6[%swap3A_102] {strides = array<i32>} : memref<640xf32, #tpu.memory_space<vmem>>, vector<16xf32>,
    %swap3A_104 = vector.shape_cast %swap3A_103 : vector<16xf32> to vector<16xf32>
    %swap3A_105 = vector.shape_cast %broadcast_in_dim3A_2 : vector<16xf32> to vector<16xf32>
    tpu.vector_store %arg6[%swap3A_102], %swap3A_105 {strides = array<i32>} : memref<640xf32, #tpu.memory_space<vmem>>, vector<16xf32>,
    %swap3A_106 = arith.constant 288 : index
    %swap3A_107 = tpu.vector_load %arg6[%swap3A_106] {strides = array<i32>} : memref<640xf32, #tpu.memory_space<vmem>>, vector<16xf32>,
    %swap3A_108 = vector.shape_cast %swap3A_107 : vector<16xf32> to vector<16xf32>
    %swap3A_109 = vector.shape_cast %broadcast_in_dim3A_2 : vector<16xf32> to vector<16xf32>
    tpu.vector_store %arg6[%swap3A_106], %swap3A_109 {strides = array<i32>} : memref<640xf32, #tpu.memory_space<vmem>>, vector<16xf32>,
    %swap3A_110 = arith.constant 304 : index
    %swap3A_111 = tpu.vector_load %arg6[%swap3A_110] {strides = array<i32>} : memref<640xf32, #tpu.memory_space<vmem>>, vector<16xf32>,
    %swap3A_112 = vector.shape_cast %swap3A_111 : vector<16xf32> to vector<16xf32>
    %swap3A_113 = vector.shape_cast %broadcast_in_dim3A_2 : vector<16xf32> to vector<16xf32>
    tpu.vector_store %arg6[%swap3A_110], %swap3A_113 {strides = array<i32>} : memref<640xf32, #tpu.memory_space<vmem>>, vector<16xf32>,
    %swap3A_114 = arith.constant 320 : index
    %swap3A_115 = tpu.vector_load %arg6[%swap3A_114] {strides = array<i32>} : memref<640xf32, #tpu.memory_space<vmem>>, vector<16xf32>,
    %swap3A_116 = vector.shape_cast %swap3A_115 : vector<16xf32> to vector<16xf32>
    %swap3A_117 = vector.shape_cast %broadcast_in_dim3A_2 : vector<16xf32> to vector<16xf32>
    tpu.vector_store %arg6[%swap3A_114], %swap3A_117 {strides = array<i32>} : memref<640xf32, #tpu.memory_space<vmem>>, vector<16xf32>,
    %swap3A_118 = arith.constant 336 : index
    %swap3A_119 = tpu.vector_load %arg6[%swap3A_118] {strides = array<i32>} : memref<640xf32, #tpu.memory_space<vmem>>, vector<16xf32>,
    %swap3A_120 = vector.shape_cast %swap3A_119 : vector<16xf32> to vector<16xf32>
    %swap3A_121 = vector.shape_cast %broadcast_in_dim3A_2 : vector<16xf32> to vector<16xf32>
    tpu.vector_store %arg6[%swap3A_118], %swap3A_121 {strides = array<i32>} : memref<640xf32, #tpu.memory_space<vmem>>, vector<16xf32>,
    %swap3A_122 = arith.constant 352 : index
    %swap3A_123 = tpu.vector_load %arg6[%swap3A_122] {strides = array<i32>} : memref<640xf32, #tpu.memory_space<vmem>>, vector<16xf32>,
    %swap3A_124 = vector.shape_cast %swap3A_123 : vector<16xf32> to vector<16xf32>
    %swap3A_125 = vector.shape_cast %broadcast_in_dim3A_2 : vector<16xf32> to vector<16xf32>
    tpu.vector_store %arg6[%swap3A_122], %swap3A_125 {strides = array<i32>} : memref<640xf32, #tpu.memory_space<vmem>>, vector<16xf32>,
    %swap3A_126 = arith.constant 368 : index
    %swap3A_127 = tpu.vector_load %arg6[%swap3A_126] {strides = array<i32>} : memref<640xf32, #tpu.memory_space<vmem>>, vector<16xf32>,
    %swap3A_128 = vector.shape_cast %swap3A_127 : vector<16xf32> to vector<16xf32>
    %swap3A_129 = vector.shape_cast %broadcast_in_dim3A_2 : vector<16xf32> to vector<16xf32>
    tpu.vector_store %arg6[%swap3A_126], %swap3A_129 {strides = array<i32>} : memref<640xf32, #tpu.memory_space<vmem>>, vector<16xf32>,
    %swap3A_130 = arith.constant 384 : index
    %swap3A_131 = tpu.vector_load %arg6[%swap3A_130] {strides = array<i32>} : memref<640xf32, #tpu.memory_space<vmem>>, vector<16xf32>,
    %swap3A_132 = vector.shape_cast %swap3A_131 : vector<16xf32> to vector<16xf32>
    %swap3A_133 = vector.shape_cast %broadcast_in_dim3A_2 : vector<16xf32> to vector<16xf32>
    tpu.vector_store %arg6[%swap3A_130], %swap3A_133 {strides = array<i32>} : memref<640xf32, #tpu.memory_space<vmem>>, vector<16xf32>,
    %swap3A_134 = arith.constant 400 : index
    %swap3A_135 = tpu.vector_load %arg6[%swap3A_134] {strides = array<i32>} : memref<640xf32, #tpu.memory_space<vmem>>, vector<16xf32>,
    %swap3A_136 = vector.shape_cast %swap3A_135 : vector<16xf32> to vector<16xf32>
    %swap3A_137 = vector.shape_cast %broadcast_in_dim3A_2 : vector<16xf32> to vector<16xf32>
    tpu.vector_store %arg6[%swap3A_134], %swap3A_137 {strides = array<i32>} : memref<640xf32, #tpu.memory_space<vmem>>, vector<16xf32>,
    %swap3A_138 = arith.constant 416 : index
    %swap3A_139 = tpu.vector_load %arg6[%swap3A_138] {strides = array<i32>} : memref<640xf32, #tpu.memory_space<vmem>>, vector<16xf32>,
    %swap3A_140 = vector.shape_cast %swap3A_139 : vector<16xf32> to vector<16xf32>
    %swap3A_141 = vector.shape_cast %broadcast_in_dim3A_2 : vector<16xf32> to vector<16xf32>
    tpu.vector_store %arg6[%swap3A_138], %swap3A_141 {strides = array<i32>} : memref<640xf32, #tpu.memory_space<vmem>>, vector<16xf32>,
    %swap3A_142 = arith.constant 432 : index
    %swap3A_143 = tpu.vector_load %arg6[%swap3A_142] {strides = array<i32>} : memref<640xf32, #tpu.memory_space<vmem>>, vector<16xf32>,
    %swap3A_144 = vector.shape_cast %swap3A_143 : vector<16xf32> to vector<16xf32>
    %swap3A_145 = vector.shape_cast %broadcast_in_dim3A_2 : vector<16xf32> to vector<16xf32>
    tpu.vector_store %arg6[%swap3A_142], %swap3A_145 {strides = array<i32>} : memref<640xf32, #tpu.memory_space<vmem>>, vector<16xf32>,
    %swap3A_146 = arith.constant 448 : index
    %swap3A_147 = tpu.vector_load %arg6[%swap3A_146] {strides = array<i32>} : memref<640xf32, #tpu.memory_space<vmem>>, vector<16xf32>,
    %swap3A_148 = vector.shape_cast %swap3A_147 : vector<16xf32> to vector<16xf32>
    %swap3A_149 = vector.shape_cast %broadcast_in_dim3A_2 : vector<16xf32> to vector<16xf32>
    tpu.vector_store %arg6[%swap3A_146], %swap3A_149 {strides = array<i32>} : memref<640xf32, #tpu.memory_space<vmem>>, vector<16xf32>,
    %swap3A_150 = arith.constant 464 : index
    %swap3A_151 = tpu.vector_load %arg6[%swap3A_150] {strides = array<i32>} : memref<640xf32, #tpu.memory_space<vmem>>, vector<16xf32>,
    %swap3A_152 = vector.shape_cast %swap3A_151 : vector<16xf32> to vector<16xf32>
    %swap3A_153 = vector.shape_cast %broadcast_in_dim3A_2 : vector<16xf32> to vector<16xf32>
    tpu.vector_store %arg6[%swap3A_150], %swap3A_153 {strides = array<i32>} : memref<640xf32, #tpu.memory_space<vmem>>, vector<16xf32>,
    %swap3A_154 = arith.constant 480 : index
    %swap3A_155 = tpu.vector_load %arg6[%swap3A_154] {strides = array<i32>} : memref<640xf32, #tpu.memory_space<vmem>>, vector<16xf32>,
    %swap3A_156 = vector.shape_cast %swap3A_155 : vector<16xf32> to vector<16xf32>
    %swap3A_157 = vector.shape_cast %broadcast_in_dim3A_2 : vector<16xf32> to vector<16xf32>
    tpu.vector_store %arg6[%swap3A_154], %swap3A_157 {strides = array<i32>} : memref<640xf32, #tpu.memory_space<vmem>>, vector<16xf32>,
    %swap3A_158 = arith.constant 496 : index
    %swap3A_159 = tpu.vector_load %arg6[%swap3A_158] {strides = array<i32>} : memref<640xf32, #tpu.memory_space<vmem>>, vector<16xf32>,
    %swap3A_160 = vector.shape_cast %swap3A_159 : vector<16xf32> to vector<16xf32>
    %swap3A_161 = vector.shape_cast %broadcast_in_dim3A_2 : vector<16xf32> to vector<16xf32>
    tpu.vector_store %arg6[%swap3A_158], %swap3A_161 {strides = array<i32>} : memref<640xf32, #tpu.memory_space<vmem>>, vector<16xf32>,
    %swap3A_162 = arith.constant 512 : index
    %swap3A_163 = tpu.vector_load %arg6[%swap3A_162] {strides = array<i32>} : memref<640xf32, #tpu.memory_space<vmem>>, vector<16xf32>,
    %swap3A_164 = vector.shape_cast %swap3A_163 : vector<16xf32> to vector<16xf32>
    %swap3A_165 = vector.shape_cast %broadcast_in_dim3A_2 : vector<16xf32> to vector<16xf32>
    tpu.vector_store %arg6[%swap3A_162], %swap3A_165 {strides = array<i32>} : memref<640xf32, #tpu.memory_space<vmem>>, vector<16xf32>,
    %swap3A_166 = arith.constant 528 : index
    %swap3A_167 = tpu.vector_load %arg6[%swap3A_166] {strides = array<i32>} : memref<640xf32, #tpu.memory_space<vmem>>, vector<16xf32>,
    %swap3A_168 = vector.shape_cast %swap3A_167 : vector<16xf32> to vector<16xf32>
    %swap3A_169 = vector.shape_cast %broadcast_in_dim3A_2 : vector<16xf32> to vector<16xf32>
    tpu.vector_store %arg6[%swap3A_166], %swap3A_169 {strides = array<i32>} : memref<640xf32, #tpu.memory_space<vmem>>, vector<16xf32>,
    %swap3A_170 = arith.constant 544 : index
    %swap3A_171 = tpu.vector_load %arg6[%swap3A_170] {strides = array<i32>} : memref<640xf32, #tpu.memory_space<vmem>>, vector<16xf32>,
    %swap3A_172 = vector.shape_cast %swap3A_171 : vector<16xf32> to vector<16xf32>
    %swap3A_173 = vector.shape_cast %broadcast_in_dim3A_2 : vector<16xf32> to vector<16xf32>
    tpu.vector_store %arg6[%swap3A_170], %swap3A_173 {strides = array<i32>} : memref<640xf32, #tpu.memory_space<vmem>>, vector<16xf32>,
    %swap3A_174 = arith.constant 560 : index
    %swap3A_175 = tpu.vector_load %arg6[%swap3A_174] {strides = array<i32>} : memref<640xf32, #tpu.memory_space<vmem>>, vector<16xf32>,
    %swap3A_176 = vector.shape_cast %swap3A_175 : vector<16xf32> to vector<16xf32>
    %swap3A_177 = vector.shape_cast %broadcast_in_dim3A_2 : vector<16xf32> to vector<16xf32>
    tpu.vector_store %arg6[%swap3A_174], %swap3A_177 {strides = array<i32>} : memref<640xf32, #tpu.memory_space<vmem>>, vector<16xf32>,
    %swap3A_178 = arith.constant 576 : index
    %swap3A_179 = tpu.vector_load %arg6[%swap3A_178] {strides = array<i32>} : memref<640xf32, #tpu.memory_space<vmem>>, vector<16xf32>,
    %swap3A_180 = vector.shape_cast %swap3A_179 : vector<16xf32> to vector<16xf32>
    %swap3A_181 = vector.shape_cast %broadcast_in_dim3A_2 : vector<16xf32> to vector<16xf32>
    tpu.vector_store %arg6[%swap3A_178], %swap3A_181 {strides = array<i32>} : memref<640xf32, #tpu.memory_space<vmem>>, vector<16xf32>,
    %swap3A_182 = arith.constant 592 : index
    %swap3A_183 = tpu.vector_load %arg6[%swap3A_182] {strides = array<i32>} : memref<640xf32, #tpu.memory_space<vmem>>, vector<16xf32>,
    %swap3A_184 = vector.shape_cast %swap3A_183 : vector<16xf32> to vector<16xf32>
    %swap3A_185 = vector.shape_cast %broadcast_in_dim3A_2 : vector<16xf32> to vector<16xf32>
    tpu.vector_store %arg6[%swap3A_182], %swap3A_185 {strides = array<i32>} : memref<640xf32, #tpu.memory_space<vmem>>, vector<16xf32>,
    %swap3A_186 = arith.constant 608 : index
    %swap3A_187 = tpu.vector_load %arg6[%swap3A_186] {strides = array<i32>} : memref<640xf32, #tpu.memory_space<vmem>>, vector<16xf32>,
    %swap3A_188 = vector.shape_cast %swap3A_187 : vector<16xf32> to vector<16xf32>
    %swap3A_189 = vector.shape_cast %broadcast_in_dim3A_2 : vector<16xf32> to vector<16xf32>
    tpu.vector_store %arg6[%swap3A_186], %swap3A_189 {strides = array<i32>} : memref<640xf32, #tpu.memory_space<vmem>>, vector<16xf32>,
    %swap3A_190 = arith.constant 624 : index
    %swap3A_191 = tpu.vector_load %arg6[%swap3A_190] {strides = array<i32>} : memref<640xf32, #tpu.memory_space<vmem>>, vector<16xf32>,
    %swap3A_192 = vector.shape_cast %swap3A_191 : vector<16xf32> to vector<16xf32>
    %swap3A_193 = vector.shape_cast %broadcast_in_dim3A_2 : vector<16xf32> to vector<16xf32>
    tpu.vector_store %arg6[%swap3A_190], %swap3A_193 {strides = array<i32>} : memref<640xf32, #tpu.memory_space<vmem>>, vector<16xf32>,
    %mul3A = arith.constant 640 : i32
    %mul3A_194 = arith.muli %arg1, %mul3A : i32
    "tpu.region"() ({
      %run_scoped3A = tpu.sem_alloc : memref<!tpu.dma_semaphore, #tpu.memory_space<semaphore_mem>>
      %dma_start3A = tpu.memref_slice %arg7[%mul3A_194] : memref<10240xf32, #tpu.memory_space<vmem_shared>> -> memref<640xf32, #tpu.memory_space<vmem_shared>>
      %dma_start3A_206 = tpu.memref_slice %arg7[%mul3A_194] : memref<10240xf32, #tpu.memory_space<vmem_shared>> -> memref<640xf32, #tpu.memory_space<vmem_shared>>
      tpu.enqueue_dma source(%arg6 : memref<640xf32, #tpu.memory_space<vmem>>) target(%dma_start3A_206 : memref<640xf32, #tpu.memory_space<vmem_shared>>) target_semaphore(%run_scoped3A : memref<!tpu.dma_semaphore, #tpu.memory_space<semaphore_mem>>)
      %dma_wait3A = tpu.memref_slice %arg7[%mul3A_194] : memref<10240xf32, #tpu.memory_space<vmem_shared>> -> memref<640xf32, #tpu.memory_space<vmem_shared>>
      %dma_wait3A_207 = tpu.memref_slice %arg7[%mul3A_194] : memref<10240xf32, #tpu.memory_space<vmem_shared>> -> memref<640xf32, #tpu.memory_space<vmem_shared>>
      tpu.wait_dma2 semaphore(%run_scoped3A : memref<!tpu.dma_semaphore, #tpu.memory_space<semaphore_mem>>) src(%arg6 : memref<640xf32, #tpu.memory_space<vmem>>) dst(%dma_wait3A_207 : memref<640xf32, #tpu.memory_space<vmem_shared>>)
      tpu.yield
    }) : () -> ()
    "tpu.region"() ({
      %run_scoped3A = tpu.sem_alloc : memref<!tpu.dma_semaphore, #tpu.memory_space<semaphore_mem>>
      %dma_start3A = arith.constant 0 : i32
      %dma_start3A_206 = arith.constant 0 : i32
      %dma_start3A_207 = tpu.memref_slice %arg2[%arg0, %arg1, %dma_start3A, %dma_start3A_206] : memref<2x16x40x128xi32, #tpu.memory_space<hbm>> -> memref<1x1x40x128xi32, #tpu.memory_space<hbm>>
      %dma_start3A_208 = tpu.memref_squeeze %dma_start3A_207 : memref<1x1x40x128xi32, #tpu.memory_space<hbm>> -> memref<40x128xi32, #tpu.memory_space<hbm>>
      %dma_start3A_209 = arith.constant 0 : i32
      %dma_start3A_210 = arith.constant 0 : i32
      %dma_start3A_211 = tpu.memref_slice %arg2[%arg0, %arg1, %dma_start3A_209, %dma_start3A_210] : memref<2x16x40x128xi32, #tpu.memory_space<hbm>> -> memref<1x1x40x128xi32, #tpu.memory_space<hbm>>
      %dma_start3A_212 = tpu.memref_squeeze %dma_start3A_211 : memref<1x1x40x128xi32, #tpu.memory_space<hbm>> -> memref<40x128xi32, #tpu.memory_space<hbm>>
      tpu.enqueue_dma source(%dma_start3A_212 : memref<40x128xi32, #tpu.memory_space<hbm>>) target(%arg4 : memref<40x128xi32, #tpu.memory_space<vmem>>) target_semaphore(%run_scoped3A : memref<!tpu.dma_semaphore, #tpu.memory_space<semaphore_mem>>)
      %dma_wait3A = arith.constant 0 : i32
      %dma_wait3A_213 = arith.constant 0 : i32
      %dma_wait3A_214 = tpu.memref_slice %arg2[%arg0, %arg1, %dma_wait3A, %dma_wait3A_213] : memref<2x16x40x128xi32, #tpu.memory_space<hbm>> -> memref<1x1x40x128xi32, #tpu.memory_space<hbm>>
      %dma_wait3A_215 = tpu.memref_squeeze %dma_wait3A_214 : memref<1x1x40x128xi32, #tpu.memory_space<hbm>> -> memref<40x128xi32, #tpu.memory_space<hbm>>
      %dma_wait3A_216 = arith.constant 0 : i32
      %dma_wait3A_217 = arith.constant 0 : i32
      %dma_wait3A_218 = tpu.memref_slice %arg2[%arg0, %arg1, %dma_wait3A_216, %dma_wait3A_217] : memref<2x16x40x128xi32, #tpu.memory_space<hbm>> -> memref<1x1x40x128xi32, #tpu.memory_space<hbm>>
      %dma_wait3A_219 = tpu.memref_squeeze %dma_wait3A_218 : memref<1x1x40x128xi32, #tpu.memory_space<hbm>> -> memref<40x128xi32, #tpu.memory_space<hbm>>
      tpu.wait_dma2 semaphore(%run_scoped3A : memref<!tpu.dma_semaphore, #tpu.memory_space<semaphore_mem>>) src(%dma_wait3A_219 : memref<40x128xi32, #tpu.memory_space<hbm>>) dst(%arg4 : memref<40x128xi32, #tpu.memory_space<vmem>>)
      tpu.yield
    }) : () -> ()
    %barrier3A = arith.constant 0 : index
    tpu.barrier barrier_id(%barrier3A)
    %scan3A = arith.constant 0 : i32
    %scan3A_195 = arith.constant 0 : i32
    %scan3A_196 = arith.constant 40 : i32
    %scan3A_197 = arith.addi %scan3A_195, %scan3A_196 : i32
    %scan3A_198 = arith.constant 1 : i32
    %scan3A_199 = scf.for %scan3A_206 = %scan3A_195 to %scan3A_197 step %scan3A_198 iter_args(%scan3A_207 = %scan3A) -> (i32)  : i32 {
      "tpu.region"() ({
        %run_scoped3A = tpu.sem_alloc : memref<!tpu.dma_semaphore, #tpu.memory_space<semaphore_mem>>
        %dma_start3A = arith.constant 0 : i32
        %dma_start3A_209 = tpu.memref_slice %arg4[%scan3A_206, %dma_start3A] : memref<40x128xi32, #tpu.memory_space<vmem>> -> memref<1x128xi32, #tpu.memory_space<vmem>>
        %dma_start3A_210 = tpu.memref_squeeze %dma_start3A_209 : memref<1x128xi32, #tpu.memory_space<vmem>> -> memref<128xi32, #tpu.memory_space<vmem>>
        %dma_start3A_211 = arith.constant 0 : i32
        %dma_start3A_212 = tpu.memref_slice %arg7[%dma_start3A_211] : memref<10240xf32, #tpu.memory_space<vmem_shared>> -> memref<10240xf32, #tpu.memory_space<vmem_shared>>
        tpu.enqueue_indirect_dma source(%arg5 : memref<128xf32, #tpu.memory_space<vmem>>) target(%dma_start3A_212 : memref<10240xf32, #tpu.memory_space<vmem_shared>>) offsets(%dma_start3A_210 : memref<128xi32, #tpu.memory_space<vmem>>) semaphore(%run_scoped3A : memref<!tpu.dma_semaphore, #tpu.memory_space<semaphore_mem>>) {add = true}
        %dma_wait3A = arith.constant 0 : i32
        %dma_wait3A_213 = tpu.memref_slice %arg4[%scan3A_206, %dma_wait3A] : memref<40x128xi32, #tpu.memory_space<vmem>> -> memref<1x128xi32, #tpu.memory_space<vmem>>
        %dma_wait3A_214 = tpu.memref_squeeze %dma_wait3A_213 : memref<1x128xi32, #tpu.memory_space<vmem>> -> memref<128xi32, #tpu.memory_space<vmem>>
        %dma_wait3A_215 = arith.constant 0 : i32
        %dma_wait3A_216 = tpu.memref_slice %arg7[%dma_wait3A_215] : memref<10240xf32, #tpu.memory_space<vmem_shared>> -> memref<10240xf32, #tpu.memory_space<vmem_shared>>
        tpu.wait_indirect_dma semaphore(%run_scoped3A : memref<!tpu.dma_semaphore, #tpu.memory_space<semaphore_mem>>) src(%arg5 : memref<128xf32, #tpu.memory_space<vmem>>) dst(%dma_wait3A_216 : memref<10240xf32, #tpu.memory_space<vmem_shared>>)
        tpu.yield
      }) : () -> ()
      %scan3A_208 = arith.constant 0 : i32
      scf.yield %scan3A_208 : i32
    }
    %scan3A_200 = arith.constant 40 : i32
    %barrier3A_201 = arith.constant 0 : index
    tpu.barrier barrier_id(%barrier3A_201)
    %mul3A_202 = arith.constant 640 : i32
    %mul3A_203 = arith.muli %arg1, %mul3A_202 : i32
    %mul3A_204 = arith.constant 640 : i32
    %mul3A_205 = arith.muli %arg1, %mul3A_204 : i32
    "tpu.region"() ({
      %run_scoped3A = tpu.sem_alloc : memref<!tpu.dma_semaphore, #tpu.memory_space<semaphore_mem>>
      %dma_start3A = tpu.memref_slice %arg3[%arg0, %mul3A_205] : memref<2x10240xf32, #tpu.memory_space<hbm>> -> memref<1x640xf32, #tpu.memory_space<hbm>>
      %dma_start3A_206 = tpu.memref_squeeze %dma_start3A : memref<1x640xf32, #tpu.memory_space<hbm>> -> memref<640xf32, #tpu.memory_space<hbm>>
      %dma_start3A_207 = tpu.memref_slice %arg7[%mul3A_203] : memref<10240xf32, #tpu.memory_space<vmem_shared>> -> memref<640xf32, #tpu.memory_space<vmem_shared>>
      tpu.enqueue_dma source(%dma_start3A_207 : memref<640xf32, #tpu.memory_space<vmem_shared>>) target(%dma_start3A_206 : memref<640xf32, #tpu.memory_space<hbm>>) target_semaphore(%run_scoped3A : memref<!tpu.dma_semaphore, #tpu.memory_space<semaphore_mem>>)
      %dma_wait3A = tpu.memref_slice %arg3[%arg0, %mul3A_205] : memref<2x10240xf32, #tpu.memory_space<hbm>> -> memref<1x640xf32, #tpu.memory_space<hbm>>
      %dma_wait3A_208 = tpu.memref_squeeze %dma_wait3A : memref<1x640xf32, #tpu.memory_space<hbm>> -> memref<640xf32, #tpu.memory_space<hbm>>
      %dma_wait3A_209 = tpu.memref_slice %arg7[%mul3A_203] : memref<10240xf32, #tpu.memory_space<vmem_shared>> -> memref<640xf32, #tpu.memory_space<vmem_shared>>
      tpu.wait_dma2 semaphore(%run_scoped3A : memref<!tpu.dma_semaphore, #tpu.memory_space<semaphore_mem>>) src(%dma_wait3A_209 : memref<640xf32, #tpu.memory_space<vmem_shared>>) dst(%dma_wait3A_208 : memref<640xf32, #tpu.memory_space<hbm>>)
      tpu.yield
    }) : () -> ()
    return
  }
}

module attributes {stable_mosaic.version = 14 : i64} {
  func.func @_k1_body(%arg0: i32, %arg1: i32, %arg2: memref<400x512xf32, #tpu.memory_space<vmem>>, %arg3: memref<1x512x128xf32, #tpu.memory_space<vmem>>, %arg4: memref<400x2xf32, #tpu.memory_space<vmem>>, %arg5: memref<1x400x128xf32, #tpu.memory_space<vmem>>) attributes {dimension_semantics = [#tpu.dimension_semantics<arbitrary>, #tpu.dimension_semantics<arbitrary>], iteration_bounds = array<i64: 25, 2>, scalar_prefetch = 0 : i64, scratch_operands = 0 : i64, tpu.core_type = #tpu.core_type<tc>, window_params = [{transform_indices = @transform_0, window_bounds = array<i64: 400, 512>}, {transform_indices = @transform_1, window_bounds = array<i64: 1, 512, 128>}, {transform_indices = @transform_2, window_bounds = array<i64: 400, 2>}, {transform_indices = @transform_3, window_bounds = array<i64: 1, 400, 128>}]} {
    %get3A = arith.constant 0 : index
    %get3A_0 = arith.constant 0 : index
    %get3A_1 = vector.load %arg4[%get3A, %get3A_0] : memref<400x2xf32, #tpu.memory_space<vmem>>, vector<400x2xf32>
    %slice3A = vector.extract_strided_slice %get3A_1 {offsets = [0, 0], sizes = [400, 1], strides = [1, 1]} : vector<400x2xf32> to vector<400x1xf32>
    %slice3A_2 = vector.extract_strided_slice %get3A_1 {offsets = [0, 1], sizes = [400, 1], strides = [1, 1]} : vector<400x2xf32> to vector<400x1xf32>
    %add3A = arith.addf %slice3A, %slice3A_2 : vector<400x1xf32>
    %add3A_3 = arith.constant 1.000000e+00 : f32
    %add3A_4 = vector.broadcast %add3A_3 : f32 to vector<400x1xf32>
    %add3A_5 = arith.addf %add3A, %add3A_4 : vector<400x1xf32>
    %rsqrt3A = math.rsqrt %add3A_5 : vector<400x1xf32>
    %get3A_6 = arith.constant 0 : index
    %get3A_7 = arith.constant 0 : index
    %get3A_8 = vector.load %arg2[%get3A_6, %get3A_7] : memref<400x512xf32, #tpu.memory_space<vmem>>, vector<400x512xf32>
    %get3A_9 = arith.constant 0 : index
    %get3A_10 = arith.constant 0 : index
    %get3A_11 = arith.constant 0 : index
    %get3A_12 = vector.load %arg3[%get3A_9, %get3A_10, %get3A_11] : memref<1x512x128xf32, #tpu.memory_space<vmem>>, vector<1x512x128xf32>
    %get3A_13 = vector.shape_cast %get3A_12 : vector<1x512x128xf32> to vector<512x128xf32>
    %dot_general3A = arith.constant dense<0.000000e+00> : vector<400x128xf32>
    %dot_general3A_14 = tpu.matmul %get3A_8, %get3A_13, %dot_general3A {dimension_numbers = #tpu.dot_dimension_numbers<[1], [0], [0], [1], [0, 0, 1, 1], [], []>, transpose_lhs_hint = false} : vector<400x512xf32>, vector<512x128xf32>, vector<400x128xf32> -> vector<400x128xf32>
    %mul3A = vector.broadcast %rsqrt3A : vector<400x1xf32> to vector<400x128xf32>
    %mul3A_15 = arith.mulf %dot_general3A_14, %mul3A : vector<400x128xf32>
    %swap3A = arith.constant 0 : index
    %swap3A_16 = arith.constant 0 : index
    %swap3A_17 = arith.constant 0 : index
    %swap3A_18 = vector.load %arg5[%swap3A, %swap3A_16, %swap3A_17] : memref<1x400x128xf32, #tpu.memory_space<vmem>>, vector<1x400x128xf32>
    %swap3A_19 = vector.shape_cast %swap3A_18 : vector<1x400x128xf32> to vector<400x128xf32>
    %swap3A_20 = vector.shape_cast %mul3A_15 : vector<400x128xf32> to vector<1x400x128xf32>
    tpu.vector_store %arg5[%swap3A, %swap3A_16, %swap3A_17], %swap3A_20 {strides = array<i32>} : memref<1x400x128xf32, #tpu.memory_space<vmem>>, vector<1x400x128xf32>,
    return
  }
  func.func @transform_0(%arg0: i32, %arg1: i32) -> (i32, i32) {
    %c0_i32 = arith.constant 0 : i32
    %c0_i32_0 = arith.constant 0 : i32
    return %arg0, %c0_i32 : i32, i32
  }
  func.func @transform_1(%arg0: i32, %arg1: i32) -> (i32, i32, i32) {
    %c0_i32 = arith.constant 0 : i32
    %c0_i32_0 = arith.constant 0 : i32
    %c0_i32_1 = arith.constant 0 : i32
    return %arg1, %c0_i32, %c0_i32_0 : i32, i32, i32
  }
  func.func @transform_2(%arg0: i32, %arg1: i32) -> (i32, i32) {
    %c0_i32 = arith.constant 0 : i32
    %c0_i32_0 = arith.constant 0 : i32
    return %arg0, %c0_i32 : i32, i32
  }
  func.func @transform_3(%arg0: i32, %arg1: i32) -> (i32, i32, i32) {
    %c0_i32 = arith.constant 0 : i32
    %c0_i32_0 = arith.constant 0 : i32
    return %arg1, %arg0, %c0_i32 : i32, i32, i32
  }
}

module attributes {stable_mosaic.version = 14 : i64} {
  func.func @_k2_body(%arg0: i32, %arg1: i32, %arg2: memref<2x400x128xf32, #tpu.memory_space<vmem>>, %arg3: memref<2x400x128xf32, #tpu.memory_space<vmem>>, %arg4: memref<400x2xf32, #tpu.memory_space<vmem>>, %arg5: memref<2x128xf32, #tpu.memory_space<vmem>>, %arg6: memref<1x256x128xf32, #tpu.memory_space<vmem>>, %arg7: memref<1x400x128xf32, #tpu.memory_space<vmem>>) attributes {dimension_semantics = [#tpu.dimension_semantics<arbitrary>, #tpu.dimension_semantics<arbitrary>], iteration_bounds = array<i64: 25, 4>, scalar_prefetch = 0 : i64, scratch_operands = 0 : i64, tpu.core_type = #tpu.core_type<tc>, window_params = [{transform_indices = @transform_0, window_bounds = array<i64: 2, 400, 128>}, {transform_indices = @transform_1, window_bounds = array<i64: 2, 400, 128>}, {transform_indices = @transform_2, window_bounds = array<i64: 400, 2>}, {pipeline_mode = #tpu.pipeline_mode<synchronous>, transform_indices = @transform_3, window_bounds = array<i64: 2, 128>}, {transform_indices = @transform_4, window_bounds = array<i64: 1, 256, 128>}, {transform_indices = @transform_5, window_bounds = array<i64: 1, 400, 128>}]} {
    %get3A = arith.constant 0 : index
    %get3A_0 = arith.constant 0 : index
    %get3A_1 = vector.load %arg4[%get3A, %get3A_0] : memref<400x2xf32, #tpu.memory_space<vmem>>, vector<400x2xf32>
    %slice3A = vector.extract_strided_slice %get3A_1 {offsets = [0, 0], sizes = [400, 1], strides = [1, 1]} : vector<400x2xf32> to vector<400x1xf32>
    %slice3A_2 = vector.extract_strided_slice %get3A_1 {offsets = [0, 1], sizes = [400, 1], strides = [1, 1]} : vector<400x2xf32> to vector<400x1xf32>
    %add3A = arith.addf %slice3A, %slice3A_2 : vector<400x1xf32>
    %add3A_3 = arith.constant 1.000000e+00 : f32
    %add3A_4 = vector.broadcast %add3A_3 : f32 to vector<400x1xf32>
    %add3A_5 = arith.addf %add3A, %add3A_4 : vector<400x1xf32>
    %rsqrt3A = math.rsqrt %add3A_5 : vector<400x1xf32>
    %get3A_6 = arith.constant 0 : index
    %get3A_7 = arith.constant 0 : index
    %get3A_8 = arith.constant 0 : index
    %get3A_9 = vector.load %arg2[%get3A_6, %get3A_7, %get3A_8] : memref<2x400x128xf32, #tpu.memory_space<vmem>>, vector<1x400x128xf32>
    %get3A_10 = vector.shape_cast %get3A_9 : vector<1x400x128xf32> to vector<400x128xf32>
    %get3A_11 = arith.constant 0 : index
    %get3A_12 = arith.constant 0 : index
    %get3A_13 = arith.constant 0 : index
    %get3A_14 = vector.load %arg3[%get3A_11, %get3A_12, %get3A_13] : memref<2x400x128xf32, #tpu.memory_space<vmem>>, vector<1x400x128xf32>
    %get3A_15 = vector.shape_cast %get3A_14 : vector<1x400x128xf32> to vector<400x128xf32>
    %add3A_16 = arith.addf %get3A_10, %get3A_15 : vector<400x128xf32>
    %mul3A = vector.broadcast %rsqrt3A : vector<400x1xf32> to vector<400x128xf32>
    %mul3A_17 = arith.mulf %mul3A, %add3A_16 : vector<400x128xf32>
    %get3A_18 = arith.constant 0 : index
    %get3A_19 = arith.constant 0 : index
    %get3A_20 = vector.load %arg5[%get3A_18, %get3A_19] : memref<2x128xf32, #tpu.memory_space<vmem>>, vector<1x128xf32>
    %get3A_21 = vector.shape_cast %get3A_20 : vector<1x128xf32> to vector<128xf32>
    %broadcast_in_dim3A = vector.shape_cast %get3A_21 : vector<128xf32> to vector<1x128xf32>
    %add3A_22 = vector.broadcast %broadcast_in_dim3A : vector<1x128xf32> to vector<400x128xf32>
    %add3A_23 = arith.addf %mul3A_17, %add3A_22 : vector<400x128xf32>
    %max3A = arith.constant 0.000000e+00 : f32
    %max3A_24 = vector.broadcast %max3A : f32 to vector<400x128xf32>
    %max3A_25 = arith.maximumf %add3A_23, %max3A_24 : vector<400x128xf32>
    %get3A_26 = arith.constant 1 : index
    %get3A_27 = arith.constant 0 : index
    %get3A_28 = arith.constant 0 : index
    %get3A_29 = vector.load %arg2[%get3A_26, %get3A_27, %get3A_28] : memref<2x400x128xf32, #tpu.memory_space<vmem>>, vector<1x400x128xf32>
    %get3A_30 = vector.shape_cast %get3A_29 : vector<1x400x128xf32> to vector<400x128xf32>
    %get3A_31 = arith.constant 1 : index
    %get3A_32 = arith.constant 0 : index
    %get3A_33 = arith.constant 0 : index
    %get3A_34 = vector.load %arg3[%get3A_31, %get3A_32, %get3A_33] : memref<2x400x128xf32, #tpu.memory_space<vmem>>, vector<1x400x128xf32>
    %get3A_35 = vector.shape_cast %get3A_34 : vector<1x400x128xf32> to vector<400x128xf32>
    %add3A_36 = arith.addf %get3A_30, %get3A_35 : vector<400x128xf32>
    %mul3A_37 = vector.broadcast %rsqrt3A : vector<400x1xf32> to vector<400x128xf32>
    %mul3A_38 = arith.mulf %mul3A_37, %add3A_36 : vector<400x128xf32>
    %get3A_39 = arith.constant 1 : index
    %get3A_40 = arith.constant 0 : index
    %get3A_41 = vector.load %arg5[%get3A_39, %get3A_40] : memref<2x128xf32, #tpu.memory_space<vmem>>, vector<1x128xf32>
    %get3A_42 = vector.shape_cast %get3A_41 : vector<1x128xf32> to vector<128xf32>
    %broadcast_in_dim3A_43 = vector.shape_cast %get3A_42 : vector<128xf32> to vector<1x128xf32>
    %add3A_44 = vector.broadcast %broadcast_in_dim3A_43 : vector<1x128xf32> to vector<400x128xf32>
    %add3A_45 = arith.addf %mul3A_38, %add3A_44 : vector<400x128xf32>
    %max3A_46 = arith.constant 0.000000e+00 : f32
    %max3A_47 = vector.broadcast %max3A_46 : f32 to vector<400x128xf32>
    %max3A_48 = arith.maximumf %add3A_45, %max3A_47 : vector<400x128xf32>
    %concatenate3A = tpu.concatenate %max3A_25, %max3A_48 in 1 : vector<400x128xf32>, vector<400x128xf32> -> vector<400x256xf32>
    %get3A_49 = arith.constant 0 : index
    %get3A_50 = arith.constant 0 : index
    %get3A_51 = arith.constant 0 : index
    %get3A_52 = vector.load %arg6[%get3A_49, %get3A_50, %get3A_51] : memref<1x256x128xf32, #tpu.memory_space<vmem>>, vector<1x256x128xf32>
    %get3A_53 = vector.shape_cast %get3A_52 : vector<1x256x128xf32> to vector<256x128xf32>
    %dot_general3A = arith.constant dense<0.000000e+00> : vector<400x128xf32>
    %dot_general3A_54 = tpu.matmul %concatenate3A, %get3A_53, %dot_general3A {dimension_numbers = #tpu.dot_dimension_numbers<[1], [0], [0], [1], [0, 0, 1, 1], [], []>, transpose_lhs_hint = false} : vector<400x256xf32>, vector<256x128xf32>, vector<400x128xf32> -> vector<400x128xf32>
    %mul3A_55 = vector.broadcast %rsqrt3A : vector<400x1xf32> to vector<400x128xf32>
    %mul3A_56 = arith.mulf %dot_general3A_54, %mul3A_55 : vector<400x128xf32>
    %swap3A = arith.constant 0 : index
    %swap3A_57 = arith.constant 0 : index
    %swap3A_58 = arith.constant 0 : index
    %swap3A_59 = vector.load %arg7[%swap3A, %swap3A_57, %swap3A_58] : memref<1x400x128xf32, #tpu.memory_space<vmem>>, vector<1x400x128xf32>
    %swap3A_60 = vector.shape_cast %swap3A_59 : vector<1x400x128xf32> to vector<400x128xf32>
    %swap3A_61 = vector.shape_cast %mul3A_56 : vector<400x128xf32> to vector<1x400x128xf32>
    tpu.vector_store %arg7[%swap3A, %swap3A_57, %swap3A_58], %swap3A_61 {strides = array<i32>} : memref<1x400x128xf32, #tpu.memory_space<vmem>>, vector<1x400x128xf32>,
    return
  }
  func.func @transform_0(%arg0: i32, %arg1: i32) -> (i32, i32, i32) {
    %c0_i32 = arith.constant 0 : i32
    %c0_i32_0 = arith.constant 0 : i32
    %c0_i32_1 = arith.constant 0 : i32
    return %c0_i32, %arg0, %c0_i32_0 : i32, i32, i32
  }
  func.func @transform_1(%arg0: i32, %arg1: i32) -> (i32, i32, i32) {
    %c0_i32 = arith.constant 0 : i32
    %c0_i32_0 = arith.constant 0 : i32
    %c0_i32_1 = arith.constant 0 : i32
    return %c0_i32, %arg0, %c0_i32_0 : i32, i32, i32
  }
  func.func @transform_2(%arg0: i32, %arg1: i32) -> (i32, i32) {
    %c0_i32 = arith.constant 0 : i32
    %c0_i32_0 = arith.constant 0 : i32
    return %arg0, %c0_i32 : i32, i32
  }
  func.func @transform_3(%arg0: i32, %arg1: i32) -> (i32, i32) {
    %c0_i32 = arith.constant 0 : i32
    %c0_i32_0 = arith.constant 0 : i32
    %c0_i32_1 = arith.constant 0 : i32
    return %c0_i32, %c0_i32_0 : i32, i32
  }
  func.func @transform_4(%arg0: i32, %arg1: i32) -> (i32, i32, i32) {
    %c0_i32 = arith.constant 0 : i32
    %c0_i32_0 = arith.constant 0 : i32
    %c0_i32_1 = arith.constant 0 : i32
    return %arg1, %c0_i32, %c0_i32_0 : i32, i32, i32
  }
  func.func @transform_5(%arg0: i32, %arg1: i32) -> (i32, i32, i32) {
    %c0_i32 = arith.constant 0 : i32
    %c0_i32_0 = arith.constant 0 : i32
    return %arg1, %arg0, %c0_i32 : i32, i32, i32
  }
}

module attributes {stable_mosaic.version = 14 : i64} {
  func.func @_k3_body(%arg0: i32, %arg1: memref<4x400x128xf32, #tpu.memory_space<vmem>>, %arg2: memref<4x400x128xf32, #tpu.memory_space<vmem>>, %arg3: memref<400x2xf32, #tpu.memory_space<vmem>>, %arg4: memref<4x128xf32, #tpu.memory_space<vmem>>, %arg5: memref<400x512xf32, #tpu.memory_space<vmem>>) attributes {dimension_semantics = [#tpu.dimension_semantics<arbitrary>], iteration_bounds = array<i64: 25>, scalar_prefetch = 0 : i64, scratch_operands = 0 : i64, tpu.core_type = #tpu.core_type<tc>, window_params = [{transform_indices = @transform_0, window_bounds = array<i64: 4, 400, 128>}, {transform_indices = @transform_1, window_bounds = array<i64: 4, 400, 128>}, {transform_indices = @transform_2, window_bounds = array<i64: 400, 2>}, {pipeline_mode = #tpu.pipeline_mode<synchronous>, transform_indices = @transform_3, window_bounds = array<i64: 4, 128>}, {transform_indices = @transform_4, window_bounds = array<i64: 400, 512>}]} {
    %get3A = arith.constant 0 : index
    %get3A_0 = arith.constant 0 : index
    %get3A_1 = vector.load %arg3[%get3A, %get3A_0] : memref<400x2xf32, #tpu.memory_space<vmem>>, vector<400x2xf32>
    %slice3A = vector.extract_strided_slice %get3A_1 {offsets = [0, 0], sizes = [400, 1], strides = [1, 1]} : vector<400x2xf32> to vector<400x1xf32>
    %slice3A_2 = vector.extract_strided_slice %get3A_1 {offsets = [0, 1], sizes = [400, 1], strides = [1, 1]} : vector<400x2xf32> to vector<400x1xf32>
    %add3A = arith.addf %slice3A, %slice3A_2 : vector<400x1xf32>
    %add3A_3 = arith.constant 1.000000e+00 : f32
    %add3A_4 = vector.broadcast %add3A_3 : f32 to vector<400x1xf32>
    %add3A_5 = arith.addf %add3A, %add3A_4 : vector<400x1xf32>
    %rsqrt3A = math.rsqrt %add3A_5 : vector<400x1xf32>
    %get3A_6 = arith.constant 0 : index
    %get3A_7 = arith.constant 0 : index
    %get3A_8 = arith.constant 0 : index
    %get3A_9 = vector.load %arg1[%get3A_6, %get3A_7, %get3A_8] : memref<4x400x128xf32, #tpu.memory_space<vmem>>, vector<1x400x128xf32>
    %get3A_10 = vector.shape_cast %get3A_9 : vector<1x400x128xf32> to vector<400x128xf32>
    %get3A_11 = arith.constant 0 : index
    %get3A_12 = arith.constant 0 : index
    %get3A_13 = arith.constant 0 : index
    %get3A_14 = vector.load %arg2[%get3A_11, %get3A_12, %get3A_13] : memref<4x400x128xf32, #tpu.memory_space<vmem>>, vector<1x400x128xf32>
    %get3A_15 = vector.shape_cast %get3A_14 : vector<1x400x128xf32> to vector<400x128xf32>
    %add3A_16 = arith.addf %get3A_10, %get3A_15 : vector<400x128xf32>
    %mul3A = vector.broadcast %rsqrt3A : vector<400x1xf32> to vector<400x128xf32>
    %mul3A_17 = arith.mulf %mul3A, %add3A_16 : vector<400x128xf32>
    %get3A_18 = arith.constant 0 : index
    %get3A_19 = arith.constant 0 : index
    %get3A_20 = vector.load %arg4[%get3A_18, %get3A_19] : memref<4x128xf32, #tpu.memory_space<vmem>>, vector<1x128xf32>
    %get3A_21 = vector.shape_cast %get3A_20 : vector<1x128xf32> to vector<128xf32>
    %broadcast_in_dim3A = vector.shape_cast %get3A_21 : vector<128xf32> to vector<1x128xf32>
    %add3A_22 = vector.broadcast %broadcast_in_dim3A : vector<1x128xf32> to vector<400x128xf32>
    %add3A_23 = arith.addf %mul3A_17, %add3A_22 : vector<400x128xf32>
    %get3A_24 = arith.constant 1 : index
    %get3A_25 = arith.constant 0 : index
    %get3A_26 = arith.constant 0 : index
    %get3A_27 = vector.load %arg1[%get3A_24, %get3A_25, %get3A_26] : memref<4x400x128xf32, #tpu.memory_space<vmem>>, vector<1x400x128xf32>
    %get3A_28 = vector.shape_cast %get3A_27 : vector<1x400x128xf32> to vector<400x128xf32>
    %get3A_29 = arith.constant 1 : index
    %get3A_30 = arith.constant 0 : index
    %get3A_31 = arith.constant 0 : index
    %get3A_32 = vector.load %arg2[%get3A_29, %get3A_30, %get3A_31] : memref<4x400x128xf32, #tpu.memory_space<vmem>>, vector<1x400x128xf32>
    %get3A_33 = vector.shape_cast %get3A_32 : vector<1x400x128xf32> to vector<400x128xf32>
    %add3A_34 = arith.addf %get3A_28, %get3A_33 : vector<400x128xf32>
    %mul3A_35 = vector.broadcast %rsqrt3A : vector<400x1xf32> to vector<400x128xf32>
    %mul3A_36 = arith.mulf %mul3A_35, %add3A_34 : vector<400x128xf32>
    %get3A_37 = arith.constant 1 : index
    %get3A_38 = arith.constant 0 : index
    %get3A_39 = vector.load %arg4[%get3A_37, %get3A_38] : memref<4x128xf32, #tpu.memory_space<vmem>>, vector<1x128xf32>
    %get3A_40 = vector.shape_cast %get3A_39 : vector<1x128xf32> to vector<128xf32>
    %broadcast_in_dim3A_41 = vector.shape_cast %get3A_40 : vector<128xf32> to vector<1x128xf32>
    %add3A_42 = vector.broadcast %broadcast_in_dim3A_41 : vector<1x128xf32> to vector<400x128xf32>
    %add3A_43 = arith.addf %mul3A_36, %add3A_42 : vector<400x128xf32>
    %get3A_44 = arith.constant 2 : index
    %get3A_45 = arith.constant 0 : index
    %get3A_46 = arith.constant 0 : index
    %get3A_47 = vector.load %arg1[%get3A_44, %get3A_45, %get3A_46] : memref<4x400x128xf32, #tpu.memory_space<vmem>>, vector<1x400x128xf32>
    %get3A_48 = vector.shape_cast %get3A_47 : vector<1x400x128xf32> to vector<400x128xf32>
    %get3A_49 = arith.constant 2 : index
    %get3A_50 = arith.constant 0 : index
    %get3A_51 = arith.constant 0 : index
    %get3A_52 = vector.load %arg2[%get3A_49, %get3A_50, %get3A_51] : memref<4x400x128xf32, #tpu.memory_space<vmem>>, vector<1x400x128xf32>
    %get3A_53 = vector.shape_cast %get3A_52 : vector<1x400x128xf32> to vector<400x128xf32>
    %add3A_54 = arith.addf %get3A_48, %get3A_53 : vector<400x128xf32>
    %mul3A_55 = vector.broadcast %rsqrt3A : vector<400x1xf32> to vector<400x128xf32>
    %mul3A_56 = arith.mulf %mul3A_55, %add3A_54 : vector<400x128xf32>
    %get3A_57 = arith.constant 2 : index
    %get3A_58 = arith.constant 0 : index
    %get3A_59 = vector.load %arg4[%get3A_57, %get3A_58] : memref<4x128xf32, #tpu.memory_space<vmem>>, vector<1x128xf32>
    %get3A_60 = vector.shape_cast %get3A_59 : vector<1x128xf32> to vector<128xf32>
    %broadcast_in_dim3A_61 = vector.shape_cast %get3A_60 : vector<128xf32> to vector<1x128xf32>
    %add3A_62 = vector.broadcast %broadcast_in_dim3A_61 : vector<1x128xf32> to vector<400x128xf32>
    %add3A_63 = arith.addf %mul3A_56, %add3A_62 : vector<400x128xf32>
    %get3A_64 = arith.constant 3 : index
    %get3A_65 = arith.constant 0 : index
    %get3A_66 = arith.constant 0 : index
    %get3A_67 = vector.load %arg1[%get3A_64, %get3A_65, %get3A_66] : memref<4x400x128xf32, #tpu.memory_space<vmem>>, vector<1x400x128xf32>
    %get3A_68 = vector.shape_cast %get3A_67 : vector<1x400x128xf32> to vector<400x128xf32>
    %get3A_69 = arith.constant 3 : index
    %get3A_70 = arith.constant 0 : index
    %get3A_71 = arith.constant 0 : index
    %get3A_72 = vector.load %arg2[%get3A_69, %get3A_70, %get3A_71] : memref<4x400x128xf32, #tpu.memory_space<vmem>>, vector<1x400x128xf32>
    %get3A_73 = vector.shape_cast %get3A_72 : vector<1x400x128xf32> to vector<400x128xf32>
    %add3A_74 = arith.addf %get3A_68, %get3A_73 : vector<400x128xf32>
    %mul3A_75 = vector.broadcast %rsqrt3A : vector<400x1xf32> to vector<400x128xf32>
    %mul3A_76 = arith.mulf %mul3A_75, %add3A_74 : vector<400x128xf32>
    %get3A_77 = arith.constant 3 : index
    %get3A_78 = arith.constant 0 : index
    %get3A_79 = vector.load %arg4[%get3A_77, %get3A_78] : memref<4x128xf32, #tpu.memory_space<vmem>>, vector<1x128xf32>
    %get3A_80 = vector.shape_cast %get3A_79 : vector<1x128xf32> to vector<128xf32>
    %broadcast_in_dim3A_81 = vector.shape_cast %get3A_80 : vector<128xf32> to vector<1x128xf32>
    %add3A_82 = vector.broadcast %broadcast_in_dim3A_81 : vector<1x128xf32> to vector<400x128xf32>
    %add3A_83 = arith.addf %mul3A_76, %add3A_82 : vector<400x128xf32>
    %concatenate3A = tpu.concatenate %add3A_23, %add3A_43, %add3A_63, %add3A_83 in 1 : vector<400x128xf32>, vector<400x128xf32>, vector<400x128xf32>, vector<400x128xf32> -> vector<400x512xf32>
    %swap3A = arith.constant 0 : index
    %swap3A_84 = arith.constant 0 : index
    %swap3A_85 = vector.load %arg5[%swap3A, %swap3A_84] : memref<400x512xf32, #tpu.memory_space<vmem>>, vector<400x512xf32>
    tpu.vector_store %arg5[%swap3A, %swap3A_84], %concatenate3A {strides = array<i32>} : memref<400x512xf32, #tpu.memory_space<vmem>>, vector<400x512xf32>,
    return
  }
  func.func @transform_0(%arg0: i32) -> (i32, i32, i32) {
    %c0_i32 = arith.constant 0 : i32
    %c0_i32_0 = arith.constant 0 : i32
    %c0_i32_1 = arith.constant 0 : i32
    return %c0_i32, %arg0, %c0_i32_0 : i32, i32, i32
  }
  func.func @transform_1(%arg0: i32) -> (i32, i32, i32) {
    %c0_i32 = arith.constant 0 : i32
    %c0_i32_0 = arith.constant 0 : i32
    %c0_i32_1 = arith.constant 0 : i32
    return %c0_i32, %arg0, %c0_i32_0 : i32, i32, i32
  }
  func.func @transform_2(%arg0: i32) -> (i32, i32) {
    %c0_i32 = arith.constant 0 : i32
    %c0_i32_0 = arith.constant 0 : i32
    return %arg0, %c0_i32 : i32, i32
  }
  func.func @transform_3(%arg0: i32) -> (i32, i32) {
    %c0_i32 = arith.constant 0 : i32
    %c0_i32_0 = arith.constant 0 : i32
    %c0_i32_1 = arith.constant 0 : i32
    return %c0_i32, %c0_i32_0 : i32, i32
  }
  func.func @transform_4(%arg0: i32) -> (i32, i32) {
    %c0_i32 = arith.constant 0 : i32
    %c0_i32_0 = arith.constant 0 : i32
    return %arg0, %c0_i32 : i32, i32
  }
}

</mosaic_0001>

<sc_bundles>
// kernel: kernel.11.cloned.1.call-start
scs
__scs_entry_jumppad:
0x0: {  	(pc) =	sbr.rel $0x88, $3  }
0x1: {  	(tag) =	ssettag $0x0;
	lr =	simm.s32 $0x1  }
0x2: {  	[smem:$0x3F9B] =	sst lr;
	_ =	strace $0xD0000000  }
0x3: {  	_ = 	snop  }
0x4: {  	_ = 	snop  }
0x5: {  	_ = 	snop  }
0x6: {  	_ = 	snop  }
0x7: {  	_ = 	snop  }
__scs_overlays_trampoline_lowered:
0x8: {  	[smem:$0x3FAA] =	sst s0  }
0x9: {  	[smem:$0x3FAB] =	sst s1  }
0xa: {  	[smem:$0x3FAC] =	sst s2  }
0xb: {  	[smem:$0x3FAD] =	sst s3  }
0xc: {  	[smem:$0x3FAE] =	sst s4  }
0xd: {  	[smem:$0x3FAF] =	sst s5  }
0xe: {  	[smem:$0x3FB0] =	sst s6  }
0xf: {  	[smem:$0x3FB1] =	sst s7  }
0x10: {  	[smem:$0x3FB2] =	sst s8  }
0x11: {  	[smem:$0x3FB3] =	sst s9;
	s0 =	simm.s32 @!p0 $0x0  }
0x12: {  	s1 =	sld [smem:$0x3F99];
	s0 =	simm.s32 @p0 $0x1  }
0x13: {  	[smem:$0x3FB4] =	sst s0;
	s0 =	simm.s32 @!p1 $0x0  }
0x14: {  	s2 =	sld [smem:$0x3F98];
	s0 =	simm.s32 @p1 $0x1  }
0x15: {  	[smem:$0x3FB5] =	sst s0;
	s0 =	simm.s32 @!p2 $0x0  }
0x16: {  	s3 =	sld [smem:$0x3FDB];
	s0 =	simm.s32 @p2 $0x1  }
0x17: {  	s4 =	simm.s32 $0x1BF5;
	[smem:$0x3FB7] =	sst s0  }
0x18: {  	s0 =	sld [smem:$0x3F9A];
	_ =	swait.ge [sflag:s4], $0x0  }
0x19: {  	s7 =	sld [smem:$0x3F9B]  }
0x1a: {  	s8 =	sadd.s32 $0xFFFFE003, lr  }
0x1b: {  	s9 =	sadd.s32 $0xFFFFFEF7, lr;
	s5 =	simm.s32 $0xFFFFFFFF;
	p2 =	slt.u32 s8, $0xFFFFF086  }
0x1c: {  	p1 =	slt.u32 s9, $0xF7A;
	s5 =	simm.s32 @!p2 $0x0  }
0x1d: {  	s5 =	simm.s32 @p1 $0x1;
	p0 =	seq.s32 s7, s2  }
0x1e: {  	s7 =	smul.u32 @!p0 $0xF7A, s2;
	p2 =	seq.s32 @!p0 s5, $0x0  }
0x1f: {  	s9 =	smul.u32 $0xF7A, s1;
	s8 =	simm.s32 @!p0 $0x1BF5;
	p2 =	por !p2, p0  }
0x20: {  	[sflag:s8] =	ssyncset.s32 @!p0 $0xFFFFF086;
	s6 =	sadd.s32 @!p0 s3, s7;
	s7 =	simm.s32 @!p0 $0x108  }
0x21: {  	s3 =	sadd.s32 s3, s9;
	s6 =	sadd.s32 @!p0 $0x88, s6;
	s7 =	simm.s32 @p2 $0x1082  }
0x22: {  	[simem:s7], [sflag:s8] =	dma.local @!p0 [hbm:s6], $0xF7A  }
0x23: {  	s9 =	sor.u32 $0xD0000000, s2;
	s6 =	simm.s32 $0x108;
	_ =	swait.ge @!p0 [sflag:s8], $0x0  }
0x24: {  	s3 =	sadd.s32 $0x88, s3;
	s6 =	simm.s32 @!p1 $0x1082;
	[sflag:s4] =	ssyncset.s32 $0xFFFFF086  }
0x25: {  	[simem:s6], [sflag:s4] =	dma.local [hbm:s3], $0xF7A  }
0x26: {  	[smem:$0x3F9B] =	sst s1;
	(tag) =	ssettag s2;
	_ =	strace s9  }
0x27: {  	s1 =	sld [smem:$0x3FAB]  }
0x28: {  	s2 =	sld [smem:$0x3FAC]  }
0x29: {  	s4 =	sld [smem:$0x3FAE]  }
0x2a: {  	p0 =	seq.s32 s5, $0x0;
	s5 =	sld [smem:$0x3FAF]  }
0x2b: {  	s6 =	sld [smem:$0x3FB0]  }
0x2c: {  	s7 =	sld [smem:$0x3FB1]  }
0x2d: {  	s3 =	simm.s32 $0x108;
	s8 =	sld [smem:$0x3FB2]  }
0x2e: {  	s3 =	simm.s32 @!p0 $0x1082;
	s9 =	sld [smem:$0x3FB3]  }
0x2f: {  	lr =	sadd.s32 s0, s3;
	s0 =	sld [smem:$0x3FAA]  }
0x30: {  	s3 =	sld [smem:$0x3FAD]  }
0x31: {  	[smem:$0x3FB6] =	sst s10  }
0x32: {  	s10 =	sld [smem:$0x3FB4];
	_ =	sdelay $0x3  }
0x33: {  	p0 =	seq.s32 s10, $0x1;
	s10 =	sld [smem:$0x3FB6];
	_ =	sdelay $0x3  }
0x34: {  	[smem:$0x3FB6] =	sst s10  }
0x35: {  	s10 =	sld [smem:$0x3FB5];
	_ =	sdelay $0x3  }
0x36: {  	p1 =	seq.s32 s10, $0x1;
	s10 =	sld [smem:$0x3FB6];
	_ =	sdelay $0x3  }
0x37: {  	[smem:$0x3FB6] =	sst s10  }
0x38: {  	s10 =	sld [smem:$0x3FB7]  }
0x39: {  	_ = 	snop;
	(pc) =	sbr.ind lr, $3  }
0x3a: {  	_ = 	snop  }
0x3b: {  	_ = 	snop  }
0x3c: {  	p2 =	seq.s32 s10, $0x1;
	s10 =	sld [smem:$0x3FB6]  }
0x3d: {  	_ =	shalt  }
0x3e: {  	_ =	shalt  }
0x3f: {  	_ =	shalt  }
0x40: {  	_ =	shalt  }
0x41: {  	_ =	shalt  }
0x42: {  	_ =	shalt  }
0x43: {  	_ =	shalt  }
0x44: {  	_ =	shalt  }
0x45: {  	_ =	shalt  }
0x46: {  	_ =	shalt  }
0x47: {  	_ =	shalt  }
0x48: {  	_ =	shalt  }
0x49: {  	_ =	shalt  }
0x4a: {  	_ =	shalt  }
0x4b: {  	_ =	shalt  }
0x4c: {  	_ =	shalt  }
0x4d: {  	_ =	shalt  }
0x4e: {  	_ =	shalt  }
0x4f: {  	_ =	shalt  }
0x50: {  	_ =	shalt  }
0x51: {  	_ =	shalt  }
0x52: {  	_ =	shalt  }
0x53: {  	_ =	shalt  }
0x54: {  	_ =	shalt  }
0x55: {  	_ =	shalt  }
0x56: {  	_ =	shalt  }
0x57: {  	_ =	shalt  }
0x58: {  	_ =	shalt  }
0x59: {  	_ =	shalt  }
0x5a: {  	_ =	shalt  }
0x5b: {  	_ =	shalt  }
0x5c: {  	_ =	shalt  }
0x5d: {  	_ =	shalt  }
0x5e: {  	_ =	shalt  }
0x5f: {  	_ =	shalt  }
0x60: {  	_ =	shalt  }
0x61: {  	_ =	shalt  }
0x62: {  	_ =	shalt  }
0x63: {  	_ =	shalt  }
0x64: {  	_ =	shalt  }
0x65: {  	_ =	shalt  }
0x66: {  	_ =	shalt  }
0x67: {  	_ =	shalt  }
0x68: {  	_ =	shalt  }
0x69: {  	_ =	shalt  }
0x6a: {  	_ =	shalt  }
0x6b: {  	_ =	shalt  }
0x6c: {  	_ =	shalt  }
0x6d: {  	_ =	shalt  }
0x6e: {  	_ =	shalt  }
0x6f: {  	_ =	shalt  }
0x70: {  	_ =	shalt  }
0x71: {  	_ =	shalt  }
0x72: {  	_ =	shalt  }
0x73: {  	_ =	shalt  }
0x74: {  	_ =	shalt  }
0x75: {  	_ =	shalt  }
0x76: {  	_ =	shalt  }
0x77: {  	_ =	shalt  }
0x78: {  	_ =	shalt  }
0x79: {  	_ =	shalt  }
0x7a: {  	_ =	shalt  }
0x7b: {  	_ =	shalt  }
0x7c: {  	_ =	shalt  }
0x7d: {  	_ =	shalt  }
0x7e: {  	_ =	shalt  }
0x7f: {  	_ =	shalt  }
0x80: {  	_ =	shalt  }
0x81: {  	_ =	shalt  }
0x82: {  	_ =	shalt  }
0x83: {  	_ =	shalt  }
0x84: {  	_ =	shalt  }
0x85: {  	_ =	shalt  }
0x86: {  	_ =	shalt  }
0x87: {  	_ =	shalt  }
.Lfunc_end0:
.L_simem_size_0:
called_computation.1_lowered:
.L_overlay_start_0:
0x88: {  	s2 =	sld [smem:$0x3FD9]  }
0x89: {  	s3 =	sld [smem:$0x3FFE];
	_ =	sdelay $0x1  }
0x8a: {  	s1 =	srdreg.scid  }
0x8b: {  	s0 =	sand.u32 $0x1, s1  }
0x8c: {  	s17 =	sshll.u32 s0, $0xA;
	s2 =	sadd.s32 s3, s2  }
0x8d: {  	s2 =	sadd.s32 s2, s17  }
0x8e: {  	[smem:$0x3FC2] =	sst s2  }
0x8f: {  	_ = 	snop  }
0x90: {  	s2 =	sld [smem:$0x3FD0];
	(tm) =	ssettm $0x1  }
0x91: {  	s18 =	sld [smem:$0x3FFB];
	_ =	sdelay $0x3  }
0x92: {  	_ =	strace s18  }
0x93: {  	s3 =	sld [smem:$0x3FFC];
	_ =	sdelay $0x3  }
0x94: {  	_ =	strace s3  }
0x95: {  	s3 =	sld [smem:$0x3FFD];
	_ =	sdelay $0x3  }
0x96: {  	_ =	strace s3  }
0x97: {  	_ =	strace $0x8FFFFFFF  }
0x98: {  	s19 =	sld [smem:$0x3FDB];
	_ =	sdelay $0x1  }
0x99: {  	s4 =	simm.s32 $_scs_section_size  }
0x9a: {  	s5 =	simm.s32 $_size__tile_overlayer_lowered;
	s6 =	simm.s32 $_tile_overlayer_lowered  }
0x9b: {  	s22 =	simm.s32 $0x1BFF;
	s21 =	sshll.u32 s6, $0x1;
	s3 =	sadd.s32 s4, s19  }
0x9c: {  	s7 =	simm.s32 $0x0;
	s20 =	sshll.u32 s5, $0x1;
	s5 =	sadd.s32 s21, s3  }
0x9d: {  	[timem:s7], [sflag:s22] =	dma.local [hbm:s5], s20  }
0x9e: {  	_ =	swait.ge [sflag:s22], s20  }
0x9f: {  	s4 =	ssub.s32 $0x0, s20;
	[sflag:s22] =	ssyncset.done $0x0  }
0xa0: {  	[sflag:s22] =	ssyncadd.s32 s4;
	_ =	sdelay $0x1  }
0xa1: {  	s23 =	simm.s32 $0x1B8B  }
0xa2: {  	_ =	swait.ge [sflag:s23], $0x1  }
0xa3: {  	[sflag:s23] =	ssyncset.done $0x0  }
0xa4: {  	s25 =	simm.s32 $0x1B8E;
	s24 =	sld [smem:$0x3FFE];
	[sflag:s23] =	ssyncadd.s32 $0xFFFFFFFF  }
0xa5: {  	s26 =	simm.s32 $execute0_lowered;
	[smem:$0x3FD2] =	sst s25  }
0xa6: {  	s5 =	sshll.u32 s26, $0x1;
	_ =	strace $0x80000049;
	[dreg:$0x1] =	wrdreg $0xFFFFFFFF  }
0xa7: {  	s28 =	simm.s32 $_size_execute0_lowered;
	s3 =	sadd.s32 s3, s5;
	[dreg:$0x0] =	wrdreg $0x0  }
0xa8: {  	s5 =	sshll.u32 s28, $0x1;
	[dreg:$0x2] =	wrdreg s3  }
0xa9: {  	[dreg:$0x3] =	wrdreg s5  }
0xaa: {  	[dreg:$0x4] =	wrdreg $0xC0  }
0xab: {  	_ =	task [dreg:s7], $0x5FFFF  }
0xac: {  	[dreg:$0x1] =	wrdreg $0xFFFFFFFF  }
0xad: {  	[dreg:$0x0] =	wrdreg $0x60  }
0xae: {  	[dreg:$0x2] =	wrdreg s24  }
0xaf: {  	[dreg:$0x3] =	wrdreg s2  }
0xb0: {  	[dreg:$0x4] =	wrdreg $0xF0000  }
0xb1: {  	[dreg:$0x5] =	wrdreg $0x9  }
0xb2: {  	_ =	task.clear_ibuf [dreg:s7], $0x6FFFF;
	_ =	strace $0x90000049  }
0xb3: {  	s29 =	simm.s32 $0x9;
	_ =	strace $0x8000004B  }
0xb4: {  	_ =	swait.ge [sflag:s29], $0x1  }
0xb5: {  	[sflag:s29] =	ssyncadd.s32 $0xFFFFFFFF  }
0xb6: {  	_ =	strace $0x9000004B  }
0xb7: {  	_ =	sfence  }
0xb8: {  	s30 =	sld [smem:$0x0];
	_ =	sdelay $0x2  }
0xb9: {  	s31 =	sshll.u32 s1, $0xD;
	s1 =	sshrl.u32 s1, $0x2  }
0xba: {  	s3 =	sand.u32 $0x4000, s31;
	s1 =	sadd.s32 s1, s30  }
0xbb: {  	s0 =	sor.u32 s3, s0;
	s1 =	sshll.u32 s1, $0x11  }
0xbc: {  	s0 =	sor.u32 s1, s0  }
0xbd: {  	s0 =	sadd.s32 $0x8F2B, s0  }
0xbe: {  	[sflag:s0] =	ssyncadd.remote.s32 $0x1  }
0xbf: {  	_ =	sfence.sel $0xFFFF  }
0xc0: {  	[dreg:$0x0] =	wrdreg $0xFFFFFFFF;
	(pc) =	sbr.abs _section_cstart, $3  }
0xc1: {  	[dreg:$0x1] =	wrdreg $0xFFFFFFFF  }
0xc2: {  	_ =	task.clear_ibuf [dreg:s7], $0x2FFFF;
	_ =	strace $0x9FFFFFFF  }
0xc3: {  	(tm) =	ssettm $0x7FFFFFFF  }
tec
execute0_lowered:
.L_overlay_start_1:
0x0: {  	(tag) =	ssettag $0x1  }
0x1: {  	s0 =	rddreg [dreg:$0x0]  }
0x2: {  	s2 =	rddreg [dreg:$0x1]  }
0x3: {  	s1 =	rddreg [dreg:$0x2];
	s10 =	stileid.u32  }
0x4: {  	s3 =	simm.s32 $0x0;
	s4 =	srdreg.scid;
	s6 =	smul.u32 $0x500, s10  }
0x5: {  	s28 =	simm.s32 $0x5000;
	s29 =	simm.s32 $0x1;
	s9 =	smul.u32 $0x28000, s10  }
0x6: {  	s30 =	simm.s32 $0x9000;
	s5 =	sand.u32 $0x1, s4;
	s11 =	smul.u32 $0xA000, s10  }
0x7: {  	[smem:$0x7FF] =	sst s3;
	s4 =	sadd.s32 $0xB400, s0;
	s13 =	smul.u32 $0x1388, s5  }
0x8: {  	_ =	strace $0x8000004A;
	s7 =	ssub.s32 $0x2, s5;
	s5 =	smul.u32 $0xA0000, s5  }
0x9: {  	s8 =	sshrl.u32 s7, $0x1;
	s0 =	sadd.s32 s6, s0;
	s17 =	sshrl.u32 s9, $0x2  }
0xa: {  	s18 =	sadd.s32 $0x2000, s11;
	s14 =	sadd.s32 $0x4000, s11;
	s15 =	sadd.s32 $0x6000, s11  }
0xb: {  	s16 =	sadd.s32 $0x8000, s11;
	s12 =	ssub.s32 s7, s8;
	s6 =	sadd.s32 $0x6400, s0  }
0xc: {  	s7 =	sadd.s32 s17, s1;
	s8 =	sadd.s32 s18, s1;
	s9 =	sadd.s32 s14, s1  }
0xd: {  	s10 =	sadd.s32 s15, s1;
	s17 =	sadd.s32 s11, s5;
	s11 =	sadd.s32 s16, s1  }
0xe: {  	s19 =	sadd.s32 s5, s14;
	s15 =	sadd.s32 s5, s15;
	[dreg:$0x4] =	wrdreg s6  }
0xf: {  	s6 =	sadd.s32 $0x1400, s0;
	s0 =	sadd.s32 s5, s18;
	s17 =	sshrl.u32 s17, $0x3  }
0x10: {  	s5 =	sadd.s32 s5, s16;
	s21 =	sshrl.u32 s15, $0x3;
	s31 =	smax.u32 s12, $0x1  }
0x11: {  	s0 =	sshrl.u32 s0, $0x3;
	s17 =	sadd.s32 s2, s17;
	s5 =	sshrl.u32 s5, $0x3  }
0x12: {  	s15 =	sadd.s32 s2, s21;
	[dreg:$0xd] =	wrdreg s31;
	s18 =	sadd.s32 s2, s0  }
0x13: {  	s0 =	sshrl.u32 s19, $0x3;
	[dreg:$0x5] =	wrdreg s17;
	s22 =	sadd.s32 $0x28000, s17  }
0x14: {  	s16 =	sadd.s32 s2, s5;
	s25 =	sadd.s32 $0x28000, s15;
	[dreg:$0x8] =	wrdreg s22  }
0x15: {  	s5 =	simm.s32 $0x3;
	s17 =	simm.s32 $0x4F00;
	[dreg:$0x6] =	wrdreg s18  }
0x16: {  	s20 =	sadd.s32 s2, s0;
	s23 =	sadd.s32 $0x28000, s18;
	[dreg:$0xb] =	wrdreg s25  }
0x17: {  	s26 =	sadd.s32 $0x28000, s16;
	s25 =	simm.s32 $0xD000;
	[dreg:$0x9] =	wrdreg s23  }
0x18: {  	s0 =	simm.s32 $0x2;
	s18 =	simm.s32 $0x0;
	[dreg:$0x7] =	wrdreg s20  }
0x19: {  	s24 =	sadd.s32 $0x28000, s20;
	[dreg:$0xc] =	wrdreg s26;
	s23 =	simm.s32 $0x2800  }
0x1a: {  	v1 =	vimm.f32 $0.0e+00;
	v0 =	vmov s13;
	s26 =	simm.s32 $0x80;
	[dreg:$0xa] =	wrdreg s24;
	s24 =	simm.s32 $0x4  }
.LBB2_1:
0x1b: {  	s2 =	simm.s32 $0x0;
	s12 =	simm.s32 $0x200  }
.LBB2_2:
0x1c: {  	p0 =	sne.s32 s12, $0x7E00;
	[tilespmem:s2+$0xD070] =	vst v1  }
0x1d: {  	[tilespmem:s2+$0xD000] =	vst v1  }
0x1e: {  	[tilespmem:s2+$0xD010] =	vst v1  }
.Ltmp0:
0x1f: {  	[tilespmem:s2+$0xD020] =	vst v1;
	(pc) =	sbr.rel @p0 .LBB2_2-.Ltmp0, $4  }
0x20: {  	[tilespmem:s2+$0xD030] =	vst v1  }
0x21: {  	[tilespmem:s2+$0xD040] =	vst v1  }
0x22: {  	[tilespmem:s2+$0xD050] =	vst v1  }
0x23: {  	[tilespmem:s2+$0xD060] =	vst v1;
	s2 =	sshra.s32 s12, $0x2;
	s12 =	sadd.s32 $0x200, s12  }
0x24: {  	[tilespmem:s2+$0xD070] =	vst v1  }
0x25: {  	[tilespmem:s2+$0xD000] =	vst v1  }
0x26: {  	[tilespmem:s2+$0xD010] =	vst v1  }
0x27: {  	[tilespmem:s2+$0xD020] =	vst v1  }
0x28: {  	[tilespmem:s2+$0xD030] =	vst v1  }
0x29: {  	[tilespmem:s2+$0xD040] =	vst v1  }
0x2a: {  	[tilespmem:s2+$0xD050] =	vst v1  }
0x2b: {  	[tilespmem:s2+$0xD060] =	vst v1;
	s31 =	simm.s32 $0x0;
	s12 =	rddreg [dreg:$0x4]  }
0x2c: {  	[tilespmem:s23], [sflag:$0x4] =	stream.linear.gather [hbm4b:s12+s31], $0x2780, $0x38;
	[tilespmem:$0x19000] =	vst v63  }
0x2d: {  	_ =	swait.ge [sflag:s24], $0x2780  }
0x2e: {  	[sflag:s24] =	ssyncset.done $0x0  }
0x2f: {  	s12 =	simm.s32 $0x0;
	[sflag:s24] =	ssyncadd.s32 $0xFFFFD880  }
0x30: {  	v2 =	vld [tilespmem:s12+$0x2800]  }
0x31: {  	v7 =	vld [tilespmem:s12+$0x2810]  }
0x32: {  	v6 =	vld [tilespmem:s12+$0x2820]  }
0x33: {  	v5 =	vld [tilespmem:s12+$0x2830]  }
0x34: {  	v4 =	vld [tilespmem:s12+$0x2840]  }
0x35: {  	v3 =	vld [tilespmem:s12+$0x2850];
	v8 =	vsub.s32 v2, v0  }
0x36: {  	s13 =	simm.s32 $0x200;
	v7 =	vsub.s32 v7, v0;
	v2 =	vld [tilespmem:s12+$0x2860];
	vm0 =	vlt.u32 v8, $0x1388  }
.LBB2_4:
0x37: {  	p0 =	sne.s32 s13, $0x9C00;
	v8 =	vnsel vm0, $0x13C0, v8;
	vm0 =	vlt.u32 v7, $0x1388;
	v6 =	vsub.s32 v6, v0;
	v9 =	vld [tilespmem:s12+$0x2870]  }
0x38: {  	s2 =	sshra.s32 s13, $0x2;
	[tilespmem:s12+$0x2800] =	vst v8;
	v7 =	vnsel vm0, $0x13C0, v7;
	vm0 =	vlt.u32 v6, $0x1388;
	v5 =	vsub.s32 v5, v0  }
0x39: {  	v8 =	vld [tilespmem:s2+$0x2800];
	[tilespmem:s12+$0x2810] =	vst v7;
	v6 =	vnsel vm0, $0x13C0, v6;
	vm0 =	vlt.u32 v5, $0x1388;
	v4 =	vsub.s32 v4, v0  }
0x3a: {  	v7 =	vld [tilespmem:s2+$0x2810];
	[tilespmem:s12+$0x2820] =	vst v6;
	v5 =	vnsel vm0, $0x13C0, v5;
	vm0 =	vlt.u32 v4, $0x1388;
	v3 =	vsub.s32 v3, v0  }
.Ltmp1:
0x3b: {  	v6 =	vld [tilespmem:s2+$0x2820];
	[tilespmem:s12+$0x2830] =	vst v5;
	v4 =	vnsel vm0, $0x13C0, v4;
	vm0 =	vlt.u32 v3, $0x1388;
	v2 =	vsub.s32 v2, v0;
	(pc) =	sbr.rel @p0 .LBB2_4-.Ltmp1, $4  }
0x3c: {  	v5 =	vld [tilespmem:s2+$0x2830];
	[tilespmem:s12+$0x2840] =	vst v4;
	v3 =	vnsel vm0, $0x13C0, v3;
	vm0 =	vlt.u32 v2, $0x1388;
	v9 =	vsub.s32 v9, v0  }
0x3d: {  	v4 =	vld [tilespmem:s2+$0x2840];
	[tilespmem:s12+$0x2850] =	vst v3;
	v2 =	vnsel vm0, $0x13C0, v2;
	vm0 =	vlt.u32 v9, $0x1388  }
0x3e: {  	v8 =	vsub.s32 v8, v0;
	v3 =	vld [tilespmem:s2+$0x2850];
	[tilespmem:s12+$0x2860] =	vst v2;
	v9 =	vnsel vm0, $0x13C0, v9  }
0x3f: {  	s13 =	sadd.s32 $0x200, s13;
	vm0 =	vlt.u32 v8, $0x1388;
	v7 =	vsub.s32 v7, v0;
	v2 =	vld [tilespmem:s2+$0x2860];
	[tilespmem:s12+$0x2870] =	vst v9;
	s12 =	smov.u32 s2  }
0x40: {  	v8 =	vnsel vm0, $0x13C0, v8;
	vm9 =	vlt.u32 v7, $0x1388;
	v6 =	vsub.s32 v6, v0;
	v9 =	vld [tilespmem:s12+$0x2870]  }
0x41: {  	[tilespmem:s12+$0x2800] =	vst v8;
	v7 =	vnsel vm9, $0x13C0, v7;
	vm10 =	vlt.u32 v6, $0x1388;
	v5 =	vsub.s32 v5, v0  }
0x42: {  	[tilespmem:s12+$0x2810] =	vst v7;
	v6 =	vnsel vm10, $0x13C0, v6;
	vm11 =	vlt.u32 v5, $0x1388;
	v4 =	vsub.s32 v4, v0  }
0x43: {  	[tilespmem:s12+$0x2820] =	vst v6;
	v5 =	vnsel vm11, $0x13C0, v5;
	vm12 =	vlt.u32 v4, $0x1388;
	v3 =	vsub.s32 v3, v0  }
0x44: {  	[tilespmem:s12+$0x2830] =	vst v5;
	v4 =	vnsel vm12, $0x13C0, v4;
	vm13 =	vlt.u32 v3, $0x1388;
	v2 =	vsub.s32 v2, v0  }
0x45: {  	[tilespmem:s12+$0x2840] =	vst v4;
	v3 =	vnsel vm13, $0x13C0, v3;
	vm14 =	vlt.u32 v2, $0x1388;
	v63 =	vsub.s32 v9, v0  }
0x46: {  	[tilespmem:s12+$0x2850] =	vst v3;
	v2 =	vnsel vm14, $0x13C0, v2;
	vm15 =	vlt.u32 v63, $0x1388  }
0x47: {  	[tilespmem:s12+$0x2860] =	vst v2;
	v2 =	vnsel vm15, $0x13C0, v63  }
0x48: {  	[tilespmem:s12+$0x2870] =	vst v2  }
0x49: {  	[tilespmem:s3], [sflag:$0x4] =	stream.linear.gather [hbm4b:s6+s3], $0x2780, $0x38;
	[tilespmem:$0x19000] =	vst v63  }
0x4a: {  	_ =	swait.ge [sflag:s24], $0x2780  }
0x4b: {  	[sflag:s24] =	ssyncset.done $0x0  }
0x4c: {  	[sflag:s24] =	ssyncadd.s32 $0xFFFFD880  }
0x4d: {  	[spmem:s7] =	stream.linear.scatter [tilespmem:s25], [sflag:$0x4], $0x2000, $0x38;
	[tilespmem:$0x19000] =	vst v63  }
0x4e: {  	_ =	swait.ge [sflag:s24], $0x2000  }
0x4f: {  	[sflag:s24] =	ssyncset.done $0x0  }
0x50: {  	[sflag:s24] =	ssyncadd.s32 $0xFFFFE000  }
0x51: {  	[spmem:s8] =	stream.linear.scatter [tilespmem:s25], [sflag:$0x4], $0x2000, $0x38;
	[tilespmem:$0x19000] =	vst v63  }
0x52: {  	_ =	swait.ge [sflag:s24], $0x2000  }
0x53: {  	[sflag:s24] =	ssyncset.done $0x0  }
0x54: {  	[sflag:s24] =	ssyncadd.s32 $0xFFFFE000  }
0x55: {  	[spmem:s9] =	stream.linear.scatter [tilespmem:s25], [sflag:$0x4], $0x2000, $0x38;
	[tilespmem:$0x19000] =	vst v63  }
0x56: {  	_ =	swait.ge [sflag:s24], $0x2000  }
0x57: {  	[sflag:s24] =	ssyncset.done $0x0  }
0x58: {  	[sflag:s24] =	ssyncadd.s32 $0xFFFFE000  }
0x59: {  	[spmem:s10] =	stream.linear.scatter [tilespmem:s25], [sflag:$0x4], $0x2000, $0x38;
	[tilespmem:$0x19000] =	vst v63  }
0x5a: {  	_ =	swait.ge [sflag:s24], $0x2000  }
0x5b: {  	[sflag:s24] =	ssyncset.done $0x0  }
0x5c: {  	[sflag:s24] =	ssyncadd.s32 $0xFFFFE000  }
0x5d: {  	[spmem:s11] =	stream.linear.scatter [tilespmem:s25], [sflag:$0x4], $0x2000, $0x38;
	[tilespmem:$0x19000] =	vst v63  }
0x5e: {  	_ =	swait.ge [sflag:s24], $0x2000  }
0x5f: {  	[sflag:s24] =	ssyncset.done $0x0  }
0x60: {  	[sflag:s24] =	ssyncadd.s32 $0xFFFFE000  }
0x61: {  	[bflag:$0x0] =	sbarrier.arrive $0xFFFF  }
0x62: {  	[tilespmem:s28], [sflag:$0x1] =	stream.indirect.gather [hbm4b:s4+s26], $0x80, s3, s26, $0xb8;
	[tilespmem:$0x19000] =	vst v63  }
0x63: {  	_ =	swait.ge [sflag:s29], $0x4000  }
0x64: {  	[sflag:s29] =	ssyncset.done $0x0  }
0x65: {  	[sflag:s29] =	ssyncadd.s32 $0xFFFFC000  }
0x66: {  	[spmem:s1] =	stream.indirect.scatter.add.f32 [tilespmem:s28], [sflag:$0x2], $0x80, s23, s26, $0xb8;
	[tilespmem:$0x19000] =	vst v63  }
0x67: {  	_ = 	snop  }
0x68: {  	[tilespmem:s30], [sflag:$0x1] =	stream.indirect.gather [hbm4b:s4+s26], $0x80, s26, s26, $0xb8;
	[tilespmem:$0x19000] =	vst v63  }
0x69: {  	_ =	swait.ge [sflag:s29], $0x4000  }
0x6a: {  	[sflag:s29] =	ssyncset.done $0x0  }
0x6b: {  	s2 =	simm.s32 $0x2880;
	[sflag:s29] =	ssyncadd.s32 $0xFFFFC000  }
0x6c: {  	[spmem:s1] =	stream.indirect.scatter.add.f32 [tilespmem:s30], [sflag:$0x3], $0x80, s2, s26, $0xb8;
	[tilespmem:$0x19000] =	vst v63  }
0x6d: {  	_ =	swait.ge [sflag:s0], $0x4000  }
0x6e: {  	[sflag:s0] =	ssyncset.done $0x0  }
0x6f: {  	s20 =	simm.s32 $0x100;
	[sflag:s0] =	ssyncadd.s32 $0xFFFFC000  }
0x70: {  	[tilespmem:s28], [sflag:$0x1] =	stream.indirect.gather [hbm4b:s4+s26], $0x80, s20, s26, $0xb8;
	[tilespmem:$0x19000] =	vst v63  }
0x71: {  	_ =	swait.ge [sflag:s29], $0x4000  }
0x72: {  	[sflag:s29] =	ssyncset.done $0x0  }
0x73: {  	s21 =	simm.s32 $0x2900;
	[sflag:s29] =	ssyncadd.s32 $0xFFFFC000  }
0x74: {  	[spmem:s1] =	stream.indirect.scatter.add.f32 [tilespmem:s28], [sflag:$0x2], $0x80, s21, s26, $0xb8;
	[tilespmem:$0x19000] =	vst v63  }
0x75: {  	_ =	swait.ge [sflag:s5], $0x4000  }
0x76: {  	[sflag:s5] =	ssyncset.done $0x0  }
0x77: {  	s22 =	simm.s32 $0x180;
	[sflag:s5] =	ssyncadd.s32 $0xFFFFC000  }
0x78: {  	[tilespmem:s30], [sflag:$0x1] =	stream.indirect.gather [hbm4b:s4+s26], $0x80, s22, s26, $0xb8;
	[tilespmem:$0x19000] =	vst v63  }
0x79: {  	_ =	swait.ge [sflag:s29], $0x4000  }
0x7a: {  	[sflag:s29] =	ssyncset.done $0x0  }
0x7b: {  	s31 =	simm.s32 $0x2980;
	[sflag:s29] =	ssyncadd.s32 $0xFFFFC000  }
0x7c: {  	[spmem:s1] =	stream.indirect.scatter.add.f32 [tilespmem:s30], [sflag:$0x3], $0x80, s31, s26, $0xb8;
	[tilespmem:$0x19000] =	vst v63  }
0x7d: {  	_ =	swait.ge [sflag:s0], $0x4000  }
0x7e: {  	[sflag:s0] =	ssyncset.done $0x0  }
0x7f: {  	s12 =	simm.s32 $0xFFFF6C00;
	s2 =	simm.s32 $0x200;
	[sflag:s0] =	ssyncadd.s32 $0xFFFFC000  }
.LBB2_6:
0x80: {  	[tilespmem:s28], [sflag:$0x1] =	stream.indirect.gather [hbm4b:s4+s26], $0x80, s2, s26, $0xb8;
	[tilespmem:$0x19000] =	vst v63  }
0x81: {  	s2 =	smov.u32 s12  }
0x82: {  	p0 =	sne.s32 s12, $0xFFFFFC00;
	s12 =	sadd.s32 $0x400, s12;
	_ =	swait.ge [sflag:s29], $0x4000  }
0x83: {  	s2 =	sshra.s32 s2, $0x2;
	[sflag:s29] =	ssyncset.done $0x0  }
0x84: {  	s13 =	sadd.s32 $0x4F00, s2;
	[sflag:s29] =	ssyncadd.s32 $0xFFFFC000  }
0x85: {  	[spmem:s1] =	stream.indirect.scatter.add.f32 [tilespmem:s28], [sflag:$0x2], $0x80, s13, s26, $0xb8;
	[tilespmem:$0x19000] =	vst v63  }
0x86: {  	_ =	swait.ge [sflag:s5], $0x4000  }
0x87: {  	[sflag:s5] =	ssyncset.done $0x0  }
0x88: {  	s13 =	sadd.s32 $0x2780, s2;
	[sflag:s5] =	ssyncadd.s32 $0xFFFFC000  }
0x89: {  	[tilespmem:s30], [sflag:$0x1] =	stream.indirect.gather [hbm4b:s4+s26], $0x80, s13, s26, $0xb8;
	[tilespmem:$0x19000] =	vst v63  }
0x8a: {  	_ =	swait.ge [sflag:s29], $0x4000  }
0x8b: {  	[sflag:s29] =	ssyncset.done $0x0  }
.Ltmp2:
0x8c: {  	s13 =	sadd.s32 $0x4F80, s2;
	[sflag:s29] =	ssyncadd.s32 $0xFFFFC000;
	(pc) =	sbr.rel @p0 .LBB2_6-.Ltmp2, $4  }
0x8d: {  	[spmem:s1] =	stream.indirect.scatter.add.f32 [tilespmem:s30], [sflag:$0x3], $0x80, s13, s26, $0xb8;
	[tilespmem:$0x19000] =	vst v63  }
0x8e: {  	_ =	swait.ge [sflag:s0], $0x4000  }
0x8f: {  	[sflag:s0] =	ssyncset.done $0x0  }
0x90: {  	s2 =	sadd.s32 $0x2800, s2;
	[sflag:s0] =	ssyncadd.s32 $0xFFFFC000  }
0x91: {  	[tilespmem:s28], [sflag:$0x1] =	stream.indirect.gather [hbm4b:s4+s26], $0x80, s2, s26, $0xb8;
	[tilespmem:$0x19000] =	vst v63  }
0x92: {  	_ =	swait.ge [sflag:s29], $0x4000  }
0x93: {  	[sflag:s29] =	ssyncset.done $0x0  }
0x94: {  	[sflag:s29] =	ssyncadd.s32 $0xFFFFC000  }
0x95: {  	_ =	swait.ge [sflag:s5], $0x4000  }
0x96: {  	[sflag:s5] =	ssyncset.done $0x0  }
0x97: {  	[sflag:s5] =	ssyncadd.s32 $0xFFFFC000  }
0x98: {  	[spmem:s1] =	stream.indirect.scatter.add.f32 [tilespmem:s28], [sflag:$0x4], $0x80, s17, s26, $0xb8;
	[tilespmem:$0x19000] =	vst v63  }
0x99: {  	_ =	swait.ge [sflag:s24], $0x4000  }
0x9a: {  	[sflag:s24] =	ssyncset.done $0x0  }
0x9b: {  	s21 =	stileid.u32;
	[sflag:s24] =	ssyncadd.s32 $0xFFFFC000  }
0x9c: {  	s2 =	sshll.u32 s21, $0x6;
	[bflag:$0x0] =	sbarrier.arrive $0xFFFF  }
0x9d: {  	s20 =	sshrl.u32 s7, $0x3;
	s19 =	sor.u32 $0x1C04, s2;
	s22 =	rddreg [dreg:$0x5]  }
0x9e: {  	[hbm:s22], [sflag:s19] =	dma.local [spmem:s20], $0x400  }
0x9f: {  	_ =	swait.ge [sflag:s24], $0x400  }
0xa0: {  	[sflag:s24] =	ssyncset.done $0x0  }
0xa1: {  	s21 =	sshrl.u32 s8, $0x3;
	s12 =	rddreg [dreg:$0x6];
	[sflag:s24] =	ssyncadd.s32 $0xFFFFFC00  }
0xa2: {  	[hbm:s12], [sflag:s19] =	dma.local [spmem:s21], $0x400  }
0xa3: {  	_ =	swait.ge [sflag:s24], $0x400  }
0xa4: {  	[sflag:s24] =	ssyncset.done $0x0  }
0xa5: {  	s31 =	sshrl.u32 s9, $0x3;
	s13 =	rddreg [dreg:$0x7];
	[sflag:s24] =	ssyncadd.s32 $0xFFFFFC00  }
0xa6: {  	[hbm:s13], [sflag:s19] =	dma.local [spmem:s31], $0x400  }
0xa7: {  	_ =	swait.ge [sflag:s24], $0x400  }
0xa8: {  	[sflag:s24] =	ssyncset.done $0x0  }
0xa9: {  	s22 =	sshrl.u32 s10, $0x3;
	[sflag:s24] =	ssyncadd.s32 $0xFFFFFC00  }
0xaa: {  	[hbm:s15], [sflag:s19] =	dma.local [spmem:s22], $0x400  }
0xab: {  	_ =	swait.ge [sflag:s24], $0x400  }
0xac: {  	[sflag:s24] =	ssyncset.done $0x0  }
0xad: {  	s12 =	sshrl.u32 s11, $0x3;
	[sflag:s24] =	ssyncadd.s32 $0xFFFFFC00  }
0xae: {  	[hbm:s16], [sflag:s19] =	dma.local [spmem:s12], $0x400  }
0xaf: {  	_ =	swait.ge [sflag:s24], $0x400  }
0xb0: {  	[sflag:s24] =	ssyncset.done $0x0  }
0xb1: {  	[sflag:s24] =	ssyncadd.s32 $0xFFFFFC00  }
0xb2: {  	s14 =	simm.s32 $0x0;
	[bflag:$0x0] =	sbarrier.arrive $0xFFFF  }
0xb3: {  	[tilespmem:s14], [sflag:$0x4] =	stream.linear.gather [hbm4b:s6+s14], $0x2780, $0x38;
	[tilespmem:$0x19000] =	vst v63  }
0xb4: {  	_ =	swait.ge [sflag:s24], $0x2780  }
0xb5: {  	[sflag:s24] =	ssyncset.done $0x0  }
0xb6: {  	s13 =	simm.s32 $0x0;
	[sflag:s24] =	ssyncadd.s32 $0xFFFFD880  }
0xb7: {  	v4 =	vld [tilespmem:s13+$0x0]  }
0xb8: {  	v6 =	vld [tilespmem:s13+$0x10]  }
0xb9: {  	v5 =	vld [tilespmem:s13+$0x20]  }
0xba: {  	v3 =	vld [tilespmem:s13+$0x30]  }
0xbb: {  	v2 =	vld [tilespmem:s13+$0x40]  }
0xbc: {  	v7 =	vadd.s32 $0x2710, v4;
	v4 =	vld [tilespmem:s13+$0x50]  }
0xbd: {  	s2 =	simm.s32 $0x200;
	[tilespmem:s13+$0x0] =	vst v7;
	v7 =	vadd.s32 $0x2710, v6;
	v6 =	vld [tilespmem:s13+$0x60]  }
.LBB2_8:
0xbe: {  	s14 =	sshra.s32 s2, $0x2;
	p0 =	sne.s32 s2, $0x9C00;
	[tilespmem:s13+$0x10] =	vst v7;
	v5 =	vadd.s32 $0x2710, v5;
	v7 =	vld [tilespmem:s13+$0x70]  }
0xbf: {  	v8 =	vld [tilespmem:s14+$0x0];
	[tilespmem:s13+$0x20] =	vst v5;
	v3 =	vadd.s32 $0x2710, v3  }
0xc0: {  	v9 =	vld [tilespmem:s14+$0x10];
	[tilespmem:s13+$0x30] =	vst v3;
	v2 =	vadd.s32 $0x2710, v2  }
.Ltmp3:
0xc1: {  	v5 =	vld [tilespmem:s14+$0x20];
	[tilespmem:s13+$0x40] =	vst v2;
	v2 =	vadd.s32 $0x2710, v4;
	(pc) =	sbr.rel @p0 .LBB2_8-.Ltmp3, $4  }
0xc2: {  	v3 =	vld [tilespmem:s14+$0x30];
	[tilespmem:s13+$0x50] =	vst v2;
	v4 =	vadd.s32 $0x2710, v6  }
0xc3: {  	v2 =	vld [tilespmem:s14+$0x40];
	[tilespmem:s13+$0x60] =	vst v4;
	v6 =	vadd.s32 $0x2710, v7  }
0xc4: {  	v7 =	vadd.s32 $0x2710, v8;
	v4 =	vld [tilespmem:s14+$0x50];
	[tilespmem:s13+$0x70] =	vst v6;
	s13 =	smov.u32 s14  }
0xc5: {  	s2 =	sadd.s32 $0x200, s2;
	[tilespmem:s13+$0x0] =	vst v7;
	v7 =	vadd.s32 $0x2710, v9;
	v6 =	vld [tilespmem:s13+$0x60]  }
0xc6: {  	[tilespmem:s13+$0x10] =	vst v7;
	v5 =	vadd.s32 $0x2710, v5;
	v63 =	vld [tilespmem:s13+$0x70]  }
0xc7: {  	[tilespmem:s13+$0x20] =	vst v5;
	v3 =	vadd.s32 $0x2710, v3  }
0xc8: {  	[tilespmem:s13+$0x30] =	vst v3;
	v2 =	vadd.s32 $0x2710, v2  }
0xc9: {  	[tilespmem:s13+$0x40] =	vst v2;
	v2 =	vadd.s32 $0x2710, v4  }
0xca: {  	[tilespmem:s13+$0x50] =	vst v2;
	v2 =	vadd.s32 $0x2710, v6  }
0xcb: {  	[tilespmem:s13+$0x60] =	vst v2;
	v2 =	vadd.s32 $0x2710, v63  }
0xcc: {  	[tilespmem:s13+$0x70] =	vst v2  }
0xcd: {  	[spmem:s7] =	stream.linear.scatter [tilespmem:s25], [sflag:$0x4], $0x2000, $0x38;
	[tilespmem:$0x19000] =	vst v63  }
0xce: {  	_ =	swait.ge [sflag:s24], $0x2000  }
0xcf: {  	[sflag:s24] =	ssyncset.done $0x0  }
0xd0: {  	[sflag:s24] =	ssyncadd.s32 $0xFFFFE000  }
0xd1: {  	[spmem:s8] =	stream.linear.scatter [tilespmem:s25], [sflag:$0x4], $0x2000, $0x38;
	[tilespmem:$0x19000] =	vst v63  }
0xd2: {  	_ =	swait.ge [sflag:s24], $0x2000  }
0xd3: {  	[sflag:s24] =	ssyncset.done $0x0  }
0xd4: {  	[sflag:s24] =	ssyncadd.s32 $0xFFFFE000  }
0xd5: {  	[spmem:s9] =	stream.linear.scatter [tilespmem:s25], [sflag:$0x4], $0x2000, $0x38;
	[tilespmem:$0x19000] =	vst v63  }
0xd6: {  	_ =	swait.ge [sflag:s24], $0x2000  }
0xd7: {  	[sflag:s24] =	ssyncset.done $0x0  }
0xd8: {  	[sflag:s24] =	ssyncadd.s32 $0xFFFFE000  }
0xd9: {  	[spmem:s10] =	stream.linear.scatter [tilespmem:s25], [sflag:$0x4], $0x2000, $0x38;
	[tilespmem:$0x19000] =	vst v63  }
0xda: {  	_ =	swait.ge [sflag:s24], $0x2000  }
0xdb: {  	[sflag:s24] =	ssyncset.done $0x0  }
0xdc: {  	[sflag:s24] =	ssyncadd.s32 $0xFFFFE000  }
0xdd: {  	[spmem:s11] =	stream.linear.scatter [tilespmem:s25], [sflag:$0x4], $0x2000, $0x38;
	[tilespmem:$0x19000] =	vst v63  }
0xde: {  	_ =	swait.ge [sflag:s24], $0x2000  }
0xdf: {  	[sflag:s24] =	ssyncset.done $0x0  }
0xe0: {  	[sflag:s24] =	ssyncadd.s32 $0xFFFFE000  }
0xe1: {  	[bflag:$0x0] =	sbarrier.arrive $0xFFFF  }
0xe2: {  	[tilespmem:s28], [sflag:$0x1] =	stream.indirect.gather [hbm4b:s4+s26], $0x80, s3, s26, $0xb8;
	[tilespmem:$0x19000] =	vst v63  }
0xe3: {  	_ =	swait.ge [sflag:s29], $0x4000  }
0xe4: {  	[sflag:s29] =	ssyncset.done $0x0  }
0xe5: {  	[sflag:s29] =	ssyncadd.s32 $0xFFFFC000  }
0xe6: {  	[spmem:s1] =	stream.indirect.scatter.add.f32 [tilespmem:s28], [sflag:$0x2], $0x80, s23, s26, $0xb8;
	[tilespmem:$0x19000] =	vst v63  }
0xe7: {  	_ = 	snop  }
0xe8: {  	[tilespmem:s30], [sflag:$0x1] =	stream.indirect.gather [hbm4b:s4+s26], $0x80, s26, s26, $0xb8;
	[tilespmem:$0x19000] =	vst v63  }
0xe9: {  	_ =	swait.ge [sflag:s29], $0x4000  }
0xea: {  	[sflag:s29] =	ssyncset.done $0x0  }
0xeb: {  	s2 =	simm.s32 $0x2880;
	[sflag:s29] =	ssyncadd.s32 $0xFFFFC000  }
0xec: {  	[spmem:s1] =	stream.indirect.scatter.add.f32 [tilespmem:s30], [sflag:$0x3], $0x80, s2, s26, $0xb8;
	[tilespmem:$0x19000] =	vst v63  }
0xed: {  	_ =	swait.ge [sflag:s0], $0x4000  }
0xee: {  	[sflag:s0] =	ssyncset.done $0x0  }
0xef: {  	s13 =	simm.s32 $0x100;
	[sflag:s0] =	ssyncadd.s32 $0xFFFFC000  }
0xf0: {  	[tilespmem:s28], [sflag:$0x1] =	stream.indirect.gather [hbm4b:s4+s26], $0x80, s13, s26, $0xb8;
	[tilespmem:$0x19000] =	vst v63  }
0xf1: {  	_ =	swait.ge [sflag:s29], $0x4000  }
0xf2: {  	[sflag:s29] =	ssyncset.done $0x0  }
0xf3: {  	s14 =	simm.s32 $0x2900;
	[sflag:s29] =	ssyncadd.s32 $0xFFFFC000  }
0xf4: {  	[spmem:s1] =	stream.indirect.scatter.add.f32 [tilespmem:s28], [sflag:$0x2], $0x80, s14, s26, $0xb8;
	[tilespmem:$0x19000] =	vst v63  }
0xf5: {  	_ =	swait.ge [sflag:s5], $0x4000  }
0xf6: {  	[sflag:s5] =	ssyncset.done $0x0  }
0xf7: {  	s13 =	simm.s32 $0x180;
	[sflag:s5] =	ssyncadd.s32 $0xFFFFC000  }
0xf8: {  	[tilespmem:s30], [sflag:$0x1] =	stream.indirect.gather [hbm4b:s4+s26], $0x80, s13, s26, $0xb8;
	[tilespmem:$0x19000] =	vst v63  }
0xf9: {  	_ =	swait.ge [sflag:s29], $0x4000  }
0xfa: {  	[sflag:s29] =	ssyncset.done $0x0  }
0xfb: {  	s14 =	simm.s32 $0x2980;
	[sflag:s29] =	ssyncadd.s32 $0xFFFFC000  }
0xfc: {  	[spmem:s1] =	stream.indirect.scatter.add.f32 [tilespmem:s30], [sflag:$0x3], $0x80, s14, s26, $0xb8;
	[tilespmem:$0x19000] =	vst v63  }
0xfd: {  	_ =	swait.ge [sflag:s0], $0x4000  }
0xfe: {  	[sflag:s0] =	ssyncset.done $0x0  }
0xff: {  	s2 =	simm.s32 $0x200;
	s13 =	simm.s32 $0xFFFF6C00;
	[sflag:s0] =	ssyncadd.s32 $0xFFFFC000  }
.LBB2_10:
0x100: {  	[tilespmem:s28], [sflag:$0x1] =	stream.indirect.gather [hbm4b:s4+s26], $0x80, s2, s26, $0xb8;
	[tilespmem:$0x19000] =	vst v63  }
0x101: {  	s2 =	smov.u32 s13  }
0x102: {  	p0 =	sne.s32 s13, $0xFFFFFC00;
	s13 =	sadd.s32 $0x400, s13;
	_ =	swait.ge [sflag:s29], $0x4000  }
0x103: {  	s2 =	sshra.s32 s2, $0x2;
	[sflag:s29] =	ssyncset.done $0x0  }
0x104: {  	s14 =	sadd.s32 $0x4F00, s2;
	[sflag:s29] =	ssyncadd.s32 $0xFFFFC000  }
0x105: {  	[spmem:s1] =	stream.indirect.scatter.add.f32 [tilespmem:s28], [sflag:$0x2], $0x80, s14, s26, $0xb8;
	[tilespmem:$0x19000] =	vst v63  }
0x106: {  	_ =	swait.ge [sflag:s5], $0x4000  }
0x107: {  	[sflag:s5] =	ssyncset.done $0x0  }
0x108: {  	s14 =	sadd.s32 $0x2780, s2;
	[sflag:s5] =	ssyncadd.s32 $0xFFFFC000  }
0x109: {  	[tilespmem:s30], [sflag:$0x1] =	stream.indirect.gather [hbm4b:s4+s26], $0x80, s14, s26, $0xb8;
	[tilespmem:$0x19000] =	vst v63  }
0x10a: {  	_ =	swait.ge [sflag:s29], $0x4000  }
0x10b: {  	[sflag:s29] =	ssyncset.done $0x0  }
.Ltmp4:
0x10c: {  	s14 =	sadd.s32 $0x4F80, s2;
	[sflag:s29] =	ssyncadd.s32 $0xFFFFC000;
	(pc) =	sbr.rel @p0 .LBB2_10-.Ltmp4, $4  }
0x10d: {  	[spmem:s1] =	stream.indirect.scatter.add.f32 [tilespmem:s30], [sflag:$0x3], $0x80, s14, s26, $0xb8;
	[tilespmem:$0x19000] =	vst v63  }
0x10e: {  	_ =	swait.ge [sflag:s0], $0x4000  }
0x10f: {  	[sflag:s0] =	ssyncset.done $0x0  }
0x110: {  	s2 =	sadd.s32 $0x2800, s2;
	[sflag:s0] =	ssyncadd.s32 $0xFFFFC000  }
0x111: {  	[tilespmem:s28], [sflag:$0x1] =	stream.indirect.gather [hbm4b:s4+s26], $0x80, s2, s26, $0xb8;
	[tilespmem:$0x19000] =	vst v63  }
0x112: {  	_ =	swait.ge [sflag:s29], $0x4000  }
0x113: {  	[sflag:s29] =	ssyncset.done $0x0  }
0x114: {  	[sflag:s29] =	ssyncadd.s32 $0xFFFFC000  }
0x115: {  	_ =	swait.ge [sflag:s5], $0x4000  }
0x116: {  	[sflag:s5] =	ssyncset.done $0x0  }
0x117: {  	[sflag:s5] =	ssyncadd.s32 $0xFFFFC000  }
0x118: {  	[spmem:s1] =	stream.indirect.scatter.add.f32 [tilespmem:s28], [sflag:$0x4], $0x80, s17, s26, $0xb8;
	[tilespmem:$0x19000] =	vst v63  }
0x119: {  	_ =	swait.ge [sflag:s24], $0x4000  }
0x11a: {  	[sflag:s24] =	ssyncset.done $0x0  }
0x11b: {  	[sflag:s24] =	ssyncadd.s32 $0xFFFFC000  }
0x11c: {  	[bflag:$0x0] =	sbarrier.arrive $0xFFFF  }
0x11d: {  	s13 =	rddreg [dreg:$0x8]  }
0x11e: {  	[hbm:s13], [sflag:s19] =	dma.local [spmem:s20], $0x400  }
0x11f: {  	_ =	swait.ge [sflag:s24], $0x400  }
0x120: {  	[sflag:s24] =	ssyncset.done $0x0  }
0x121: {  	s14 =	rddreg [dreg:$0x9];
	[sflag:s24] =	ssyncadd.s32 $0xFFFFFC00  }
0x122: {  	[hbm:s14], [sflag:s19] =	dma.local [spmem:s21], $0x400  }
0x123: {  	_ =	swait.ge [sflag:s24], $0x400  }
0x124: {  	[sflag:s24] =	ssyncset.done $0x0  }
0x125: {  	s20 =	rddreg [dreg:$0xa];
	[sflag:s24] =	ssyncadd.s32 $0xFFFFFC00  }
0x126: {  	[hbm:s20], [sflag:s19] =	dma.local [spmem:s31], $0x400  }
0x127: {  	_ =	swait.ge [sflag:s24], $0x400  }
0x128: {  	[sflag:s24] =	ssyncset.done $0x0  }
0x129: {  	s21 =	rddreg [dreg:$0xb];
	[sflag:s24] =	ssyncadd.s32 $0xFFFFFC00  }
0x12a: {  	[hbm:s21], [sflag:s19] =	dma.local [spmem:s22], $0x400  }
0x12b: {  	_ =	swait.ge [sflag:s24], $0x400  }
0x12c: {  	[sflag:s24] =	ssyncset.done $0x0  }
0x12d: {  	s22 =	rddreg [dreg:$0xc];
	[sflag:s24] =	ssyncadd.s32 $0xFFFFFC00  }
0x12e: {  	[hbm:s22], [sflag:s19] =	dma.local [spmem:s12], $0x400  }
0x12f: {  	_ =	swait.ge [sflag:s24], $0x400  }
0x130: {  	s18 =	sadd.s32 $0x1, s18;
	s31 =	rddreg [dreg:$0xd]  }
0x131: {  	p0 =	sne.s32 s18, s31  }
.Ltmp5:
0x132: {  	_ = 	snop;
	(pc) =	sbr.rel @p0 .LBB2_1-.Ltmp5, $3  }
0x133: {  	[sflag:s24] =	ssyncset.done $0x0  }
0x134: {  	[sflag:s24] =	ssyncadd.s32 $0xFFFFFC00  }
0x135: {  	[bflag:$0x0] =	sbarrier.arrive $0xFFFF;
	_ =	sdelay $0x1  }
0x136: {  	_ =	sfence.sel $0x180000  }
0x137: {  	[bflag:$0x0] =	sbarrier.arrive $0xFFFF  }
0x138: {  	_ =	strace $0x9000004A  }
0x139: {  	s0 =	stileid.u32;
	[bflag:$0x2] =	sbarrier.arrive $0xFFFF  }
0x13a: {  	p0 =	sne.s32 s0, $0x0;
	s0 =	rddreg [dreg:$0x3]  }
0x13b: {  	s0 =	sadd.s32 @!p0 $0x100000, s0  }
0x13c: {  	[sflag:s0] =	ssyncadd.tile.s32 @!p0 $0x1;
	_ =	shalt  }
.Lfunc_end2:
_tile_overlayer_lowered:
.L_overlay_start_2:
0x13d: {  	(tag) =	ssettag $0x2  }
0x13e: {  	s0 =	rddreg [dreg:$0x0];
	s2 =	stileid.u32  }
0x13f: {  	s1 =	rddreg [dreg:$0x1];
	p0 =	sne.s32 s2, $0x0  }
0x140: {  	s3 =	rddreg [dreg:$0x2];
	[bflag:$0x3] =	sbarrier.arrive $0xFFFF;
	s2 =	simm.s32 @!p0 $0x1C04  }
0x141: {  	[timem:s3], [sflag:s2] =	dma.local @!p0 [hbm:s0], s1  }
0x142: {  	s0 =	simm.s32 @!p0 $0x4  }
0x143: {  	_ =	swait.ge @!p0 [sflag:s0], s1  }
0x144: {  	s1 =	ssub.s32 @!p0 $0x0, s1;
	[sflag:s0] =	ssyncset.done @!p0 $0x0  }
0x145: {  	[sflag:s0] =	ssyncadd.s32 @!p0 s1  }
0x146: {  	[bflag:$0x3] =	sbarrier.arrive $0xFFFF  }
0x147: {  	_ =	shalt  }

// kernel: kernel.14.cloned.1.call-start
scs
__scs_entry_jumppad:
0x0: {  	(pc) =	sbr.rel $0x88, $3  }
0x1: {  	(tag) =	ssettag $0x0;
	lr =	simm.s32 $0x1  }
0x2: {  	[smem:$0x3F9B] =	sst lr;
	_ =	strace $0xD0000000  }
0x3: {  	_ = 	snop  }
0x4: {  	_ = 	snop  }
0x5: {  	_ = 	snop  }
0x6: {  	_ = 	snop  }
0x7: {  	_ = 	snop  }
__scs_overlays_trampoline_lowered:
0x8: {  	[smem:$0x3FAA] =	sst s0  }
0x9: {  	[smem:$0x3FAB] =	sst s1  }
0xa: {  	[smem:$0x3FAC] =	sst s2  }
0xb: {  	[smem:$0x3FAD] =	sst s3  }
0xc: {  	[smem:$0x3FAE] =	sst s4  }
0xd: {  	[smem:$0x3FAF] =	sst s5  }
0xe: {  	[smem:$0x3FB0] =	sst s6  }
0xf: {  	[smem:$0x3FB1] =	sst s7  }
0x10: {  	[smem:$0x3FB2] =	sst s8  }
0x11: {  	[smem:$0x3FB3] =	sst s9;
	s0 =	simm.s32 @!p0 $0x0  }
0x12: {  	s1 =	sld [smem:$0x3F99];
	s0 =	simm.s32 @p0 $0x1  }
0x13: {  	[smem:$0x3FB4] =	sst s0;
	s0 =	simm.s32 @!p1 $0x0  }
0x14: {  	s2 =	sld [smem:$0x3F98];
	s0 =	simm.s32 @p1 $0x1  }
0x15: {  	[smem:$0x3FB5] =	sst s0;
	s0 =	simm.s32 @!p2 $0x0  }
0x16: {  	s3 =	sld [smem:$0x3FDB];
	s0 =	simm.s32 @p2 $0x1  }
0x17: {  	s4 =	simm.s32 $0x1BF5;
	[smem:$0x3FB7] =	sst s0  }
0x18: {  	s0 =	sld [smem:$0x3F9A];
	_ =	swait.ge [sflag:s4], $0x0  }
0x19: {  	s7 =	sld [smem:$0x3F9B]  }
0x1a: {  	s8 =	sadd.s32 $0xFFFFE003, lr  }
0x1b: {  	s9 =	sadd.s32 $0xFFFFFEF7, lr;
	s5 =	simm.s32 $0xFFFFFFFF;
	p2 =	slt.u32 s8, $0xFFFFF086  }
0x1c: {  	p1 =	slt.u32 s9, $0xF7A;
	s5 =	simm.s32 @!p2 $0x0  }
0x1d: {  	s5 =	simm.s32 @p1 $0x1;
	p0 =	seq.s32 s7, s2  }
0x1e: {  	s7 =	smul.u32 @!p0 $0xF7A, s2;
	p2 =	seq.s32 @!p0 s5, $0x0  }
0x1f: {  	s9 =	smul.u32 $0xF7A, s1;
	s8 =	simm.s32 @!p0 $0x1BF5;
	p2 =	por !p2, p0  }
0x20: {  	[sflag:s8] =	ssyncset.s32 @!p0 $0xFFFFF086;
	s6 =	sadd.s32 @!p0 s3, s7;
	s7 =	simm.s32 @!p0 $0x108  }
0x21: {  	s3 =	sadd.s32 s3, s9;
	s6 =	sadd.s32 @!p0 $0x88, s6;
	s7 =	simm.s32 @p2 $0x1082  }
0x22: {  	[simem:s7], [sflag:s8] =	dma.local @!p0 [hbm:s6], $0xF7A  }
0x23: {  	s9 =	sor.u32 $0xD0000000, s2;
	s6 =	simm.s32 $0x108;
	_ =	swait.ge @!p0 [sflag:s8], $0x0  }
0x24: {  	s3 =	sadd.s32 $0x88, s3;
	s6 =	simm.s32 @!p1 $0x1082;
	[sflag:s4] =	ssyncset.s32 $0xFFFFF086  }
0x25: {  	[simem:s6], [sflag:s4] =	dma.local [hbm:s3], $0xF7A  }
0x26: {  	[smem:$0x3F9B] =	sst s1;
	(tag) =	ssettag s2;
	_ =	strace s9  }
0x27: {  	s1 =	sld [smem:$0x3FAB]  }
0x28: {  	s2 =	sld [smem:$0x3FAC]  }
0x29: {  	s4 =	sld [smem:$0x3FAE]  }
0x2a: {  	p0 =	seq.s32 s5, $0x0;
	s5 =	sld [smem:$0x3FAF]  }
0x2b: {  	s6 =	sld [smem:$0x3FB0]  }
0x2c: {  	s7 =	sld [smem:$0x3FB1]  }
0x2d: {  	s3 =	simm.s32 $0x108;
	s8 =	sld [smem:$0x3FB2]  }
0x2e: {  	s3 =	simm.s32 @!p0 $0x1082;
	s9 =	sld [smem:$0x3FB3]  }
0x2f: {  	lr =	sadd.s32 s0, s3;
	s0 =	sld [smem:$0x3FAA]  }
0x30: {  	s3 =	sld [smem:$0x3FAD]  }
0x31: {  	[smem:$0x3FB6] =	sst s10  }
0x32: {  	s10 =	sld [smem:$0x3FB4];
	_ =	sdelay $0x3  }
0x33: {  	p0 =	seq.s32 s10, $0x1;
	s10 =	sld [smem:$0x3FB6];
	_ =	sdelay $0x3  }
0x34: {  	[smem:$0x3FB6] =	sst s10  }
0x35: {  	s10 =	sld [smem:$0x3FB5];
	_ =	sdelay $0x3  }
0x36: {  	p1 =	seq.s32 s10, $0x1;
	s10 =	sld [smem:$0x3FB6];
	_ =	sdelay $0x3  }
0x37: {  	[smem:$0x3FB6] =	sst s10  }
0x38: {  	s10 =	sld [smem:$0x3FB7]  }
0x39: {  	_ = 	snop;
	(pc) =	sbr.ind lr, $3  }
0x3a: {  	_ = 	snop  }
0x3b: {  	_ = 	snop  }
0x3c: {  	p2 =	seq.s32 s10, $0x1;
	s10 =	sld [smem:$0x3FB6]  }
0x3d: {  	_ =	shalt  }
0x3e: {  	_ =	shalt  }
0x3f: {  	_ =	shalt  }
0x40: {  	_ =	shalt  }
0x41: {  	_ =	shalt  }
0x42: {  	_ =	shalt  }
0x43: {  	_ =	shalt  }
0x44: {  	_ =	shalt  }
0x45: {  	_ =	shalt  }
0x46: {  	_ =	shalt  }
0x47: {  	_ =	shalt  }
0x48: {  	_ =	shalt  }
0x49: {  	_ =	shalt  }
0x4a: {  	_ =	shalt  }
0x4b: {  	_ =	shalt  }
0x4c: {  	_ =	shalt  }
0x4d: {  	_ =	shalt  }
0x4e: {  	_ =	shalt  }
0x4f: {  	_ =	shalt  }
0x50: {  	_ =	shalt  }
0x51: {  	_ =	shalt  }
0x52: {  	_ =	shalt  }
0x53: {  	_ =	shalt  }
0x54: {  	_ =	shalt  }
0x55: {  	_ =	shalt  }
0x56: {  	_ =	shalt  }
0x57: {  	_ =	shalt  }
0x58: {  	_ =	shalt  }
0x59: {  	_ =	shalt  }
0x5a: {  	_ =	shalt  }
0x5b: {  	_ =	shalt  }
0x5c: {  	_ =	shalt  }
0x5d: {  	_ =	shalt  }
0x5e: {  	_ =	shalt  }
0x5f: {  	_ =	shalt  }
0x60: {  	_ =	shalt  }
0x61: {  	_ =	shalt  }
0x62: {  	_ =	shalt  }
0x63: {  	_ =	shalt  }
0x64: {  	_ =	shalt  }
0x65: {  	_ =	shalt  }
0x66: {  	_ =	shalt  }
0x67: {  	_ =	shalt  }
0x68: {  	_ =	shalt  }
0x69: {  	_ =	shalt  }
0x6a: {  	_ =	shalt  }
0x6b: {  	_ =	shalt  }
0x6c: {  	_ =	shalt  }
0x6d: {  	_ =	shalt  }
0x6e: {  	_ =	shalt  }
0x6f: {  	_ =	shalt  }
0x70: {  	_ =	shalt  }
0x71: {  	_ =	shalt  }
0x72: {  	_ =	shalt  }
0x73: {  	_ =	shalt  }
0x74: {  	_ =	shalt  }
0x75: {  	_ =	shalt  }
0x76: {  	_ =	shalt  }
0x77: {  	_ =	shalt  }
0x78: {  	_ =	shalt  }
0x79: {  	_ =	shalt  }
0x7a: {  	_ =	shalt  }
0x7b: {  	_ =	shalt  }
0x7c: {  	_ =	shalt  }
0x7d: {  	_ =	shalt  }
0x7e: {  	_ =	shalt  }
0x7f: {  	_ =	shalt  }
0x80: {  	_ =	shalt  }
0x81: {  	_ =	shalt  }
0x82: {  	_ =	shalt  }
0x83: {  	_ =	shalt  }
0x84: {  	_ =	shalt  }
0x85: {  	_ =	shalt  }
0x86: {  	_ =	shalt  }
0x87: {  	_ =	shalt  }
.Lfunc_end0:
.L_simem_size_0:
called_computation.2_lowered:
.L_overlay_start_0:
0x88: {  	s2 =	sld [smem:$0x3FD9]  }
0x89: {  	s3 =	sld [smem:$0x3FFE];
	_ =	sdelay $0x1  }
0x8a: {  	s1 =	srdreg.scid  }
0x8b: {  	s0 =	sand.u32 $0x1, s1  }
0x8c: {  	s16 =	sshll.u32 s0, $0xA;
	s2 =	sadd.s32 s3, s2  }
0x8d: {  	s2 =	sadd.s32 s2, s16  }
0x8e: {  	[smem:$0x3FC2] =	sst s2  }
0x8f: {  	_ = 	snop  }
0x90: {  	(tm) =	ssettm $0x1  }
0x91: {  	s17 =	sld [smem:$0x3FFB];
	_ =	sdelay $0x3  }
0x92: {  	_ =	strace s17  }
0x93: {  	s2 =	sld [smem:$0x3FFC];
	_ =	sdelay $0x3  }
0x94: {  	_ =	strace s2  }
0x95: {  	s2 =	sld [smem:$0x3FFD];
	_ =	sdelay $0x3  }
0x96: {  	_ =	strace s2  }
0x97: {  	_ =	strace $0x8FFFFFFF  }
0x98: {  	s18 =	sld [smem:$0x3FDB];
	_ =	sdelay $0x1  }
0x99: {  	s19 =	simm.s32 $_scs_section_size  }
0x9a: {  	s4 =	simm.s32 $_size__tile_overlayer_lowered;
	s5 =	simm.s32 $_tile_overlayer_lowered  }
0x9b: {  	s22 =	simm.s32 $0x1BFF;
	s21 =	sshll.u32 s5, $0x1;
	s2 =	sadd.s32 s19, s18  }
0x9c: {  	s6 =	simm.s32 $0x0;
	s20 =	sshll.u32 s4, $0x1;
	s4 =	sadd.s32 s21, s2  }
0x9d: {  	[timem:s6], [sflag:s22] =	dma.local [hbm:s4], s20  }
0x9e: {  	_ =	swait.ge [sflag:s22], s20  }
0x9f: {  	s3 =	ssub.s32 $0x0, s20;
	[sflag:s22] =	ssyncset.done $0x0  }
0xa0: {  	[sflag:s22] =	ssyncadd.s32 s3;
	_ =	sdelay $0x1  }
0xa1: {  	s23 =	simm.s32 $0x1B8B  }
0xa2: {  	_ =	swait.ge [sflag:s23], $0x1  }
0xa3: {  	[sflag:s23] =	ssyncset.done $0x0  }
0xa4: {  	s25 =	simm.s32 $0x1B8E;
	s24 =	sld [smem:$0x3FFE];
	[sflag:s23] =	ssyncadd.s32 $0xFFFFFFFF  }
0xa5: {  	s26 =	simm.s32 $execute0_lowered;
	[smem:$0x3FD2] =	sst s25  }
0xa6: {  	s4 =	sshll.u32 s26, $0x1;
	_ =	strace $0x8000004C;
	[dreg:$0x1] =	wrdreg $0xFFFFFFFF  }
0xa7: {  	s28 =	simm.s32 $_size_execute0_lowered;
	s2 =	sadd.s32 s2, s4;
	[dreg:$0x0] =	wrdreg $0x0  }
0xa8: {  	s4 =	sshll.u32 s28, $0x1;
	[dreg:$0x2] =	wrdreg s2  }
0xa9: {  	[dreg:$0x3] =	wrdreg s4  }
0xaa: {  	[dreg:$0x4] =	wrdreg $0xC0  }
0xab: {  	_ =	task [dreg:s6], $0x5FFFF  }
0xac: {  	[dreg:$0x1] =	wrdreg $0xFFFFFFFF  }
0xad: {  	[dreg:$0x0] =	wrdreg $0x60  }
0xae: {  	[dreg:$0x2] =	wrdreg s24  }
0xaf: {  	[dreg:$0x3] =	wrdreg $0xF0000  }
0xb0: {  	[dreg:$0x4] =	wrdreg $0x9  }
0xb1: {  	_ =	task.clear_ibuf [dreg:s6], $0x5FFFF;
	_ =	strace $0x9000004C  }
0xb2: {  	s29 =	simm.s32 $0x9;
	_ =	strace $0x8000004E  }
0xb3: {  	_ =	swait.ge [sflag:s29], $0x1  }
0xb4: {  	[sflag:s29] =	ssyncadd.s32 $0xFFFFFFFF  }
0xb5: {  	_ =	strace $0x9000004E  }
0xb6: {  	_ =	sfence  }
0xb7: {  	s30 =	sld [smem:$0x0];
	_ =	sdelay $0x2  }
0xb8: {  	s31 =	sshll.u32 s1, $0xD;
	s1 =	sshrl.u32 s1, $0x2  }
0xb9: {  	s3 =	sand.u32 $0x4000, s31;
	s1 =	sadd.s32 s1, s30  }
0xba: {  	s0 =	sor.u32 s3, s0;
	s1 =	sshll.u32 s1, $0x11  }
0xbb: {  	s0 =	sor.u32 s1, s0  }
0xbc: {  	s0 =	sadd.s32 $0x8F2B, s0  }
0xbd: {  	[sflag:s0] =	ssyncadd.remote.s32 $0x1  }
0xbe: {  	_ =	sfence.sel $0xFFFF  }
0xbf: {  	[dreg:$0x0] =	wrdreg $0xFFFFFFFF;
	(pc) =	sbr.abs _section_cstart, $3  }
0xc0: {  	[dreg:$0x1] =	wrdreg $0xFFFFFFFF  }
0xc1: {  	_ =	task.clear_ibuf [dreg:s6], $0x2FFFF;
	_ =	strace $0x9FFFFFFF  }
0xc2: {  	(tm) =	ssettm $0x7FFFFFFF  }
0xc3: {  	_ =	shalt  }
tec
execute0_lowered:
.L_overlay_start_1:
0x0: {  	(tag) =	ssettag $0x1  }
0x1: {  	s0 =	rddreg [dreg:$0x0];
	s9 =	stileid.u32  }
0x2: {  	s2 =	rddreg [dreg:$0x1];
	s1 =	smul.u32 $0x500, s9  }
0x3: {  	s3 =	simm.s32 $0x0;
	s4 =	srdreg.scid;
	s8 =	smul.u32 $0x28000, s9  }
0x4: {  	[smem:$0x7FF] =	sst s3;
	s5 =	sand.u32 $0x1, s4;
	s11 =	smul.u32 $0xA000, s9  }
0x5: {  	s4 =	sadd.s32 $0x59600, s0;
	_ =	strace $0x8000004D;
	s13 =	smul.u32 $0x1388, s5  }
0x6: {  	s6 =	ssub.s32 $0x2, s5;
	s5 =	smul.u32 $0xA0000, s5;
	s1 =	sadd.s32 s1, s0  }
0x7: {  	s0 =	sadd.s32 $0xF5A00, s0;
	s7 =	sshrl.u32 s6, $0x1;
	s21 =	sshrl.u32 s8, $0x2  }
0x8: {  	s22 =	sadd.s32 $0x2000, s11;
	s14 =	sadd.s32 $0x4000, s11;
	s15 =	sadd.s32 $0x6000, s11  }
0x9: {  	s12 =	ssub.s32 s6, s7;
	s20 =	sadd.s32 $0x6400, s1;
	s6 =	sadd.s32 $0x1400, s1  }
0xa: {  	s7 =	sadd.s32 s21, s2;
	s9 =	sadd.s32 s14, s2;
	s16 =	sadd.s32 s11, s5  }
0xb: {  	s1 =	sadd.s32 s5, s22;
	s23 =	sadd.s32 s5, s14;
	s24 =	sadd.s32 s5, s15  }
0xc: {  	[dreg:$0x3] =	wrdreg s20;
	s16 =	sshrl.u32 s16, $0x3;
	s21 =	smax.u32 s12, $0x1  }
0xd: {  	s1 =	sshrl.u32 s1, $0x3;
	s16 =	sadd.s32 s0, s16;
	[dreg:$0x10] =	wrdreg s21  }
0xe: {  	s14 =	sshrl.u32 s24, $0x3;
	s18 =	sadd.s32 s0, s1;
	[dreg:$0x4] =	wrdreg s16  }
0xf: {  	s28 =	simm.s32 $0x4F00;
	s14 =	sadd.s32 s0, s14;
	[dreg:$0x5] =	wrdreg s18  }
0x10: {  	s17 =	sadd.s32 $0x8000, s11;
	s26 =	sadd.s32 $0x28000, s16;
	[dreg:$0x7] =	wrdreg s14  }
0x11: {  	s5 =	sadd.s32 s5, s17;
	s30 =	sadd.s32 $0x28000, s18;
	[dreg:$0x9] =	wrdreg s26  }
0x12: {  	s25 =	sshrl.u32 s5, $0x3;
	s5 =	sadd.s32 $0x28000, s14;
	[dreg:$0xa] =	wrdreg s30  }
0x13: {  	s10 =	sadd.s32 s15, s2;
	s19 =	sadd.s32 $0x50000, s16;
	[dreg:$0xc] =	wrdreg s5  }
0x14: {  	s1 =	sshrl.u32 s23, $0x3;
	s20 =	sadd.s32 $0x50000, s18;
	[dreg:$0xe] =	wrdreg s19  }
0x15: {  	s15 =	sadd.s32 s0, s1;
	s23 =	sadd.s32 $0x50000, s14;
	[dreg:$0xf] =	wrdreg s20  }
0x16: {  	s0 =	sadd.s32 s0, s25;
	s25 =	sadd.s32 $0x78000, s16;
	[dreg:$0x12] =	wrdreg s23  }
0x17: {  	s29 =	simm.s32 $0x0;
	s8 =	sadd.s32 s22, s2;
	[dreg:$0x14] =	wrdreg s25  }
0x18: {  	s11 =	sadd.s32 s17, s2;
	s21 =	simm.s32 $0x1;
	[dreg:$0x6] =	wrdreg s15  }
0x19: {  	s31 =	sadd.s32 $0x28000, s15;
	s17 =	sadd.s32 $0x28000, s0;
	[dreg:$0x8] =	wrdreg s0  }
0x1a: {  	s22 =	sadd.s32 $0x50000, s15;
	s24 =	sadd.s32 $0x50000, s0;
	[dreg:$0xb] =	wrdreg s31  }
0x1b: {  	s26 =	sadd.s32 $0x78000, s18;
	s30 =	sadd.s32 $0x78000, s15;
	[dreg:$0xd] =	wrdreg s17  }
0x1c: {  	s0 =	sadd.s32 $0x78000, s0;
	s5 =	simm.s32 $0x2800;
	[dreg:$0x11] =	wrdreg s22  }
0x1d: {  	s18 =	simm.s32 $0xD000;
	s19 =	simm.s32 $0x80;
	[dreg:$0x13] =	wrdreg s24  }
0x1e: {  	s20 =	simm.s32 $0x5000;
	s23 =	simm.s32 $0x2880;
	[dreg:$0x15] =	wrdreg s26  }
0x1f: {  	s25 =	simm.s32 $0x100;
	[dreg:$0x16] =	wrdreg s30;
	s31 =	sadd.s32 $0x78000, s14  }
0x20: {  	[dreg:$0x18] =	wrdreg s0;
	s17 =	simm.s32 $0x4;
	s22 =	simm.s32 $0x9000  }
0x21: {  	v1 =	vimm.f32 $0.0e+00;
	v0 =	vmov s13;
	s24 =	simm.s32 $0x2;
	s26 =	simm.s32 $0x3;
	[dreg:$0x17] =	wrdreg s31  }
.LBB2_1:
0x22: {  	s0 =	simm.s32 $0x0;
	s1 =	simm.s32 $0x200  }
.LBB2_2:
0x23: {  	p0 =	sne.s32 s1, $0x7E00;
	[tilespmem:s0+$0xD070] =	vst v1  }
0x24: {  	[tilespmem:s0+$0xD000] =	vst v1  }
0x25: {  	[tilespmem:s0+$0xD010] =	vst v1  }
.Ltmp0:
0x26: {  	[tilespmem:s0+$0xD020] =	vst v1;
	(pc) =	sbr.rel @p0 .LBB2_2-.Ltmp0, $4  }
0x27: {  	[tilespmem:s0+$0xD030] =	vst v1  }
0x28: {  	[tilespmem:s0+$0xD040] =	vst v1  }
0x29: {  	[tilespmem:s0+$0xD050] =	vst v1  }
0x2a: {  	[tilespmem:s0+$0xD060] =	vst v1;
	s0 =	sshra.s32 s1, $0x2;
	s1 =	sadd.s32 $0x200, s1  }
0x2b: {  	[tilespmem:s0+$0xD070] =	vst v1  }
0x2c: {  	[tilespmem:s0+$0xD000] =	vst v1  }
0x2d: {  	[tilespmem:s0+$0xD010] =	vst v1  }
0x2e: {  	[tilespmem:s0+$0xD020] =	vst v1  }
0x2f: {  	[tilespmem:s0+$0xD030] =	vst v1  }
0x30: {  	[tilespmem:s0+$0xD040] =	vst v1  }
0x31: {  	[tilespmem:s0+$0xD050] =	vst v1  }
0x32: {  	[tilespmem:s0+$0xD060] =	vst v1;
	s31 =	simm.s32 $0x0;
	s1 =	rddreg [dreg:$0x3]  }
0x33: {  	[tilespmem:s5], [sflag:$0x4] =	stream.linear.gather [hbm4b:s1+s31], $0x2780, $0x38;
	[tilespmem:$0x19000] =	vst v63  }
0x34: {  	_ =	swait.ge [sflag:s17], $0x2780  }
0x35: {  	[sflag:s17] =	ssyncset.done $0x0  }
0x36: {  	s0 =	simm.s32 $0x0;
	[sflag:s17] =	ssyncadd.s32 $0xFFFFD880  }
0x37: {  	v2 =	vld [tilespmem:s0+$0x2800]  }
0x38: {  	v7 =	vld [tilespmem:s0+$0x2810]  }
0x39: {  	v6 =	vld [tilespmem:s0+$0x2820]  }
0x3a: {  	v5 =	vld [tilespmem:s0+$0x2830]  }
0x3b: {  	v4 =	vld [tilespmem:s0+$0x2840]  }
0x3c: {  	v3 =	vld [tilespmem:s0+$0x2850];
	v8 =	vsub.s32 v2, v0  }
0x3d: {  	s1 =	simm.s32 $0x200;
	v7 =	vsub.s32 v7, v0;
	v2 =	vld [tilespmem:s0+$0x2860];
	vm0 =	vlt.u32 v8, $0x1388  }
.LBB2_4:
0x3e: {  	p0 =	sne.s32 s1, $0x9C00;
	v8 =	vnsel vm0, $0x13C0, v8;
	vm0 =	vlt.u32 v7, $0x1388;
	v6 =	vsub.s32 v6, v0;
	v9 =	vld [tilespmem:s0+$0x2870]  }
0x3f: {  	s12 =	sshra.s32 s1, $0x2;
	[tilespmem:s0+$0x2800] =	vst v8;
	v7 =	vnsel vm0, $0x13C0, v7;
	vm0 =	vlt.u32 v6, $0x1388;
	v5 =	vsub.s32 v5, v0  }
0x40: {  	v8 =	vld [tilespmem:s12+$0x2800];
	[tilespmem:s0+$0x2810] =	vst v7;
	v6 =	vnsel vm0, $0x13C0, v6;
	vm0 =	vlt.u32 v5, $0x1388;
	v4 =	vsub.s32 v4, v0  }
0x41: {  	v7 =	vld [tilespmem:s12+$0x2810];
	[tilespmem:s0+$0x2820] =	vst v6;
	v5 =	vnsel vm0, $0x13C0, v5;
	vm0 =	vlt.u32 v4, $0x1388;
	v3 =	vsub.s32 v3, v0  }
.Ltmp1:
0x42: {  	v6 =	vld [tilespmem:s12+$0x2820];
	[tilespmem:s0+$0x2830] =	vst v5;
	v4 =	vnsel vm0, $0x13C0, v4;
	vm0 =	vlt.u32 v3, $0x1388;
	v2 =	vsub.s32 v2, v0;
	(pc) =	sbr.rel @p0 .LBB2_4-.Ltmp1, $4  }
0x43: {  	v5 =	vld [tilespmem:s12+$0x2830];
	[tilespmem:s0+$0x2840] =	vst v4;
	v3 =	vnsel vm0, $0x13C0, v3;
	vm0 =	vlt.u32 v2, $0x1388;
	v9 =	vsub.s32 v9, v0  }
0x44: {  	v4 =	vld [tilespmem:s12+$0x2840];
	[tilespmem:s0+$0x2850] =	vst v3;
	v2 =	vnsel vm0, $0x13C0, v2;
	vm0 =	vlt.u32 v9, $0x1388  }
0x45: {  	v8 =	vsub.s32 v8, v0;
	v3 =	vld [tilespmem:s12+$0x2850];
	[tilespmem:s0+$0x2860] =	vst v2;
	v9 =	vnsel vm0, $0x13C0, v9  }
0x46: {  	s1 =	sadd.s32 $0x200, s1;
	vm0 =	vlt.u32 v8, $0x1388;
	v7 =	vsub.s32 v7, v0;
	v2 =	vld [tilespmem:s12+$0x2860];
	[tilespmem:s0+$0x2870] =	vst v9;
	s0 =	smov.u32 s12  }
0x47: {  	v8 =	vnsel vm0, $0x13C0, v8;
	vm9 =	vlt.u32 v7, $0x1388;
	v6 =	vsub.s32 v6, v0;
	v9 =	vld [tilespmem:s0+$0x2870]  }
0x48: {  	[tilespmem:s0+$0x2800] =	vst v8;
	v7 =	vnsel vm9, $0x13C0, v7;
	vm10 =	vlt.u32 v6, $0x1388;
	v5 =	vsub.s32 v5, v0  }
0x49: {  	[tilespmem:s0+$0x2810] =	vst v7;
	v6 =	vnsel vm10, $0x13C0, v6;
	vm11 =	vlt.u32 v5, $0x1388;
	v4 =	vsub.s32 v4, v0  }
0x4a: {  	[tilespmem:s0+$0x2820] =	vst v6;
	v5 =	vnsel vm11, $0x13C0, v5;
	vm12 =	vlt.u32 v4, $0x1388;
	v3 =	vsub.s32 v3, v0  }
0x4b: {  	[tilespmem:s0+$0x2830] =	vst v5;
	v4 =	vnsel vm12, $0x13C0, v4;
	vm13 =	vlt.u32 v3, $0x1388;
	v2 =	vsub.s32 v2, v0  }
0x4c: {  	[tilespmem:s0+$0x2840] =	vst v4;
	v3 =	vnsel vm13, $0x13C0, v3;
	vm14 =	vlt.u32 v2, $0x1388;
	v63 =	vsub.s32 v9, v0  }
0x4d: {  	[tilespmem:s0+$0x2850] =	vst v3;
	v2 =	vnsel vm14, $0x13C0, v2;
	vm15 =	vlt.u32 v63, $0x1388  }
0x4e: {  	[tilespmem:s0+$0x2860] =	vst v2;
	v2 =	vnsel vm15, $0x13C0, v63  }
0x4f: {  	[tilespmem:s0+$0x2870] =	vst v2  }
0x50: {  	[tilespmem:s3], [sflag:$0x4] =	stream.linear.gather [hbm4b:s6+s3], $0x2780, $0x38;
	[tilespmem:$0x19000] =	vst v63  }
0x51: {  	_ =	swait.ge [sflag:s17], $0x2780  }
0x52: {  	[sflag:s17] =	ssyncset.done $0x0  }
0x53: {  	[sflag:s17] =	ssyncadd.s32 $0xFFFFD880  }
0x54: {  	[spmem:s7] =	stream.linear.scatter [tilespmem:s18], [sflag:$0x4], $0x2000, $0x38;
	[tilespmem:$0x19000] =	vst v63  }
0x55: {  	_ =	swait.ge [sflag:s17], $0x2000  }
0x56: {  	[sflag:s17] =	ssyncset.done $0x0  }
0x57: {  	[sflag:s17] =	ssyncadd.s32 $0xFFFFE000  }
0x58: {  	[spmem:s8] =	stream.linear.scatter [tilespmem:s18], [sflag:$0x4], $0x2000, $0x38;
	[tilespmem:$0x19000] =	vst v63  }
0x59: {  	_ =	swait.ge [sflag:s17], $0x2000  }
0x5a: {  	[sflag:s17] =	ssyncset.done $0x0  }
0x5b: {  	[sflag:s17] =	ssyncadd.s32 $0xFFFFE000  }
0x5c: {  	[spmem:s9] =	stream.linear.scatter [tilespmem:s18], [sflag:$0x4], $0x2000, $0x38;
	[tilespmem:$0x19000] =	vst v63  }
0x5d: {  	_ =	swait.ge [sflag:s17], $0x2000  }
0x5e: {  	[sflag:s17] =	ssyncset.done $0x0  }
0x5f: {  	[sflag:s17] =	ssyncadd.s32 $0xFFFFE000  }
0x60: {  	[spmem:s10] =	stream.linear.scatter [tilespmem:s18], [sflag:$0x4], $0x2000, $0x38;
	[tilespmem:$0x19000] =	vst v63  }
0x61: {  	_ =	swait.ge [sflag:s17], $0x2000  }
0x62: {  	[sflag:s17] =	ssyncset.done $0x0  }
0x63: {  	[sflag:s17] =	ssyncadd.s32 $0xFFFFE000  }
0x64: {  	[spmem:s11] =	stream.linear.scatter [tilespmem:s18], [sflag:$0x4], $0x2000, $0x38;
	[tilespmem:$0x19000] =	vst v63  }
0x65: {  	_ =	swait.ge [sflag:s17], $0x2000  }
0x66: {  	[sflag:s17] =	ssyncset.done $0x0  }
0x67: {  	[sflag:s17] =	ssyncadd.s32 $0xFFFFE000  }
0x68: {  	[bflag:$0x0] =	sbarrier.arrive $0xFFFF  }
0x69: {  	[tilespmem:s20], [sflag:$0x1] =	stream.indirect.gather [hbm4b:s4+s19], $0x80, s3, s19, $0xb8;
	[tilespmem:$0x19000] =	vst v63  }
0x6a: {  	_ =	swait.ge [sflag:s21], $0x4000  }
0x6b: {  	[sflag:s21] =	ssyncset.done $0x0  }
0x6c: {  	[sflag:s21] =	ssyncadd.s32 $0xFFFFC000  }
0x6d: {  	[spmem:s2] =	stream.indirect.scatter.add.f32 [tilespmem:s20], [sflag:$0x2], $0x80, s5, s19, $0xb8;
	[tilespmem:$0x19000] =	vst v63  }
0x6e: {  	_ = 	snop  }
0x6f: {  	[tilespmem:s22], [sflag:$0x1] =	stream.indirect.gather [hbm4b:s4+s19], $0x80, s19, s19, $0xb8;
	[tilespmem:$0x19000] =	vst v63  }
0x70: {  	_ =	swait.ge [sflag:s21], $0x4000  }
0x71: {  	[sflag:s21] =	ssyncset.done $0x0  }
0x72: {  	[sflag:s21] =	ssyncadd.s32 $0xFFFFC000  }
0x73: {  	[spmem:s2] =	stream.indirect.scatter.add.f32 [tilespmem:s22], [sflag:$0x3], $0x80, s23, s19, $0xb8;
	[tilespmem:$0x19000] =	vst v63  }
0x74: {  	_ =	swait.ge [sflag:s24], $0x4000  }
0x75: {  	[sflag:s24] =	ssyncset.done $0x0  }
0x76: {  	[sflag:s24] =	ssyncadd.s32 $0xFFFFC000  }
0x77: {  	[tilespmem:s20], [sflag:$0x1] =	stream.indirect.gather [hbm4b:s4+s19], $0x80, s25, s19, $0xb8;
	[tilespmem:$0x19000] =	vst v63  }
0x78: {  	_ =	swait.ge [sflag:s21], $0x4000  }
0x79: {  	[sflag:s21] =	ssyncset.done $0x0  }
0x7a: {  	s16 =	simm.s32 $0x2900;
	[sflag:s21] =	ssyncadd.s32 $0xFFFFC000  }
0x7b: {  	[spmem:s2] =	stream.indirect.scatter.add.f32 [tilespmem:s20], [sflag:$0x2], $0x80, s16, s19, $0xb8;
	[tilespmem:$0x19000] =	vst v63  }
0x7c: {  	_ =	swait.ge [sflag:s26], $0x4000  }
0x7d: {  	[sflag:s26] =	ssyncset.done $0x0  }
0x7e: {  	s30 =	simm.s32 $0x180;
	[sflag:s26] =	ssyncadd.s32 $0xFFFFC000  }
0x7f: {  	[tilespmem:s22], [sflag:$0x1] =	stream.indirect.gather [hbm4b:s4+s19], $0x80, s30, s19, $0xb8;
	[tilespmem:$0x19000] =	vst v63  }
0x80: {  	_ =	swait.ge [sflag:s21], $0x4000  }
0x81: {  	[sflag:s21] =	ssyncset.done $0x0  }
0x82: {  	s31 =	simm.s32 $0x2980;
	[sflag:s21] =	ssyncadd.s32 $0xFFFFC000  }
0x83: {  	[spmem:s2] =	stream.indirect.scatter.add.f32 [tilespmem:s22], [sflag:$0x3], $0x80, s31, s19, $0xb8;
	[tilespmem:$0x19000] =	vst v63  }
0x84: {  	_ =	swait.ge [sflag:s24], $0x4000  }
0x85: {  	[sflag:s24] =	ssyncset.done $0x0  }
0x86: {  	s1 =	simm.s32 $0x200;
	s0 =	simm.s32 $0xFFFF6C00;
	[sflag:s24] =	ssyncadd.s32 $0xFFFFC000  }
.LBB2_6:
0x87: {  	[tilespmem:s20], [sflag:$0x1] =	stream.indirect.gather [hbm4b:s4+s19], $0x80, s1, s19, $0xb8;
	[tilespmem:$0x19000] =	vst v63  }
0x88: {  	s1 =	smov.u32 s0  }
0x89: {  	p0 =	sne.s32 s0, $0xFFFFFC00;
	s0 =	sadd.s32 $0x400, s0;
	_ =	swait.ge [sflag:s21], $0x4000  }
0x8a: {  	s1 =	sshra.s32 s1, $0x2;
	[sflag:s21] =	ssyncset.done $0x0  }
0x8b: {  	s12 =	sadd.s32 $0x4F00, s1;
	[sflag:s21] =	ssyncadd.s32 $0xFFFFC000  }
0x8c: {  	[spmem:s2] =	stream.indirect.scatter.add.f32 [tilespmem:s20], [sflag:$0x2], $0x80, s12, s19, $0xb8;
	[tilespmem:$0x19000] =	vst v63  }
0x8d: {  	_ =	swait.ge [sflag:s26], $0x4000  }
0x8e: {  	[sflag:s26] =	ssyncset.done $0x0  }
0x8f: {  	s12 =	sadd.s32 $0x2780, s1;
	[sflag:s26] =	ssyncadd.s32 $0xFFFFC000  }
0x90: {  	[tilespmem:s22], [sflag:$0x1] =	stream.indirect.gather [hbm4b:s4+s19], $0x80, s12, s19, $0xb8;
	[tilespmem:$0x19000] =	vst v63  }
0x91: {  	_ =	swait.ge [sflag:s21], $0x4000  }
0x92: {  	[sflag:s21] =	ssyncset.done $0x0  }
.Ltmp2:
0x93: {  	s12 =	sadd.s32 $0x4F80, s1;
	[sflag:s21] =	ssyncadd.s32 $0xFFFFC000;
	(pc) =	sbr.rel @p0 .LBB2_6-.Ltmp2, $4  }
0x94: {  	[spmem:s2] =	stream.indirect.scatter.add.f32 [tilespmem:s22], [sflag:$0x3], $0x80, s12, s19, $0xb8;
	[tilespmem:$0x19000] =	vst v63  }
0x95: {  	_ =	swait.ge [sflag:s24], $0x4000  }
0x96: {  	[sflag:s24] =	ssyncset.done $0x0  }
0x97: {  	s1 =	sadd.s32 $0x2800, s1;
	[sflag:s24] =	ssyncadd.s32 $0xFFFFC000  }
0x98: {  	[tilespmem:s20], [sflag:$0x1] =	stream.indirect.gather [hbm4b:s4+s19], $0x80, s1, s19, $0xb8;
	[tilespmem:$0x19000] =	vst v63  }
0x99: {  	_ =	swait.ge [sflag:s21], $0x4000  }
0x9a: {  	[sflag:s21] =	ssyncset.done $0x0  }
0x9b: {  	[sflag:s21] =	ssyncadd.s32 $0xFFFFC000  }
0x9c: {  	_ =	swait.ge [sflag:s26], $0x4000  }
0x9d: {  	[sflag:s26] =	ssyncset.done $0x0  }
0x9e: {  	[sflag:s26] =	ssyncadd.s32 $0xFFFFC000  }
0x9f: {  	[spmem:s2] =	stream.indirect.scatter.add.f32 [tilespmem:s20], [sflag:$0x4], $0x80, s28, s19, $0xb8;
	[tilespmem:$0x19000] =	vst v63  }
0xa0: {  	_ =	swait.ge [sflag:s17], $0x4000  }
0xa1: {  	[sflag:s17] =	ssyncset.done $0x0  }
0xa2: {  	s0 =	stileid.u32;
	[sflag:s17] =	ssyncadd.s32 $0xFFFFC000  }
0xa3: {  	s0 =	sshll.u32 s0, $0x6;
	[bflag:$0x0] =	sbarrier.arrive $0xFFFF  }
0xa4: {  	s31 =	sshrl.u32 s7, $0x3;
	s30 =	sor.u32 $0x1C04, s0;
	s14 =	rddreg [dreg:$0x4]  }
0xa5: {  	[hbm:s14], [sflag:s30] =	dma.local [spmem:s31], $0x400  }
0xa6: {  	_ =	swait.ge [sflag:s17], $0x400  }
0xa7: {  	[sflag:s17] =	ssyncset.done $0x0  }
0xa8: {  	s0 =	sshrl.u32 s8, $0x3;
	s15 =	rddreg [dreg:$0x5];
	[sflag:s17] =	ssyncadd.s32 $0xFFFFFC00  }
0xa9: {  	[hbm:s15], [sflag:s30] =	dma.local [spmem:s0], $0x400  }
0xaa: {  	_ =	swait.ge [sflag:s17], $0x400  }
0xab: {  	[sflag:s17] =	ssyncset.done $0x0  }
0xac: {  	s1 =	sshrl.u32 s9, $0x3;
	s12 =	rddreg [dreg:$0x6];
	[sflag:s17] =	ssyncadd.s32 $0xFFFFFC00  }
0xad: {  	[hbm:s12], [sflag:s30] =	dma.local [spmem:s1], $0x400  }
0xae: {  	_ =	swait.ge [sflag:s17], $0x400  }
0xaf: {  	[sflag:s17] =	ssyncset.done $0x0  }
0xb0: {  	s12 =	sshrl.u32 s10, $0x3;
	s13 =	rddreg [dreg:$0x7];
	[sflag:s17] =	ssyncadd.s32 $0xFFFFFC00  }
0xb1: {  	[hbm:s13], [sflag:s30] =	dma.local [spmem:s12], $0x400  }
0xb2: {  	_ =	swait.ge [sflag:s17], $0x400  }
0xb3: {  	[sflag:s17] =	ssyncset.done $0x0  }
0xb4: {  	s13 =	sshrl.u32 s11, $0x3;
	s14 =	rddreg [dreg:$0x8];
	[sflag:s17] =	ssyncadd.s32 $0xFFFFFC00  }
0xb5: {  	[hbm:s14], [sflag:s30] =	dma.local [spmem:s13], $0x400  }
0xb6: {  	_ =	swait.ge [sflag:s17], $0x400  }
0xb7: {  	[sflag:s17] =	ssyncset.done $0x0  }
0xb8: {  	[sflag:s17] =	ssyncadd.s32 $0xFFFFFC00  }
0xb9: {  	s16 =	simm.s32 $0x0;
	[bflag:$0x0] =	sbarrier.arrive $0xFFFF  }
0xba: {  	[tilespmem:s16], [sflag:$0x4] =	stream.linear.gather [hbm4b:s6+s16], $0x2780, $0x38;
	[tilespmem:$0x19000] =	vst v63  }
0xbb: {  	_ =	swait.ge [sflag:s17], $0x2780  }
0xbc: {  	[sflag:s17] =	ssyncset.done $0x0  }
0xbd: {  	s14 =	simm.s32 $0x0;
	[sflag:s17] =	ssyncadd.s32 $0xFFFFD880  }
0xbe: {  	v4 =	vld [tilespmem:s14+$0x0]  }
0xbf: {  	v6 =	vld [tilespmem:s14+$0x10]  }
0xc0: {  	v5 =	vld [tilespmem:s14+$0x20]  }
0xc1: {  	v3 =	vld [tilespmem:s14+$0x30]  }
0xc2: {  	v2 =	vld [tilespmem:s14+$0x40]  }
0xc3: {  	v7 =	vadd.s32 $0x2710, v4;
	v4 =	vld [tilespmem:s14+$0x50]  }
0xc4: {  	s15 =	simm.s32 $0x200;
	[tilespmem:s14+$0x0] =	vst v7;
	v7 =	vadd.s32 $0x2710, v6;
	v6 =	vld [tilespmem:s14+$0x60]  }
.LBB2_8:
0xc5: {  	s16 =	sshra.s32 s15, $0x2;
	p0 =	sne.s32 s15, $0x9C00;
	[tilespmem:s14+$0x10] =	vst v7;
	v5 =	vadd.s32 $0x2710, v5;
	v7 =	vld [tilespmem:s14+$0x70]  }
0xc6: {  	v8 =	vld [tilespmem:s16+$0x0];
	[tilespmem:s14+$0x20] =	vst v5;
	v3 =	vadd.s32 $0x2710, v3  }
0xc7: {  	v9 =	vld [tilespmem:s16+$0x10];
	[tilespmem:s14+$0x30] =	vst v3;
	v2 =	vadd.s32 $0x2710, v2  }
.Ltmp3:
0xc8: {  	v5 =	vld [tilespmem:s16+$0x20];
	[tilespmem:s14+$0x40] =	vst v2;
	v2 =	vadd.s32 $0x2710, v4;
	(pc) =	sbr.rel @p0 .LBB2_8-.Ltmp3, $4  }
0xc9: {  	v3 =	vld [tilespmem:s16+$0x30];
	[tilespmem:s14+$0x50] =	vst v2;
	v4 =	vadd.s32 $0x2710, v6  }
0xca: {  	v2 =	vld [tilespmem:s16+$0x40];
	[tilespmem:s14+$0x60] =	vst v4;
	v6 =	vadd.s32 $0x2710, v7  }
0xcb: {  	v7 =	vadd.s32 $0x2710, v8;
	v4 =	vld [tilespmem:s16+$0x50];
	[tilespmem:s14+$0x70] =	vst v6;
	s14 =	smov.u32 s16  }
0xcc: {  	s15 =	sadd.s32 $0x200, s15;
	[tilespmem:s14+$0x0] =	vst v7;
	v7 =	vadd.s32 $0x2710, v9;
	v6 =	vld [tilespmem:s14+$0x60]  }
0xcd: {  	[tilespmem:s14+$0x10] =	vst v7;
	v5 =	vadd.s32 $0x2710, v5;
	v63 =	vld [tilespmem:s14+$0x70]  }
0xce: {  	[tilespmem:s14+$0x20] =	vst v5;
	v3 =	vadd.s32 $0x2710, v3  }
0xcf: {  	[tilespmem:s14+$0x30] =	vst v3;
	v2 =	vadd.s32 $0x2710, v2  }
0xd0: {  	[tilespmem:s14+$0x40] =	vst v2;
	v2 =	vadd.s32 $0x2710, v4  }
0xd1: {  	[tilespmem:s14+$0x50] =	vst v2;
	v2 =	vadd.s32 $0x2710, v6  }
0xd2: {  	[tilespmem:s14+$0x60] =	vst v2;
	v2 =	vadd.s32 $0x2710, v63  }
0xd3: {  	[tilespmem:s14+$0x70] =	vst v2  }
0xd4: {  	[spmem:s7] =	stream.linear.scatter [tilespmem:s18], [sflag:$0x4], $0x2000, $0x38;
	[tilespmem:$0x19000] =	vst v63  }
0xd5: {  	_ =	swait.ge [sflag:s17], $0x2000  }
0xd6: {  	[sflag:s17] =	ssyncset.done $0x0  }
0xd7: {  	[sflag:s17] =	ssyncadd.s32 $0xFFFFE000  }
0xd8: {  	[spmem:s8] =	stream.linear.scatter [tilespmem:s18], [sflag:$0x4], $0x2000, $0x38;
	[tilespmem:$0x19000] =	vst v63  }
0xd9: {  	_ =	swait.ge [sflag:s17], $0x2000  }
0xda: {  	[sflag:s17] =	ssyncset.done $0x0  }
0xdb: {  	[sflag:s17] =	ssyncadd.s32 $0xFFFFE000  }
0xdc: {  	[spmem:s9] =	stream.linear.scatter [tilespmem:s18], [sflag:$0x4], $0x2000, $0x38;
	[tilespmem:$0x19000] =	vst v63  }
0xdd: {  	_ =	swait.ge [sflag:s17], $0x2000  }
0xde: {  	[sflag:s17] =	ssyncset.done $0x0  }
0xdf: {  	[sflag:s17] =	ssyncadd.s32 $0xFFFFE000  }
0xe0: {  	[spmem:s10] =	stream.linear.scatter [tilespmem:s18], [sflag:$0x4], $0x2000, $0x38;
	[tilespmem:$0x19000] =	vst v63  }
0xe1: {  	_ =	swait.ge [sflag:s17], $0x2000  }
0xe2: {  	[sflag:s17] =	ssyncset.done $0x0  }
0xe3: {  	[sflag:s17] =	ssyncadd.s32 $0xFFFFE000  }
0xe4: {  	[spmem:s11] =	stream.linear.scatter [tilespmem:s18], [sflag:$0x4], $0x2000, $0x38;
	[tilespmem:$0x19000] =	vst v63  }
0xe5: {  	_ =	swait.ge [sflag:s17], $0x2000  }
0xe6: {  	[sflag:s17] =	ssyncset.done $0x0  }
0xe7: {  	[sflag:s17] =	ssyncadd.s32 $0xFFFFE000  }
0xe8: {  	[bflag:$0x0] =	sbarrier.arrive $0xFFFF  }
0xe9: {  	[tilespmem:s20], [sflag:$0x1] =	stream.indirect.gather [hbm4b:s4+s19], $0x80, s3, s19, $0xb8;
	[tilespmem:$0x19000] =	vst v63  }
0xea: {  	_ =	swait.ge [sflag:s21], $0x4000  }
0xeb: {  	[sflag:s21] =	ssyncset.done $0x0  }
0xec: {  	[sflag:s21] =	ssyncadd.s32 $0xFFFFC000  }
0xed: {  	[spmem:s2] =	stream.indirect.scatter.add.f32 [tilespmem:s20], [sflag:$0x2], $0x80, s5, s19, $0xb8;
	[tilespmem:$0x19000] =	vst v63  }
0xee: {  	_ = 	snop  }
0xef: {  	[tilespmem:s22], [sflag:$0x1] =	stream.indirect.gather [hbm4b:s4+s19], $0x80, s19, s19, $0xb8;
	[tilespmem:$0x19000] =	vst v63  }
0xf0: {  	_ =	swait.ge [sflag:s21], $0x4000  }
0xf1: {  	[sflag:s21] =	ssyncset.done $0x0  }
0xf2: {  	[sflag:s21] =	ssyncadd.s32 $0xFFFFC000  }
0xf3: {  	[spmem:s2] =	stream.indirect.scatter.add.f32 [tilespmem:s22], [sflag:$0x3], $0x80, s23, s19, $0xb8;
	[tilespmem:$0x19000] =	vst v63  }
0xf4: {  	_ =	swait.ge [sflag:s24], $0x4000  }
0xf5: {  	[sflag:s24] =	ssyncset.done $0x0  }
0xf6: {  	[sflag:s24] =	ssyncadd.s32 $0xFFFFC000  }
0xf7: {  	[tilespmem:s20], [sflag:$0x1] =	stream.indirect.gather [hbm4b:s4+s19], $0x80, s25, s19, $0xb8;
	[tilespmem:$0x19000] =	vst v63  }
0xf8: {  	_ =	swait.ge [sflag:s21], $0x4000  }
0xf9: {  	[sflag:s21] =	ssyncset.done $0x0  }
0xfa: {  	s16 =	simm.s32 $0x2900;
	[sflag:s21] =	ssyncadd.s32 $0xFFFFC000  }
0xfb: {  	[spmem:s2] =	stream.indirect.scatter.add.f32 [tilespmem:s20], [sflag:$0x2], $0x80, s16, s19, $0xb8;
	[tilespmem:$0x19000] =	vst v63  }
0xfc: {  	_ =	swait.ge [sflag:s26], $0x4000  }
0xfd: {  	[sflag:s26] =	ssyncset.done $0x0  }
0xfe: {  	s15 =	simm.s32 $0x180;
	[sflag:s26] =	ssyncadd.s32 $0xFFFFC000  }
0xff: {  	[tilespmem:s22], [sflag:$0x1] =	stream.indirect.gather [hbm4b:s4+s19], $0x80, s15, s19, $0xb8;
	[tilespmem:$0x19000] =	vst v63  }
0x100: {  	_ =	swait.ge [sflag:s21], $0x4000  }
0x101: {  	[sflag:s21] =	ssyncset.done $0x0  }
0x102: {  	s16 =	simm.s32 $0x2980;
	[sflag:s21] =	ssyncadd.s32 $0xFFFFC000  }
0x103: {  	[spmem:s2] =	stream.indirect.scatter.add.f32 [tilespmem:s22], [sflag:$0x3], $0x80, s16, s19, $0xb8;
	[tilespmem:$0x19000] =	vst v63  }
0x104: {  	_ =	swait.ge [sflag:s24], $0x4000  }
0x105: {  	[sflag:s24] =	ssyncset.done $0x0  }
0x106: {  	s14 =	simm.s32 $0xFFFF6C00;
	s15 =	simm.s32 $0x200;
	[sflag:s24] =	ssyncadd.s32 $0xFFFFC000  }
.LBB2_10:
0x107: {  	[tilespmem:s20], [sflag:$0x1] =	stream.indirect.gather [hbm4b:s4+s19], $0x80, s15, s19, $0xb8;
	[tilespmem:$0x19000] =	vst v63  }
0x108: {  	s15 =	smov.u32 s14  }
0x109: {  	p0 =	sne.s32 s14, $0xFFFFFC00;
	s14 =	sadd.s32 $0x400, s14;
	_ =	swait.ge [sflag:s21], $0x4000  }
0x10a: {  	s15 =	sshra.s32 s15, $0x2;
	[sflag:s21] =	ssyncset.done $0x0  }
0x10b: {  	s16 =	sadd.s32 $0x4F00, s15;
	[sflag:s21] =	ssyncadd.s32 $0xFFFFC000  }
0x10c: {  	[spmem:s2] =	stream.indirect.scatter.add.f32 [tilespmem:s20], [sflag:$0x2], $0x80, s16, s19, $0xb8;
	[tilespmem:$0x19000] =	vst v63  }
0x10d: {  	_ =	swait.ge [sflag:s26], $0x4000  }
0x10e: {  	[sflag:s26] =	ssyncset.done $0x0  }
0x10f: {  	s16 =	sadd.s32 $0x2780, s15;
	[sflag:s26] =	ssyncadd.s32 $0xFFFFC000  }
0x110: {  	[tilespmem:s22], [sflag:$0x1] =	stream.indirect.gather [hbm4b:s4+s19], $0x80, s16, s19, $0xb8;
	[tilespmem:$0x19000] =	vst v63  }
0x111: {  	_ =	swait.ge [sflag:s21], $0x4000  }
0x112: {  	[sflag:s21] =	ssyncset.done $0x0  }
.Ltmp4:
0x113: {  	s16 =	sadd.s32 $0x4F80, s15;
	[sflag:s21] =	ssyncadd.s32 $0xFFFFC000;
	(pc) =	sbr.rel @p0 .LBB2_10-.Ltmp4, $4  }
0x114: {  	[spmem:s2] =	stream.indirect.scatter.add.f32 [tilespmem:s22], [sflag:$0x3], $0x80, s16, s19, $0xb8;
	[tilespmem:$0x19000] =	vst v63  }
0x115: {  	_ =	swait.ge [sflag:s24], $0x4000  }
0x116: {  	[sflag:s24] =	ssyncset.done $0x0  }
0x117: {  	s15 =	sadd.s32 $0x2800, s15;
	[sflag:s24] =	ssyncadd.s32 $0xFFFFC000  }
0x118: {  	[tilespmem:s20], [sflag:$0x1] =	stream.indirect.gather [hbm4b:s4+s19], $0x80, s15, s19, $0xb8;
	[tilespmem:$0x19000] =	vst v63  }
0x119: {  	_ =	swait.ge [sflag:s21], $0x4000  }
0x11a: {  	[sflag:s21] =	ssyncset.done $0x0  }
0x11b: {  	[sflag:s21] =	ssyncadd.s32 $0xFFFFC000  }
0x11c: {  	_ =	swait.ge [sflag:s26], $0x4000  }
0x11d: {  	[sflag:s26] =	ssyncset.done $0x0  }
0x11e: {  	[sflag:s26] =	ssyncadd.s32 $0xFFFFC000  }
0x11f: {  	[spmem:s2] =	stream.indirect.scatter.add.f32 [tilespmem:s20], [sflag:$0x4], $0x80, s28, s19, $0xb8;
	[tilespmem:$0x19000] =	vst v63  }
0x120: {  	_ =	swait.ge [sflag:s17], $0x4000  }
0x121: {  	[sflag:s17] =	ssyncset.done $0x0  }
0x122: {  	[sflag:s17] =	ssyncadd.s32 $0xFFFFC000  }
0x123: {  	[bflag:$0x0] =	sbarrier.arrive $0xFFFF  }
0x124: {  	s14 =	rddreg [dreg:$0x9]  }
0x125: {  	[hbm:s14], [sflag:s30] =	dma.local [spmem:s31], $0x400  }
0x126: {  	_ =	swait.ge [sflag:s17], $0x400  }
0x127: {  	[sflag:s17] =	ssyncset.done $0x0  }
0x128: {  	s16 =	rddreg [dreg:$0xa];
	[sflag:s17] =	ssyncadd.s32 $0xFFFFFC00  }
0x129: {  	[hbm:s16], [sflag:s30] =	dma.local [spmem:s0], $0x400  }
0x12a: {  	_ =	swait.ge [sflag:s17], $0x400  }
0x12b: {  	[sflag:s17] =	ssyncset.done $0x0  }
0x12c: {  	s15 =	rddreg [dreg:$0xb];
	[sflag:s17] =	ssyncadd.s32 $0xFFFFFC00  }
0x12d: {  	[hbm:s15], [sflag:s30] =	dma.local [spmem:s1], $0x400  }
0x12e: {  	_ =	swait.ge [sflag:s17], $0x400  }
0x12f: {  	[sflag:s17] =	ssyncset.done $0x0  }
0x130: {  	s16 =	rddreg [dreg:$0xc];
	[sflag:s17] =	ssyncadd.s32 $0xFFFFFC00  }
0x131: {  	[hbm:s16], [sflag:s30] =	dma.local [spmem:s12], $0x400  }
0x132: {  	_ =	swait.ge [sflag:s17], $0x400  }
0x133: {  	[sflag:s17] =	ssyncset.done $0x0  }
0x134: {  	s15 =	rddreg [dreg:$0xd];
	[sflag:s17] =	ssyncadd.s32 $0xFFFFFC00  }
0x135: {  	[hbm:s15], [sflag:s30] =	dma.local [spmem:s13], $0x400  }
0x136: {  	_ =	swait.ge [sflag:s17], $0x400  }
0x137: {  	[sflag:s17] =	ssyncset.done $0x0  }
0x138: {  	[sflag:s17] =	ssyncadd.s32 $0xFFFFFC00  }
0x139: {  	s16 =	simm.s32 $0x0;
	[bflag:$0x0] =	sbarrier.arrive $0xFFFF  }
0x13a: {  	[tilespmem:s16], [sflag:$0x4] =	stream.linear.gather [hbm4b:s6+s16], $0x2780, $0x38;
	[tilespmem:$0x19000] =	vst v63  }
0x13b: {  	_ =	swait.ge [sflag:s17], $0x2780  }
0x13c: {  	[sflag:s17] =	ssyncset.done $0x0  }
0x13d: {  	s14 =	simm.s32 $0x0;
	[sflag:s17] =	ssyncadd.s32 $0xFFFFD880  }
0x13e: {  	v4 =	vld [tilespmem:s14+$0x0]  }
0x13f: {  	v6 =	vld [tilespmem:s14+$0x10]  }
0x140: {  	v5 =	vld [tilespmem:s14+$0x20]  }
0x141: {  	v3 =	vld [tilespmem:s14+$0x30]  }
0x142: {  	v2 =	vld [tilespmem:s14+$0x40]  }
0x143: {  	v7 =	vadd.s32 $0x4E20, v4;
	v4 =	vld [tilespmem:s14+$0x50]  }
0x144: {  	s15 =	simm.s32 $0x200;
	[tilespmem:s14+$0x0] =	vst v7;
	v7 =	vadd.s32 $0x4E20, v6;
	v6 =	vld [tilespmem:s14+$0x60]  }
.LBB2_12:
0x145: {  	s16 =	sshra.s32 s15, $0x2;
	p0 =	sne.s32 s15, $0x9C00;
	[tilespmem:s14+$0x10] =	vst v7;
	v5 =	vadd.s32 $0x4E20, v5;
	v7 =	vld [tilespmem:s14+$0x70]  }
0x146: {  	v8 =	vld [tilespmem:s16+$0x0];
	[tilespmem:s14+$0x20] =	vst v5;
	v3 =	vadd.s32 $0x4E20, v3  }
0x147: {  	v9 =	vld [tilespmem:s16+$0x10];
	[tilespmem:s14+$0x30] =	vst v3;
	v2 =	vadd.s32 $0x4E20, v2  }
.Ltmp5:
0x148: {  	v5 =	vld [tilespmem:s16+$0x20];
	[tilespmem:s14+$0x40] =	vst v2;
	v2 =	vadd.s32 $0x4E20, v4;
	(pc) =	sbr.rel @p0 .LBB2_12-.Ltmp5, $4  }
0x149: {  	v3 =	vld [tilespmem:s16+$0x30];
	[tilespmem:s14+$0x50] =	vst v2;
	v4 =	vadd.s32 $0x4E20, v6  }
0x14a: {  	v2 =	vld [tilespmem:s16+$0x40];
	[tilespmem:s14+$0x60] =	vst v4;
	v6 =	vadd.s32 $0x4E20, v7  }
0x14b: {  	v7 =	vadd.s32 $0x4E20, v8;
	v4 =	vld [tilespmem:s16+$0x50];
	[tilespmem:s14+$0x70] =	vst v6;
	s14 =	smov.u32 s16  }
0x14c: {  	s15 =	sadd.s32 $0x200, s15;
	[tilespmem:s14+$0x0] =	vst v7;
	v7 =	vadd.s32 $0x4E20, v9;
	v6 =	vld [tilespmem:s14+$0x60]  }
0x14d: {  	[tilespmem:s14+$0x10] =	vst v7;
	v5 =	vadd.s32 $0x4E20, v5;
	v63 =	vld [tilespmem:s14+$0x70]  }
0x14e: {  	[tilespmem:s14+$0x20] =	vst v5;
	v3 =	vadd.s32 $0x4E20, v3  }
0x14f: {  	[tilespmem:s14+$0x30] =	vst v3;
	v2 =	vadd.s32 $0x4E20, v2  }
0x150: {  	[tilespmem:s14+$0x40] =	vst v2;
	v2 =	vadd.s32 $0x4E20, v4  }
0x151: {  	[tilespmem:s14+$0x50] =	vst v2;
	v2 =	vadd.s32 $0x4E20, v6  }
0x152: {  	[tilespmem:s14+$0x60] =	vst v2;
	v2 =	vadd.s32 $0x4E20, v63  }
0x153: {  	[tilespmem:s14+$0x70] =	vst v2  }
0x154: {  	[spmem:s7] =	stream.linear.scatter [tilespmem:s18], [sflag:$0x4], $0x2000, $0x38;
	[tilespmem:$0x19000] =	vst v63  }
0x155: {  	_ =	swait.ge [sflag:s17], $0x2000  }
0x156: {  	[sflag:s17] =	ssyncset.done $0x0  }
0x157: {  	[sflag:s17] =	ssyncadd.s32 $0xFFFFE000  }
0x158: {  	[spmem:s8] =	stream.linear.scatter [tilespmem:s18], [sflag:$0x4], $0x2000, $0x38;
	[tilespmem:$0x19000] =	vst v63  }
0x159: {  	_ =	swait.ge [sflag:s17], $0x2000  }
0x15a: {  	[sflag:s17] =	ssyncset.done $0x0  }
0x15b: {  	[sflag:s17] =	ssyncadd.s32 $0xFFFFE000  }
0x15c: {  	[spmem:s9] =	stream.linear.scatter [tilespmem:s18], [sflag:$0x4], $0x2000, $0x38;
	[tilespmem:$0x19000] =	vst v63  }
0x15d: {  	_ =	swait.ge [sflag:s17], $0x2000  }
0x15e: {  	[sflag:s17] =	ssyncset.done $0x0  }
0x15f: {  	[sflag:s17] =	ssyncadd.s32 $0xFFFFE000  }
0x160: {  	[spmem:s10] =	stream.linear.scatter [tilespmem:s18], [sflag:$0x4], $0x2000, $0x38;
	[tilespmem:$0x19000] =	vst v63  }
0x161: {  	_ =	swait.ge [sflag:s17], $0x2000  }
0x162: {  	[sflag:s17] =	ssyncset.done $0x0  }
0x163: {  	[sflag:s17] =	ssyncadd.s32 $0xFFFFE000  }
0x164: {  	[spmem:s11] =	stream.linear.scatter [tilespmem:s18], [sflag:$0x4], $0x2000, $0x38;
	[tilespmem:$0x19000] =	vst v63  }
0x165: {  	_ =	swait.ge [sflag:s17], $0x2000  }
0x166: {  	[sflag:s17] =	ssyncset.done $0x0  }
0x167: {  	[sflag:s17] =	ssyncadd.s32 $0xFFFFE000  }
0x168: {  	[bflag:$0x0] =	sbarrier.arrive $0xFFFF  }
0x169: {  	[tilespmem:s20], [sflag:$0x1] =	stream.indirect.gather [hbm4b:s4+s19], $0x80, s3, s19, $0xb8;
	[tilespmem:$0x19000] =	vst v63  }
0x16a: {  	_ =	swait.ge [sflag:s21], $0x4000  }
0x16b: {  	[sflag:s21] =	ssyncset.done $0x0  }
0x16c: {  	[sflag:s21] =	ssyncadd.s32 $0xFFFFC000  }
0x16d: {  	[spmem:s2] =	stream.indirect.scatter.add.f32 [tilespmem:s20], [sflag:$0x2], $0x80, s5, s19, $0xb8;
	[tilespmem:$0x19000] =	vst v63  }
0x16e: {  	_ = 	snop  }
0x16f: {  	[tilespmem:s22], [sflag:$0x1] =	stream.indirect.gather [hbm4b:s4+s19], $0x80, s19, s19, $0xb8;
	[tilespmem:$0x19000] =	vst v63  }
0x170: {  	_ =	swait.ge [sflag:s21], $0x4000  }
0x171: {  	[sflag:s21] =	ssyncset.done $0x0  }
0x172: {  	[sflag:s21] =	ssyncadd.s32 $0xFFFFC000  }
0x173: {  	[spmem:s2] =	stream.indirect.scatter.add.f32 [tilespmem:s22], [sflag:$0x3], $0x80, s23, s19, $0xb8;
	[tilespmem:$0x19000] =	vst v63  }
0x174: {  	_ =	swait.ge [sflag:s24], $0x4000  }
0x175: {  	[sflag:s24] =	ssyncset.done $0x0  }
0x176: {  	[sflag:s24] =	ssyncadd.s32 $0xFFFFC000  }
0x177: {  	[tilespmem:s20], [sflag:$0x1] =	stream.indirect.gather [hbm4b:s4+s19], $0x80, s25, s19, $0xb8;
	[tilespmem:$0x19000] =	vst v63  }
0x178: {  	_ =	swait.ge [sflag:s21], $0x4000  }
0x179: {  	[sflag:s21] =	ssyncset.done $0x0  }
0x17a: {  	s16 =	simm.s32 $0x2900;
	[sflag:s21] =	ssyncadd.s32 $0xFFFFC000  }
0x17b: {  	[spmem:s2] =	stream.indirect.scatter.add.f32 [tilespmem:s20], [sflag:$0x2], $0x80, s16, s19, $0xb8;
	[tilespmem:$0x19000] =	vst v63  }
0x17c: {  	_ =	swait.ge [sflag:s26], $0x4000  }
0x17d: {  	[sflag:s26] =	ssyncset.done $0x0  }
0x17e: {  	s15 =	simm.s32 $0x180;
	[sflag:s26] =	ssyncadd.s32 $0xFFFFC000  }
0x17f: {  	[tilespmem:s22], [sflag:$0x1] =	stream.indirect.gather [hbm4b:s4+s19], $0x80, s15, s19, $0xb8;
	[tilespmem:$0x19000] =	vst v63  }
0x180: {  	_ =	swait.ge [sflag:s21], $0x4000  }
0x181: {  	[sflag:s21] =	ssyncset.done $0x0  }
0x182: {  	s16 =	simm.s32 $0x2980;
	[sflag:s21] =	ssyncadd.s32 $0xFFFFC000  }
0x183: {  	[spmem:s2] =	stream.indirect.scatter.add.f32 [tilespmem:s22], [sflag:$0x3], $0x80, s16, s19, $0xb8;
	[tilespmem:$0x19000] =	vst v63  }
0x184: {  	_ =	swait.ge [sflag:s24], $0x4000  }
0x185: {  	[sflag:s24] =	ssyncset.done $0x0  }
0x186: {  	s14 =	simm.s32 $0xFFFF6C00;
	s15 =	simm.s32 $0x200;
	[sflag:s24] =	ssyncadd.s32 $0xFFFFC000  }
.LBB2_14:
0x187: {  	[tilespmem:s20], [sflag:$0x1] =	stream.indirect.gather [hbm4b:s4+s19], $0x80, s15, s19, $0xb8;
	[tilespmem:$0x19000] =	vst v63  }
0x188: {  	s15 =	smov.u32 s14  }
0x189: {  	p0 =	sne.s32 s14, $0xFFFFFC00;
	s14 =	sadd.s32 $0x400, s14;
	_ =	swait.ge [sflag:s21], $0x4000  }
0x18a: {  	s15 =	sshra.s32 s15, $0x2;
	[sflag:s21] =	ssyncset.done $0x0  }
0x18b: {  	s16 =	sadd.s32 $0x4F00, s15;
	[sflag:s21] =	ssyncadd.s32 $0xFFFFC000  }
0x18c: {  	[spmem:s2] =	stream.indirect.scatter.add.f32 [tilespmem:s20], [sflag:$0x2], $0x80, s16, s19, $0xb8;
	[tilespmem:$0x19000] =	vst v63  }
0x18d: {  	_ =	swait.ge [sflag:s26], $0x4000  }
0x18e: {  	[sflag:s26] =	ssyncset.done $0x0  }
0x18f: {  	s16 =	sadd.s32 $0x2780, s15;
	[sflag:s26] =	ssyncadd.s32 $0xFFFFC000  }
0x190: {  	[tilespmem:s22], [sflag:$0x1] =	stream.indirect.gather [hbm4b:s4+s19], $0x80, s16, s19, $0xb8;
	[tilespmem:$0x19000] =	vst v63  }
0x191: {  	_ =	swait.ge [sflag:s21], $0x4000  }
0x192: {  	[sflag:s21] =	ssyncset.done $0x0  }
.Ltmp6:
0x193: {  	s16 =	sadd.s32 $0x4F80, s15;
	[sflag:s21] =	ssyncadd.s32 $0xFFFFC000;
	(pc) =	sbr.rel @p0 .LBB2_14-.Ltmp6, $4  }
0x194: {  	[spmem:s2] =	stream.indirect.scatter.add.f32 [tilespmem:s22], [sflag:$0x3], $0x80, s16, s19, $0xb8;
	[tilespmem:$0x19000] =	vst v63  }
0x195: {  	_ =	swait.ge [sflag:s24], $0x4000  }
0x196: {  	[sflag:s24] =	ssyncset.done $0x0  }
0x197: {  	s15 =	sadd.s32 $0x2800, s15;
	[sflag:s24] =	ssyncadd.s32 $0xFFFFC000  }
0x198: {  	[tilespmem:s20], [sflag:$0x1] =	stream.indirect.gather [hbm4b:s4+s19], $0x80, s15, s19, $0xb8;
	[tilespmem:$0x19000] =	vst v63  }
0x199: {  	_ =	swait.ge [sflag:s21], $0x4000  }
0x19a: {  	[sflag:s21] =	ssyncset.done $0x0  }
0x19b: {  	[sflag:s21] =	ssyncadd.s32 $0xFFFFC000  }
0x19c: {  	_ =	swait.ge [sflag:s26], $0x4000  }
0x19d: {  	[sflag:s26] =	ssyncset.done $0x0  }
0x19e: {  	[sflag:s26] =	ssyncadd.s32 $0xFFFFC000  }
0x19f: {  	[spmem:s2] =	stream.indirect.scatter.add.f32 [tilespmem:s20], [sflag:$0x4], $0x80, s28, s19, $0xb8;
	[tilespmem:$0x19000] =	vst v63  }
0x1a0: {  	_ =	swait.ge [sflag:s17], $0x4000  }
0x1a1: {  	[sflag:s17] =	ssyncset.done $0x0  }
0x1a2: {  	[sflag:s17] =	ssyncadd.s32 $0xFFFFC000  }
0x1a3: {  	[bflag:$0x0] =	sbarrier.arrive $0xFFFF  }
0x1a4: {  	s14 =	rddreg [dreg:$0xe]  }
0x1a5: {  	[hbm:s14], [sflag:s30] =	dma.local [spmem:s31], $0x400  }
0x1a6: {  	_ =	swait.ge [sflag:s17], $0x400  }
0x1a7: {  	[sflag:s17] =	ssyncset.done $0x0  }
0x1a8: {  	s16 =	rddreg [dreg:$0xf];
	[sflag:s17] =	ssyncadd.s32 $0xFFFFFC00  }
0x1a9: {  	[hbm:s16], [sflag:s30] =	dma.local [spmem:s0], $0x400  }
0x1aa: {  	_ =	swait.ge [sflag:s17], $0x400  }
0x1ab: {  	[sflag:s17] =	ssyncset.done $0x0  }
0x1ac: {  	s15 =	rddreg [dreg:$0x11];
	[sflag:s17] =	ssyncadd.s32 $0xFFFFFC00  }
0x1ad: {  	[hbm:s15], [sflag:s30] =	dma.local [spmem:s1], $0x400  }
0x1ae: {  	_ =	swait.ge [sflag:s17], $0x400  }
0x1af: {  	[sflag:s17] =	ssyncset.done $0x0  }
0x1b0: {  	s16 =	rddreg [dreg:$0x12];
	[sflag:s17] =	ssyncadd.s32 $0xFFFFFC00  }
0x1b1: {  	[hbm:s16], [sflag:s30] =	dma.local [spmem:s12], $0x400  }
0x1b2: {  	_ =	swait.ge [sflag:s17], $0x400  }
0x1b3: {  	[sflag:s17] =	ssyncset.done $0x0  }
0x1b4: {  	s15 =	rddreg [dreg:$0x13];
	[sflag:s17] =	ssyncadd.s32 $0xFFFFFC00  }
0x1b5: {  	[hbm:s15], [sflag:s30] =	dma.local [spmem:s13], $0x400  }
0x1b6: {  	_ =	swait.ge [sflag:s17], $0x400  }
0x1b7: {  	[sflag:s17] =	ssyncset.done $0x0  }
0x1b8: {  	[sflag:s17] =	ssyncadd.s32 $0xFFFFFC00  }
0x1b9: {  	s16 =	simm.s32 $0x0;
	[bflag:$0x0] =	sbarrier.arrive $0xFFFF  }
0x1ba: {  	[tilespmem:s16], [sflag:$0x4] =	stream.linear.gather [hbm4b:s6+s16], $0x2780, $0x38;
	[tilespmem:$0x19000] =	vst v63  }
0x1bb: {  	_ =	swait.ge [sflag:s17], $0x2780  }
0x1bc: {  	[sflag:s17] =	ssyncset.done $0x0  }
0x1bd: {  	s14 =	simm.s32 $0x0;
	[sflag:s17] =	ssyncadd.s32 $0xFFFFD880  }
0x1be: {  	v4 =	vld [tilespmem:s14+$0x0]  }
0x1bf: {  	v6 =	vld [tilespmem:s14+$0x10]  }
0x1c0: {  	v5 =	vld [tilespmem:s14+$0x20]  }
0x1c1: {  	v3 =	vld [tilespmem:s14+$0x30]  }
0x1c2: {  	v2 =	vld [tilespmem:s14+$0x40]  }
0x1c3: {  	v7 =	vadd.s32 $0x7530, v4;
	v4 =	vld [tilespmem:s14+$0x50]  }
0x1c4: {  	s15 =	simm.s32 $0x200;
	[tilespmem:s14+$0x0] =	vst v7;
	v7 =	vadd.s32 $0x7530, v6;
	v6 =	vld [tilespmem:s14+$0x60]  }
.LBB2_16:
0x1c5: {  	s16 =	sshra.s32 s15, $0x2;
	p0 =	sne.s32 s15, $0x9C00;
	[tilespmem:s14+$0x10] =	vst v7;
	v5 =	vadd.s32 $0x7530, v5;
	v7 =	vld [tilespmem:s14+$0x70]  }
0x1c6: {  	v8 =	vld [tilespmem:s16+$0x0];
	[tilespmem:s14+$0x20] =	vst v5;
	v3 =	vadd.s32 $0x7530, v3  }
0x1c7: {  	v9 =	vld [tilespmem:s16+$0x10];
	[tilespmem:s14+$0x30] =	vst v3;
	v2 =	vadd.s32 $0x7530, v2  }
.Ltmp7:
0x1c8: {  	v5 =	vld [tilespmem:s16+$0x20];
	[tilespmem:s14+$0x40] =	vst v2;
	v2 =	vadd.s32 $0x7530, v4;
	(pc) =	sbr.rel @p0 .LBB2_16-.Ltmp7, $4  }
0x1c9: {  	v3 =	vld [tilespmem:s16+$0x30];
	[tilespmem:s14+$0x50] =	vst v2;
	v4 =	vadd.s32 $0x7530, v6  }
0x1ca: {  	v2 =	vld [tilespmem:s16+$0x40];
	[tilespmem:s14+$0x60] =	vst v4;
	v6 =	vadd.s32 $0x7530, v7  }
0x1cb: {  	v7 =	vadd.s32 $0x7530, v8;
	v4 =	vld [tilespmem:s16+$0x50];
	[tilespmem:s14+$0x70] =	vst v6;
	s14 =	smov.u32 s16  }
0x1cc: {  	s15 =	sadd.s32 $0x200, s15;
	[tilespmem:s14+$0x0] =	vst v7;
	v7 =	vadd.s32 $0x7530, v9;
	v6 =	vld [tilespmem:s14+$0x60]  }
0x1cd: {  	[tilespmem:s14+$0x10] =	vst v7;
	v5 =	vadd.s32 $0x7530, v5;
	v63 =	vld [tilespmem:s14+$0x70]  }
0x1ce: {  	[tilespmem:s14+$0x20] =	vst v5;
	v3 =	vadd.s32 $0x7530, v3  }
0x1cf: {  	[tilespmem:s14+$0x30] =	vst v3;
	v2 =	vadd.s32 $0x7530, v2  }
0x1d0: {  	[tilespmem:s14+$0x40] =	vst v2;
	v2 =	vadd.s32 $0x7530, v4  }
0x1d1: {  	[tilespmem:s14+$0x50] =	vst v2;
	v2 =	vadd.s32 $0x7530, v6  }
0x1d2: {  	[tilespmem:s14+$0x60] =	vst v2;
	v2 =	vadd.s32 $0x7530, v63  }
0x1d3: {  	[tilespmem:s14+$0x70] =	vst v2  }
0x1d4: {  	[spmem:s7] =	stream.linear.scatter [tilespmem:s18], [sflag:$0x4], $0x2000, $0x38;
	[tilespmem:$0x19000] =	vst v63  }
0x1d5: {  	_ =	swait.ge [sflag:s17], $0x2000  }
0x1d6: {  	[sflag:s17] =	ssyncset.done $0x0  }
0x1d7: {  	[sflag:s17] =	ssyncadd.s32 $0xFFFFE000  }
0x1d8: {  	[spmem:s8] =	stream.linear.scatter [tilespmem:s18], [sflag:$0x4], $0x2000, $0x38;
	[tilespmem:$0x19000] =	vst v63  }
0x1d9: {  	_ =	swait.ge [sflag:s17], $0x2000  }
0x1da: {  	[sflag:s17] =	ssyncset.done $0x0  }
0x1db: {  	[sflag:s17] =	ssyncadd.s32 $0xFFFFE000  }
0x1dc: {  	[spmem:s9] =	stream.linear.scatter [tilespmem:s18], [sflag:$0x4], $0x2000, $0x38;
	[tilespmem:$0x19000] =	vst v63  }
0x1dd: {  	_ =	swait.ge [sflag:s17], $0x2000  }
0x1de: {  	[sflag:s17] =	ssyncset.done $0x0  }
0x1df: {  	[sflag:s17] =	ssyncadd.s32 $0xFFFFE000  }
0x1e0: {  	[spmem:s10] =	stream.linear.scatter [tilespmem:s18], [sflag:$0x4], $0x2000, $0x38;
	[tilespmem:$0x19000] =	vst v63  }
0x1e1: {  	_ =	swait.ge [sflag:s17], $0x2000  }
0x1e2: {  	[sflag:s17] =	ssyncset.done $0x0  }
0x1e3: {  	[sflag:s17] =	ssyncadd.s32 $0xFFFFE000  }
0x1e4: {  	[spmem:s11] =	stream.linear.scatter [tilespmem:s18], [sflag:$0x4], $0x2000, $0x38;
	[tilespmem:$0x19000] =	vst v63  }
0x1e5: {  	_ =	swait.ge [sflag:s17], $0x2000  }
0x1e6: {  	[sflag:s17] =	ssyncset.done $0x0  }
0x1e7: {  	[sflag:s17] =	ssyncadd.s32 $0xFFFFE000  }
0x1e8: {  	[bflag:$0x0] =	sbarrier.arrive $0xFFFF  }
0x1e9: {  	[tilespmem:s20], [sflag:$0x1] =	stream.indirect.gather [hbm4b:s4+s19], $0x80, s3, s19, $0xb8;
	[tilespmem:$0x19000] =	vst v63  }
0x1ea: {  	_ =	swait.ge [sflag:s21], $0x4000  }
0x1eb: {  	[sflag:s21] =	ssyncset.done $0x0  }
0x1ec: {  	[sflag:s21] =	ssyncadd.s32 $0xFFFFC000  }
0x1ed: {  	[spmem:s2] =	stream.indirect.scatter.add.f32 [tilespmem:s20], [sflag:$0x2], $0x80, s5, s19, $0xb8;
	[tilespmem:$0x19000] =	vst v63  }
0x1ee: {  	_ = 	snop  }
0x1ef: {  	[tilespmem:s22], [sflag:$0x1] =	stream.indirect.gather [hbm4b:s4+s19], $0x80, s19, s19, $0xb8;
	[tilespmem:$0x19000] =	vst v63  }
0x1f0: {  	_ =	swait.ge [sflag:s21], $0x4000  }
0x1f1: {  	[sflag:s21] =	ssyncset.done $0x0  }
0x1f2: {  	[sflag:s21] =	ssyncadd.s32 $0xFFFFC000  }
0x1f3: {  	[spmem:s2] =	stream.indirect.scatter.add.f32 [tilespmem:s22], [sflag:$0x3], $0x80, s23, s19, $0xb8;
	[tilespmem:$0x19000] =	vst v63  }
0x1f4: {  	_ =	swait.ge [sflag:s24], $0x4000  }
0x1f5: {  	[sflag:s24] =	ssyncset.done $0x0  }
0x1f6: {  	[sflag:s24] =	ssyncadd.s32 $0xFFFFC000  }
0x1f7: {  	[tilespmem:s20], [sflag:$0x1] =	stream.indirect.gather [hbm4b:s4+s19], $0x80, s25, s19, $0xb8;
	[tilespmem:$0x19000] =	vst v63  }
0x1f8: {  	_ =	swait.ge [sflag:s21], $0x4000  }
0x1f9: {  	[sflag:s21] =	ssyncset.done $0x0  }
0x1fa: {  	s16 =	simm.s32 $0x2900;
	[sflag:s21] =	ssyncadd.s32 $0xFFFFC000  }
0x1fb: {  	[spmem:s2] =	stream.indirect.scatter.add.f32 [tilespmem:s20], [sflag:$0x2], $0x80, s16, s19, $0xb8;
	[tilespmem:$0x19000] =	vst v63  }
0x1fc: {  	_ =	swait.ge [sflag:s26], $0x4000  }
0x1fd: {  	[sflag:s26] =	ssyncset.done $0x0  }
0x1fe: {  	s15 =	simm.s32 $0x180;
	[sflag:s26] =	ssyncadd.s32 $0xFFFFC000  }
0x1ff: {  	[tilespmem:s22], [sflag:$0x1] =	stream.indirect.gather [hbm4b:s4+s19], $0x80, s15, s19, $0xb8;
	[tilespmem:$0x19000] =	vst v63  }
0x200: {  	_ =	swait.ge [sflag:s21], $0x4000  }
0x201: {  	[sflag:s21] =	ssyncset.done $0x0  }
0x202: {  	s16 =	simm.s32 $0x2980;
	[sflag:s21] =	ssyncadd.s32 $0xFFFFC000  }
0x203: {  	[spmem:s2] =	stream.indirect.scatter.add.f32 [tilespmem:s22], [sflag:$0x3], $0x80, s16, s19, $0xb8;
	[tilespmem:$0x19000] =	vst v63  }
0x204: {  	_ =	swait.ge [sflag:s24], $0x4000  }
0x205: {  	[sflag:s24] =	ssyncset.done $0x0  }
0x206: {  	s14 =	simm.s32 $0xFFFF6C00;
	s15 =	simm.s32 $0x200;
	[sflag:s24] =	ssyncadd.s32 $0xFFFFC000  }
.LBB2_18:
0x207: {  	[tilespmem:s20], [sflag:$0x1] =	stream.indirect.gather [hbm4b:s4+s19], $0x80, s15, s19, $0xb8;
	[tilespmem:$0x19000] =	vst v63  }
0x208: {  	s15 =	smov.u32 s14  }
0x209: {  	p0 =	sne.s32 s14, $0xFFFFFC00;
	s14 =	sadd.s32 $0x400, s14;
	_ =	swait.ge [sflag:s21], $0x4000  }
0x20a: {  	s15 =	sshra.s32 s15, $0x2;
	[sflag:s21] =	ssyncset.done $0x0  }
0x20b: {  	s16 =	sadd.s32 $0x4F00, s15;
	[sflag:s21] =	ssyncadd.s32 $0xFFFFC000  }
0x20c: {  	[spmem:s2] =	stream.indirect.scatter.add.f32 [tilespmem:s20], [sflag:$0x2], $0x80, s16, s19, $0xb8;
	[tilespmem:$0x19000] =	vst v63  }
0x20d: {  	_ =	swait.ge [sflag:s26], $0x4000  }
0x20e: {  	[sflag:s26] =	ssyncset.done $0x0  }
0x20f: {  	s16 =	sadd.s32 $0x2780, s15;
	[sflag:s26] =	ssyncadd.s32 $0xFFFFC000  }
0x210: {  	[tilespmem:s22], [sflag:$0x1] =	stream.indirect.gather [hbm4b:s4+s19], $0x80, s16, s19, $0xb8;
	[tilespmem:$0x19000] =	vst v63  }
0x211: {  	_ =	swait.ge [sflag:s21], $0x4000  }
0x212: {  	[sflag:s21] =	ssyncset.done $0x0  }
.Ltmp8:
0x213: {  	s16 =	sadd.s32 $0x4F80, s15;
	[sflag:s21] =	ssyncadd.s32 $0xFFFFC000;
	(pc) =	sbr.rel @p0 .LBB2_18-.Ltmp8, $4  }
0x214: {  	[spmem:s2] =	stream.indirect.scatter.add.f32 [tilespmem:s22], [sflag:$0x3], $0x80, s16, s19, $0xb8;
	[tilespmem:$0x19000] =	vst v63  }
0x215: {  	_ =	swait.ge [sflag:s24], $0x4000  }
0x216: {  	[sflag:s24] =	ssyncset.done $0x0  }
0x217: {  	s15 =	sadd.s32 $0x2800, s15;
	[sflag:s24] =	ssyncadd.s32 $0xFFFFC000  }
0x218: {  	[tilespmem:s20], [sflag:$0x1] =	stream.indirect.gather [hbm4b:s4+s19], $0x80, s15, s19, $0xb8;
	[tilespmem:$0x19000] =	vst v63  }
0x219: {  	_ =	swait.ge [sflag:s21], $0x4000  }
0x21a: {  	[sflag:s21] =	ssyncset.done $0x0  }
0x21b: {  	[sflag:s21] =	ssyncadd.s32 $0xFFFFC000  }
0x21c: {  	_ =	swait.ge [sflag:s26], $0x4000  }
0x21d: {  	[sflag:s26] =	ssyncset.done $0x0  }
0x21e: {  	[sflag:s26] =	ssyncadd.s32 $0xFFFFC000  }
0x21f: {  	[spmem:s2] =	stream.indirect.scatter.add.f32 [tilespmem:s20], [sflag:$0x4], $0x80, s28, s19, $0xb8;
	[tilespmem:$0x19000] =	vst v63  }
0x220: {  	_ =	swait.ge [sflag:s17], $0x4000  }
0x221: {  	[sflag:s17] =	ssyncset.done $0x0  }
0x222: {  	[sflag:s17] =	ssyncadd.s32 $0xFFFFC000  }
0x223: {  	[bflag:$0x0] =	sbarrier.arrive $0xFFFF  }
0x224: {  	s14 =	rddreg [dreg:$0x14]  }
0x225: {  	[hbm:s14], [sflag:s30] =	dma.local [spmem:s31], $0x400  }
0x226: {  	_ =	swait.ge [sflag:s17], $0x400  }
0x227: {  	[sflag:s17] =	ssyncset.done $0x0  }
0x228: {  	s31 =	rddreg [dreg:$0x15];
	[sflag:s17] =	ssyncadd.s32 $0xFFFFFC00  }
0x229: {  	[hbm:s31], [sflag:s30] =	dma.local [spmem:s0], $0x400  }
0x22a: {  	_ =	swait.ge [sflag:s17], $0x400  }
0x22b: {  	[sflag:s17] =	ssyncset.done $0x0  }
0x22c: {  	s14 =	rddreg [dreg:$0x16];
	[sflag:s17] =	ssyncadd.s32 $0xFFFFFC00  }
0x22d: {  	[hbm:s14], [sflag:s30] =	dma.local [spmem:s1], $0x400  }
0x22e: {  	_ =	swait.ge [sflag:s17], $0x400  }
0x22f: {  	[sflag:s17] =	ssyncset.done $0x0  }
0x230: {  	s15 =	rddreg [dreg:$0x17];
	[sflag:s17] =	ssyncadd.s32 $0xFFFFFC00  }
0x231: {  	[hbm:s15], [sflag:s30] =	dma.local [spmem:s12], $0x400  }
0x232: {  	_ =	swait.ge [sflag:s17], $0x400  }
0x233: {  	[sflag:s17] =	ssyncset.done $0x0  }
0x234: {  	s16 =	rddreg [dreg:$0x18];
	[sflag:s17] =	ssyncadd.s32 $0xFFFFFC00  }
0x235: {  	[hbm:s16], [sflag:s30] =	dma.local [spmem:s13], $0x400  }
0x236: {  	_ =	swait.ge [sflag:s17], $0x400  }
0x237: {  	s29 =	sadd.s32 $0x1, s29;
	s31 =	rddreg [dreg:$0x10]  }
0x238: {  	p0 =	sne.s32 s29, s31  }
.Ltmp9:
0x239: {  	_ = 	snop;
	(pc) =	sbr.rel @p0 .LBB2_1-.Ltmp9, $3  }
0x23a: {  	[sflag:s17] =	ssyncset.done $0x0  }
0x23b: {  	[sflag:s17] =	ssyncadd.s32 $0xFFFFFC00  }
0x23c: {  	[bflag:$0x0] =	sbarrier.arrive $0xFFFF;
	_ =	sdelay $0x1  }
0x23d: {  	_ =	sfence.sel $0x180000  }
0x23e: {  	[bflag:$0x0] =	sbarrier.arrive $0xFFFF  }
0x23f: {  	_ =	strace $0x9000004D  }
0x240: {  	s0 =	stileid.u32;
	[bflag:$0x2] =	sbarrier.arrive $0xFFFF  }
0x241: {  	p0 =	sne.s32 s0, $0x0;
	s0 =	rddreg [dreg:$0x2]  }
0x242: {  	s0 =	sadd.s32 @!p0 $0x100000, s0  }
0x243: {  	[sflag:s0] =	ssyncadd.tile.s32 @!p0 $0x1;
	_ =	shalt  }
.Lfunc_end2:
_tile_overlayer_lowered:
.L_overlay_start_2:
0x244: {  	(tag) =	ssettag $0x2  }
0x245: {  	s0 =	rddreg [dreg:$0x0];
	s2 =	stileid.u32  }
0x246: {  	s1 =	rddreg [dreg:$0x1];
	p0 =	sne.s32 s2, $0x0  }
0x247: {  	s3 =	rddreg [dreg:$0x2];
	[bflag:$0x3] =	sbarrier.arrive $0xFFFF;
	s2 =	simm.s32 @!p0 $0x1C04  }
0x248: {  	[timem:s3], [sflag:s2] =	dma.local @!p0 [hbm:s0], s1  }
0x249: {  	s0 =	simm.s32 @!p0 $0x4  }
0x24a: {  	_ =	swait.ge @!p0 [sflag:s0], s1  }
0x24b: {  	s1 =	ssub.s32 @!p0 $0x0, s1;
	[sflag:s0] =	ssyncset.done @!p0 $0x0  }
0x24c: {  	[sflag:s0] =	ssyncadd.s32 @!p0 s1  }
0x24d: {  	[bflag:$0x3] =	sbarrier.arrive $0xFFFF  }
0x24e: {  	_ =	shalt  }

// kernel: kernel.8.cloned.1.call-start
scs
__scs_entry_jumppad:
0x0: {  	(pc) =	sbr.rel $0x88, $3  }
0x1: {  	(tag) =	ssettag $0x0;
	lr =	simm.s32 $0x1  }
0x2: {  	[smem:$0x3F9B] =	sst lr;
	_ =	strace $0xD0000000  }
0x3: {  	_ = 	snop  }
0x4: {  	_ = 	snop  }
0x5: {  	_ = 	snop  }
0x6: {  	_ = 	snop  }
0x7: {  	_ = 	snop  }
__scs_overlays_trampoline_lowered:
0x8: {  	[smem:$0x3FAA] =	sst s0  }
0x9: {  	[smem:$0x3FAB] =	sst s1  }
0xa: {  	[smem:$0x3FAC] =	sst s2  }
0xb: {  	[smem:$0x3FAD] =	sst s3  }
0xc: {  	[smem:$0x3FAE] =	sst s4  }
0xd: {  	[smem:$0x3FAF] =	sst s5  }
0xe: {  	[smem:$0x3FB0] =	sst s6  }
0xf: {  	[smem:$0x3FB1] =	sst s7  }
0x10: {  	[smem:$0x3FB2] =	sst s8  }
0x11: {  	[smem:$0x3FB3] =	sst s9;
	s0 =	simm.s32 @!p0 $0x0  }
0x12: {  	s1 =	sld [smem:$0x3F99];
	s0 =	simm.s32 @p0 $0x1  }
0x13: {  	[smem:$0x3FB4] =	sst s0;
	s0 =	simm.s32 @!p1 $0x0  }
0x14: {  	s2 =	sld [smem:$0x3F98];
	s0 =	simm.s32 @p1 $0x1  }
0x15: {  	[smem:$0x3FB5] =	sst s0;
	s0 =	simm.s32 @!p2 $0x0  }
0x16: {  	s3 =	sld [smem:$0x3FDB];
	s0 =	simm.s32 @p2 $0x1  }
0x17: {  	s4 =	simm.s32 $0x1BF5;
	[smem:$0x3FB7] =	sst s0  }
0x18: {  	s0 =	sld [smem:$0x3F9A];
	_ =	swait.ge [sflag:s4], $0x0  }
0x19: {  	s7 =	sld [smem:$0x3F9B]  }
0x1a: {  	s8 =	sadd.s32 $0xFFFFE003, lr  }
0x1b: {  	s9 =	sadd.s32 $0xFFFFFEF7, lr;
	s5 =	simm.s32 $0xFFFFFFFF;
	p2 =	slt.u32 s8, $0xFFFFF086  }
0x1c: {  	p1 =	slt.u32 s9, $0xF7A;
	s5 =	simm.s32 @!p2 $0x0  }
0x1d: {  	s5 =	simm.s32 @p1 $0x1;
	p0 =	seq.s32 s7, s2  }
0x1e: {  	s7 =	smul.u32 @!p0 $0xF7A, s2;
	p2 =	seq.s32 @!p0 s5, $0x0  }
0x1f: {  	s9 =	smul.u32 $0xF7A, s1;
	s8 =	simm.s32 @!p0 $0x1BF5;
	p2 =	por !p2, p0  }
0x20: {  	[sflag:s8] =	ssyncset.s32 @!p0 $0xFFFFF086;
	s6 =	sadd.s32 @!p0 s3, s7;
	s7 =	simm.s32 @!p0 $0x108  }
0x21: {  	s3 =	sadd.s32 s3, s9;
	s6 =	sadd.s32 @!p0 $0x88, s6;
	s7 =	simm.s32 @p2 $0x1082  }
0x22: {  	[simem:s7], [sflag:s8] =	dma.local @!p0 [hbm:s6], $0xF7A  }
0x23: {  	s9 =	sor.u32 $0xD0000000, s2;
	s6 =	simm.s32 $0x108;
	_ =	swait.ge @!p0 [sflag:s8], $0x0  }
0x24: {  	s3 =	sadd.s32 $0x88, s3;
	s6 =	simm.s32 @!p1 $0x1082;
	[sflag:s4] =	ssyncset.s32 $0xFFFFF086  }
0x25: {  	[simem:s6], [sflag:s4] =	dma.local [hbm:s3], $0xF7A  }
0x26: {  	[smem:$0x3F9B] =	sst s1;
	(tag) =	ssettag s2;
	_ =	strace s9  }
0x27: {  	s1 =	sld [smem:$0x3FAB]  }
0x28: {  	s2 =	sld [smem:$0x3FAC]  }
0x29: {  	s4 =	sld [smem:$0x3FAE]  }
0x2a: {  	p0 =	seq.s32 s5, $0x0;
	s5 =	sld [smem:$0x3FAF]  }
0x2b: {  	s6 =	sld [smem:$0x3FB0]  }
0x2c: {  	s7 =	sld [smem:$0x3FB1]  }
0x2d: {  	s3 =	simm.s32 $0x108;
	s8 =	sld [smem:$0x3FB2]  }
0x2e: {  	s3 =	simm.s32 @!p0 $0x1082;
	s9 =	sld [smem:$0x3FB3]  }
0x2f: {  	lr =	sadd.s32 s0, s3;
	s0 =	sld [smem:$0x3FAA]  }
0x30: {  	s3 =	sld [smem:$0x3FAD]  }
0x31: {  	[smem:$0x3FB6] =	sst s10  }
0x32: {  	s10 =	sld [smem:$0x3FB4];
	_ =	sdelay $0x3  }
0x33: {  	p0 =	seq.s32 s10, $0x1;
	s10 =	sld [smem:$0x3FB6];
	_ =	sdelay $0x3  }
0x34: {  	[smem:$0x3FB6] =	sst s10  }
0x35: {  	s10 =	sld [smem:$0x3FB5];
	_ =	sdelay $0x3  }
0x36: {  	p1 =	seq.s32 s10, $0x1;
	s10 =	sld [smem:$0x3FB6];
	_ =	sdelay $0x3  }
0x37: {  	[smem:$0x3FB6] =	sst s10  }
0x38: {  	s10 =	sld [smem:$0x3FB7]  }
0x39: {  	_ = 	snop;
	(pc) =	sbr.ind lr, $3  }
0x3a: {  	_ = 	snop  }
0x3b: {  	_ = 	snop  }
0x3c: {  	p2 =	seq.s32 s10, $0x1;
	s10 =	sld [smem:$0x3FB6]  }
0x3d: {  	_ =	shalt  }
0x3e: {  	_ =	shalt  }
0x3f: {  	_ =	shalt  }
0x40: {  	_ =	shalt  }
0x41: {  	_ =	shalt  }
0x42: {  	_ =	shalt  }
0x43: {  	_ =	shalt  }
0x44: {  	_ =	shalt  }
0x45: {  	_ =	shalt  }
0x46: {  	_ =	shalt  }
0x47: {  	_ =	shalt  }
0x48: {  	_ =	shalt  }
0x49: {  	_ =	shalt  }
0x4a: {  	_ =	shalt  }
0x4b: {  	_ =	shalt  }
0x4c: {  	_ =	shalt  }
0x4d: {  	_ =	shalt  }
0x4e: {  	_ =	shalt  }
0x4f: {  	_ =	shalt  }
0x50: {  	_ =	shalt  }
0x51: {  	_ =	shalt  }
0x52: {  	_ =	shalt  }
0x53: {  	_ =	shalt  }
0x54: {  	_ =	shalt  }
0x55: {  	_ =	shalt  }
0x56: {  	_ =	shalt  }
0x57: {  	_ =	shalt  }
0x58: {  	_ =	shalt  }
0x59: {  	_ =	shalt  }
0x5a: {  	_ =	shalt  }
0x5b: {  	_ =	shalt  }
0x5c: {  	_ =	shalt  }
0x5d: {  	_ =	shalt  }
0x5e: {  	_ =	shalt  }
0x5f: {  	_ =	shalt  }
0x60: {  	_ =	shalt  }
0x61: {  	_ =	shalt  }
0x62: {  	_ =	shalt  }
0x63: {  	_ =	shalt  }
0x64: {  	_ =	shalt  }
0x65: {  	_ =	shalt  }
0x66: {  	_ =	shalt  }
0x67: {  	_ =	shalt  }
0x68: {  	_ =	shalt  }
0x69: {  	_ =	shalt  }
0x6a: {  	_ =	shalt  }
0x6b: {  	_ =	shalt  }
0x6c: {  	_ =	shalt  }
0x6d: {  	_ =	shalt  }
0x6e: {  	_ =	shalt  }
0x6f: {  	_ =	shalt  }
0x70: {  	_ =	shalt  }
0x71: {  	_ =	shalt  }
0x72: {  	_ =	shalt  }
0x73: {  	_ =	shalt  }
0x74: {  	_ =	shalt  }
0x75: {  	_ =	shalt  }
0x76: {  	_ =	shalt  }
0x77: {  	_ =	shalt  }
0x78: {  	_ =	shalt  }
0x79: {  	_ =	shalt  }
0x7a: {  	_ =	shalt  }
0x7b: {  	_ =	shalt  }
0x7c: {  	_ =	shalt  }
0x7d: {  	_ =	shalt  }
0x7e: {  	_ =	shalt  }
0x7f: {  	_ =	shalt  }
0x80: {  	_ =	shalt  }
0x81: {  	_ =	shalt  }
0x82: {  	_ =	shalt  }
0x83: {  	_ =	shalt  }
0x84: {  	_ =	shalt  }
0x85: {  	_ =	shalt  }
0x86: {  	_ =	shalt  }
0x87: {  	_ =	shalt  }
.Lfunc_end0:
.L_simem_size_0:
called_computation_lowered:
.L_overlay_start_0:
0x88: {  	s2 =	sld [smem:$0x3FD9]  }
0x89: {  	s3 =	sld [smem:$0x3FFE];
	_ =	sdelay $0x1  }
0x8a: {  	s1 =	srdreg.scid  }
0x8b: {  	s0 =	sand.u32 $0x1, s1  }
0x8c: {  	s17 =	sshll.u32 s0, $0xA;
	s2 =	sadd.s32 s3, s2  }
0x8d: {  	s2 =	sadd.s32 s2, s17  }
0x8e: {  	[smem:$0x3FC2] =	sst s2  }
0x8f: {  	_ = 	snop  }
0x90: {  	s2 =	sld [smem:$0x3FD0];
	(tm) =	ssettm $0x1  }
0x91: {  	s18 =	sld [smem:$0x3FFB];
	_ =	sdelay $0x3  }
0x92: {  	_ =	strace s18  }
0x93: {  	s3 =	sld [smem:$0x3FFC];
	_ =	sdelay $0x3  }
0x94: {  	_ =	strace s3  }
0x95: {  	s3 =	sld [smem:$0x3FFD];
	_ =	sdelay $0x3  }
0x96: {  	_ =	strace s3  }
0x97: {  	_ =	strace $0x8FFFFFFF  }
0x98: {  	s19 =	sld [smem:$0x3FDB];
	_ =	sdelay $0x1  }
0x99: {  	s4 =	simm.s32 $_scs_section_size  }
0x9a: {  	s5 =	simm.s32 $_size__tile_overlayer_lowered;
	s6 =	simm.s32 $_tile_overlayer_lowered  }
0x9b: {  	s22 =	simm.s32 $0x1BFF;
	s21 =	sshll.u32 s6, $0x1;
	s3 =	sadd.s32 s4, s19  }
0x9c: {  	s7 =	simm.s32 $0x0;
	s20 =	sshll.u32 s5, $0x1;
	s5 =	sadd.s32 s21, s3  }
0x9d: {  	[timem:s7], [sflag:s22] =	dma.local [hbm:s5], s20  }
0x9e: {  	_ =	swait.ge [sflag:s22], s20  }
0x9f: {  	s4 =	ssub.s32 $0x0, s20;
	[sflag:s22] =	ssyncset.done $0x0  }
0xa0: {  	[sflag:s22] =	ssyncadd.s32 s4;
	_ =	sdelay $0x1  }
0xa1: {  	s23 =	simm.s32 $0x1B8B  }
0xa2: {  	_ =	swait.ge [sflag:s23], $0x1  }
0xa3: {  	[sflag:s23] =	ssyncset.done $0x0  }
0xa4: {  	s25 =	simm.s32 $0x1B8E;
	s24 =	sld [smem:$0x3FFE];
	[sflag:s23] =	ssyncadd.s32 $0xFFFFFFFF  }
0xa5: {  	s26 =	simm.s32 $execute0_lowered;
	[smem:$0x3FD2] =	sst s25  }
0xa6: {  	s5 =	sshll.u32 s26, $0x1;
	_ =	strace $0x80000046;
	[dreg:$0x1] =	wrdreg $0xFFFFFFFF  }
0xa7: {  	s28 =	simm.s32 $_size_execute0_lowered;
	s3 =	sadd.s32 s3, s5;
	[dreg:$0x0] =	wrdreg $0x0  }
0xa8: {  	s5 =	sshll.u32 s28, $0x1;
	[dreg:$0x2] =	wrdreg s3  }
0xa9: {  	[dreg:$0x3] =	wrdreg s5  }
0xaa: {  	[dreg:$0x4] =	wrdreg $0xC0  }
0xab: {  	_ =	task [dreg:s7], $0x5FFFF  }
0xac: {  	[dreg:$0x1] =	wrdreg $0xFFFFFFFF  }
0xad: {  	[dreg:$0x0] =	wrdreg $0x60  }
0xae: {  	[dreg:$0x2] =	wrdreg s2  }
0xaf: {  	[dreg:$0x3] =	wrdreg s24  }
0xb0: {  	[dreg:$0x4] =	wrdreg $0x17000  }
0xb1: {  	[dreg:$0x5] =	wrdreg $0x9  }
0xb2: {  	_ =	task.clear_ibuf [dreg:s7], $0x6FFFF;
	_ =	strace $0x90000046  }
0xb3: {  	s29 =	simm.s32 $0x9;
	_ =	strace $0x80000048  }
0xb4: {  	_ =	swait.ge [sflag:s29], $0x1  }
0xb5: {  	[sflag:s29] =	ssyncadd.s32 $0xFFFFFFFF  }
0xb6: {  	_ =	strace $0x90000048  }
0xb7: {  	_ =	sfence  }
0xb8: {  	s30 =	sld [smem:$0x0];
	_ =	sdelay $0x2  }
0xb9: {  	s31 =	sshll.u32 s1, $0xD;
	s1 =	sshrl.u32 s1, $0x2  }
0xba: {  	s3 =	sand.u32 $0x4000, s31;
	s1 =	sadd.s32 s1, s30  }
0xbb: {  	s0 =	sor.u32 s3, s0;
	s1 =	sshll.u32 s1, $0x11  }
0xbc: {  	s0 =	sor.u32 s1, s0  }
0xbd: {  	s0 =	sadd.s32 $0x8F2B, s0  }
0xbe: {  	[sflag:s0] =	ssyncadd.remote.s32 $0x1  }
0xbf: {  	_ =	sfence.sel $0xFFFF  }
0xc0: {  	[dreg:$0x0] =	wrdreg $0xFFFFFFFF;
	(pc) =	sbr.abs _section_cstart, $3  }
0xc1: {  	[dreg:$0x1] =	wrdreg $0xFFFFFFFF  }
0xc2: {  	_ =	task.clear_ibuf [dreg:s7], $0x2FFFF;
	_ =	strace $0x9FFFFFFF  }
0xc3: {  	(tm) =	ssettm $0x7FFFFFFF  }
tec
execute0_lowered:
.L_overlay_start_1:
0x0: {  	(tag) =	ssettag $0x1  }
0x1: {  	s5 =	rddreg [dreg:$0x0]  }
0x2: {  	s4 =	rddreg [dreg:$0x1]  }
0x3: {  	s2 =	rddreg [dreg:$0x2]  }
0x4: {  	s3 =	srdreg.scid;
	s1 =	stileid.u32  }
0x5: {  	s0 =	rddreg [dreg:$0x3];
	s11 =	simm.s32 $0x1400;
	s14 =	simm.s32 $0x20  }
0x6: {  	s15 =	simm.s32 $0x10;
	s16 =	simm.s32 $0x0;
	s7 =	smul.u32 $0x500, s1  }
0x7: {  	s6 =	sand.u32 $0x1, s3;
	s3 =	simm.s32 $0x0;
	s26 =	smul.u32 $0x1400, s1  }
0x8: {  	s10 =	smul.u32 $0xA00, s1;
	s12 =	sshll.u32 s1, $0x6;
	s8 =	sshll.u32 s6, $0x7  }
0x9: {  	s9 =	smul.u32 $0x14000, s6;
	[smem:$0x7FF] =	sst s3;
	s28 =	ssub.s32 $0x2, s6  }
0xa: {  	s12 =	sor.u32 $0x1C01, s12;
	s7 =	sor.u32 s8, s7;
	_ =	strace $0x80000047  }
0xb: {  	s30 =	sshrl.u32 s28, $0x1;
	s31 =	sshrl.u32 s10, $0x2;
	s10 =	simm.s32 $0x80  }
0xc: {  	s7 =	sshrl.u32 s7, $0x3;
	s29 =	sadd.s32 s26, s9;
	s8 =	ssub.s32 s28, s30  }
0xd: {  	s9 =	simm.s32 $0x1;
	s7 =	sadd.s32 s7, s4;
	s6 =	sshrl.u32 s29, $0x3  }
0xe: {  	s4 =	sadd.s32 s31, s2;
	s5 =	sadd.s32 s5, s6;
	s6 =	sadd.s32 $0xA00, s7  }
0xf: {  	v0 =	vimm.f32 $1.000000000e+00;
	v1 =	vimm.f32 $0.0e+00;
	s7 =	smax.u32 s8, $0x1;
	s8 =	simm.s32 $0x1480;
	s13 =	sshrl.u32 s4, $0x3  }
.LBB2_1:
0x10: {  	[tilespmem:$0x1400] =	vst v0  }
0x11: {  	[tilespmem:$0x1410] =	vst v0  }
0x12: {  	[tilespmem:$0x1420] =	vst v0  }
0x13: {  	[tilespmem:$0x1430] =	vst v0  }
0x14: {  	[tilespmem:$0x1440] =	vst v0  }
0x15: {  	[tilespmem:$0x1450] =	vst v0  }
0x16: {  	[tilespmem:$0x1460] =	vst v0  }
0x17: {  	[tilespmem:$0x1470] =	vst v0  }
0x18: {  	[tilespmem:$0x1480] =	vst v1  }
0x19: {  	[tilespmem:$0x1490] =	vst v1  }
0x1a: {  	[tilespmem:$0x14A0] =	vst v1  }
0x1b: {  	[tilespmem:$0x14B0] =	vst v1  }
0x1c: {  	[tilespmem:$0x14C0] =	vst v1  }
0x1d: {  	[tilespmem:$0x14D0] =	vst v1  }
0x1e: {  	[tilespmem:$0x14E0] =	vst v1  }
0x1f: {  	[tilespmem:$0x14F0] =	vst v1  }
0x20: {  	[tilespmem:$0x1500] =	vst v1  }
0x21: {  	[tilespmem:$0x1510] =	vst v1  }
0x22: {  	[tilespmem:$0x1520] =	vst v1  }
0x23: {  	[tilespmem:$0x1530] =	vst v1  }
0x24: {  	[tilespmem:$0x1540] =	vst v1  }
0x25: {  	[tilespmem:$0x1550] =	vst v1  }
0x26: {  	[tilespmem:$0x1560] =	vst v1  }
0x27: {  	[tilespmem:$0x1570] =	vst v1  }
0x28: {  	[tilespmem:$0x1580] =	vst v1  }
0x29: {  	[tilespmem:$0x1590] =	vst v1  }
0x2a: {  	[tilespmem:$0x15A0] =	vst v1  }
0x2b: {  	[tilespmem:$0x15B0] =	vst v1  }
0x2c: {  	[tilespmem:$0x15C0] =	vst v1  }
0x2d: {  	[tilespmem:$0x15D0] =	vst v1  }
0x2e: {  	[tilespmem:$0x15E0] =	vst v1  }
0x2f: {  	[tilespmem:$0x15F0] =	vst v1  }
0x30: {  	[tilespmem:$0x1600] =	vst v1  }
0x31: {  	[tilespmem:$0x1610] =	vst v1  }
0x32: {  	[tilespmem:$0x1620] =	vst v1  }
0x33: {  	[tilespmem:$0x1630] =	vst v1  }
0x34: {  	[tilespmem:$0x1640] =	vst v1  }
0x35: {  	[tilespmem:$0x1650] =	vst v1  }
0x36: {  	[tilespmem:$0x1660] =	vst v1  }
0x37: {  	[tilespmem:$0x1670] =	vst v1  }
0x38: {  	[tilespmem:$0x1680] =	vst v1  }
0x39: {  	[tilespmem:$0x1690] =	vst v1  }
0x3a: {  	[tilespmem:$0x16A0] =	vst v1  }
0x3b: {  	[tilespmem:$0x16B0] =	vst v1  }
0x3c: {  	[tilespmem:$0x16C0] =	vst v1  }
0x3d: {  	[tilespmem:$0x16D0] =	vst v1  }
0x3e: {  	[tilespmem:$0x16E0] =	vst v1  }
0x3f: {  	[tilespmem:$0x16F0] =	vst v1  }
0x40: {  	[spmem:s4] =	stream.linear.scatter [tilespmem:s8], [sflag:$0x1], $0x280, $0x38;
	[tilespmem:$0x1980] =	vst v63  }
0x41: {  	_ =	swait.ge [sflag:s9], $0x280  }
0x42: {  	[sflag:s9] =	ssyncset.done $0x0  }
0x43: {  	[sflag:s9] =	ssyncadd.s32 $0xFFFFFD80  }
0x44: {  	[tilespmem:s3], [sflag:$0x1] =	stream.linear.gather [hbm4b:s5+s3], $0x1400, $0x38;
	[tilespmem:$0x1980] =	vst v63  }
0x45: {  	_ =	swait.ge [sflag:s9], $0x1400  }
0x46: {  	[sflag:s9] =	ssyncset.done $0x0  }
0x47: {  	[sflag:s9] =	ssyncadd.s32 $0xFFFFEC00  }
0x48: {  	s17 =	simm.s32 $0x0;
	[bflag:$0x0] =	sbarrier.arrive $0xFFFF  }
0x49: {  	[spmem:s2] =	stream.indirect.scatter.add.f32 [tilespmem:s11], [sflag:$0x1], $0x1, s17, s10, $0xb8;
	[tilespmem:$0x1980] =	vst v63  }
0x4a: {  	_ =	swait.ge [sflag:s9], $0x80  }
0x4b: {  	s17 =	simm.s32 $0x200;
	[sflag:s9] =	ssyncset.done $0x0  }
.LBB2_2:
0x4c: {  	s18 =	sshra.s32 s17, $0x2;
	[sflag:s9] =	ssyncadd.s32 $0xFFFFFF80;
	p0 =	sne.s32 s17, $0x4E00  }
0x4d: {  	[spmem:s2] =	stream.indirect.scatter.add.f32 [tilespmem:s11], [sflag:$0x1], $0x1, s18, s10, $0xb8;
	[tilespmem:$0x1980] =	vst v63  }
.Ltmp0:
0x4e: {  	_ = 	snop;
	(pc) =	sbr.rel @p0 .LBB2_2-.Ltmp0, $4  }
0x4f: {  	_ = 	snop  }
0x50: {  	s17 =	sadd.s32 $0x200, s17  }
0x51: {  	_ =	swait.ge [sflag:s9], $0x80  }
0x52: {  	[sflag:s9] =	ssyncset.done $0x0  }
0x53: {  	s16 =	sadd.s32 $0x1, s16  }
0x54: {  	[sflag:s9] =	ssyncadd.s32 $0xFFFFFF80;
	p0 =	sne.s32 s16, s7  }
.Ltmp1:
0x55: {  	[bflag:$0x0] =	sbarrier.arrive $0xFFFF;
	(pc) =	sbr.rel @p0 .LBB2_1-.Ltmp1, $4  }
0x56: {  	[hbm:s6@s14], [sflag:s12] =	dma.strided [spmem:s13@s15], $0x50, s9, $0x10   }
0x57: {  	_ =	swait.ge [sflag:s9], $0x50  }
0x58: {  	[sflag:s9] =	ssyncset.done $0x0  }
0x59: {  	[sflag:s9] =	ssyncadd.s32 $0xFFFFFFB0  }
0x5a: {  	_ =	sfence.sel $0x180000  }
0x5b: {  	[bflag:$0x0] =	sbarrier.arrive $0xFFFF  }
0x5c: {  	p0 =	sne.s32 s1, $0x0;
	_ =	strace $0x90000047  }
0x5d: {  	s0 =	sadd.s32 @!p0 $0x100000, s0;
	[bflag:$0x2] =	sbarrier.arrive $0xFFFF  }
0x5e: {  	[sflag:s0] =	ssyncadd.tile.s32 @!p0 $0x1;
	_ =	shalt  }
.Lfunc_end2:
_tile_overlayer_lowered:
.L_overlay_start_2:
0x5f: {  	(tag) =	ssettag $0x2  }
0x60: {  	s0 =	rddreg [dreg:$0x0];
	s2 =	stileid.u32  }
0x61: {  	s1 =	rddreg [dreg:$0x1];
	p0 =	sne.s32 s2, $0x0  }
0x62: {  	s3 =	rddreg [dreg:$0x2];
	[bflag:$0x3] =	sbarrier.arrive $0xFFFF;
	s2 =	simm.s32 @!p0 $0x1C01  }
0x63: {  	[timem:s3], [sflag:s2] =	dma.local @!p0 [hbm:s0], s1  }
0x64: {  	s0 =	simm.s32 @!p0 $0x1  }
0x65: {  	_ =	swait.ge @!p0 [sflag:s0], s1  }
0x66: {  	s1 =	ssub.s32 @!p0 $0x0, s1;
	[sflag:s0] =	ssyncset.done @!p0 $0x0  }
0x67: {  	[sflag:s0] =	ssyncadd.s32 @!p0 s1  }
0x68: {  	[bflag:$0x3] =	sbarrier.arrive $0xFFFF  }
0x69: {  	_ =	shalt  }

</sc_bundles>
